<compile_context>
chip_gen: v7x
topology: tpu7x:2x2x1
jax: 0.10.2.dev20260603
libtpu: 0.0.44.dev20260713+nightly
codegen_flags: <defaults>
</compile_context>

<pallas_src>
import functools

import jax
import jax.numpy as jnp
from jax import lax
from jax.experimental import pallas as pl
from jax.experimental.pallas import tpu as pltpu
from jax.experimental.pallas import tpu_sc as plsc

VOCAB = 1000
HIDDEN = 128
BATCH = 1024
SEQ = 50
TPAD = 1024
NBLK = VOCAB // 8

NC = 2
NS = 16
NW = NC * NS

VBLK = 4
VROWS = 8 * VBLK
LAST_START = NBLK - VBLK
NBT = BATCH // 128
NGRP = BATCH // 16


def _table_body(w_ref, e_ref, b_ref, out_ref):
    m = (
        lax.dot_general(
            w_ref[...],
            e_ref[...],
            (((1,), (1,)), ((), ())),
            preferred_element_type=jnp.float32,
            precision=lax.Precision.HIGHEST,
        )
        + b_ref[...]
    )
    for j in range(8):
        out_ref[:, j, :] = m[:, 128 * j : 128 * (j + 1)]


def _compute_table(embed, W, b):
    embed_pad = jnp.pad(embed, ((0, TPAD - VOCAB), (0, 0)))
    out3 = pl.pallas_call(
        _table_body,
        out_shape=jax.ShapeDtypeStruct((VOCAB, 8, 128), jnp.float32),
    )(W, embed_pad, b.reshape(VOCAB, 1))
    return out3.reshape(VOCAB, TPAD)


_MESH = plsc.VectorSubcoreMesh(
    core_axis_name="c", subcore_axis_name="s", num_cores=NC, num_subcores=NS
)


@functools.partial(
    pl.kernel,
    out_type=jax.ShapeDtypeStruct((SEQ, NBLK, 8, 8, 128), jnp.float32),
    mesh=_MESH,
    scratch_types=[
        pltpu.VMEM((VROWS, TPAD), jnp.float32),
        pltpu.VMEM((BATCH,), jnp.int32),
        pltpu.VMEM((BATCH,), jnp.int32),
        pltpu.VMEM((VBLK, 8, 8, 128), jnp.float32),
        pltpu.VMEM((VBLK, 8, 8, 128), jnp.float32),
        pltpu.SemaphoreType.DMA,
        pltpu.SemaphoreType.DMA,
        pltpu.SemaphoreType.DMA,
        pltpu.SemaphoreType.DMA,
    ],
    compiler_params=pltpu.CompilerParams(
        use_tc_tiling_on_sc=False, needs_layout_passes=False
    ),
)
def _lookup(
    table_hbm, ids_hbm, out_hbm,
    tbl, idx0, idx1, pan0, pan1, semw0, semw1, semi0, semi1,
):
    wid = lax.axis_index("s") * NC + lax.axis_index("c")
    bs = jnp.minimum(VBLK * wid, LAST_START)

    pltpu.sync_copy(table_hbm.at[pl.ds(8 * bs, VROWS)], tbl)

    idxs = (idx0, idx1)
    pans = (pan0, pan1)
    semw = (semw0, semw1)
    semi = (semi0, semi1)

    def start_idx(s, p):
        pltpu.async_copy(ids_hbm.at[s], idxs[p], semi[p])

    def wait_idx(p):
        pltpu.make_async_copy(ids_hbm.at[0], idxs[p], semi[p]).wait()

    def compute(p):
        @plsc.parallel_loop(0, NGRP, 1, unroll=8)
        def _(g):
            bt = g // 8
            gr = g - 8 * bt
            tv = idxs[p][pl.ds(g * 16, 16)]
            for vb in range(VBLK):
                for vs in range(8):
                    val = plsc.load_gather(tbl.at[8 * vb + vs], [tv])
                    pans[p][vb, bt, vs, pl.ds(gr * 16, 16)] = val

    def start_write(s, p):
        pltpu.async_copy(pans[p], out_hbm.at[s, pl.ds(bs, VBLK)], semw[p])

    def wait_write(p):
        pltpu.make_async_copy(pans[p], out_hbm.at[0, pl.ds(bs, VBLK)], semw[p]).wait()

    start_idx(0, 0)
    start_idx(1, 1)
    wait_idx(0)
    compute(0)
    start_write(0, 0)
    wait_idx(1)
    compute(1)
    start_write(1, 1)

    def pair(t, carry):
        s0 = 2 * t
        start_idx(s0, 0)
        start_idx(s0 + 1, 1)
        wait_write(0)
        wait_idx(0)
        compute(0)
        start_write(s0, 0)
        wait_write(1)
        wait_idx(1)
        compute(1)
        start_write(s0 + 1, 1)
        return carry

    lax.fori_loop(1, SEQ // 2, pair, 0)
    wait_write(0)
    wait_write(1)


def kernel(input_ids, embed, W, b):
    table = _compute_table(embed, W, b)
    ids_t = input_ids.T.astype(jnp.int32)
    out5 = _lookup(table, ids_t)
    x = out5.transpose(2, 4, 0, 1, 3)
    return x.reshape(BATCH, SEQ, VOCAB)

# --- scband reference (transcript-rebuilt; emitter-appended) ---
"""Pipeline reference for scband-tiny-gen-lm-14508399526015 (READ-ONLY COPY).

The authoritative reference and input builder live on the scoring server;
editing this copy changes nothing except your own understanding.
"""

import jax, jax.numpy as jnp
import numpy as np

VOCAB = 1000
HIDDEN = 128
BATCH = 1024
SEQ = 50

def setup_inputs(seed: int = 0) -> dict:
    key = jax.random.key(seed)
    k_ids, k_emb, k_w, k_b = jax.random.split(key, 4)
    input_ids = jax.random.randint(k_ids, (BATCH, SEQ), 0, VOCAB, dtype=jnp.int64 if jax.config.jax_enable_x64 else jnp.int32)
    embed = jax.random.normal(k_emb, (VOCAB, HIDDEN), dtype=jnp.float32)
    W = jax.random.normal(k_w, (VOCAB, HIDDEN), dtype=jnp.float32) * (1.0 / np.sqrt(HIDDEN))
    b = jax.random.normal(k_b, (VOCAB,), dtype=jnp.float32) * 0.01
    return {"input_ids": input_ids, "embed": embed, "W": W, "b": b}

def reference(input_ids, embed, W, b):
    # h = self.embed(input_ids)  -> gather rows from embedding table
    h = jnp.take(embed, input_ids, axis=0)  # [B, S, HIDDEN]
    # logits = self.head(h)  -> torch Linear: h @ W.T + b
    logits = jnp.einsum('bsh,vh->bsv', h, W) + b  # [B, S, VOCAB]
    return logits

if __name__ == "__main__":
    import jax
    _d = setup_inputs()
    print(jax.jit(kernel)(*tuple(_d.values())))

</pallas_src>

<mosaic_0001>
#map = affine_map<(d0, d1) -> (0, 0)>
#map1 = affine_map<(d0, d1) -> (0, 0, 0, 0, 0)>
module attributes {stable_mosaic.version = 14 : i64} {
  func.func @_lookup(%arg0: i32, %arg1: i32, %arg2: memref<1000x1024xf32, #tpu.memory_space<hbm>>, %arg3: memref<50x1024xi32, #tpu.memory_space<hbm>>, %arg4: memref<50x125x8x8x128xf32, #tpu.memory_space<hbm>>, %arg5: memref<32x1024xf32, #tpu.memory_space<vmem>>, %arg6: memref<1024xi32, #tpu.memory_space<vmem>>, %arg7: memref<1024xi32, #tpu.memory_space<vmem>>, %arg8: memref<4x8x8x128xf32, #tpu.memory_space<vmem>>, %arg9: memref<4x8x8x128xf32, #tpu.memory_space<vmem>>, %arg10: memref<!tpu.dma_semaphore, #tpu.memory_space<semaphore_mem>>, %arg11: memref<!tpu.dma_semaphore, #tpu.memory_space<semaphore_mem>>, %arg12: memref<!tpu.dma_semaphore, #tpu.memory_space<semaphore_mem>>, %arg13: memref<!tpu.dma_semaphore, #tpu.memory_space<semaphore_mem>>) attributes {dimension_semantics = [#tpu.dimension_semantics<core_parallel>, #tpu.dimension_semantics<subcore_parallel>], iteration_bounds = array<i64: 2, 16>, scalar_prefetch = 0 : i64, scratch_operands = 9 : i64, tpu.core_type = #tpu.core_type<sc_vector_subcore>, window_params = [{transform_indices = #map}, {transform_indices = #map}, {transform_indices = #map1}]} {
    %mul3A = arith.constant 2 : i32
    %mul3A_0 = arith.muli %arg1, %mul3A : i32
    %add3A = arith.addi %mul3A_0, %arg0 : i32
    %mul3A_1 = arith.constant 4 : i32
    %mul3A_2 = arith.muli %mul3A_1, %add3A : i32
    %min3A = arith.constant 121 : i32
    %min3A_3 = arith.minsi %mul3A_2, %min3A : i32
    %mul3A_4 = arith.constant 8 : i32
    %mul3A_5 = arith.muli %mul3A_4, %min3A_3 : i32
    "tpu.region"() ({
      %run_scoped3A = tpu.sem_alloc : memref<!tpu.dma_semaphore, #tpu.memory_space<semaphore_mem>>
      %dma_start3A_86 = arith.constant 0 : i32
      %dma_start3A_87 = tpu.memref_slice %arg2[%mul3A_5, %dma_start3A_86] : memref<1000x1024xf32, #tpu.memory_space<hbm>> -> memref<32x1024xf32, #tpu.memory_space<hbm>>
      %dma_start3A_88 = arith.constant 0 : i32
      %dma_start3A_89 = tpu.memref_slice %arg2[%mul3A_5, %dma_start3A_88] : memref<1000x1024xf32, #tpu.memory_space<hbm>> -> memref<32x1024xf32, #tpu.memory_space<hbm>>
      tpu.enqueue_dma source(%dma_start3A_89 : memref<32x1024xf32, #tpu.memory_space<hbm>>) target(%arg5 : memref<32x1024xf32, #tpu.memory_space<vmem>>) target_semaphore(%run_scoped3A : memref<!tpu.dma_semaphore, #tpu.memory_space<semaphore_mem>>)
      %dma_wait3A_90 = arith.constant 0 : i32
      %dma_wait3A_91 = tpu.memref_slice %arg2[%mul3A_5, %dma_wait3A_90] : memref<1000x1024xf32, #tpu.memory_space<hbm>> -> memref<32x1024xf32, #tpu.memory_space<hbm>>
      %dma_wait3A_92 = arith.constant 0 : i32
      %dma_wait3A_93 = tpu.memref_slice %arg2[%mul3A_5, %dma_wait3A_92] : memref<1000x1024xf32, #tpu.memory_space<hbm>> -> memref<32x1024xf32, #tpu.memory_space<hbm>>
      tpu.wait_dma2 semaphore(%run_scoped3A : memref<!tpu.dma_semaphore, #tpu.memory_space<semaphore_mem>>) src(%dma_wait3A_93 : memref<32x1024xf32, #tpu.memory_space<hbm>>) dst(%arg5 : memref<32x1024xf32, #tpu.memory_space<vmem>>)
      tpu.yield
    }) : () -> ()
    %dma_start3A = arith.constant 0 : i32
    %dma_start3A_6 = arith.constant 0 : i32
    %dma_start3A_7 = tpu.memref_slice %arg3[%dma_start3A, %dma_start3A_6] : memref<50x1024xi32, #tpu.memory_space<hbm>> -> memref<1x1024xi32, #tpu.memory_space<hbm>>
    %dma_start3A_8 = tpu.memref_squeeze %dma_start3A_7 : memref<1x1024xi32, #tpu.memory_space<hbm>> -> memref<1024xi32, #tpu.memory_space<hbm>>
    %dma_start3A_9 = arith.constant 0 : i32
    %dma_start3A_10 = tpu.memref_slice %arg3[%dma_start3A, %dma_start3A_9] : memref<50x1024xi32, #tpu.memory_space<hbm>> -> memref<1x1024xi32, #tpu.memory_space<hbm>>
    %dma_start3A_11 = tpu.memref_squeeze %dma_start3A_10 : memref<1x1024xi32, #tpu.memory_space<hbm>> -> memref<1024xi32, #tpu.memory_space<hbm>>
    tpu.enqueue_dma source(%dma_start3A_11 : memref<1024xi32, #tpu.memory_space<hbm>>) target(%arg6 : memref<1024xi32, #tpu.memory_space<vmem>>) target_semaphore(%arg12 : memref<!tpu.dma_semaphore, #tpu.memory_space<semaphore_mem>>)
    %dma_start3A_12 = arith.constant 1 : i32
    %dma_start3A_13 = arith.constant 0 : i32
    %dma_start3A_14 = tpu.memref_slice %arg3[%dma_start3A_12, %dma_start3A_13] : memref<50x1024xi32, #tpu.memory_space<hbm>> -> memref<1x1024xi32, #tpu.memory_space<hbm>>
    %dma_start3A_15 = tpu.memref_squeeze %dma_start3A_14 : memref<1x1024xi32, #tpu.memory_space<hbm>> -> memref<1024xi32, #tpu.memory_space<hbm>>
    %dma_start3A_16 = arith.constant 0 : i32
    %dma_start3A_17 = tpu.memref_slice %arg3[%dma_start3A_12, %dma_start3A_16] : memref<50x1024xi32, #tpu.memory_space<hbm>> -> memref<1x1024xi32, #tpu.memory_space<hbm>>
    %dma_start3A_18 = tpu.memref_squeeze %dma_start3A_17 : memref<1x1024xi32, #tpu.memory_space<hbm>> -> memref<1024xi32, #tpu.memory_space<hbm>>
    tpu.enqueue_dma source(%dma_start3A_18 : memref<1024xi32, #tpu.memory_space<hbm>>) target(%arg7 : memref<1024xi32, #tpu.memory_space<vmem>>) target_semaphore(%arg13 : memref<!tpu.dma_semaphore, #tpu.memory_space<semaphore_mem>>)
    %dma_wait3A = arith.constant 0 : i32
    %dma_wait3A_19 = arith.constant 0 : i32
    %dma_wait3A_20 = tpu.memref_slice %arg3[%dma_wait3A, %dma_wait3A_19] : memref<50x1024xi32, #tpu.memory_space<hbm>> -> memref<1x1024xi32, #tpu.memory_space<hbm>>
    %dma_wait3A_21 = tpu.memref_squeeze %dma_wait3A_20 : memref<1x1024xi32, #tpu.memory_space<hbm>> -> memref<1024xi32, #tpu.memory_space<hbm>>
    %dma_wait3A_22 = arith.constant 0 : i32
    %dma_wait3A_23 = tpu.memref_slice %arg3[%dma_wait3A, %dma_wait3A_22] : memref<50x1024xi32, #tpu.memory_space<hbm>> -> memref<1x1024xi32, #tpu.memory_space<hbm>>
    %dma_wait3A_24 = tpu.memref_squeeze %dma_wait3A_23 : memref<1x1024xi32, #tpu.memory_space<hbm>> -> memref<1024xi32, #tpu.memory_space<hbm>>
    tpu.wait_dma2 semaphore(%arg12 : memref<!tpu.dma_semaphore, #tpu.memory_space<semaphore_mem>>) src(%dma_wait3A_24 : memref<1024xi32, #tpu.memory_space<hbm>>) dst(%arg6 : memref<1024xi32, #tpu.memory_space<vmem>>)
    %parallel_loop3A = arith.constant 0 : i32
    %parallel_loop3A_25 = arith.constant 64 : i32
    %parallel_loop3A_26 = arith.constant 1 : i32
    scf.for %parallel_loop3A_86 = %parallel_loop3A to %parallel_loop3A_25 step %parallel_loop3A_26  : i32 {
      %parallel_loop3A_87 = arith.constant 8 : i32
      %parallel_loop3A_88 = arith.divsi %parallel_loop3A_86, %parallel_loop3A_87 : i32
      %parallel_loop3A_89 = arith.constant 0 : i32
      %parallel_loop3A_90 = arith.cmpi sgt, %parallel_loop3A_86, %parallel_loop3A_89 : i32
      %parallel_loop3A_91 = arith.extui %parallel_loop3A_90 : i1 to i32
      %parallel_loop3A_92 = arith.constant 0 : i32
      %parallel_loop3A_93 = arith.cmpi slt, %parallel_loop3A_86, %parallel_loop3A_92 : i32
      %parallel_loop3A_94 = arith.extui %parallel_loop3A_93 : i1 to i32
      %parallel_loop3A_95 = arith.subi %parallel_loop3A_91, %parallel_loop3A_94 : i32
      %parallel_loop3A_96 = arith.constant 0 : i32
      %parallel_loop3A_97 = arith.cmpi sgt, %parallel_loop3A_87, %parallel_loop3A_96 : i32
      %parallel_loop3A_98 = arith.extui %parallel_loop3A_97 : i1 to i32
      %parallel_loop3A_99 = arith.constant 0 : i32
      %parallel_loop3A_100 = arith.cmpi slt, %parallel_loop3A_87, %parallel_loop3A_99 : i32
      %parallel_loop3A_101 = arith.extui %parallel_loop3A_100 : i1 to i32
      %parallel_loop3A_102 = arith.subi %parallel_loop3A_98, %parallel_loop3A_101 : i32
      %parallel_loop3A_103 = arith.cmpi ne, %parallel_loop3A_95, %parallel_loop3A_102 : i32
      %parallel_loop3A_104 = arith.remsi %parallel_loop3A_86, %parallel_loop3A_87 : i32
      %parallel_loop3A_105 = arith.constant 0 : i32
      %parallel_loop3A_106 = arith.cmpi ne, %parallel_loop3A_104, %parallel_loop3A_105 : i32
      %parallel_loop3A_107 = arith.andi %parallel_loop3A_103, %parallel_loop3A_106 : i1
      %parallel_loop3A_108 = arith.constant 1 : i32
      %parallel_loop3A_109 = arith.subi %parallel_loop3A_88, %parallel_loop3A_108 : i32
      %parallel_loop3A_110 = arith.select %parallel_loop3A_107, %parallel_loop3A_109, %parallel_loop3A_88 : i32
      %parallel_loop3A_111 = arith.constant 8 : i32
      %parallel_loop3A_112 = arith.muli %parallel_loop3A_111, %parallel_loop3A_110 : i32
      %parallel_loop3A_113 = arith.subi %parallel_loop3A_86, %parallel_loop3A_112 : i32
      %parallel_loop3A_114 = arith.constant 16 : i32
      %parallel_loop3A_115 = arith.muli %parallel_loop3A_86, %parallel_loop3A_114 : i32
      %parallel_loop3A_116 = arith.index_cast %parallel_loop3A_115 : i32 to index
      %parallel_loop3A_117 = tpu.vector_load %arg6[%parallel_loop3A_116] {strides = array<i32>} : memref<1024xi32, #tpu.memory_space<vmem>>, vector<16xi32>,
      %parallel_loop3A_118 = arith.constant 0 : i32
      %parallel_loop3A_119 = arith.constant 0 : i32
      %parallel_loop3A_120 = tpu.memref_slice %arg5[%parallel_loop3A_118, %parallel_loop3A_119] : memref<32x1024xf32, #tpu.memory_space<vmem>> -> memref<1x1024xf32, #tpu.memory_space<vmem>>
      %parallel_loop3A_121 = tpu.memref_squeeze %parallel_loop3A_120 : memref<1x1024xf32, #tpu.memory_space<vmem>> -> memref<1024xf32, #tpu.memory_space<vmem>>
      %parallel_loop3A_122 = tpu.vector_load_idx %parallel_loop3A_121[%parallel_loop3A_117] : memref<1024xf32, #tpu.memory_space<vmem>>[vector<16xi32>], vector<16xf32>,
      %parallel_loop3A_123 = arith.constant 16 : i32
      %parallel_loop3A_124 = arith.muli %parallel_loop3A_113, %parallel_loop3A_123 : i32
      %parallel_loop3A_125 = arith.constant 0 : i32
      %parallel_loop3A_126 = arith.constant 0 : i32
      %parallel_loop3A_127 = arith.index_cast %parallel_loop3A_125 : i32 to index
      %parallel_loop3A_128 = arith.index_cast %parallel_loop3A_110 : i32 to index
      %parallel_loop3A_129 = arith.index_cast %parallel_loop3A_126 : i32 to index
      %parallel_loop3A_130 = arith.index_cast %parallel_loop3A_124 : i32 to index
      %parallel_loop3A_131 = tpu.vector_load %arg8[%parallel_loop3A_127, %parallel_loop3A_128, %parallel_loop3A_129, %parallel_loop3A_130] {strides = array<i32>} : memref<4x8x8x128xf32, #tpu.memory_space<vmem>>, vector<16xf32>,
      tpu.vector_store %arg8[%parallel_loop3A_127, %parallel_loop3A_128, %parallel_loop3A_129, %parallel_loop3A_130], %parallel_loop3A_122 {strides = array<i32>} : memref<4x8x8x128xf32, #tpu.memory_space<vmem>>, vector<16xf32>,
      %parallel_loop3A_132 = arith.constant 1 : i32
      %parallel_loop3A_133 = arith.constant 0 : i32
      %parallel_loop3A_134 = tpu.memref_slice %arg5[%parallel_loop3A_132, %parallel_loop3A_133] : memref<32x1024xf32, #tpu.memory_space<vmem>> -> memref<1x1024xf32, #tpu.memory_space<vmem>>
      %parallel_loop3A_135 = tpu.memref_squeeze %parallel_loop3A_134 : memref<1x1024xf32, #tpu.memory_space<vmem>> -> memref<1024xf32, #tpu.memory_space<vmem>>
      %parallel_loop3A_136 = tpu.vector_load_idx %parallel_loop3A_135[%parallel_loop3A_117] : memref<1024xf32, #tpu.memory_space<vmem>>[vector<16xi32>], vector<16xf32>,
      %parallel_loop3A_137 = arith.constant 16 : i32
      %parallel_loop3A_138 = arith.muli %parallel_loop3A_113, %parallel_loop3A_137 : i32
      %parallel_loop3A_139 = arith.constant 0 : i32
      %parallel_loop3A_140 = arith.constant 1 : i32
      %parallel_loop3A_141 = arith.index_cast %parallel_loop3A_139 : i32 to index
      %parallel_loop3A_142 = arith.index_cast %parallel_loop3A_110 : i32 to index
      %parallel_loop3A_143 = arith.index_cast %parallel_loop3A_140 : i32 to index
      %parallel_loop3A_144 = arith.index_cast %parallel_loop3A_138 : i32 to index
      %parallel_loop3A_145 = tpu.vector_load %arg8[%parallel_loop3A_141, %parallel_loop3A_142, %parallel_loop3A_143, %parallel_loop3A_144] {strides = array<i32>} : memref<4x8x8x128xf32, #tpu.memory_space<vmem>>, vector<16xf32>,
      tpu.vector_store %arg8[%parallel_loop3A_141, %parallel_loop3A_142, %parallel_loop3A_143, %parallel_loop3A_144], %parallel_loop3A_136 {strides = array<i32>} : memref<4x8x8x128xf32, #tpu.memory_space<vmem>>, vector<16xf32>,
      %parallel_loop3A_146 = arith.constant 2 : i32
      %parallel_loop3A_147 = arith.constant 0 : i32
      %parallel_loop3A_148 = tpu.memref_slice %arg5[%parallel_loop3A_146, %parallel_loop3A_147] : memref<32x1024xf32, #tpu.memory_space<vmem>> -> memref<1x1024xf32, #tpu.memory_space<vmem>>
      %parallel_loop3A_149 = tpu.memref_squeeze %parallel_loop3A_148 : memref<1x1024xf32, #tpu.memory_space<vmem>> -> memref<1024xf32, #tpu.memory_space<vmem>>
      %parallel_loop3A_150 = tpu.vector_load_idx %parallel_loop3A_149[%parallel_loop3A_117] : memref<1024xf32, #tpu.memory_space<vmem>>[vector<16xi32>], vector<16xf32>,
      %parallel_loop3A_151 = arith.constant 16 : i32
      %parallel_loop3A_152 = arith.muli %parallel_loop3A_113, %parallel_loop3A_151 : i32
      %parallel_loop3A_153 = arith.constant 0 : i32
      %parallel_loop3A_154 = arith.constant 2 : i32
      %parallel_loop3A_155 = arith.index_cast %parallel_loop3A_153 : i32 to index
      %parallel_loop3A_156 = arith.index_cast %parallel_loop3A_110 : i32 to index
      %parallel_loop3A_157 = arith.index_cast %parallel_loop3A_154 : i32 to index
      %parallel_loop3A_158 = arith.index_cast %parallel_loop3A_152 : i32 to index
      %parallel_loop3A_159 = tpu.vector_load %arg8[%parallel_loop3A_155, %parallel_loop3A_156, %parallel_loop3A_157, %parallel_loop3A_158] {strides = array<i32>} : memref<4x8x8x128xf32, #tpu.memory_space<vmem>>, vector<16xf32>,
      tpu.vector_store %arg8[%parallel_loop3A_155, %parallel_loop3A_156, %parallel_loop3A_157, %parallel_loop3A_158], %parallel_loop3A_150 {strides = array<i32>} : memref<4x8x8x128xf32, #tpu.memory_space<vmem>>, vector<16xf32>,
      %parallel_loop3A_160 = arith.constant 3 : i32
      %parallel_loop3A_161 = arith.constant 0 : i32
      %parallel_loop3A_162 = tpu.memref_slice %arg5[%parallel_loop3A_160, %parallel_loop3A_161] : memref<32x1024xf32, #tpu.memory_space<vmem>> -> memref<1x1024xf32, #tpu.memory_space<vmem>>
      %parallel_loop3A_163 = tpu.memref_squeeze %parallel_loop3A_162 : memref<1x1024xf32, #tpu.memory_space<vmem>> -> memref<1024xf32, #tpu.memory_space<vmem>>
      %parallel_loop3A_164 = tpu.vector_load_idx %parallel_loop3A_163[%parallel_loop3A_117] : memref<1024xf32, #tpu.memory_space<vmem>>[vector<16xi32>], vector<16xf32>,
      %parallel_loop3A_165 = arith.constant 16 : i32
      %parallel_loop3A_166 = arith.muli %parallel_loop3A_113, %parallel_loop3A_165 : i32
      %parallel_loop3A_167 = arith.constant 0 : i32
      %parallel_loop3A_168 = arith.constant 3 : i32
      %parallel_loop3A_169 = arith.index_cast %parallel_loop3A_167 : i32 to index
      %parallel_loop3A_170 = arith.index_cast %parallel_loop3A_110 : i32 to index
      %parallel_loop3A_171 = arith.index_cast %parallel_loop3A_168 : i32 to index
      %parallel_loop3A_172 = arith.index_cast %parallel_loop3A_166 : i32 to index
      %parallel_loop3A_173 = tpu.vector_load %arg8[%parallel_loop3A_169, %parallel_loop3A_170, %parallel_loop3A_171, %parallel_loop3A_172] {strides = array<i32>} : memref<4x8x8x128xf32, #tpu.memory_space<vmem>>, vector<16xf32>,
      tpu.vector_store %arg8[%parallel_loop3A_169, %parallel_loop3A_170, %parallel_loop3A_171, %parallel_loop3A_172], %parallel_loop3A_164 {strides = array<i32>} : memref<4x8x8x128xf32, #tpu.memory_space<vmem>>, vector<16xf32>,
      %parallel_loop3A_174 = arith.constant 4 : i32
      %parallel_loop3A_175 = arith.constant 0 : i32
      %parallel_loop3A_176 = tpu.memref_slice %arg5[%parallel_loop3A_174, %parallel_loop3A_175] : memref<32x1024xf32, #tpu.memory_space<vmem>> -> memref<1x1024xf32, #tpu.memory_space<vmem>>
      %parallel_loop3A_177 = tpu.memref_squeeze %parallel_loop3A_176 : memref<1x1024xf32, #tpu.memory_space<vmem>> -> memref<1024xf32, #tpu.memory_space<vmem>>
      %parallel_loop3A_178 = tpu.vector_load_idx %parallel_loop3A_177[%parallel_loop3A_117] : memref<1024xf32, #tpu.memory_space<vmem>>[vector<16xi32>], vector<16xf32>,
      %parallel_loop3A_179 = arith.constant 16 : i32
      %parallel_loop3A_180 = arith.muli %parallel_loop3A_113, %parallel_loop3A_179 : i32
      %parallel_loop3A_181 = arith.constant 0 : i32
      %parallel_loop3A_182 = arith.constant 4 : i32
      %parallel_loop3A_183 = arith.index_cast %parallel_loop3A_181 : i32 to index
      %parallel_loop3A_184 = arith.index_cast %parallel_loop3A_110 : i32 to index
      %parallel_loop3A_185 = arith.index_cast %parallel_loop3A_182 : i32 to index
      %parallel_loop3A_186 = arith.index_cast %parallel_loop3A_180 : i32 to index
      %parallel_loop3A_187 = tpu.vector_load %arg8[%parallel_loop3A_183, %parallel_loop3A_184, %parallel_loop3A_185, %parallel_loop3A_186] {strides = array<i32>} : memref<4x8x8x128xf32, #tpu.memory_space<vmem>>, vector<16xf32>,
      tpu.vector_store %arg8[%parallel_loop3A_183, %parallel_loop3A_184, %parallel_loop3A_185, %parallel_loop3A_186], %parallel_loop3A_178 {strides = array<i32>} : memref<4x8x8x128xf32, #tpu.memory_space<vmem>>, vector<16xf32>,
      %parallel_loop3A_188 = arith.constant 5 : i32
      %parallel_loop3A_189 = arith.constant 0 : i32
      %parallel_loop3A_190 = tpu.memref_slice %arg5[%parallel_loop3A_188, %parallel_loop3A_189] : memref<32x1024xf32, #tpu.memory_space<vmem>> -> memref<1x1024xf32, #tpu.memory_space<vmem>>
      %parallel_loop3A_191 = tpu.memref_squeeze %parallel_loop3A_190 : memref<1x1024xf32, #tpu.memory_space<vmem>> -> memref<1024xf32, #tpu.memory_space<vmem>>
      %parallel_loop3A_192 = tpu.vector_load_idx %parallel_loop3A_191[%parallel_loop3A_117] : memref<1024xf32, #tpu.memory_space<vmem>>[vector<16xi32>], vector<16xf32>,
      %parallel_loop3A_193 = arith.constant 16 : i32
      %parallel_loop3A_194 = arith.muli %parallel_loop3A_113, %parallel_loop3A_193 : i32
      %parallel_loop3A_195 = arith.constant 0 : i32
      %parallel_loop3A_196 = arith.constant 5 : i32
      %parallel_loop3A_197 = arith.index_cast %parallel_loop3A_195 : i32 to index
      %parallel_loop3A_198 = arith.index_cast %parallel_loop3A_110 : i32 to index
      %parallel_loop3A_199 = arith.index_cast %parallel_loop3A_196 : i32 to index
      %parallel_loop3A_200 = arith.index_cast %parallel_loop3A_194 : i32 to index
      %parallel_loop3A_201 = tpu.vector_load %arg8[%parallel_loop3A_197, %parallel_loop3A_198, %parallel_loop3A_199, %parallel_loop3A_200] {strides = array<i32>} : memref<4x8x8x128xf32, #tpu.memory_space<vmem>>, vector<16xf32>,
      tpu.vector_store %arg8[%parallel_loop3A_197, %parallel_loop3A_198, %parallel_loop3A_199, %parallel_loop3A_200], %parallel_loop3A_192 {strides = array<i32>} : memref<4x8x8x128xf32, #tpu.memory_space<vmem>>, vector<16xf32>,
      %parallel_loop3A_202 = arith.constant 6 : i32
      %parallel_loop3A_203 = arith.constant 0 : i32
      %parallel_loop3A_204 = tpu.memref_slice %arg5[%parallel_loop3A_202, %parallel_loop3A_203] : memref<32x1024xf32, #tpu.memory_space<vmem>> -> memref<1x1024xf32, #tpu.memory_space<vmem>>
      %parallel_loop3A_205 = tpu.memref_squeeze %parallel_loop3A_204 : memref<1x1024xf32, #tpu.memory_space<vmem>> -> memref<1024xf32, #tpu.memory_space<vmem>>
      %parallel_loop3A_206 = tpu.vector_load_idx %parallel_loop3A_205[%parallel_loop3A_117] : memref<1024xf32, #tpu.memory_space<vmem>>[vector<16xi32>], vector<16xf32>,
      %parallel_loop3A_207 = arith.constant 16 : i32
      %parallel_loop3A_208 = arith.muli %parallel_loop3A_113, %parallel_loop3A_207 : i32
      %parallel_loop3A_209 = arith.constant 0 : i32
      %parallel_loop3A_210 = arith.constant 6 : i32
      %parallel_loop3A_211 = arith.index_cast %parallel_loop3A_209 : i32 to index
      %parallel_loop3A_212 = arith.index_cast %parallel_loop3A_110 : i32 to index
      %parallel_loop3A_213 = arith.index_cast %parallel_loop3A_210 : i32 to index
      %parallel_loop3A_214 = arith.index_cast %parallel_loop3A_208 : i32 to index
      %parallel_loop3A_215 = tpu.vector_load %arg8[%parallel_loop3A_211, %parallel_loop3A_212, %parallel_loop3A_213, %parallel_loop3A_214] {strides = array<i32>} : memref<4x8x8x128xf32, #tpu.memory_space<vmem>>, vector<16xf32>,
      tpu.vector_store %arg8[%parallel_loop3A_211, %parallel_loop3A_212, %parallel_loop3A_213, %parallel_loop3A_214], %parallel_loop3A_206 {strides = array<i32>} : memref<4x8x8x128xf32, #tpu.memory_space<vmem>>, vector<16xf32>,
      %parallel_loop3A_216 = arith.constant 7 : i32
      %parallel_loop3A_217 = arith.constant 0 : i32
      %parallel_loop3A_218 = tpu.memref_slice %arg5[%parallel_loop3A_216, %parallel_loop3A_217] : memref<32x1024xf32, #tpu.memory_space<vmem>> -> memref<1x1024xf32, #tpu.memory_space<vmem>>
      %parallel_loop3A_219 = tpu.memref_squeeze %parallel_loop3A_218 : memref<1x1024xf32, #tpu.memory_space<vmem>> -> memref<1024xf32, #tpu.memory_space<vmem>>
      %parallel_loop3A_220 = tpu.vector_load_idx %parallel_loop3A_219[%parallel_loop3A_117] : memref<1024xf32, #tpu.memory_space<vmem>>[vector<16xi32>], vector<16xf32>,
      %parallel_loop3A_221 = arith.constant 16 : i32
      %parallel_loop3A_222 = arith.muli %parallel_loop3A_113, %parallel_loop3A_221 : i32
      %parallel_loop3A_223 = arith.constant 0 : i32
      %parallel_loop3A_224 = arith.constant 7 : i32
      %parallel_loop3A_225 = arith.index_cast %parallel_loop3A_223 : i32 to index
      %parallel_loop3A_226 = arith.index_cast %parallel_loop3A_110 : i32 to index
      %parallel_loop3A_227 = arith.index_cast %parallel_loop3A_224 : i32 to index
      %parallel_loop3A_228 = arith.index_cast %parallel_loop3A_222 : i32 to index
      %parallel_loop3A_229 = tpu.vector_load %arg8[%parallel_loop3A_225, %parallel_loop3A_226, %parallel_loop3A_227, %parallel_loop3A_228] {strides = array<i32>} : memref<4x8x8x128xf32, #tpu.memory_space<vmem>>, vector<16xf32>,
      tpu.vector_store %arg8[%parallel_loop3A_225, %parallel_loop3A_226, %parallel_loop3A_227, %parallel_loop3A_228], %parallel_loop3A_220 {strides = array<i32>} : memref<4x8x8x128xf32, #tpu.memory_space<vmem>>, vector<16xf32>,
      %parallel_loop3A_230 = arith.constant 8 : i32
      %parallel_loop3A_231 = arith.constant 0 : i32
      %parallel_loop3A_232 = tpu.memref_slice %arg5[%parallel_loop3A_230, %parallel_loop3A_231] : memref<32x1024xf32, #tpu.memory_space<vmem>> -> memref<1x1024xf32, #tpu.memory_space<vmem>>
      %parallel_loop3A_233 = tpu.memref_squeeze %parallel_loop3A_232 : memref<1x1024xf32, #tpu.memory_space<vmem>> -> memref<1024xf32, #tpu.memory_space<vmem>>
      %parallel_loop3A_234 = tpu.vector_load_idx %parallel_loop3A_233[%parallel_loop3A_117] : memref<1024xf32, #tpu.memory_space<vmem>>[vector<16xi32>], vector<16xf32>,
      %parallel_loop3A_235 = arith.constant 16 : i32
      %parallel_loop3A_236 = arith.muli %parallel_loop3A_113, %parallel_loop3A_235 : i32
      %parallel_loop3A_237 = arith.constant 1 : i32
      %parallel_loop3A_238 = arith.constant 0 : i32
      %parallel_loop3A_239 = arith.index_cast %parallel_loop3A_237 : i32 to index
      %parallel_loop3A_240 = arith.index_cast %parallel_loop3A_110 : i32 to index
      %parallel_loop3A_241 = arith.index_cast %parallel_loop3A_238 : i32 to index
      %parallel_loop3A_242 = arith.index_cast %parallel_loop3A_236 : i32 to index
      %parallel_loop3A_243 = tpu.vector_load %arg8[%parallel_loop3A_239, %parallel_loop3A_240, %parallel_loop3A_241, %parallel_loop3A_242] {strides = array<i32>} : memref<4x8x8x128xf32, #tpu.memory_space<vmem>>, vector<16xf32>,
      tpu.vector_store %arg8[%parallel_loop3A_239, %parallel_loop3A_240, %parallel_loop3A_241, %parallel_loop3A_242], %parallel_loop3A_234 {strides = array<i32>} : memref<4x8x8x128xf32, #tpu.memory_space<vmem>>, vector<16xf32>,
      %parallel_loop3A_244 = arith.constant 9 : i32
      %parallel_loop3A_245 = arith.constant 0 : i32
      %parallel_loop3A_246 = tpu.memref_slice %arg5[%parallel_loop3A_244, %parallel_loop3A_245] : memref<32x1024xf32, #tpu.memory_space<vmem>> -> memref<1x1024xf32, #tpu.memory_space<vmem>>
      %parallel_loop3A_247 = tpu.memref_squeeze %parallel_loop3A_246 : memref<1x1024xf32, #tpu.memory_space<vmem>> -> memref<1024xf32, #tpu.memory_space<vmem>>
      %parallel_loop3A_248 = tpu.vector_load_idx %parallel_loop3A_247[%parallel_loop3A_117] : memref<1024xf32, #tpu.memory_space<vmem>>[vector<16xi32>], vector<16xf32>,
      %parallel_loop3A_249 = arith.constant 16 : i32
      %parallel_loop3A_250 = arith.muli %parallel_loop3A_113, %parallel_loop3A_249 : i32
      %parallel_loop3A_251 = arith.constant 1 : i32
      %parallel_loop3A_252 = arith.constant 1 : i32
      %parallel_loop3A_253 = arith.index_cast %parallel_loop3A_251 : i32 to index
      %parallel_loop3A_254 = arith.index_cast %parallel_loop3A_110 : i32 to index
      %parallel_loop3A_255 = arith.index_cast %parallel_loop3A_252 : i32 to index
      %parallel_loop3A_256 = arith.index_cast %parallel_loop3A_250 : i32 to index
      %parallel_loop3A_257 = tpu.vector_load %arg8[%parallel_loop3A_253, %parallel_loop3A_254, %parallel_loop3A_255, %parallel_loop3A_256] {strides = array<i32>} : memref<4x8x8x128xf32, #tpu.memory_space<vmem>>, vector<16xf32>,
      tpu.vector_store %arg8[%parallel_loop3A_253, %parallel_loop3A_254, %parallel_loop3A_255, %parallel_loop3A_256], %parallel_loop3A_248 {strides = array<i32>} : memref<4x8x8x128xf32, #tpu.memory_space<vmem>>, vector<16xf32>,
      %parallel_loop3A_258 = arith.constant 10 : i32
      %parallel_loop3A_259 = arith.constant 0 : i32
      %parallel_loop3A_260 = tpu.memref_slice %arg5[%parallel_loop3A_258, %parallel_loop3A_259] : memref<32x1024xf32, #tpu.memory_space<vmem>> -> memref<1x1024xf32, #tpu.memory_space<vmem>>
      %parallel_loop3A_261 = tpu.memref_squeeze %parallel_loop3A_260 : memref<1x1024xf32, #tpu.memory_space<vmem>> -> memref<1024xf32, #tpu.memory_space<vmem>>
      %parallel_loop3A_262 = tpu.vector_load_idx %parallel_loop3A_261[%parallel_loop3A_117] : memref<1024xf32, #tpu.memory_space<vmem>>[vector<16xi32>], vector<16xf32>,
      %parallel_loop3A_263 = arith.constant 16 : i32
      %parallel_loop3A_264 = arith.muli %parallel_loop3A_113, %parallel_loop3A_263 : i32
      %parallel_loop3A_265 = arith.constant 1 : i32
      %parallel_loop3A_266 = arith.constant 2 : i32
      %parallel_loop3A_267 = arith.index_cast %parallel_loop3A_265 : i32 to index
      %parallel_loop3A_268 = arith.index_cast %parallel_loop3A_110 : i32 to index
      %parallel_loop3A_269 = arith.index_cast %parallel_loop3A_266 : i32 to index
      %parallel_loop3A_270 = arith.index_cast %parallel_loop3A_264 : i32 to index
      %parallel_loop3A_271 = tpu.vector_load %arg8[%parallel_loop3A_267, %parallel_loop3A_268, %parallel_loop3A_269, %parallel_loop3A_270] {strides = array<i32>} : memref<4x8x8x128xf32, #tpu.memory_space<vmem>>, vector<16xf32>,
      tpu.vector_store %arg8[%parallel_loop3A_267, %parallel_loop3A_268, %parallel_loop3A_269, %parallel_loop3A_270], %parallel_loop3A_262 {strides = array<i32>} : memref<4x8x8x128xf32, #tpu.memory_space<vmem>>, vector<16xf32>,
      %parallel_loop3A_272 = arith.constant 11 : i32
      %parallel_loop3A_273 = arith.constant 0 : i32
      %parallel_loop3A_274 = tpu.memref_slice %arg5[%parallel_loop3A_272, %parallel_loop3A_273] : memref<32x1024xf32, #tpu.memory_space<vmem>> -> memref<1x1024xf32, #tpu.memory_space<vmem>>
      %parallel_loop3A_275 = tpu.memref_squeeze %parallel_loop3A_274 : memref<1x1024xf32, #tpu.memory_space<vmem>> -> memref<1024xf32, #tpu.memory_space<vmem>>
      %parallel_loop3A_276 = tpu.vector_load_idx %parallel_loop3A_275[%parallel_loop3A_117] : memref<1024xf32, #tpu.memory_space<vmem>>[vector<16xi32>], vector<16xf32>,
      %parallel_loop3A_277 = arith.constant 16 : i32
      %parallel_loop3A_278 = arith.muli %parallel_loop3A_113, %parallel_loop3A_277 : i32
      %parallel_loop3A_279 = arith.constant 1 : i32
      %parallel_loop3A_280 = arith.constant 3 : i32
      %parallel_loop3A_281 = arith.index_cast %parallel_loop3A_279 : i32 to index
      %parallel_loop3A_282 = arith.index_cast %parallel_loop3A_110 : i32 to index
      %parallel_loop3A_283 = arith.index_cast %parallel_loop3A_280 : i32 to index
      %parallel_loop3A_284 = arith.index_cast %parallel_loop3A_278 : i32 to index
      %parallel_loop3A_285 = tpu.vector_load %arg8[%parallel_loop3A_281, %parallel_loop3A_282, %parallel_loop3A_283, %parallel_loop3A_284] {strides = array<i32>} : memref<4x8x8x128xf32, #tpu.memory_space<vmem>>, vector<16xf32>,
      tpu.vector_store %arg8[%parallel_loop3A_281, %parallel_loop3A_282, %parallel_loop3A_283, %parallel_loop3A_284], %parallel_loop3A_276 {strides = array<i32>} : memref<4x8x8x128xf32, #tpu.memory_space<vmem>>, vector<16xf32>,
      %parallel_loop3A_286 = arith.constant 12 : i32
      %parallel_loop3A_287 = arith.constant 0 : i32
      %parallel_loop3A_288 = tpu.memref_slice %arg5[%parallel_loop3A_286, %parallel_loop3A_287] : memref<32x1024xf32, #tpu.memory_space<vmem>> -> memref<1x1024xf32, #tpu.memory_space<vmem>>
      %parallel_loop3A_289 = tpu.memref_squeeze %parallel_loop3A_288 : memref<1x1024xf32, #tpu.memory_space<vmem>> -> memref<1024xf32, #tpu.memory_space<vmem>>
      %parallel_loop3A_290 = tpu.vector_load_idx %parallel_loop3A_289[%parallel_loop3A_117] : memref<1024xf32, #tpu.memory_space<vmem>>[vector<16xi32>], vector<16xf32>,
      %parallel_loop3A_291 = arith.constant 16 : i32
      %parallel_loop3A_292 = arith.muli %parallel_loop3A_113, %parallel_loop3A_291 : i32
      %parallel_loop3A_293 = arith.constant 1 : i32
      %parallel_loop3A_294 = arith.constant 4 : i32
      %parallel_loop3A_295 = arith.index_cast %parallel_loop3A_293 : i32 to index
      %parallel_loop3A_296 = arith.index_cast %parallel_loop3A_110 : i32 to index
      %parallel_loop3A_297 = arith.index_cast %parallel_loop3A_294 : i32 to index
      %parallel_loop3A_298 = arith.index_cast %parallel_loop3A_292 : i32 to index
      %parallel_loop3A_299 = tpu.vector_load %arg8[%parallel_loop3A_295, %parallel_loop3A_296, %parallel_loop3A_297, %parallel_loop3A_298] {strides = array<i32>} : memref<4x8x8x128xf32, #tpu.memory_space<vmem>>, vector<16xf32>,
      tpu.vector_store %arg8[%parallel_loop3A_295, %parallel_loop3A_296, %parallel_loop3A_297, %parallel_loop3A_298], %parallel_loop3A_290 {strides = array<i32>} : memref<4x8x8x128xf32, #tpu.memory_space<vmem>>, vector<16xf32>,
      %parallel_loop3A_300 = arith.constant 13 : i32
      %parallel_loop3A_301 = arith.constant 0 : i32
      %parallel_loop3A_302 = tpu.memref_slice %arg5[%parallel_loop3A_300, %parallel_loop3A_301] : memref<32x1024xf32, #tpu.memory_space<vmem>> -> memref<1x1024xf32, #tpu.memory_space<vmem>>
      %parallel_loop3A_303 = tpu.memref_squeeze %parallel_loop3A_302 : memref<1x1024xf32, #tpu.memory_space<vmem>> -> memref<1024xf32, #tpu.memory_space<vmem>>
      %parallel_loop3A_304 = tpu.vector_load_idx %parallel_loop3A_303[%parallel_loop3A_117] : memref<1024xf32, #tpu.memory_space<vmem>>[vector<16xi32>], vector<16xf32>,
      %parallel_loop3A_305 = arith.constant 16 : i32
      %parallel_loop3A_306 = arith.muli %parallel_loop3A_113, %parallel_loop3A_305 : i32
      %parallel_loop3A_307 = arith.constant 1 : i32
      %parallel_loop3A_308 = arith.constant 5 : i32
      %parallel_loop3A_309 = arith.index_cast %parallel_loop3A_307 : i32 to index
      %parallel_loop3A_310 = arith.index_cast %parallel_loop3A_110 : i32 to index
      %parallel_loop3A_311 = arith.index_cast %parallel_loop3A_308 : i32 to index
      %parallel_loop3A_312 = arith.index_cast %parallel_loop3A_306 : i32 to index
      %parallel_loop3A_313 = tpu.vector_load %arg8[%parallel_loop3A_309, %parallel_loop3A_310, %parallel_loop3A_311, %parallel_loop3A_312] {strides = array<i32>} : memref<4x8x8x128xf32, #tpu.memory_space<vmem>>, vector<16xf32>,
      tpu.vector_store %arg8[%parallel_loop3A_309, %parallel_loop3A_310, %parallel_loop3A_311, %parallel_loop3A_312], %parallel_loop3A_304 {strides = array<i32>} : memref<4x8x8x128xf32, #tpu.memory_space<vmem>>, vector<16xf32>,
      %parallel_loop3A_314 = arith.constant 14 : i32
      %parallel_loop3A_315 = arith.constant 0 : i32
      %parallel_loop3A_316 = tpu.memref_slice %arg5[%parallel_loop3A_314, %parallel_loop3A_315] : memref<32x1024xf32, #tpu.memory_space<vmem>> -> memref<1x1024xf32, #tpu.memory_space<vmem>>
      %parallel_loop3A_317 = tpu.memref_squeeze %parallel_loop3A_316 : memref<1x1024xf32, #tpu.memory_space<vmem>> -> memref<1024xf32, #tpu.memory_space<vmem>>
      %parallel_loop3A_318 = tpu.vector_load_idx %parallel_loop3A_317[%parallel_loop3A_117] : memref<1024xf32, #tpu.memory_space<vmem>>[vector<16xi32>], vector<16xf32>,
      %parallel_loop3A_319 = arith.constant 16 : i32
      %parallel_loop3A_320 = arith.muli %parallel_loop3A_113, %parallel_loop3A_319 : i32
      %parallel_loop3A_321 = arith.constant 1 : i32
      %parallel_loop3A_322 = arith.constant 6 : i32
      %parallel_loop3A_323 = arith.index_cast %parallel_loop3A_321 : i32 to index
      %parallel_loop3A_324 = arith.index_cast %parallel_loop3A_110 : i32 to index
      %parallel_loop3A_325 = arith.index_cast %parallel_loop3A_322 : i32 to index
      %parallel_loop3A_326 = arith.index_cast %parallel_loop3A_320 : i32 to index
      %parallel_loop3A_327 = tpu.vector_load %arg8[%parallel_loop3A_323, %parallel_loop3A_324, %parallel_loop3A_325, %parallel_loop3A_326] {strides = array<i32>} : memref<4x8x8x128xf32, #tpu.memory_space<vmem>>, vector<16xf32>,
      tpu.vector_store %arg8[%parallel_loop3A_323, %parallel_loop3A_324, %parallel_loop3A_325, %parallel_loop3A_326], %parallel_loop3A_318 {strides = array<i32>} : memref<4x8x8x128xf32, #tpu.memory_space<vmem>>, vector<16xf32>,
      %parallel_loop3A_328 = arith.constant 15 : i32
      %parallel_loop3A_329 = arith.constant 0 : i32
      %parallel_loop3A_330 = tpu.memref_slice %arg5[%parallel_loop3A_328, %parallel_loop3A_329] : memref<32x1024xf32, #tpu.memory_space<vmem>> -> memref<1x1024xf32, #tpu.memory_space<vmem>>
      %parallel_loop3A_331 = tpu.memref_squeeze %parallel_loop3A_330 : memref<1x1024xf32, #tpu.memory_space<vmem>> -> memref<1024xf32, #tpu.memory_space<vmem>>
      %parallel_loop3A_332 = tpu.vector_load_idx %parallel_loop3A_331[%parallel_loop3A_117] : memref<1024xf32, #tpu.memory_space<vmem>>[vector<16xi32>], vector<16xf32>,
      %parallel_loop3A_333 = arith.constant 16 : i32
      %parallel_loop3A_334 = arith.muli %parallel_loop3A_113, %parallel_loop3A_333 : i32
      %parallel_loop3A_335 = arith.constant 1 : i32
      %parallel_loop3A_336 = arith.constant 7 : i32
      %parallel_loop3A_337 = arith.index_cast %parallel_loop3A_335 : i32 to index
      %parallel_loop3A_338 = arith.index_cast %parallel_loop3A_110 : i32 to index
      %parallel_loop3A_339 = arith.index_cast %parallel_loop3A_336 : i32 to index
      %parallel_loop3A_340 = arith.index_cast %parallel_loop3A_334 : i32 to index
      %parallel_loop3A_341 = tpu.vector_load %arg8[%parallel_loop3A_337, %parallel_loop3A_338, %parallel_loop3A_339, %parallel_loop3A_340] {strides = array<i32>} : memref<4x8x8x128xf32, #tpu.memory_space<vmem>>, vector<16xf32>,
      tpu.vector_store %arg8[%parallel_loop3A_337, %parallel_loop3A_338, %parallel_loop3A_339, %parallel_loop3A_340], %parallel_loop3A_332 {strides = array<i32>} : memref<4x8x8x128xf32, #tpu.memory_space<vmem>>, vector<16xf32>,
      %parallel_loop3A_342 = arith.constant 16 : i32
      %parallel_loop3A_343 = arith.constant 0 : i32
      %parallel_loop3A_344 = tpu.memref_slice %arg5[%parallel_loop3A_342, %parallel_loop3A_343] : memref<32x1024xf32, #tpu.memory_space<vmem>> -> memref<1x1024xf32, #tpu.memory_space<vmem>>
      %parallel_loop3A_345 = tpu.memref_squeeze %parallel_loop3A_344 : memref<1x1024xf32, #tpu.memory_space<vmem>> -> memref<1024xf32, #tpu.memory_space<vmem>>
      %parallel_loop3A_346 = tpu.vector_load_idx %parallel_loop3A_345[%parallel_loop3A_117] : memref<1024xf32, #tpu.memory_space<vmem>>[vector<16xi32>], vector<16xf32>,
      %parallel_loop3A_347 = arith.constant 16 : i32
      %parallel_loop3A_348 = arith.muli %parallel_loop3A_113, %parallel_loop3A_347 : i32
      %parallel_loop3A_349 = arith.constant 2 : i32
      %parallel_loop3A_350 = arith.constant 0 : i32
      %parallel_loop3A_351 = arith.index_cast %parallel_loop3A_349 : i32 to index
      %parallel_loop3A_352 = arith.index_cast %parallel_loop3A_110 : i32 to index
      %parallel_loop3A_353 = arith.index_cast %parallel_loop3A_350 : i32 to index
      %parallel_loop3A_354 = arith.index_cast %parallel_loop3A_348 : i32 to index
      %parallel_loop3A_355 = tpu.vector_load %arg8[%parallel_loop3A_351, %parallel_loop3A_352, %parallel_loop3A_353, %parallel_loop3A_354] {strides = array<i32>} : memref<4x8x8x128xf32, #tpu.memory_space<vmem>>, vector<16xf32>,
      tpu.vector_store %arg8[%parallel_loop3A_351, %parallel_loop3A_352, %parallel_loop3A_353, %parallel_loop3A_354], %parallel_loop3A_346 {strides = array<i32>} : memref<4x8x8x128xf32, #tpu.memory_space<vmem>>, vector<16xf32>,
      %parallel_loop3A_356 = arith.constant 17 : i32
      %parallel_loop3A_357 = arith.constant 0 : i32
      %parallel_loop3A_358 = tpu.memref_slice %arg5[%parallel_loop3A_356, %parallel_loop3A_357] : memref<32x1024xf32, #tpu.memory_space<vmem>> -> memref<1x1024xf32, #tpu.memory_space<vmem>>
      %parallel_loop3A_359 = tpu.memref_squeeze %parallel_loop3A_358 : memref<1x1024xf32, #tpu.memory_space<vmem>> -> memref<1024xf32, #tpu.memory_space<vmem>>
      %parallel_loop3A_360 = tpu.vector_load_idx %parallel_loop3A_359[%parallel_loop3A_117] : memref<1024xf32, #tpu.memory_space<vmem>>[vector<16xi32>], vector<16xf32>,
      %parallel_loop3A_361 = arith.constant 16 : i32
      %parallel_loop3A_362 = arith.muli %parallel_loop3A_113, %parallel_loop3A_361 : i32
      %parallel_loop3A_363 = arith.constant 2 : i32
      %parallel_loop3A_364 = arith.constant 1 : i32
      %parallel_loop3A_365 = arith.index_cast %parallel_loop3A_363 : i32 to index
      %parallel_loop3A_366 = arith.index_cast %parallel_loop3A_110 : i32 to index
      %parallel_loop3A_367 = arith.index_cast %parallel_loop3A_364 : i32 to index
      %parallel_loop3A_368 = arith.index_cast %parallel_loop3A_362 : i32 to index
      %parallel_loop3A_369 = tpu.vector_load %arg8[%parallel_loop3A_365, %parallel_loop3A_366, %parallel_loop3A_367, %parallel_loop3A_368] {strides = array<i32>} : memref<4x8x8x128xf32, #tpu.memory_space<vmem>>, vector<16xf32>,
      tpu.vector_store %arg8[%parallel_loop3A_365, %parallel_loop3A_366, %parallel_loop3A_367, %parallel_loop3A_368], %parallel_loop3A_360 {strides = array<i32>} : memref<4x8x8x128xf32, #tpu.memory_space<vmem>>, vector<16xf32>,
      %parallel_loop3A_370 = arith.constant 18 : i32
      %parallel_loop3A_371 = arith.constant 0 : i32
      %parallel_loop3A_372 = tpu.memref_slice %arg5[%parallel_loop3A_370, %parallel_loop3A_371] : memref<32x1024xf32, #tpu.memory_space<vmem>> -> memref<1x1024xf32, #tpu.memory_space<vmem>>
      %parallel_loop3A_373 = tpu.memref_squeeze %parallel_loop3A_372 : memref<1x1024xf32, #tpu.memory_space<vmem>> -> memref<1024xf32, #tpu.memory_space<vmem>>
      %parallel_loop3A_374 = tpu.vector_load_idx %parallel_loop3A_373[%parallel_loop3A_117] : memref<1024xf32, #tpu.memory_space<vmem>>[vector<16xi32>], vector<16xf32>,
      %parallel_loop3A_375 = arith.constant 16 : i32
      %parallel_loop3A_376 = arith.muli %parallel_loop3A_113, %parallel_loop3A_375 : i32
      %parallel_loop3A_377 = arith.constant 2 : i32
      %parallel_loop3A_378 = arith.constant 2 : i32
      %parallel_loop3A_379 = arith.index_cast %parallel_loop3A_377 : i32 to index
      %parallel_loop3A_380 = arith.index_cast %parallel_loop3A_110 : i32 to index
      %parallel_loop3A_381 = arith.index_cast %parallel_loop3A_378 : i32 to index
      %parallel_loop3A_382 = arith.index_cast %parallel_loop3A_376 : i32 to index
      %parallel_loop3A_383 = tpu.vector_load %arg8[%parallel_loop3A_379, %parallel_loop3A_380, %parallel_loop3A_381, %parallel_loop3A_382] {strides = array<i32>} : memref<4x8x8x128xf32, #tpu.memory_space<vmem>>, vector<16xf32>,
      tpu.vector_store %arg8[%parallel_loop3A_379, %parallel_loop3A_380, %parallel_loop3A_381, %parallel_loop3A_382], %parallel_loop3A_374 {strides = array<i32>} : memref<4x8x8x128xf32, #tpu.memory_space<vmem>>, vector<16xf32>,
      %parallel_loop3A_384 = arith.constant 19 : i32
      %parallel_loop3A_385 = arith.constant 0 : i32
      %parallel_loop3A_386 = tpu.memref_slice %arg5[%parallel_loop3A_384, %parallel_loop3A_385] : memref<32x1024xf32, #tpu.memory_space<vmem>> -> memref<1x1024xf32, #tpu.memory_space<vmem>>
      %parallel_loop3A_387 = tpu.memref_squeeze %parallel_loop3A_386 : memref<1x1024xf32, #tpu.memory_space<vmem>> -> memref<1024xf32, #tpu.memory_space<vmem>>
      %parallel_loop3A_388 = tpu.vector_load_idx %parallel_loop3A_387[%parallel_loop3A_117] : memref<1024xf32, #tpu.memory_space<vmem>>[vector<16xi32>], vector<16xf32>,
      %parallel_loop3A_389 = arith.constant 16 : i32
      %parallel_loop3A_390 = arith.muli %parallel_loop3A_113, %parallel_loop3A_389 : i32
      %parallel_loop3A_391 = arith.constant 2 : i32
      %parallel_loop3A_392 = arith.constant 3 : i32
      %parallel_loop3A_393 = arith.index_cast %parallel_loop3A_391 : i32 to index
      %parallel_loop3A_394 = arith.index_cast %parallel_loop3A_110 : i32 to index
      %parallel_loop3A_395 = arith.index_cast %parallel_loop3A_392 : i32 to index
      %parallel_loop3A_396 = arith.index_cast %parallel_loop3A_390 : i32 to index
      %parallel_loop3A_397 = tpu.vector_load %arg8[%parallel_loop3A_393, %parallel_loop3A_394, %parallel_loop3A_395, %parallel_loop3A_396] {strides = array<i32>} : memref<4x8x8x128xf32, #tpu.memory_space<vmem>>, vector<16xf32>,
      tpu.vector_store %arg8[%parallel_loop3A_393, %parallel_loop3A_394, %parallel_loop3A_395, %parallel_loop3A_396], %parallel_loop3A_388 {strides = array<i32>} : memref<4x8x8x128xf32, #tpu.memory_space<vmem>>, vector<16xf32>,
      %parallel_loop3A_398 = arith.constant 20 : i32
      %parallel_loop3A_399 = arith.constant 0 : i32
      %parallel_loop3A_400 = tpu.memref_slice %arg5[%parallel_loop3A_398, %parallel_loop3A_399] : memref<32x1024xf32, #tpu.memory_space<vmem>> -> memref<1x1024xf32, #tpu.memory_space<vmem>>
      %parallel_loop3A_401 = tpu.memref_squeeze %parallel_loop3A_400 : memref<1x1024xf32, #tpu.memory_space<vmem>> -> memref<1024xf32, #tpu.memory_space<vmem>>
      %parallel_loop3A_402 = tpu.vector_load_idx %parallel_loop3A_401[%parallel_loop3A_117] : memref<1024xf32, #tpu.memory_space<vmem>>[vector<16xi32>], vector<16xf32>,
      %parallel_loop3A_403 = arith.constant 16 : i32
      %parallel_loop3A_404 = arith.muli %parallel_loop3A_113, %parallel_loop3A_403 : i32
      %parallel_loop3A_405 = arith.constant 2 : i32
      %parallel_loop3A_406 = arith.constant 4 : i32
      %parallel_loop3A_407 = arith.index_cast %parallel_loop3A_405 : i32 to index
      %parallel_loop3A_408 = arith.index_cast %parallel_loop3A_110 : i32 to index
      %parallel_loop3A_409 = arith.index_cast %parallel_loop3A_406 : i32 to index
      %parallel_loop3A_410 = arith.index_cast %parallel_loop3A_404 : i32 to index
      %parallel_loop3A_411 = tpu.vector_load %arg8[%parallel_loop3A_407, %parallel_loop3A_408, %parallel_loop3A_409, %parallel_loop3A_410] {strides = array<i32>} : memref<4x8x8x128xf32, #tpu.memory_space<vmem>>, vector<16xf32>,
      tpu.vector_store %arg8[%parallel_loop3A_407, %parallel_loop3A_408, %parallel_loop3A_409, %parallel_loop3A_410], %parallel_loop3A_402 {strides = array<i32>} : memref<4x8x8x128xf32, #tpu.memory_space<vmem>>, vector<16xf32>,
      %parallel_loop3A_412 = arith.constant 21 : i32
      %parallel_loop3A_413 = arith.constant 0 : i32
      %parallel_loop3A_414 = tpu.memref_slice %arg5[%parallel_loop3A_412, %parallel_loop3A_413] : memref<32x1024xf32, #tpu.memory_space<vmem>> -> memref<1x1024xf32, #tpu.memory_space<vmem>>
      %parallel_loop3A_415 = tpu.memref_squeeze %parallel_loop3A_414 : memref<1x1024xf32, #tpu.memory_space<vmem>> -> memref<1024xf32, #tpu.memory_space<vmem>>
      %parallel_loop3A_416 = tpu.vector_load_idx %parallel_loop3A_415[%parallel_loop3A_117] : memref<1024xf32, #tpu.memory_space<vmem>>[vector<16xi32>], vector<16xf32>,
      %parallel_loop3A_417 = arith.constant 16 : i32
      %parallel_loop3A_418 = arith.muli %parallel_loop3A_113, %parallel_loop3A_417 : i32
      %parallel_loop3A_419 = arith.constant 2 : i32
      %parallel_loop3A_420 = arith.constant 5 : i32
      %parallel_loop3A_421 = arith.index_cast %parallel_loop3A_419 : i32 to index
      %parallel_loop3A_422 = arith.index_cast %parallel_loop3A_110 : i32 to index
      %parallel_loop3A_423 = arith.index_cast %parallel_loop3A_420 : i32 to index
      %parallel_loop3A_424 = arith.index_cast %parallel_loop3A_418 : i32 to index
      %parallel_loop3A_425 = tpu.vector_load %arg8[%parallel_loop3A_421, %parallel_loop3A_422, %parallel_loop3A_423, %parallel_loop3A_424] {strides = array<i32>} : memref<4x8x8x128xf32, #tpu.memory_space<vmem>>, vector<16xf32>,
      tpu.vector_store %arg8[%parallel_loop3A_421, %parallel_loop3A_422, %parallel_loop3A_423, %parallel_loop3A_424], %parallel_loop3A_416 {strides = array<i32>} : memref<4x8x8x128xf32, #tpu.memory_space<vmem>>, vector<16xf32>,
      %parallel_loop3A_426 = arith.constant 22 : i32
      %parallel_loop3A_427 = arith.constant 0 : i32
      %parallel_loop3A_428 = tpu.memref_slice %arg5[%parallel_loop3A_426, %parallel_loop3A_427] : memref<32x1024xf32, #tpu.memory_space<vmem>> -> memref<1x1024xf32, #tpu.memory_space<vmem>>
      %parallel_loop3A_429 = tpu.memref_squeeze %parallel_loop3A_428 : memref<1x1024xf32, #tpu.memory_space<vmem>> -> memref<1024xf32, #tpu.memory_space<vmem>>
      %parallel_loop3A_430 = tpu.vector_load_idx %parallel_loop3A_429[%parallel_loop3A_117] : memref<1024xf32, #tpu.memory_space<vmem>>[vector<16xi32>], vector<16xf32>,
      %parallel_loop3A_431 = arith.constant 16 : i32
      %parallel_loop3A_432 = arith.muli %parallel_loop3A_113, %parallel_loop3A_431 : i32
      %parallel_loop3A_433 = arith.constant 2 : i32
      %parallel_loop3A_434 = arith.constant 6 : i32
      %parallel_loop3A_435 = arith.index_cast %parallel_loop3A_433 : i32 to index
      %parallel_loop3A_436 = arith.index_cast %parallel_loop3A_110 : i32 to index
      %parallel_loop3A_437 = arith.index_cast %parallel_loop3A_434 : i32 to index
      %parallel_loop3A_438 = arith.index_cast %parallel_loop3A_432 : i32 to index
      %parallel_loop3A_439 = tpu.vector_load %arg8[%parallel_loop3A_435, %parallel_loop3A_436, %parallel_loop3A_437, %parallel_loop3A_438] {strides = array<i32>} : memref<4x8x8x128xf32, #tpu.memory_space<vmem>>, vector<16xf32>,
      tpu.vector_store %arg8[%parallel_loop3A_435, %parallel_loop3A_436, %parallel_loop3A_437, %parallel_loop3A_438], %parallel_loop3A_430 {strides = array<i32>} : memref<4x8x8x128xf32, #tpu.memory_space<vmem>>, vector<16xf32>,
      %parallel_loop3A_440 = arith.constant 23 : i32
      %parallel_loop3A_441 = arith.constant 0 : i32
      %parallel_loop3A_442 = tpu.memref_slice %arg5[%parallel_loop3A_440, %parallel_loop3A_441] : memref<32x1024xf32, #tpu.memory_space<vmem>> -> memref<1x1024xf32, #tpu.memory_space<vmem>>
      %parallel_loop3A_443 = tpu.memref_squeeze %parallel_loop3A_442 : memref<1x1024xf32, #tpu.memory_space<vmem>> -> memref<1024xf32, #tpu.memory_space<vmem>>
      %parallel_loop3A_444 = tpu.vector_load_idx %parallel_loop3A_443[%parallel_loop3A_117] : memref<1024xf32, #tpu.memory_space<vmem>>[vector<16xi32>], vector<16xf32>,
      %parallel_loop3A_445 = arith.constant 16 : i32
      %parallel_loop3A_446 = arith.muli %parallel_loop3A_113, %parallel_loop3A_445 : i32
      %parallel_loop3A_447 = arith.constant 2 : i32
      %parallel_loop3A_448 = arith.constant 7 : i32
      %parallel_loop3A_449 = arith.index_cast %parallel_loop3A_447 : i32 to index
      %parallel_loop3A_450 = arith.index_cast %parallel_loop3A_110 : i32 to index
      %parallel_loop3A_451 = arith.index_cast %parallel_loop3A_448 : i32 to index
      %parallel_loop3A_452 = arith.index_cast %parallel_loop3A_446 : i32 to index
      %parallel_loop3A_453 = tpu.vector_load %arg8[%parallel_loop3A_449, %parallel_loop3A_450, %parallel_loop3A_451, %parallel_loop3A_452] {strides = array<i32>} : memref<4x8x8x128xf32, #tpu.memory_space<vmem>>, vector<16xf32>,
      tpu.vector_store %arg8[%parallel_loop3A_449, %parallel_loop3A_450, %parallel_loop3A_451, %parallel_loop3A_452], %parallel_loop3A_444 {strides = array<i32>} : memref<4x8x8x128xf32, #tpu.memory_space<vmem>>, vector<16xf32>,
      %parallel_loop3A_454 = arith.constant 24 : i32
      %parallel_loop3A_455 = arith.constant 0 : i32
      %parallel_loop3A_456 = tpu.memref_slice %arg5[%parallel_loop3A_454, %parallel_loop3A_455] : memref<32x1024xf32, #tpu.memory_space<vmem>> -> memref<1x1024xf32, #tpu.memory_space<vmem>>
      %parallel_loop3A_457 = tpu.memref_squeeze %parallel_loop3A_456 : memref<1x1024xf32, #tpu.memory_space<vmem>> -> memref<1024xf32, #tpu.memory_space<vmem>>
      %parallel_loop3A_458 = tpu.vector_load_idx %parallel_loop3A_457[%parallel_loop3A_117] : memref<1024xf32, #tpu.memory_space<vmem>>[vector<16xi32>], vector<16xf32>,
      %parallel_loop3A_459 = arith.constant 16 : i32
      %parallel_loop3A_460 = arith.muli %parallel_loop3A_113, %parallel_loop3A_459 : i32
      %parallel_loop3A_461 = arith.constant 3 : i32
      %parallel_loop3A_462 = arith.constant 0 : i32
      %parallel_loop3A_463 = arith.index_cast %parallel_loop3A_461 : i32 to index
      %parallel_loop3A_464 = arith.index_cast %parallel_loop3A_110 : i32 to index
      %parallel_loop3A_465 = arith.index_cast %parallel_loop3A_462 : i32 to index
      %parallel_loop3A_466 = arith.index_cast %parallel_loop3A_460 : i32 to index
      %parallel_loop3A_467 = tpu.vector_load %arg8[%parallel_loop3A_463, %parallel_loop3A_464, %parallel_loop3A_465, %parallel_loop3A_466] {strides = array<i32>} : memref<4x8x8x128xf32, #tpu.memory_space<vmem>>, vector<16xf32>,
      tpu.vector_store %arg8[%parallel_loop3A_463, %parallel_loop3A_464, %parallel_loop3A_465, %parallel_loop3A_466], %parallel_loop3A_458 {strides = array<i32>} : memref<4x8x8x128xf32, #tpu.memory_space<vmem>>, vector<16xf32>,
      %parallel_loop3A_468 = arith.constant 25 : i32
      %parallel_loop3A_469 = arith.constant 0 : i32
      %parallel_loop3A_470 = tpu.memref_slice %arg5[%parallel_loop3A_468, %parallel_loop3A_469] : memref<32x1024xf32, #tpu.memory_space<vmem>> -> memref<1x1024xf32, #tpu.memory_space<vmem>>
      %parallel_loop3A_471 = tpu.memref_squeeze %parallel_loop3A_470 : memref<1x1024xf32, #tpu.memory_space<vmem>> -> memref<1024xf32, #tpu.memory_space<vmem>>
      %parallel_loop3A_472 = tpu.vector_load_idx %parallel_loop3A_471[%parallel_loop3A_117] : memref<1024xf32, #tpu.memory_space<vmem>>[vector<16xi32>], vector<16xf32>,
      %parallel_loop3A_473 = arith.constant 16 : i32
      %parallel_loop3A_474 = arith.muli %parallel_loop3A_113, %parallel_loop3A_473 : i32
      %parallel_loop3A_475 = arith.constant 3 : i32
      %parallel_loop3A_476 = arith.constant 1 : i32
      %parallel_loop3A_477 = arith.index_cast %parallel_loop3A_475 : i32 to index
      %parallel_loop3A_478 = arith.index_cast %parallel_loop3A_110 : i32 to index
      %parallel_loop3A_479 = arith.index_cast %parallel_loop3A_476 : i32 to index
      %parallel_loop3A_480 = arith.index_cast %parallel_loop3A_474 : i32 to index
      %parallel_loop3A_481 = tpu.vector_load %arg8[%parallel_loop3A_477, %parallel_loop3A_478, %parallel_loop3A_479, %parallel_loop3A_480] {strides = array<i32>} : memref<4x8x8x128xf32, #tpu.memory_space<vmem>>, vector<16xf32>,
      tpu.vector_store %arg8[%parallel_loop3A_477, %parallel_loop3A_478, %parallel_loop3A_479, %parallel_loop3A_480], %parallel_loop3A_472 {strides = array<i32>} : memref<4x8x8x128xf32, #tpu.memory_space<vmem>>, vector<16xf32>,
      %parallel_loop3A_482 = arith.constant 26 : i32
      %parallel_loop3A_483 = arith.constant 0 : i32
      %parallel_loop3A_484 = tpu.memref_slice %arg5[%parallel_loop3A_482, %parallel_loop3A_483] : memref<32x1024xf32, #tpu.memory_space<vmem>> -> memref<1x1024xf32, #tpu.memory_space<vmem>>
      %parallel_loop3A_485 = tpu.memref_squeeze %parallel_loop3A_484 : memref<1x1024xf32, #tpu.memory_space<vmem>> -> memref<1024xf32, #tpu.memory_space<vmem>>
      %parallel_loop3A_486 = tpu.vector_load_idx %parallel_loop3A_485[%parallel_loop3A_117] : memref<1024xf32, #tpu.memory_space<vmem>>[vector<16xi32>], vector<16xf32>,
      %parallel_loop3A_487 = arith.constant 16 : i32
      %parallel_loop3A_488 = arith.muli %parallel_loop3A_113, %parallel_loop3A_487 : i32
      %parallel_loop3A_489 = arith.constant 3 : i32
      %parallel_loop3A_490 = arith.constant 2 : i32
      %parallel_loop3A_491 = arith.index_cast %parallel_loop3A_489 : i32 to index
      %parallel_loop3A_492 = arith.index_cast %parallel_loop3A_110 : i32 to index
      %parallel_loop3A_493 = arith.index_cast %parallel_loop3A_490 : i32 to index
      %parallel_loop3A_494 = arith.index_cast %parallel_loop3A_488 : i32 to index
      %parallel_loop3A_495 = tpu.vector_load %arg8[%parallel_loop3A_491, %parallel_loop3A_492, %parallel_loop3A_493, %parallel_loop3A_494] {strides = array<i32>} : memref<4x8x8x128xf32, #tpu.memory_space<vmem>>, vector<16xf32>,
      tpu.vector_store %arg8[%parallel_loop3A_491, %parallel_loop3A_492, %parallel_loop3A_493, %parallel_loop3A_494], %parallel_loop3A_486 {strides = array<i32>} : memref<4x8x8x128xf32, #tpu.memory_space<vmem>>, vector<16xf32>,
      %parallel_loop3A_496 = arith.constant 27 : i32
      %parallel_loop3A_497 = arith.constant 0 : i32
      %parallel_loop3A_498 = tpu.memref_slice %arg5[%parallel_loop3A_496, %parallel_loop3A_497] : memref<32x1024xf32, #tpu.memory_space<vmem>> -> memref<1x1024xf32, #tpu.memory_space<vmem>>
      %parallel_loop3A_499 = tpu.memref_squeeze %parallel_loop3A_498 : memref<1x1024xf32, #tpu.memory_space<vmem>> -> memref<1024xf32, #tpu.memory_space<vmem>>
      %parallel_loop3A_500 = tpu.vector_load_idx %parallel_loop3A_499[%parallel_loop3A_117] : memref<1024xf32, #tpu.memory_space<vmem>>[vector<16xi32>], vector<16xf32>,
      %parallel_loop3A_501 = arith.constant 16 : i32
      %parallel_loop3A_502 = arith.muli %parallel_loop3A_113, %parallel_loop3A_501 : i32
      %parallel_loop3A_503 = arith.constant 3 : i32
      %parallel_loop3A_504 = arith.constant 3 : i32
      %parallel_loop3A_505 = arith.index_cast %parallel_loop3A_503 : i32 to index
      %parallel_loop3A_506 = arith.index_cast %parallel_loop3A_110 : i32 to index
      %parallel_loop3A_507 = arith.index_cast %parallel_loop3A_504 : i32 to index
      %parallel_loop3A_508 = arith.index_cast %parallel_loop3A_502 : i32 to index
      %parallel_loop3A_509 = tpu.vector_load %arg8[%parallel_loop3A_505, %parallel_loop3A_506, %parallel_loop3A_507, %parallel_loop3A_508] {strides = array<i32>} : memref<4x8x8x128xf32, #tpu.memory_space<vmem>>, vector<16xf32>,
      tpu.vector_store %arg8[%parallel_loop3A_505, %parallel_loop3A_506, %parallel_loop3A_507, %parallel_loop3A_508], %parallel_loop3A_500 {strides = array<i32>} : memref<4x8x8x128xf32, #tpu.memory_space<vmem>>, vector<16xf32>,
      %parallel_loop3A_510 = arith.constant 28 : i32
      %parallel_loop3A_511 = arith.constant 0 : i32
      %parallel_loop3A_512 = tpu.memref_slice %arg5[%parallel_loop3A_510, %parallel_loop3A_511] : memref<32x1024xf32, #tpu.memory_space<vmem>> -> memref<1x1024xf32, #tpu.memory_space<vmem>>
      %parallel_loop3A_513 = tpu.memref_squeeze %parallel_loop3A_512 : memref<1x1024xf32, #tpu.memory_space<vmem>> -> memref<1024xf32, #tpu.memory_space<vmem>>
      %parallel_loop3A_514 = tpu.vector_load_idx %parallel_loop3A_513[%parallel_loop3A_117] : memref<1024xf32, #tpu.memory_space<vmem>>[vector<16xi32>], vector<16xf32>,
      %parallel_loop3A_515 = arith.constant 16 : i32
      %parallel_loop3A_516 = arith.muli %parallel_loop3A_113, %parallel_loop3A_515 : i32
      %parallel_loop3A_517 = arith.constant 3 : i32
      %parallel_loop3A_518 = arith.constant 4 : i32
      %parallel_loop3A_519 = arith.index_cast %parallel_loop3A_517 : i32 to index
      %parallel_loop3A_520 = arith.index_cast %parallel_loop3A_110 : i32 to index
      %parallel_loop3A_521 = arith.index_cast %parallel_loop3A_518 : i32 to index
      %parallel_loop3A_522 = arith.index_cast %parallel_loop3A_516 : i32 to index
      %parallel_loop3A_523 = tpu.vector_load %arg8[%parallel_loop3A_519, %parallel_loop3A_520, %parallel_loop3A_521, %parallel_loop3A_522] {strides = array<i32>} : memref<4x8x8x128xf32, #tpu.memory_space<vmem>>, vector<16xf32>,
      tpu.vector_store %arg8[%parallel_loop3A_519, %parallel_loop3A_520, %parallel_loop3A_521, %parallel_loop3A_522], %parallel_loop3A_514 {strides = array<i32>} : memref<4x8x8x128xf32, #tpu.memory_space<vmem>>, vector<16xf32>,
      %parallel_loop3A_524 = arith.constant 29 : i32
      %parallel_loop3A_525 = arith.constant 0 : i32
      %parallel_loop3A_526 = tpu.memref_slice %arg5[%parallel_loop3A_524, %parallel_loop3A_525] : memref<32x1024xf32, #tpu.memory_space<vmem>> -> memref<1x1024xf32, #tpu.memory_space<vmem>>
      %parallel_loop3A_527 = tpu.memref_squeeze %parallel_loop3A_526 : memref<1x1024xf32, #tpu.memory_space<vmem>> -> memref<1024xf32, #tpu.memory_space<vmem>>
      %parallel_loop3A_528 = tpu.vector_load_idx %parallel_loop3A_527[%parallel_loop3A_117] : memref<1024xf32, #tpu.memory_space<vmem>>[vector<16xi32>], vector<16xf32>,
      %parallel_loop3A_529 = arith.constant 16 : i32
      %parallel_loop3A_530 = arith.muli %parallel_loop3A_113, %parallel_loop3A_529 : i32
      %parallel_loop3A_531 = arith.constant 3 : i32
      %parallel_loop3A_532 = arith.constant 5 : i32
      %parallel_loop3A_533 = arith.index_cast %parallel_loop3A_531 : i32 to index
      %parallel_loop3A_534 = arith.index_cast %parallel_loop3A_110 : i32 to index
      %parallel_loop3A_535 = arith.index_cast %parallel_loop3A_532 : i32 to index
      %parallel_loop3A_536 = arith.index_cast %parallel_loop3A_530 : i32 to index
      %parallel_loop3A_537 = tpu.vector_load %arg8[%parallel_loop3A_533, %parallel_loop3A_534, %parallel_loop3A_535, %parallel_loop3A_536] {strides = array<i32>} : memref<4x8x8x128xf32, #tpu.memory_space<vmem>>, vector<16xf32>,
      tpu.vector_store %arg8[%parallel_loop3A_533, %parallel_loop3A_534, %parallel_loop3A_535, %parallel_loop3A_536], %parallel_loop3A_528 {strides = array<i32>} : memref<4x8x8x128xf32, #tpu.memory_space<vmem>>, vector<16xf32>,
      %parallel_loop3A_538 = arith.constant 30 : i32
      %parallel_loop3A_539 = arith.constant 0 : i32
      %parallel_loop3A_540 = tpu.memref_slice %arg5[%parallel_loop3A_538, %parallel_loop3A_539] : memref<32x1024xf32, #tpu.memory_space<vmem>> -> memref<1x1024xf32, #tpu.memory_space<vmem>>
      %parallel_loop3A_541 = tpu.memref_squeeze %parallel_loop3A_540 : memref<1x1024xf32, #tpu.memory_space<vmem>> -> memref<1024xf32, #tpu.memory_space<vmem>>
      %parallel_loop3A_542 = tpu.vector_load_idx %parallel_loop3A_541[%parallel_loop3A_117] : memref<1024xf32, #tpu.memory_space<vmem>>[vector<16xi32>], vector<16xf32>,
      %parallel_loop3A_543 = arith.constant 16 : i32
      %parallel_loop3A_544 = arith.muli %parallel_loop3A_113, %parallel_loop3A_543 : i32
      %parallel_loop3A_545 = arith.constant 3 : i32
      %parallel_loop3A_546 = arith.constant 6 : i32
      %parallel_loop3A_547 = arith.index_cast %parallel_loop3A_545 : i32 to index
      %parallel_loop3A_548 = arith.index_cast %parallel_loop3A_110 : i32 to index
      %parallel_loop3A_549 = arith.index_cast %parallel_loop3A_546 : i32 to index
      %parallel_loop3A_550 = arith.index_cast %parallel_loop3A_544 : i32 to index
      %parallel_loop3A_551 = tpu.vector_load %arg8[%parallel_loop3A_547, %parallel_loop3A_548, %parallel_loop3A_549, %parallel_loop3A_550] {strides = array<i32>} : memref<4x8x8x128xf32, #tpu.memory_space<vmem>>, vector<16xf32>,
      tpu.vector_store %arg8[%parallel_loop3A_547, %parallel_loop3A_548, %parallel_loop3A_549, %parallel_loop3A_550], %parallel_loop3A_542 {strides = array<i32>} : memref<4x8x8x128xf32, #tpu.memory_space<vmem>>, vector<16xf32>,
      %parallel_loop3A_552 = arith.constant 31 : i32
      %parallel_loop3A_553 = arith.constant 0 : i32
      %parallel_loop3A_554 = tpu.memref_slice %arg5[%parallel_loop3A_552, %parallel_loop3A_553] : memref<32x1024xf32, #tpu.memory_space<vmem>> -> memref<1x1024xf32, #tpu.memory_space<vmem>>
      %parallel_loop3A_555 = tpu.memref_squeeze %parallel_loop3A_554 : memref<1x1024xf32, #tpu.memory_space<vmem>> -> memref<1024xf32, #tpu.memory_space<vmem>>
      %parallel_loop3A_556 = tpu.vector_load_idx %parallel_loop3A_555[%parallel_loop3A_117] : memref<1024xf32, #tpu.memory_space<vmem>>[vector<16xi32>], vector<16xf32>,
      %parallel_loop3A_557 = arith.constant 16 : i32
      %parallel_loop3A_558 = arith.muli %parallel_loop3A_113, %parallel_loop3A_557 : i32
      %parallel_loop3A_559 = arith.constant 3 : i32
      %parallel_loop3A_560 = arith.constant 7 : i32
      %parallel_loop3A_561 = arith.index_cast %parallel_loop3A_559 : i32 to index
      %parallel_loop3A_562 = arith.index_cast %parallel_loop3A_110 : i32 to index
      %parallel_loop3A_563 = arith.index_cast %parallel_loop3A_560 : i32 to index
      %parallel_loop3A_564 = arith.index_cast %parallel_loop3A_558 : i32 to index
      %parallel_loop3A_565 = tpu.vector_load %arg8[%parallel_loop3A_561, %parallel_loop3A_562, %parallel_loop3A_563, %parallel_loop3A_564] {strides = array<i32>} : memref<4x8x8x128xf32, #tpu.memory_space<vmem>>, vector<16xf32>,
      tpu.vector_store %arg8[%parallel_loop3A_561, %parallel_loop3A_562, %parallel_loop3A_563, %parallel_loop3A_564], %parallel_loop3A_556 {strides = array<i32>} : memref<4x8x8x128xf32, #tpu.memory_space<vmem>>, vector<16xf32>,
    } {sc.loop_unroll_factor = 8 : i64, sc.parallel_access}
    %dma_start3A_27 = arith.constant 0 : i32
    %dma_start3A_28 = arith.constant 0 : i32
    %dma_start3A_29 = arith.constant 0 : i32
    %dma_start3A_30 = arith.constant 0 : i32
    %dma_start3A_31 = tpu.memref_slice %arg4[%dma_start3A_27, %min3A_3, %dma_start3A_28, %dma_start3A_29, %dma_start3A_30] : memref<50x125x8x8x128xf32, #tpu.memory_space<hbm>> -> memref<1x4x8x8x128xf32, #tpu.memory_space<hbm>>
    %dma_start3A_32 = tpu.memref_squeeze %dma_start3A_31 : memref<1x4x8x8x128xf32, #tpu.memory_space<hbm>> -> memref<4x8x8x128xf32, #tpu.memory_space<hbm>>
    %dma_start3A_33 = arith.constant 0 : i32
    %dma_start3A_34 = arith.constant 0 : i32
    %dma_start3A_35 = arith.constant 0 : i32
    %dma_start3A_36 = tpu.memref_slice %arg4[%dma_start3A_27, %min3A_3, %dma_start3A_33, %dma_start3A_34, %dma_start3A_35] : memref<50x125x8x8x128xf32, #tpu.memory_space<hbm>> -> memref<1x4x8x8x128xf32, #tpu.memory_space<hbm>>
    %dma_start3A_37 = tpu.memref_squeeze %dma_start3A_36 : memref<1x4x8x8x128xf32, #tpu.memory_space<hbm>> -> memref<4x8x8x128xf32, #tpu.memory_space<hbm>>
    tpu.enqueue_dma source(%arg8 : memref<4x8x8x128xf32, #tpu.memory_space<vmem>>) target(%dma_start3A_37 : memref<4x8x8x128xf32, #tpu.memory_space<hbm>>) target_semaphore(%arg10 : memref<!tpu.dma_semaphore, #tpu.memory_space<semaphore_mem>>)
    %dma_wait3A_38 = arith.constant 0 : i32
    %dma_wait3A_39 = arith.constant 0 : i32
    %dma_wait3A_40 = tpu.memref_slice %arg3[%dma_wait3A_38, %dma_wait3A_39] : memref<50x1024xi32, #tpu.memory_space<hbm>> -> memref<1x1024xi32, #tpu.memory_space<hbm>>
    %dma_wait3A_41 = tpu.memref_squeeze %dma_wait3A_40 : memref<1x1024xi32, #tpu.memory_space<hbm>> -> memref<1024xi32, #tpu.memory_space<hbm>>
    %dma_wait3A_42 = arith.constant 0 : i32
    %dma_wait3A_43 = tpu.memref_slice %arg3[%dma_wait3A_38, %dma_wait3A_42] : memref<50x1024xi32, #tpu.memory_space<hbm>> -> memref<1x1024xi32, #tpu.memory_space<hbm>>
    %dma_wait3A_44 = tpu.memref_squeeze %dma_wait3A_43 : memref<1x1024xi32, #tpu.memory_space<hbm>> -> memref<1024xi32, #tpu.memory_space<hbm>>
    tpu.wait_dma2 semaphore(%arg13 : memref<!tpu.dma_semaphore, #tpu.memory_space<semaphore_mem>>) src(%dma_wait3A_44 : memref<1024xi32, #tpu.memory_space<hbm>>) dst(%arg7 : memref<1024xi32, #tpu.memory_space<vmem>>)
    %parallel_loop3A_45 = arith.constant 0 : i32
    %parallel_loop3A_46 = arith.constant 64 : i32
    %parallel_loop3A_47 = arith.constant 1 : i32
    scf.for %parallel_loop3A_86 = %parallel_loop3A_45 to %parallel_loop3A_46 step %parallel_loop3A_47  : i32 {
      %parallel_loop3A_87 = arith.constant 8 : i32
      %parallel_loop3A_88 = arith.divsi %parallel_loop3A_86, %parallel_loop3A_87 : i32
      %parallel_loop3A_89 = arith.constant 0 : i32
      %parallel_loop3A_90 = arith.cmpi sgt, %parallel_loop3A_86, %parallel_loop3A_89 : i32
      %parallel_loop3A_91 = arith.extui %parallel_loop3A_90 : i1 to i32
      %parallel_loop3A_92 = arith.constant 0 : i32
      %parallel_loop3A_93 = arith.cmpi slt, %parallel_loop3A_86, %parallel_loop3A_92 : i32
      %parallel_loop3A_94 = arith.extui %parallel_loop3A_93 : i1 to i32
      %parallel_loop3A_95 = arith.subi %parallel_loop3A_91, %parallel_loop3A_94 : i32
      %parallel_loop3A_96 = arith.constant 0 : i32
      %parallel_loop3A_97 = arith.cmpi sgt, %parallel_loop3A_87, %parallel_loop3A_96 : i32
      %parallel_loop3A_98 = arith.extui %parallel_loop3A_97 : i1 to i32
      %parallel_loop3A_99 = arith.constant 0 : i32
      %parallel_loop3A_100 = arith.cmpi slt, %parallel_loop3A_87, %parallel_loop3A_99 : i32
      %parallel_loop3A_101 = arith.extui %parallel_loop3A_100 : i1 to i32
      %parallel_loop3A_102 = arith.subi %parallel_loop3A_98, %parallel_loop3A_101 : i32
      %parallel_loop3A_103 = arith.cmpi ne, %parallel_loop3A_95, %parallel_loop3A_102 : i32
      %parallel_loop3A_104 = arith.remsi %parallel_loop3A_86, %parallel_loop3A_87 : i32
      %parallel_loop3A_105 = arith.constant 0 : i32
      %parallel_loop3A_106 = arith.cmpi ne, %parallel_loop3A_104, %parallel_loop3A_105 : i32
      %parallel_loop3A_107 = arith.andi %parallel_loop3A_103, %parallel_loop3A_106 : i1
      %parallel_loop3A_108 = arith.constant 1 : i32
      %parallel_loop3A_109 = arith.subi %parallel_loop3A_88, %parallel_loop3A_108 : i32
      %parallel_loop3A_110 = arith.select %parallel_loop3A_107, %parallel_loop3A_109, %parallel_loop3A_88 : i32
      %parallel_loop3A_111 = arith.constant 8 : i32
      %parallel_loop3A_112 = arith.muli %parallel_loop3A_111, %parallel_loop3A_110 : i32
      %parallel_loop3A_113 = arith.subi %parallel_loop3A_86, %parallel_loop3A_112 : i32
      %parallel_loop3A_114 = arith.constant 16 : i32
      %parallel_loop3A_115 = arith.muli %parallel_loop3A_86, %parallel_loop3A_114 : i32
      %parallel_loop3A_116 = arith.index_cast %parallel_loop3A_115 : i32 to index
      %parallel_loop3A_117 = tpu.vector_load %arg7[%parallel_loop3A_116] {strides = array<i32>} : memref<1024xi32, #tpu.memory_space<vmem>>, vector<16xi32>,
      %parallel_loop3A_118 = arith.constant 0 : i32
      %parallel_loop3A_119 = arith.constant 0 : i32
      %parallel_loop3A_120 = tpu.memref_slice %arg5[%parallel_loop3A_118, %parallel_loop3A_119] : memref<32x1024xf32, #tpu.memory_space<vmem>> -> memref<1x1024xf32, #tpu.memory_space<vmem>>
      %parallel_loop3A_121 = tpu.memref_squeeze %parallel_loop3A_120 : memref<1x1024xf32, #tpu.memory_space<vmem>> -> memref<1024xf32, #tpu.memory_space<vmem>>
      %parallel_loop3A_122 = tpu.vector_load_idx %parallel_loop3A_121[%parallel_loop3A_117] : memref<1024xf32, #tpu.memory_space<vmem>>[vector<16xi32>], vector<16xf32>,
      %parallel_loop3A_123 = arith.constant 16 : i32
      %parallel_loop3A_124 = arith.muli %parallel_loop3A_113, %parallel_loop3A_123 : i32
      %parallel_loop3A_125 = arith.constant 0 : i32
      %parallel_loop3A_126 = arith.constant 0 : i32
      %parallel_loop3A_127 = arith.index_cast %parallel_loop3A_125 : i32 to index
      %parallel_loop3A_128 = arith.index_cast %parallel_loop3A_110 : i32 to index
      %parallel_loop3A_129 = arith.index_cast %parallel_loop3A_126 : i32 to index
      %parallel_loop3A_130 = arith.index_cast %parallel_loop3A_124 : i32 to index
      %parallel_loop3A_131 = tpu.vector_load %arg9[%parallel_loop3A_127, %parallel_loop3A_128, %parallel_loop3A_129, %parallel_loop3A_130] {strides = array<i32>} : memref<4x8x8x128xf32, #tpu.memory_space<vmem>>, vector<16xf32>,
      tpu.vector_store %arg9[%parallel_loop3A_127, %parallel_loop3A_128, %parallel_loop3A_129, %parallel_loop3A_130], %parallel_loop3A_122 {strides = array<i32>} : memref<4x8x8x128xf32, #tpu.memory_space<vmem>>, vector<16xf32>,
      %parallel_loop3A_132 = arith.constant 1 : i32
      %parallel_loop3A_133 = arith.constant 0 : i32
      %parallel_loop3A_134 = tpu.memref_slice %arg5[%parallel_loop3A_132, %parallel_loop3A_133] : memref<32x1024xf32, #tpu.memory_space<vmem>> -> memref<1x1024xf32, #tpu.memory_space<vmem>>
      %parallel_loop3A_135 = tpu.memref_squeeze %parallel_loop3A_134 : memref<1x1024xf32, #tpu.memory_space<vmem>> -> memref<1024xf32, #tpu.memory_space<vmem>>
      %parallel_loop3A_136 = tpu.vector_load_idx %parallel_loop3A_135[%parallel_loop3A_117] : memref<1024xf32, #tpu.memory_space<vmem>>[vector<16xi32>], vector<16xf32>,
      %parallel_loop3A_137 = arith.constant 16 : i32
      %parallel_loop3A_138 = arith.muli %parallel_loop3A_113, %parallel_loop3A_137 : i32
      %parallel_loop3A_139 = arith.constant 0 : i32
      %parallel_loop3A_140 = arith.constant 1 : i32
      %parallel_loop3A_141 = arith.index_cast %parallel_loop3A_139 : i32 to index
      %parallel_loop3A_142 = arith.index_cast %parallel_loop3A_110 : i32 to index
      %parallel_loop3A_143 = arith.index_cast %parallel_loop3A_140 : i32 to index
      %parallel_loop3A_144 = arith.index_cast %parallel_loop3A_138 : i32 to index
      %parallel_loop3A_145 = tpu.vector_load %arg9[%parallel_loop3A_141, %parallel_loop3A_142, %parallel_loop3A_143, %parallel_loop3A_144] {strides = array<i32>} : memref<4x8x8x128xf32, #tpu.memory_space<vmem>>, vector<16xf32>,
      tpu.vector_store %arg9[%parallel_loop3A_141, %parallel_loop3A_142, %parallel_loop3A_143, %parallel_loop3A_144], %parallel_loop3A_136 {strides = array<i32>} : memref<4x8x8x128xf32, #tpu.memory_space<vmem>>, vector<16xf32>,
      %parallel_loop3A_146 = arith.constant 2 : i32
      %parallel_loop3A_147 = arith.constant 0 : i32
      %parallel_loop3A_148 = tpu.memref_slice %arg5[%parallel_loop3A_146, %parallel_loop3A_147] : memref<32x1024xf32, #tpu.memory_space<vmem>> -> memref<1x1024xf32, #tpu.memory_space<vmem>>
      %parallel_loop3A_149 = tpu.memref_squeeze %parallel_loop3A_148 : memref<1x1024xf32, #tpu.memory_space<vmem>> -> memref<1024xf32, #tpu.memory_space<vmem>>
      %parallel_loop3A_150 = tpu.vector_load_idx %parallel_loop3A_149[%parallel_loop3A_117] : memref<1024xf32, #tpu.memory_space<vmem>>[vector<16xi32>], vector<16xf32>,
      %parallel_loop3A_151 = arith.constant 16 : i32
      %parallel_loop3A_152 = arith.muli %parallel_loop3A_113, %parallel_loop3A_151 : i32
      %parallel_loop3A_153 = arith.constant 0 : i32
      %parallel_loop3A_154 = arith.constant 2 : i32
      %parallel_loop3A_155 = arith.index_cast %parallel_loop3A_153 : i32 to index
      %parallel_loop3A_156 = arith.index_cast %parallel_loop3A_110 : i32 to index
      %parallel_loop3A_157 = arith.index_cast %parallel_loop3A_154 : i32 to index
      %parallel_loop3A_158 = arith.index_cast %parallel_loop3A_152 : i32 to index
      %parallel_loop3A_159 = tpu.vector_load %arg9[%parallel_loop3A_155, %parallel_loop3A_156, %parallel_loop3A_157, %parallel_loop3A_158] {strides = array<i32>} : memref<4x8x8x128xf32, #tpu.memory_space<vmem>>, vector<16xf32>,
      tpu.vector_store %arg9[%parallel_loop3A_155, %parallel_loop3A_156, %parallel_loop3A_157, %parallel_loop3A_158], %parallel_loop3A_150 {strides = array<i32>} : memref<4x8x8x128xf32, #tpu.memory_space<vmem>>, vector<16xf32>,
      %parallel_loop3A_160 = arith.constant 3 : i32
      %parallel_loop3A_161 = arith.constant 0 : i32
      %parallel_loop3A_162 = tpu.memref_slice %arg5[%parallel_loop3A_160, %parallel_loop3A_161] : memref<32x1024xf32, #tpu.memory_space<vmem>> -> memref<1x1024xf32, #tpu.memory_space<vmem>>
      %parallel_loop3A_163 = tpu.memref_squeeze %parallel_loop3A_162 : memref<1x1024xf32, #tpu.memory_space<vmem>> -> memref<1024xf32, #tpu.memory_space<vmem>>
      %parallel_loop3A_164 = tpu.vector_load_idx %parallel_loop3A_163[%parallel_loop3A_117] : memref<1024xf32, #tpu.memory_space<vmem>>[vector<16xi32>], vector<16xf32>,
      %parallel_loop3A_165 = arith.constant 16 : i32
      %parallel_loop3A_166 = arith.muli %parallel_loop3A_113, %parallel_loop3A_165 : i32
      %parallel_loop3A_167 = arith.constant 0 : i32
      %parallel_loop3A_168 = arith.constant 3 : i32
      %parallel_loop3A_169 = arith.index_cast %parallel_loop3A_167 : i32 to index
      %parallel_loop3A_170 = arith.index_cast %parallel_loop3A_110 : i32 to index
      %parallel_loop3A_171 = arith.index_cast %parallel_loop3A_168 : i32 to index
      %parallel_loop3A_172 = arith.index_cast %parallel_loop3A_166 : i32 to index
      %parallel_loop3A_173 = tpu.vector_load %arg9[%parallel_loop3A_169, %parallel_loop3A_170, %parallel_loop3A_171, %parallel_loop3A_172] {strides = array<i32>} : memref<4x8x8x128xf32, #tpu.memory_space<vmem>>, vector<16xf32>,
      tpu.vector_store %arg9[%parallel_loop3A_169, %parallel_loop3A_170, %parallel_loop3A_171, %parallel_loop3A_172], %parallel_loop3A_164 {strides = array<i32>} : memref<4x8x8x128xf32, #tpu.memory_space<vmem>>, vector<16xf32>,
      %parallel_loop3A_174 = arith.constant 4 : i32
      %parallel_loop3A_175 = arith.constant 0 : i32
      %parallel_loop3A_176 = tpu.memref_slice %arg5[%parallel_loop3A_174, %parallel_loop3A_175] : memref<32x1024xf32, #tpu.memory_space<vmem>> -> memref<1x1024xf32, #tpu.memory_space<vmem>>
      %parallel_loop3A_177 = tpu.memref_squeeze %parallel_loop3A_176 : memref<1x1024xf32, #tpu.memory_space<vmem>> -> memref<1024xf32, #tpu.memory_space<vmem>>
      %parallel_loop3A_178 = tpu.vector_load_idx %parallel_loop3A_177[%parallel_loop3A_117] : memref<1024xf32, #tpu.memory_space<vmem>>[vector<16xi32>], vector<16xf32>,
      %parallel_loop3A_179 = arith.constant 16 : i32
      %parallel_loop3A_180 = arith.muli %parallel_loop3A_113, %parallel_loop3A_179 : i32
      %parallel_loop3A_181 = arith.constant 0 : i32
      %parallel_loop3A_182 = arith.constant 4 : i32
      %parallel_loop3A_183 = arith.index_cast %parallel_loop3A_181 : i32 to index
      %parallel_loop3A_184 = arith.index_cast %parallel_loop3A_110 : i32 to index
      %parallel_loop3A_185 = arith.index_cast %parallel_loop3A_182 : i32 to index
      %parallel_loop3A_186 = arith.index_cast %parallel_loop3A_180 : i32 to index
      %parallel_loop3A_187 = tpu.vector_load %arg9[%parallel_loop3A_183, %parallel_loop3A_184, %parallel_loop3A_185, %parallel_loop3A_186] {strides = array<i32>} : memref<4x8x8x128xf32, #tpu.memory_space<vmem>>, vector<16xf32>,
      tpu.vector_store %arg9[%parallel_loop3A_183, %parallel_loop3A_184, %parallel_loop3A_185, %parallel_loop3A_186], %parallel_loop3A_178 {strides = array<i32>} : memref<4x8x8x128xf32, #tpu.memory_space<vmem>>, vector<16xf32>,
      %parallel_loop3A_188 = arith.constant 5 : i32
      %parallel_loop3A_189 = arith.constant 0 : i32
      %parallel_loop3A_190 = tpu.memref_slice %arg5[%parallel_loop3A_188, %parallel_loop3A_189] : memref<32x1024xf32, #tpu.memory_space<vmem>> -> memref<1x1024xf32, #tpu.memory_space<vmem>>
      %parallel_loop3A_191 = tpu.memref_squeeze %parallel_loop3A_190 : memref<1x1024xf32, #tpu.memory_space<vmem>> -> memref<1024xf32, #tpu.memory_space<vmem>>
      %parallel_loop3A_192 = tpu.vector_load_idx %parallel_loop3A_191[%parallel_loop3A_117] : memref<1024xf32, #tpu.memory_space<vmem>>[vector<16xi32>], vector<16xf32>,
      %parallel_loop3A_193 = arith.constant 16 : i32
      %parallel_loop3A_194 = arith.muli %parallel_loop3A_113, %parallel_loop3A_193 : i32
      %parallel_loop3A_195 = arith.constant 0 : i32
      %parallel_loop3A_196 = arith.constant 5 : i32
      %parallel_loop3A_197 = arith.index_cast %parallel_loop3A_195 : i32 to index
      %parallel_loop3A_198 = arith.index_cast %parallel_loop3A_110 : i32 to index
      %parallel_loop3A_199 = arith.index_cast %parallel_loop3A_196 : i32 to index
      %parallel_loop3A_200 = arith.index_cast %parallel_loop3A_194 : i32 to index
      %parallel_loop3A_201 = tpu.vector_load %arg9[%parallel_loop3A_197, %parallel_loop3A_198, %parallel_loop3A_199, %parallel_loop3A_200] {strides = array<i32>} : memref<4x8x8x128xf32, #tpu.memory_space<vmem>>, vector<16xf32>,
      tpu.vector_store %arg9[%parallel_loop3A_197, %parallel_loop3A_198, %parallel_loop3A_199, %parallel_loop3A_200], %parallel_loop3A_192 {strides = array<i32>} : memref<4x8x8x128xf32, #tpu.memory_space<vmem>>, vector<16xf32>,
      %parallel_loop3A_202 = arith.constant 6 : i32
      %parallel_loop3A_203 = arith.constant 0 : i32
      %parallel_loop3A_204 = tpu.memref_slice %arg5[%parallel_loop3A_202, %parallel_loop3A_203] : memref<32x1024xf32, #tpu.memory_space<vmem>> -> memref<1x1024xf32, #tpu.memory_space<vmem>>
      %parallel_loop3A_205 = tpu.memref_squeeze %parallel_loop3A_204 : memref<1x1024xf32, #tpu.memory_space<vmem>> -> memref<1024xf32, #tpu.memory_space<vmem>>
      %parallel_loop3A_206 = tpu.vector_load_idx %parallel_loop3A_205[%parallel_loop3A_117] : memref<1024xf32, #tpu.memory_space<vmem>>[vector<16xi32>], vector<16xf32>,
      %parallel_loop3A_207 = arith.constant 16 : i32
      %parallel_loop3A_208 = arith.muli %parallel_loop3A_113, %parallel_loop3A_207 : i32
      %parallel_loop3A_209 = arith.constant 0 : i32
      %parallel_loop3A_210 = arith.constant 6 : i32
      %parallel_loop3A_211 = arith.index_cast %parallel_loop3A_209 : i32 to index
      %parallel_loop3A_212 = arith.index_cast %parallel_loop3A_110 : i32 to index
      %parallel_loop3A_213 = arith.index_cast %parallel_loop3A_210 : i32 to index
      %parallel_loop3A_214 = arith.index_cast %parallel_loop3A_208 : i32 to index
      %parallel_loop3A_215 = tpu.vector_load %arg9[%parallel_loop3A_211, %parallel_loop3A_212, %parallel_loop3A_213, %parallel_loop3A_214] {strides = array<i32>} : memref<4x8x8x128xf32, #tpu.memory_space<vmem>>, vector<16xf32>,
      tpu.vector_store %arg9[%parallel_loop3A_211, %parallel_loop3A_212, %parallel_loop3A_213, %parallel_loop3A_214], %parallel_loop3A_206 {strides = array<i32>} : memref<4x8x8x128xf32, #tpu.memory_space<vmem>>, vector<16xf32>,
      %parallel_loop3A_216 = arith.constant 7 : i32
      %parallel_loop3A_217 = arith.constant 0 : i32
      %parallel_loop3A_218 = tpu.memref_slice %arg5[%parallel_loop3A_216, %parallel_loop3A_217] : memref<32x1024xf32, #tpu.memory_space<vmem>> -> memref<1x1024xf32, #tpu.memory_space<vmem>>
      %parallel_loop3A_219 = tpu.memref_squeeze %parallel_loop3A_218 : memref<1x1024xf32, #tpu.memory_space<vmem>> -> memref<1024xf32, #tpu.memory_space<vmem>>
      %parallel_loop3A_220 = tpu.vector_load_idx %parallel_loop3A_219[%parallel_loop3A_117] : memref<1024xf32, #tpu.memory_space<vmem>>[vector<16xi32>], vector<16xf32>,
      %parallel_loop3A_221 = arith.constant 16 : i32
      %parallel_loop3A_222 = arith.muli %parallel_loop3A_113, %parallel_loop3A_221 : i32
      %parallel_loop3A_223 = arith.constant 0 : i32
      %parallel_loop3A_224 = arith.constant 7 : i32
      %parallel_loop3A_225 = arith.index_cast %parallel_loop3A_223 : i32 to index
      %parallel_loop3A_226 = arith.index_cast %parallel_loop3A_110 : i32 to index
      %parallel_loop3A_227 = arith.index_cast %parallel_loop3A_224 : i32 to index
      %parallel_loop3A_228 = arith.index_cast %parallel_loop3A_222 : i32 to index
      %parallel_loop3A_229 = tpu.vector_load %arg9[%parallel_loop3A_225, %parallel_loop3A_226, %parallel_loop3A_227, %parallel_loop3A_228] {strides = array<i32>} : memref<4x8x8x128xf32, #tpu.memory_space<vmem>>, vector<16xf32>,
      tpu.vector_store %arg9[%parallel_loop3A_225, %parallel_loop3A_226, %parallel_loop3A_227, %parallel_loop3A_228], %parallel_loop3A_220 {strides = array<i32>} : memref<4x8x8x128xf32, #tpu.memory_space<vmem>>, vector<16xf32>,
      %parallel_loop3A_230 = arith.constant 8 : i32
      %parallel_loop3A_231 = arith.constant 0 : i32
      %parallel_loop3A_232 = tpu.memref_slice %arg5[%parallel_loop3A_230, %parallel_loop3A_231] : memref<32x1024xf32, #tpu.memory_space<vmem>> -> memref<1x1024xf32, #tpu.memory_space<vmem>>
      %parallel_loop3A_233 = tpu.memref_squeeze %parallel_loop3A_232 : memref<1x1024xf32, #tpu.memory_space<vmem>> -> memref<1024xf32, #tpu.memory_space<vmem>>
      %parallel_loop3A_234 = tpu.vector_load_idx %parallel_loop3A_233[%parallel_loop3A_117] : memref<1024xf32, #tpu.memory_space<vmem>>[vector<16xi32>], vector<16xf32>,
      %parallel_loop3A_235 = arith.constant 16 : i32
      %parallel_loop3A_236 = arith.muli %parallel_loop3A_113, %parallel_loop3A_235 : i32
      %parallel_loop3A_237 = arith.constant 1 : i32
      %parallel_loop3A_238 = arith.constant 0 : i32
      %parallel_loop3A_239 = arith.index_cast %parallel_loop3A_237 : i32 to index
      %parallel_loop3A_240 = arith.index_cast %parallel_loop3A_110 : i32 to index
      %parallel_loop3A_241 = arith.index_cast %parallel_loop3A_238 : i32 to index
      %parallel_loop3A_242 = arith.index_cast %parallel_loop3A_236 : i32 to index
      %parallel_loop3A_243 = tpu.vector_load %arg9[%parallel_loop3A_239, %parallel_loop3A_240, %parallel_loop3A_241, %parallel_loop3A_242] {strides = array<i32>} : memref<4x8x8x128xf32, #tpu.memory_space<vmem>>, vector<16xf32>,
      tpu.vector_store %arg9[%parallel_loop3A_239, %parallel_loop3A_240, %parallel_loop3A_241, %parallel_loop3A_242], %parallel_loop3A_234 {strides = array<i32>} : memref<4x8x8x128xf32, #tpu.memory_space<vmem>>, vector<16xf32>,
      %parallel_loop3A_244 = arith.constant 9 : i32
      %parallel_loop3A_245 = arith.constant 0 : i32
      %parallel_loop3A_246 = tpu.memref_slice %arg5[%parallel_loop3A_244, %parallel_loop3A_245] : memref<32x1024xf32, #tpu.memory_space<vmem>> -> memref<1x1024xf32, #tpu.memory_space<vmem>>
      %parallel_loop3A_247 = tpu.memref_squeeze %parallel_loop3A_246 : memref<1x1024xf32, #tpu.memory_space<vmem>> -> memref<1024xf32, #tpu.memory_space<vmem>>
      %parallel_loop3A_248 = tpu.vector_load_idx %parallel_loop3A_247[%parallel_loop3A_117] : memref<1024xf32, #tpu.memory_space<vmem>>[vector<16xi32>], vector<16xf32>,
      %parallel_loop3A_249 = arith.constant 16 : i32
      %parallel_loop3A_250 = arith.muli %parallel_loop3A_113, %parallel_loop3A_249 : i32
      %parallel_loop3A_251 = arith.constant 1 : i32
      %parallel_loop3A_252 = arith.constant 1 : i32
      %parallel_loop3A_253 = arith.index_cast %parallel_loop3A_251 : i32 to index
      %parallel_loop3A_254 = arith.index_cast %parallel_loop3A_110 : i32 to index
      %parallel_loop3A_255 = arith.index_cast %parallel_loop3A_252 : i32 to index
      %parallel_loop3A_256 = arith.index_cast %parallel_loop3A_250 : i32 to index
      %parallel_loop3A_257 = tpu.vector_load %arg9[%parallel_loop3A_253, %parallel_loop3A_254, %parallel_loop3A_255, %parallel_loop3A_256] {strides = array<i32>} : memref<4x8x8x128xf32, #tpu.memory_space<vmem>>, vector<16xf32>,
      tpu.vector_store %arg9[%parallel_loop3A_253, %parallel_loop3A_254, %parallel_loop3A_255, %parallel_loop3A_256], %parallel_loop3A_248 {strides = array<i32>} : memref<4x8x8x128xf32, #tpu.memory_space<vmem>>, vector<16xf32>,
      %parallel_loop3A_258 = arith.constant 10 : i32
      %parallel_loop3A_259 = arith.constant 0 : i32
      %parallel_loop3A_260 = tpu.memref_slice %arg5[%parallel_loop3A_258, %parallel_loop3A_259] : memref<32x1024xf32, #tpu.memory_space<vmem>> -> memref<1x1024xf32, #tpu.memory_space<vmem>>
      %parallel_loop3A_261 = tpu.memref_squeeze %parallel_loop3A_260 : memref<1x1024xf32, #tpu.memory_space<vmem>> -> memref<1024xf32, #tpu.memory_space<vmem>>
      %parallel_loop3A_262 = tpu.vector_load_idx %parallel_loop3A_261[%parallel_loop3A_117] : memref<1024xf32, #tpu.memory_space<vmem>>[vector<16xi32>], vector<16xf32>,
      %parallel_loop3A_263 = arith.constant 16 : i32
      %parallel_loop3A_264 = arith.muli %parallel_loop3A_113, %parallel_loop3A_263 : i32
      %parallel_loop3A_265 = arith.constant 1 : i32
      %parallel_loop3A_266 = arith.constant 2 : i32
      %parallel_loop3A_267 = arith.index_cast %parallel_loop3A_265 : i32 to index
      %parallel_loop3A_268 = arith.index_cast %parallel_loop3A_110 : i32 to index
      %parallel_loop3A_269 = arith.index_cast %parallel_loop3A_266 : i32 to index
      %parallel_loop3A_270 = arith.index_cast %parallel_loop3A_264 : i32 to index
      %parallel_loop3A_271 = tpu.vector_load %arg9[%parallel_loop3A_267, %parallel_loop3A_268, %parallel_loop3A_269, %parallel_loop3A_270] {strides = array<i32>} : memref<4x8x8x128xf32, #tpu.memory_space<vmem>>, vector<16xf32>,
      tpu.vector_store %arg9[%parallel_loop3A_267, %parallel_loop3A_268, %parallel_loop3A_269, %parallel_loop3A_270], %parallel_loop3A_262 {strides = array<i32>} : memref<4x8x8x128xf32, #tpu.memory_space<vmem>>, vector<16xf32>,
      %parallel_loop3A_272 = arith.constant 11 : i32
      %parallel_loop3A_273 = arith.constant 0 : i32
      %parallel_loop3A_274 = tpu.memref_slice %arg5[%parallel_loop3A_272, %parallel_loop3A_273] : memref<32x1024xf32, #tpu.memory_space<vmem>> -> memref<1x1024xf32, #tpu.memory_space<vmem>>
      %parallel_loop3A_275 = tpu.memref_squeeze %parallel_loop3A_274 : memref<1x1024xf32, #tpu.memory_space<vmem>> -> memref<1024xf32, #tpu.memory_space<vmem>>
      %parallel_loop3A_276 = tpu.vector_load_idx %parallel_loop3A_275[%parallel_loop3A_117] : memref<1024xf32, #tpu.memory_space<vmem>>[vector<16xi32>], vector<16xf32>,
      %parallel_loop3A_277 = arith.constant 16 : i32
      %parallel_loop3A_278 = arith.muli %parallel_loop3A_113, %parallel_loop3A_277 : i32
      %parallel_loop3A_279 = arith.constant 1 : i32
      %parallel_loop3A_280 = arith.constant 3 : i32
      %parallel_loop3A_281 = arith.index_cast %parallel_loop3A_279 : i32 to index
      %parallel_loop3A_282 = arith.index_cast %parallel_loop3A_110 : i32 to index
      %parallel_loop3A_283 = arith.index_cast %parallel_loop3A_280 : i32 to index
      %parallel_loop3A_284 = arith.index_cast %parallel_loop3A_278 : i32 to index
      %parallel_loop3A_285 = tpu.vector_load %arg9[%parallel_loop3A_281, %parallel_loop3A_282, %parallel_loop3A_283, %parallel_loop3A_284] {strides = array<i32>} : memref<4x8x8x128xf32, #tpu.memory_space<vmem>>, vector<16xf32>,
      tpu.vector_store %arg9[%parallel_loop3A_281, %parallel_loop3A_282, %parallel_loop3A_283, %parallel_loop3A_284], %parallel_loop3A_276 {strides = array<i32>} : memref<4x8x8x128xf32, #tpu.memory_space<vmem>>, vector<16xf32>,
      %parallel_loop3A_286 = arith.constant 12 : i32
      %parallel_loop3A_287 = arith.constant 0 : i32
      %parallel_loop3A_288 = tpu.memref_slice %arg5[%parallel_loop3A_286, %parallel_loop3A_287] : memref<32x1024xf32, #tpu.memory_space<vmem>> -> memref<1x1024xf32, #tpu.memory_space<vmem>>
      %parallel_loop3A_289 = tpu.memref_squeeze %parallel_loop3A_288 : memref<1x1024xf32, #tpu.memory_space<vmem>> -> memref<1024xf32, #tpu.memory_space<vmem>>
      %parallel_loop3A_290 = tpu.vector_load_idx %parallel_loop3A_289[%parallel_loop3A_117] : memref<1024xf32, #tpu.memory_space<vmem>>[vector<16xi32>], vector<16xf32>,
      %parallel_loop3A_291 = arith.constant 16 : i32
      %parallel_loop3A_292 = arith.muli %parallel_loop3A_113, %parallel_loop3A_291 : i32
      %parallel_loop3A_293 = arith.constant 1 : i32
      %parallel_loop3A_294 = arith.constant 4 : i32
      %parallel_loop3A_295 = arith.index_cast %parallel_loop3A_293 : i32 to index
      %parallel_loop3A_296 = arith.index_cast %parallel_loop3A_110 : i32 to index
      %parallel_loop3A_297 = arith.index_cast %parallel_loop3A_294 : i32 to index
      %parallel_loop3A_298 = arith.index_cast %parallel_loop3A_292 : i32 to index
      %parallel_loop3A_299 = tpu.vector_load %arg9[%parallel_loop3A_295, %parallel_loop3A_296, %parallel_loop3A_297, %parallel_loop3A_298] {strides = array<i32>} : memref<4x8x8x128xf32, #tpu.memory_space<vmem>>, vector<16xf32>,
      tpu.vector_store %arg9[%parallel_loop3A_295, %parallel_loop3A_296, %parallel_loop3A_297, %parallel_loop3A_298], %parallel_loop3A_290 {strides = array<i32>} : memref<4x8x8x128xf32, #tpu.memory_space<vmem>>, vector<16xf32>,
      %parallel_loop3A_300 = arith.constant 13 : i32
      %parallel_loop3A_301 = arith.constant 0 : i32
      %parallel_loop3A_302 = tpu.memref_slice %arg5[%parallel_loop3A_300, %parallel_loop3A_301] : memref<32x1024xf32, #tpu.memory_space<vmem>> -> memref<1x1024xf32, #tpu.memory_space<vmem>>
      %parallel_loop3A_303 = tpu.memref_squeeze %parallel_loop3A_302 : memref<1x1024xf32, #tpu.memory_space<vmem>> -> memref<1024xf32, #tpu.memory_space<vmem>>
      %parallel_loop3A_304 = tpu.vector_load_idx %parallel_loop3A_303[%parallel_loop3A_117] : memref<1024xf32, #tpu.memory_space<vmem>>[vector<16xi32>], vector<16xf32>,
      %parallel_loop3A_305 = arith.constant 16 : i32
      %parallel_loop3A_306 = arith.muli %parallel_loop3A_113, %parallel_loop3A_305 : i32
      %parallel_loop3A_307 = arith.constant 1 : i32
      %parallel_loop3A_308 = arith.constant 5 : i32
      %parallel_loop3A_309 = arith.index_cast %parallel_loop3A_307 : i32 to index
      %parallel_loop3A_310 = arith.index_cast %parallel_loop3A_110 : i32 to index
      %parallel_loop3A_311 = arith.index_cast %parallel_loop3A_308 : i32 to index
      %parallel_loop3A_312 = arith.index_cast %parallel_loop3A_306 : i32 to index
      %parallel_loop3A_313 = tpu.vector_load %arg9[%parallel_loop3A_309, %parallel_loop3A_310, %parallel_loop3A_311, %parallel_loop3A_312] {strides = array<i32>} : memref<4x8x8x128xf32, #tpu.memory_space<vmem>>, vector<16xf32>,
      tpu.vector_store %arg9[%parallel_loop3A_309, %parallel_loop3A_310, %parallel_loop3A_311, %parallel_loop3A_312], %parallel_loop3A_304 {strides = array<i32>} : memref<4x8x8x128xf32, #tpu.memory_space<vmem>>, vector<16xf32>,
      %parallel_loop3A_314 = arith.constant 14 : i32
      %parallel_loop3A_315 = arith.constant 0 : i32
      %parallel_loop3A_316 = tpu.memref_slice %arg5[%parallel_loop3A_314, %parallel_loop3A_315] : memref<32x1024xf32, #tpu.memory_space<vmem>> -> memref<1x1024xf32, #tpu.memory_space<vmem>>
      %parallel_loop3A_317 = tpu.memref_squeeze %parallel_loop3A_316 : memref<1x1024xf32, #tpu.memory_space<vmem>> -> memref<1024xf32, #tpu.memory_space<vmem>>
      %parallel_loop3A_318 = tpu.vector_load_idx %parallel_loop3A_317[%parallel_loop3A_117] : memref<1024xf32, #tpu.memory_space<vmem>>[vector<16xi32>], vector<16xf32>,
      %parallel_loop3A_319 = arith.constant 16 : i32
      %parallel_loop3A_320 = arith.muli %parallel_loop3A_113, %parallel_loop3A_319 : i32
      %parallel_loop3A_321 = arith.constant 1 : i32
      %parallel_loop3A_322 = arith.constant 6 : i32
      %parallel_loop3A_323 = arith.index_cast %parallel_loop3A_321 : i32 to index
      %parallel_loop3A_324 = arith.index_cast %parallel_loop3A_110 : i32 to index
      %parallel_loop3A_325 = arith.index_cast %parallel_loop3A_322 : i32 to index
      %parallel_loop3A_326 = arith.index_cast %parallel_loop3A_320 : i32 to index
      %parallel_loop3A_327 = tpu.vector_load %arg9[%parallel_loop3A_323, %parallel_loop3A_324, %parallel_loop3A_325, %parallel_loop3A_326] {strides = array<i32>} : memref<4x8x8x128xf32, #tpu.memory_space<vmem>>, vector<16xf32>,
      tpu.vector_store %arg9[%parallel_loop3A_323, %parallel_loop3A_324, %parallel_loop3A_325, %parallel_loop3A_326], %parallel_loop3A_318 {strides = array<i32>} : memref<4x8x8x128xf32, #tpu.memory_space<vmem>>, vector<16xf32>,
      %parallel_loop3A_328 = arith.constant 15 : i32
      %parallel_loop3A_329 = arith.constant 0 : i32
      %parallel_loop3A_330 = tpu.memref_slice %arg5[%parallel_loop3A_328, %parallel_loop3A_329] : memref<32x1024xf32, #tpu.memory_space<vmem>> -> memref<1x1024xf32, #tpu.memory_space<vmem>>
      %parallel_loop3A_331 = tpu.memref_squeeze %parallel_loop3A_330 : memref<1x1024xf32, #tpu.memory_space<vmem>> -> memref<1024xf32, #tpu.memory_space<vmem>>
      %parallel_loop3A_332 = tpu.vector_load_idx %parallel_loop3A_331[%parallel_loop3A_117] : memref<1024xf32, #tpu.memory_space<vmem>>[vector<16xi32>], vector<16xf32>,
      %parallel_loop3A_333 = arith.constant 16 : i32
      %parallel_loop3A_334 = arith.muli %parallel_loop3A_113, %parallel_loop3A_333 : i32
      %parallel_loop3A_335 = arith.constant 1 : i32
      %parallel_loop3A_336 = arith.constant 7 : i32
      %parallel_loop3A_337 = arith.index_cast %parallel_loop3A_335 : i32 to index
      %parallel_loop3A_338 = arith.index_cast %parallel_loop3A_110 : i32 to index
      %parallel_loop3A_339 = arith.index_cast %parallel_loop3A_336 : i32 to index
      %parallel_loop3A_340 = arith.index_cast %parallel_loop3A_334 : i32 to index
      %parallel_loop3A_341 = tpu.vector_load %arg9[%parallel_loop3A_337, %parallel_loop3A_338, %parallel_loop3A_339, %parallel_loop3A_340] {strides = array<i32>} : memref<4x8x8x128xf32, #tpu.memory_space<vmem>>, vector<16xf32>,
      tpu.vector_store %arg9[%parallel_loop3A_337, %parallel_loop3A_338, %parallel_loop3A_339, %parallel_loop3A_340], %parallel_loop3A_332 {strides = array<i32>} : memref<4x8x8x128xf32, #tpu.memory_space<vmem>>, vector<16xf32>,
      %parallel_loop3A_342 = arith.constant 16 : i32
      %parallel_loop3A_343 = arith.constant 0 : i32
      %parallel_loop3A_344 = tpu.memref_slice %arg5[%parallel_loop3A_342, %parallel_loop3A_343] : memref<32x1024xf32, #tpu.memory_space<vmem>> -> memref<1x1024xf32, #tpu.memory_space<vmem>>
      %parallel_loop3A_345 = tpu.memref_squeeze %parallel_loop3A_344 : memref<1x1024xf32, #tpu.memory_space<vmem>> -> memref<1024xf32, #tpu.memory_space<vmem>>
      %parallel_loop3A_346 = tpu.vector_load_idx %parallel_loop3A_345[%parallel_loop3A_117] : memref<1024xf32, #tpu.memory_space<vmem>>[vector<16xi32>], vector<16xf32>,
      %parallel_loop3A_347 = arith.constant 16 : i32
      %parallel_loop3A_348 = arith.muli %parallel_loop3A_113, %parallel_loop3A_347 : i32
      %parallel_loop3A_349 = arith.constant 2 : i32
      %parallel_loop3A_350 = arith.constant 0 : i32
      %parallel_loop3A_351 = arith.index_cast %parallel_loop3A_349 : i32 to index
      %parallel_loop3A_352 = arith.index_cast %parallel_loop3A_110 : i32 to index
      %parallel_loop3A_353 = arith.index_cast %parallel_loop3A_350 : i32 to index
      %parallel_loop3A_354 = arith.index_cast %parallel_loop3A_348 : i32 to index
      %parallel_loop3A_355 = tpu.vector_load %arg9[%parallel_loop3A_351, %parallel_loop3A_352, %parallel_loop3A_353, %parallel_loop3A_354] {strides = array<i32>} : memref<4x8x8x128xf32, #tpu.memory_space<vmem>>, vector<16xf32>,
      tpu.vector_store %arg9[%parallel_loop3A_351, %parallel_loop3A_352, %parallel_loop3A_353, %parallel_loop3A_354], %parallel_loop3A_346 {strides = array<i32>} : memref<4x8x8x128xf32, #tpu.memory_space<vmem>>, vector<16xf32>,
      %parallel_loop3A_356 = arith.constant 17 : i32
      %parallel_loop3A_357 = arith.constant 0 : i32
      %parallel_loop3A_358 = tpu.memref_slice %arg5[%parallel_loop3A_356, %parallel_loop3A_357] : memref<32x1024xf32, #tpu.memory_space<vmem>> -> memref<1x1024xf32, #tpu.memory_space<vmem>>
      %parallel_loop3A_359 = tpu.memref_squeeze %parallel_loop3A_358 : memref<1x1024xf32, #tpu.memory_space<vmem>> -> memref<1024xf32, #tpu.memory_space<vmem>>
      %parallel_loop3A_360 = tpu.vector_load_idx %parallel_loop3A_359[%parallel_loop3A_117] : memref<1024xf32, #tpu.memory_space<vmem>>[vector<16xi32>], vector<16xf32>,
      %parallel_loop3A_361 = arith.constant 16 : i32
      %parallel_loop3A_362 = arith.muli %parallel_loop3A_113, %parallel_loop3A_361 : i32
      %parallel_loop3A_363 = arith.constant 2 : i32
      %parallel_loop3A_364 = arith.constant 1 : i32
      %parallel_loop3A_365 = arith.index_cast %parallel_loop3A_363 : i32 to index
      %parallel_loop3A_366 = arith.index_cast %parallel_loop3A_110 : i32 to index
      %parallel_loop3A_367 = arith.index_cast %parallel_loop3A_364 : i32 to index
      %parallel_loop3A_368 = arith.index_cast %parallel_loop3A_362 : i32 to index
      %parallel_loop3A_369 = tpu.vector_load %arg9[%parallel_loop3A_365, %parallel_loop3A_366, %parallel_loop3A_367, %parallel_loop3A_368] {strides = array<i32>} : memref<4x8x8x128xf32, #tpu.memory_space<vmem>>, vector<16xf32>,
      tpu.vector_store %arg9[%parallel_loop3A_365, %parallel_loop3A_366, %parallel_loop3A_367, %parallel_loop3A_368], %parallel_loop3A_360 {strides = array<i32>} : memref<4x8x8x128xf32, #tpu.memory_space<vmem>>, vector<16xf32>,
      %parallel_loop3A_370 = arith.constant 18 : i32
      %parallel_loop3A_371 = arith.constant 0 : i32
      %parallel_loop3A_372 = tpu.memref_slice %arg5[%parallel_loop3A_370, %parallel_loop3A_371] : memref<32x1024xf32, #tpu.memory_space<vmem>> -> memref<1x1024xf32, #tpu.memory_space<vmem>>
      %parallel_loop3A_373 = tpu.memref_squeeze %parallel_loop3A_372 : memref<1x1024xf32, #tpu.memory_space<vmem>> -> memref<1024xf32, #tpu.memory_space<vmem>>
      %parallel_loop3A_374 = tpu.vector_load_idx %parallel_loop3A_373[%parallel_loop3A_117] : memref<1024xf32, #tpu.memory_space<vmem>>[vector<16xi32>], vector<16xf32>,
      %parallel_loop3A_375 = arith.constant 16 : i32
      %parallel_loop3A_376 = arith.muli %parallel_loop3A_113, %parallel_loop3A_375 : i32
      %parallel_loop3A_377 = arith.constant 2 : i32
      %parallel_loop3A_378 = arith.constant 2 : i32
      %parallel_loop3A_379 = arith.index_cast %parallel_loop3A_377 : i32 to index
      %parallel_loop3A_380 = arith.index_cast %parallel_loop3A_110 : i32 to index
      %parallel_loop3A_381 = arith.index_cast %parallel_loop3A_378 : i32 to index
      %parallel_loop3A_382 = arith.index_cast %parallel_loop3A_376 : i32 to index
      %parallel_loop3A_383 = tpu.vector_load %arg9[%parallel_loop3A_379, %parallel_loop3A_380, %parallel_loop3A_381, %parallel_loop3A_382] {strides = array<i32>} : memref<4x8x8x128xf32, #tpu.memory_space<vmem>>, vector<16xf32>,
      tpu.vector_store %arg9[%parallel_loop3A_379, %parallel_loop3A_380, %parallel_loop3A_381, %parallel_loop3A_382], %parallel_loop3A_374 {strides = array<i32>} : memref<4x8x8x128xf32, #tpu.memory_space<vmem>>, vector<16xf32>,
      %parallel_loop3A_384 = arith.constant 19 : i32
      %parallel_loop3A_385 = arith.constant 0 : i32
      %parallel_loop3A_386 = tpu.memref_slice %arg5[%parallel_loop3A_384, %parallel_loop3A_385] : memref<32x1024xf32, #tpu.memory_space<vmem>> -> memref<1x1024xf32, #tpu.memory_space<vmem>>
      %parallel_loop3A_387 = tpu.memref_squeeze %parallel_loop3A_386 : memref<1x1024xf32, #tpu.memory_space<vmem>> -> memref<1024xf32, #tpu.memory_space<vmem>>
      %parallel_loop3A_388 = tpu.vector_load_idx %parallel_loop3A_387[%parallel_loop3A_117] : memref<1024xf32, #tpu.memory_space<vmem>>[vector<16xi32>], vector<16xf32>,
      %parallel_loop3A_389 = arith.constant 16 : i32
      %parallel_loop3A_390 = arith.muli %parallel_loop3A_113, %parallel_loop3A_389 : i32
      %parallel_loop3A_391 = arith.constant 2 : i32
      %parallel_loop3A_392 = arith.constant 3 : i32
      %parallel_loop3A_393 = arith.index_cast %parallel_loop3A_391 : i32 to index
      %parallel_loop3A_394 = arith.index_cast %parallel_loop3A_110 : i32 to index
      %parallel_loop3A_395 = arith.index_cast %parallel_loop3A_392 : i32 to index
      %parallel_loop3A_396 = arith.index_cast %parallel_loop3A_390 : i32 to index
      %parallel_loop3A_397 = tpu.vector_load %arg9[%parallel_loop3A_393, %parallel_loop3A_394, %parallel_loop3A_395, %parallel_loop3A_396] {strides = array<i32>} : memref<4x8x8x128xf32, #tpu.memory_space<vmem>>, vector<16xf32>,
      tpu.vector_store %arg9[%parallel_loop3A_393, %parallel_loop3A_394, %parallel_loop3A_395, %parallel_loop3A_396], %parallel_loop3A_388 {strides = array<i32>} : memref<4x8x8x128xf32, #tpu.memory_space<vmem>>, vector<16xf32>,
      %parallel_loop3A_398 = arith.constant 20 : i32
      %parallel_loop3A_399 = arith.constant 0 : i32
      %parallel_loop3A_400 = tpu.memref_slice %arg5[%parallel_loop3A_398, %parallel_loop3A_399] : memref<32x1024xf32, #tpu.memory_space<vmem>> -> memref<1x1024xf32, #tpu.memory_space<vmem>>
      %parallel_loop3A_401 = tpu.memref_squeeze %parallel_loop3A_400 : memref<1x1024xf32, #tpu.memory_space<vmem>> -> memref<1024xf32, #tpu.memory_space<vmem>>
      %parallel_loop3A_402 = tpu.vector_load_idx %parallel_loop3A_401[%parallel_loop3A_117] : memref<1024xf32, #tpu.memory_space<vmem>>[vector<16xi32>], vector<16xf32>,
      %parallel_loop3A_403 = arith.constant 16 : i32
      %parallel_loop3A_404 = arith.muli %parallel_loop3A_113, %parallel_loop3A_403 : i32
      %parallel_loop3A_405 = arith.constant 2 : i32
      %parallel_loop3A_406 = arith.constant 4 : i32
      %parallel_loop3A_407 = arith.index_cast %parallel_loop3A_405 : i32 to index
      %parallel_loop3A_408 = arith.index_cast %parallel_loop3A_110 : i32 to index
      %parallel_loop3A_409 = arith.index_cast %parallel_loop3A_406 : i32 to index
      %parallel_loop3A_410 = arith.index_cast %parallel_loop3A_404 : i32 to index
      %parallel_loop3A_411 = tpu.vector_load %arg9[%parallel_loop3A_407, %parallel_loop3A_408, %parallel_loop3A_409, %parallel_loop3A_410] {strides = array<i32>} : memref<4x8x8x128xf32, #tpu.memory_space<vmem>>, vector<16xf32>,
      tpu.vector_store %arg9[%parallel_loop3A_407, %parallel_loop3A_408, %parallel_loop3A_409, %parallel_loop3A_410], %parallel_loop3A_402 {strides = array<i32>} : memref<4x8x8x128xf32, #tpu.memory_space<vmem>>, vector<16xf32>,
      %parallel_loop3A_412 = arith.constant 21 : i32
      %parallel_loop3A_413 = arith.constant 0 : i32
      %parallel_loop3A_414 = tpu.memref_slice %arg5[%parallel_loop3A_412, %parallel_loop3A_413] : memref<32x1024xf32, #tpu.memory_space<vmem>> -> memref<1x1024xf32, #tpu.memory_space<vmem>>
      %parallel_loop3A_415 = tpu.memref_squeeze %parallel_loop3A_414 : memref<1x1024xf32, #tpu.memory_space<vmem>> -> memref<1024xf32, #tpu.memory_space<vmem>>
      %parallel_loop3A_416 = tpu.vector_load_idx %parallel_loop3A_415[%parallel_loop3A_117] : memref<1024xf32, #tpu.memory_space<vmem>>[vector<16xi32>], vector<16xf32>,
      %parallel_loop3A_417 = arith.constant 16 : i32
      %parallel_loop3A_418 = arith.muli %parallel_loop3A_113, %parallel_loop3A_417 : i32
      %parallel_loop3A_419 = arith.constant 2 : i32
      %parallel_loop3A_420 = arith.constant 5 : i32
      %parallel_loop3A_421 = arith.index_cast %parallel_loop3A_419 : i32 to index
      %parallel_loop3A_422 = arith.index_cast %parallel_loop3A_110 : i32 to index
      %parallel_loop3A_423 = arith.index_cast %parallel_loop3A_420 : i32 to index
      %parallel_loop3A_424 = arith.index_cast %parallel_loop3A_418 : i32 to index
      %parallel_loop3A_425 = tpu.vector_load %arg9[%parallel_loop3A_421, %parallel_loop3A_422, %parallel_loop3A_423, %parallel_loop3A_424] {strides = array<i32>} : memref<4x8x8x128xf32, #tpu.memory_space<vmem>>, vector<16xf32>,
      tpu.vector_store %arg9[%parallel_loop3A_421, %parallel_loop3A_422, %parallel_loop3A_423, %parallel_loop3A_424], %parallel_loop3A_416 {strides = array<i32>} : memref<4x8x8x128xf32, #tpu.memory_space<vmem>>, vector<16xf32>,
      %parallel_loop3A_426 = arith.constant 22 : i32
      %parallel_loop3A_427 = arith.constant 0 : i32
      %parallel_loop3A_428 = tpu.memref_slice %arg5[%parallel_loop3A_426, %parallel_loop3A_427] : memref<32x1024xf32, #tpu.memory_space<vmem>> -> memref<1x1024xf32, #tpu.memory_space<vmem>>
      %parallel_loop3A_429 = tpu.memref_squeeze %parallel_loop3A_428 : memref<1x1024xf32, #tpu.memory_space<vmem>> -> memref<1024xf32, #tpu.memory_space<vmem>>
      %parallel_loop3A_430 = tpu.vector_load_idx %parallel_loop3A_429[%parallel_loop3A_117] : memref<1024xf32, #tpu.memory_space<vmem>>[vector<16xi32>], vector<16xf32>,
      %parallel_loop3A_431 = arith.constant 16 : i32
      %parallel_loop3A_432 = arith.muli %parallel_loop3A_113, %parallel_loop3A_431 : i32
      %parallel_loop3A_433 = arith.constant 2 : i32
      %parallel_loop3A_434 = arith.constant 6 : i32
      %parallel_loop3A_435 = arith.index_cast %parallel_loop3A_433 : i32 to index
      %parallel_loop3A_436 = arith.index_cast %parallel_loop3A_110 : i32 to index
      %parallel_loop3A_437 = arith.index_cast %parallel_loop3A_434 : i32 to index
      %parallel_loop3A_438 = arith.index_cast %parallel_loop3A_432 : i32 to index
      %parallel_loop3A_439 = tpu.vector_load %arg9[%parallel_loop3A_435, %parallel_loop3A_436, %parallel_loop3A_437, %parallel_loop3A_438] {strides = array<i32>} : memref<4x8x8x128xf32, #tpu.memory_space<vmem>>, vector<16xf32>,
      tpu.vector_store %arg9[%parallel_loop3A_435, %parallel_loop3A_436, %parallel_loop3A_437, %parallel_loop3A_438], %parallel_loop3A_430 {strides = array<i32>} : memref<4x8x8x128xf32, #tpu.memory_space<vmem>>, vector<16xf32>,
      %parallel_loop3A_440 = arith.constant 23 : i32
      %parallel_loop3A_441 = arith.constant 0 : i32
      %parallel_loop3A_442 = tpu.memref_slice %arg5[%parallel_loop3A_440, %parallel_loop3A_441] : memref<32x1024xf32, #tpu.memory_space<vmem>> -> memref<1x1024xf32, #tpu.memory_space<vmem>>
      %parallel_loop3A_443 = tpu.memref_squeeze %parallel_loop3A_442 : memref<1x1024xf32, #tpu.memory_space<vmem>> -> memref<1024xf32, #tpu.memory_space<vmem>>
      %parallel_loop3A_444 = tpu.vector_load_idx %parallel_loop3A_443[%parallel_loop3A_117] : memref<1024xf32, #tpu.memory_space<vmem>>[vector<16xi32>], vector<16xf32>,
      %parallel_loop3A_445 = arith.constant 16 : i32
      %parallel_loop3A_446 = arith.muli %parallel_loop3A_113, %parallel_loop3A_445 : i32
      %parallel_loop3A_447 = arith.constant 2 : i32
      %parallel_loop3A_448 = arith.constant 7 : i32
      %parallel_loop3A_449 = arith.index_cast %parallel_loop3A_447 : i32 to index
      %parallel_loop3A_450 = arith.index_cast %parallel_loop3A_110 : i32 to index
      %parallel_loop3A_451 = arith.index_cast %parallel_loop3A_448 : i32 to index
      %parallel_loop3A_452 = arith.index_cast %parallel_loop3A_446 : i32 to index
      %parallel_loop3A_453 = tpu.vector_load %arg9[%parallel_loop3A_449, %parallel_loop3A_450, %parallel_loop3A_451, %parallel_loop3A_452] {strides = array<i32>} : memref<4x8x8x128xf32, #tpu.memory_space<vmem>>, vector<16xf32>,
      tpu.vector_store %arg9[%parallel_loop3A_449, %parallel_loop3A_450, %parallel_loop3A_451, %parallel_loop3A_452], %parallel_loop3A_444 {strides = array<i32>} : memref<4x8x8x128xf32, #tpu.memory_space<vmem>>, vector<16xf32>,
      %parallel_loop3A_454 = arith.constant 24 : i32
      %parallel_loop3A_455 = arith.constant 0 : i32
      %parallel_loop3A_456 = tpu.memref_slice %arg5[%parallel_loop3A_454, %parallel_loop3A_455] : memref<32x1024xf32, #tpu.memory_space<vmem>> -> memref<1x1024xf32, #tpu.memory_space<vmem>>
      %parallel_loop3A_457 = tpu.memref_squeeze %parallel_loop3A_456 : memref<1x1024xf32, #tpu.memory_space<vmem>> -> memref<1024xf32, #tpu.memory_space<vmem>>
      %parallel_loop3A_458 = tpu.vector_load_idx %parallel_loop3A_457[%parallel_loop3A_117] : memref<1024xf32, #tpu.memory_space<vmem>>[vector<16xi32>], vector<16xf32>,
      %parallel_loop3A_459 = arith.constant 16 : i32
      %parallel_loop3A_460 = arith.muli %parallel_loop3A_113, %parallel_loop3A_459 : i32
      %parallel_loop3A_461 = arith.constant 3 : i32
      %parallel_loop3A_462 = arith.constant 0 : i32
      %parallel_loop3A_463 = arith.index_cast %parallel_loop3A_461 : i32 to index
      %parallel_loop3A_464 = arith.index_cast %parallel_loop3A_110 : i32 to index
      %parallel_loop3A_465 = arith.index_cast %parallel_loop3A_462 : i32 to index
      %parallel_loop3A_466 = arith.index_cast %parallel_loop3A_460 : i32 to index
      %parallel_loop3A_467 = tpu.vector_load %arg9[%parallel_loop3A_463, %parallel_loop3A_464, %parallel_loop3A_465, %parallel_loop3A_466] {strides = array<i32>} : memref<4x8x8x128xf32, #tpu.memory_space<vmem>>, vector<16xf32>,
      tpu.vector_store %arg9[%parallel_loop3A_463, %parallel_loop3A_464, %parallel_loop3A_465, %parallel_loop3A_466], %parallel_loop3A_458 {strides = array<i32>} : memref<4x8x8x128xf32, #tpu.memory_space<vmem>>, vector<16xf32>,
      %parallel_loop3A_468 = arith.constant 25 : i32
      %parallel_loop3A_469 = arith.constant 0 : i32
      %parallel_loop3A_470 = tpu.memref_slice %arg5[%parallel_loop3A_468, %parallel_loop3A_469] : memref<32x1024xf32, #tpu.memory_space<vmem>> -> memref<1x1024xf32, #tpu.memory_space<vmem>>
      %parallel_loop3A_471 = tpu.memref_squeeze %parallel_loop3A_470 : memref<1x1024xf32, #tpu.memory_space<vmem>> -> memref<1024xf32, #tpu.memory_space<vmem>>
      %parallel_loop3A_472 = tpu.vector_load_idx %parallel_loop3A_471[%parallel_loop3A_117] : memref<1024xf32, #tpu.memory_space<vmem>>[vector<16xi32>], vector<16xf32>,
      %parallel_loop3A_473 = arith.constant 16 : i32
      %parallel_loop3A_474 = arith.muli %parallel_loop3A_113, %parallel_loop3A_473 : i32
      %parallel_loop3A_475 = arith.constant 3 : i32
      %parallel_loop3A_476 = arith.constant 1 : i32
      %parallel_loop3A_477 = arith.index_cast %parallel_loop3A_475 : i32 to index
      %parallel_loop3A_478 = arith.index_cast %parallel_loop3A_110 : i32 to index
      %parallel_loop3A_479 = arith.index_cast %parallel_loop3A_476 : i32 to index
      %parallel_loop3A_480 = arith.index_cast %parallel_loop3A_474 : i32 to index
      %parallel_loop3A_481 = tpu.vector_load %arg9[%parallel_loop3A_477, %parallel_loop3A_478, %parallel_loop3A_479, %parallel_loop3A_480] {strides = array<i32>} : memref<4x8x8x128xf32, #tpu.memory_space<vmem>>, vector<16xf32>,
      tpu.vector_store %arg9[%parallel_loop3A_477, %parallel_loop3A_478, %parallel_loop3A_479, %parallel_loop3A_480], %parallel_loop3A_472 {strides = array<i32>} : memref<4x8x8x128xf32, #tpu.memory_space<vmem>>, vector<16xf32>,
      %parallel_loop3A_482 = arith.constant 26 : i32
      %parallel_loop3A_483 = arith.constant 0 : i32
      %parallel_loop3A_484 = tpu.memref_slice %arg5[%parallel_loop3A_482, %parallel_loop3A_483] : memref<32x1024xf32, #tpu.memory_space<vmem>> -> memref<1x1024xf32, #tpu.memory_space<vmem>>
      %parallel_loop3A_485 = tpu.memref_squeeze %parallel_loop3A_484 : memref<1x1024xf32, #tpu.memory_space<vmem>> -> memref<1024xf32, #tpu.memory_space<vmem>>
      %parallel_loop3A_486 = tpu.vector_load_idx %parallel_loop3A_485[%parallel_loop3A_117] : memref<1024xf32, #tpu.memory_space<vmem>>[vector<16xi32>], vector<16xf32>,
      %parallel_loop3A_487 = arith.constant 16 : i32
      %parallel_loop3A_488 = arith.muli %parallel_loop3A_113, %parallel_loop3A_487 : i32
      %parallel_loop3A_489 = arith.constant 3 : i32
      %parallel_loop3A_490 = arith.constant 2 : i32
      %parallel_loop3A_491 = arith.index_cast %parallel_loop3A_489 : i32 to index
      %parallel_loop3A_492 = arith.index_cast %parallel_loop3A_110 : i32 to index
      %parallel_loop3A_493 = arith.index_cast %parallel_loop3A_490 : i32 to index
      %parallel_loop3A_494 = arith.index_cast %parallel_loop3A_488 : i32 to index
      %parallel_loop3A_495 = tpu.vector_load %arg9[%parallel_loop3A_491, %parallel_loop3A_492, %parallel_loop3A_493, %parallel_loop3A_494] {strides = array<i32>} : memref<4x8x8x128xf32, #tpu.memory_space<vmem>>, vector<16xf32>,
      tpu.vector_store %arg9[%parallel_loop3A_491, %parallel_loop3A_492, %parallel_loop3A_493, %parallel_loop3A_494], %parallel_loop3A_486 {strides = array<i32>} : memref<4x8x8x128xf32, #tpu.memory_space<vmem>>, vector<16xf32>,
      %parallel_loop3A_496 = arith.constant 27 : i32
      %parallel_loop3A_497 = arith.constant 0 : i32
      %parallel_loop3A_498 = tpu.memref_slice %arg5[%parallel_loop3A_496, %parallel_loop3A_497] : memref<32x1024xf32, #tpu.memory_space<vmem>> -> memref<1x1024xf32, #tpu.memory_space<vmem>>
      %parallel_loop3A_499 = tpu.memref_squeeze %parallel_loop3A_498 : memref<1x1024xf32, #tpu.memory_space<vmem>> -> memref<1024xf32, #tpu.memory_space<vmem>>
      %parallel_loop3A_500 = tpu.vector_load_idx %parallel_loop3A_499[%parallel_loop3A_117] : memref<1024xf32, #tpu.memory_space<vmem>>[vector<16xi32>], vector<16xf32>,
      %parallel_loop3A_501 = arith.constant 16 : i32
      %parallel_loop3A_502 = arith.muli %parallel_loop3A_113, %parallel_loop3A_501 : i32
      %parallel_loop3A_503 = arith.constant 3 : i32
      %parallel_loop3A_504 = arith.constant 3 : i32
      %parallel_loop3A_505 = arith.index_cast %parallel_loop3A_503 : i32 to index
      %parallel_loop3A_506 = arith.index_cast %parallel_loop3A_110 : i32 to index
      %parallel_loop3A_507 = arith.index_cast %parallel_loop3A_504 : i32 to index
      %parallel_loop3A_508 = arith.index_cast %parallel_loop3A_502 : i32 to index
      %parallel_loop3A_509 = tpu.vector_load %arg9[%parallel_loop3A_505, %parallel_loop3A_506, %parallel_loop3A_507, %parallel_loop3A_508] {strides = array<i32>} : memref<4x8x8x128xf32, #tpu.memory_space<vmem>>, vector<16xf32>,
      tpu.vector_store %arg9[%parallel_loop3A_505, %parallel_loop3A_506, %parallel_loop3A_507, %parallel_loop3A_508], %parallel_loop3A_500 {strides = array<i32>} : memref<4x8x8x128xf32, #tpu.memory_space<vmem>>, vector<16xf32>,
      %parallel_loop3A_510 = arith.constant 28 : i32
      %parallel_loop3A_511 = arith.constant 0 : i32
      %parallel_loop3A_512 = tpu.memref_slice %arg5[%parallel_loop3A_510, %parallel_loop3A_511] : memref<32x1024xf32, #tpu.memory_space<vmem>> -> memref<1x1024xf32, #tpu.memory_space<vmem>>
      %parallel_loop3A_513 = tpu.memref_squeeze %parallel_loop3A_512 : memref<1x1024xf32, #tpu.memory_space<vmem>> -> memref<1024xf32, #tpu.memory_space<vmem>>
      %parallel_loop3A_514 = tpu.vector_load_idx %parallel_loop3A_513[%parallel_loop3A_117] : memref<1024xf32, #tpu.memory_space<vmem>>[vector<16xi32>], vector<16xf32>,
      %parallel_loop3A_515 = arith.constant 16 : i32
      %parallel_loop3A_516 = arith.muli %parallel_loop3A_113, %parallel_loop3A_515 : i32
      %parallel_loop3A_517 = arith.constant 3 : i32
      %parallel_loop3A_518 = arith.constant 4 : i32
      %parallel_loop3A_519 = arith.index_cast %parallel_loop3A_517 : i32 to index
      %parallel_loop3A_520 = arith.index_cast %parallel_loop3A_110 : i32 to index
      %parallel_loop3A_521 = arith.index_cast %parallel_loop3A_518 : i32 to index
      %parallel_loop3A_522 = arith.index_cast %parallel_loop3A_516 : i32 to index
      %parallel_loop3A_523 = tpu.vector_load %arg9[%parallel_loop3A_519, %parallel_loop3A_520, %parallel_loop3A_521, %parallel_loop3A_522] {strides = array<i32>} : memref<4x8x8x128xf32, #tpu.memory_space<vmem>>, vector<16xf32>,
      tpu.vector_store %arg9[%parallel_loop3A_519, %parallel_loop3A_520, %parallel_loop3A_521, %parallel_loop3A_522], %parallel_loop3A_514 {strides = array<i32>} : memref<4x8x8x128xf32, #tpu.memory_space<vmem>>, vector<16xf32>,
      %parallel_loop3A_524 = arith.constant 29 : i32
      %parallel_loop3A_525 = arith.constant 0 : i32
      %parallel_loop3A_526 = tpu.memref_slice %arg5[%parallel_loop3A_524, %parallel_loop3A_525] : memref<32x1024xf32, #tpu.memory_space<vmem>> -> memref<1x1024xf32, #tpu.memory_space<vmem>>
      %parallel_loop3A_527 = tpu.memref_squeeze %parallel_loop3A_526 : memref<1x1024xf32, #tpu.memory_space<vmem>> -> memref<1024xf32, #tpu.memory_space<vmem>>
      %parallel_loop3A_528 = tpu.vector_load_idx %parallel_loop3A_527[%parallel_loop3A_117] : memref<1024xf32, #tpu.memory_space<vmem>>[vector<16xi32>], vector<16xf32>,
      %parallel_loop3A_529 = arith.constant 16 : i32
      %parallel_loop3A_530 = arith.muli %parallel_loop3A_113, %parallel_loop3A_529 : i32
      %parallel_loop3A_531 = arith.constant 3 : i32
      %parallel_loop3A_532 = arith.constant 5 : i32
      %parallel_loop3A_533 = arith.index_cast %parallel_loop3A_531 : i32 to index
      %parallel_loop3A_534 = arith.index_cast %parallel_loop3A_110 : i32 to index
      %parallel_loop3A_535 = arith.index_cast %parallel_loop3A_532 : i32 to index
      %parallel_loop3A_536 = arith.index_cast %parallel_loop3A_530 : i32 to index
      %parallel_loop3A_537 = tpu.vector_load %arg9[%parallel_loop3A_533, %parallel_loop3A_534, %parallel_loop3A_535, %parallel_loop3A_536] {strides = array<i32>} : memref<4x8x8x128xf32, #tpu.memory_space<vmem>>, vector<16xf32>,
      tpu.vector_store %arg9[%parallel_loop3A_533, %parallel_loop3A_534, %parallel_loop3A_535, %parallel_loop3A_536], %parallel_loop3A_528 {strides = array<i32>} : memref<4x8x8x128xf32, #tpu.memory_space<vmem>>, vector<16xf32>,
      %parallel_loop3A_538 = arith.constant 30 : i32
      %parallel_loop3A_539 = arith.constant 0 : i32
      %parallel_loop3A_540 = tpu.memref_slice %arg5[%parallel_loop3A_538, %parallel_loop3A_539] : memref<32x1024xf32, #tpu.memory_space<vmem>> -> memref<1x1024xf32, #tpu.memory_space<vmem>>
      %parallel_loop3A_541 = tpu.memref_squeeze %parallel_loop3A_540 : memref<1x1024xf32, #tpu.memory_space<vmem>> -> memref<1024xf32, #tpu.memory_space<vmem>>
      %parallel_loop3A_542 = tpu.vector_load_idx %parallel_loop3A_541[%parallel_loop3A_117] : memref<1024xf32, #tpu.memory_space<vmem>>[vector<16xi32>], vector<16xf32>,
      %parallel_loop3A_543 = arith.constant 16 : i32
      %parallel_loop3A_544 = arith.muli %parallel_loop3A_113, %parallel_loop3A_543 : i32
      %parallel_loop3A_545 = arith.constant 3 : i32
      %parallel_loop3A_546 = arith.constant 6 : i32
      %parallel_loop3A_547 = arith.index_cast %parallel_loop3A_545 : i32 to index
      %parallel_loop3A_548 = arith.index_cast %parallel_loop3A_110 : i32 to index
      %parallel_loop3A_549 = arith.index_cast %parallel_loop3A_546 : i32 to index
      %parallel_loop3A_550 = arith.index_cast %parallel_loop3A_544 : i32 to index
      %parallel_loop3A_551 = tpu.vector_load %arg9[%parallel_loop3A_547, %parallel_loop3A_548, %parallel_loop3A_549, %parallel_loop3A_550] {strides = array<i32>} : memref<4x8x8x128xf32, #tpu.memory_space<vmem>>, vector<16xf32>,
      tpu.vector_store %arg9[%parallel_loop3A_547, %parallel_loop3A_548, %parallel_loop3A_549, %parallel_loop3A_550], %parallel_loop3A_542 {strides = array<i32>} : memref<4x8x8x128xf32, #tpu.memory_space<vmem>>, vector<16xf32>,
      %parallel_loop3A_552 = arith.constant 31 : i32
      %parallel_loop3A_553 = arith.constant 0 : i32
      %parallel_loop3A_554 = tpu.memref_slice %arg5[%parallel_loop3A_552, %parallel_loop3A_553] : memref<32x1024xf32, #tpu.memory_space<vmem>> -> memref<1x1024xf32, #tpu.memory_space<vmem>>
      %parallel_loop3A_555 = tpu.memref_squeeze %parallel_loop3A_554 : memref<1x1024xf32, #tpu.memory_space<vmem>> -> memref<1024xf32, #tpu.memory_space<vmem>>
      %parallel_loop3A_556 = tpu.vector_load_idx %parallel_loop3A_555[%parallel_loop3A_117] : memref<1024xf32, #tpu.memory_space<vmem>>[vector<16xi32>], vector<16xf32>,
      %parallel_loop3A_557 = arith.constant 16 : i32
      %parallel_loop3A_558 = arith.muli %parallel_loop3A_113, %parallel_loop3A_557 : i32
      %parallel_loop3A_559 = arith.constant 3 : i32
      %parallel_loop3A_560 = arith.constant 7 : i32
      %parallel_loop3A_561 = arith.index_cast %parallel_loop3A_559 : i32 to index
      %parallel_loop3A_562 = arith.index_cast %parallel_loop3A_110 : i32 to index
      %parallel_loop3A_563 = arith.index_cast %parallel_loop3A_560 : i32 to index
      %parallel_loop3A_564 = arith.index_cast %parallel_loop3A_558 : i32 to index
      %parallel_loop3A_565 = tpu.vector_load %arg9[%parallel_loop3A_561, %parallel_loop3A_562, %parallel_loop3A_563, %parallel_loop3A_564] {strides = array<i32>} : memref<4x8x8x128xf32, #tpu.memory_space<vmem>>, vector<16xf32>,
      tpu.vector_store %arg9[%parallel_loop3A_561, %parallel_loop3A_562, %parallel_loop3A_563, %parallel_loop3A_564], %parallel_loop3A_556 {strides = array<i32>} : memref<4x8x8x128xf32, #tpu.memory_space<vmem>>, vector<16xf32>,
    } {sc.loop_unroll_factor = 8 : i64, sc.parallel_access}
    %dma_start3A_48 = arith.constant 1 : i32
    %dma_start3A_49 = arith.constant 0 : i32
    %dma_start3A_50 = arith.constant 0 : i32
    %dma_start3A_51 = arith.constant 0 : i32
    %dma_start3A_52 = tpu.memref_slice %arg4[%dma_start3A_48, %min3A_3, %dma_start3A_49, %dma_start3A_50, %dma_start3A_51] : memref<50x125x8x8x128xf32, #tpu.memory_space<hbm>> -> memref<1x4x8x8x128xf32, #tpu.memory_space<hbm>>
    %dma_start3A_53 = tpu.memref_squeeze %dma_start3A_52 : memref<1x4x8x8x128xf32, #tpu.memory_space<hbm>> -> memref<4x8x8x128xf32, #tpu.memory_space<hbm>>
    %dma_start3A_54 = arith.constant 0 : i32
    %dma_start3A_55 = arith.constant 0 : i32
    %dma_start3A_56 = arith.constant 0 : i32
    %dma_start3A_57 = tpu.memref_slice %arg4[%dma_start3A_48, %min3A_3, %dma_start3A_54, %dma_start3A_55, %dma_start3A_56] : memref<50x125x8x8x128xf32, #tpu.memory_space<hbm>> -> memref<1x4x8x8x128xf32, #tpu.memory_space<hbm>>
    %dma_start3A_58 = tpu.memref_squeeze %dma_start3A_57 : memref<1x4x8x8x128xf32, #tpu.memory_space<hbm>> -> memref<4x8x8x128xf32, #tpu.memory_space<hbm>>
    tpu.enqueue_dma source(%arg9 : memref<4x8x8x128xf32, #tpu.memory_space<vmem>>) target(%dma_start3A_58 : memref<4x8x8x128xf32, #tpu.memory_space<hbm>>) target_semaphore(%arg11 : memref<!tpu.dma_semaphore, #tpu.memory_space<semaphore_mem>>)
    %scan3A = arith.constant 0 : i32
    %scan3A_59 = arith.constant 1 : i32
    %scan3A_60 = arith.constant 24 : i32
    %scan3A_61 = arith.addi %scan3A_59, %scan3A_60 : i32
    %scan3A_62 = arith.constant 1 : i32
    scf.for %scan3A_86 = %scan3A_59 to %scan3A_61 step %scan3A_62  : i32 {
      %mul3A_87 = arith.constant 2 : i32
      %mul3A_88 = arith.muli %mul3A_87, %scan3A_86 : i32
      %dma_start3A_89 = arith.constant 0 : i32
      %dma_start3A_90 = tpu.memref_slice %arg3[%mul3A_88, %dma_start3A_89] : memref<50x1024xi32, #tpu.memory_space<hbm>> -> memref<1x1024xi32, #tpu.memory_space<hbm>>
      %dma_start3A_91 = tpu.memref_squeeze %dma_start3A_90 : memref<1x1024xi32, #tpu.memory_space<hbm>> -> memref<1024xi32, #tpu.memory_space<hbm>>
      %dma_start3A_92 = arith.constant 0 : i32
      %dma_start3A_93 = tpu.memref_slice %arg3[%mul3A_88, %dma_start3A_92] : memref<50x1024xi32, #tpu.memory_space<hbm>> -> memref<1x1024xi32, #tpu.memory_space<hbm>>
      %dma_start3A_94 = tpu.memref_squeeze %dma_start3A_93 : memref<1x1024xi32, #tpu.memory_space<hbm>> -> memref<1024xi32, #tpu.memory_space<hbm>>
      tpu.enqueue_dma source(%dma_start3A_94 : memref<1024xi32, #tpu.memory_space<hbm>>) target(%arg6 : memref<1024xi32, #tpu.memory_space<vmem>>) target_semaphore(%arg12 : memref<!tpu.dma_semaphore, #tpu.memory_space<semaphore_mem>>)
      %add3A_95 = arith.constant 1 : i32
      %add3A_96 = arith.addi %mul3A_88, %add3A_95 : i32
      %dma_start3A_97 = arith.constant 0 : i32
      %dma_start3A_98 = tpu.memref_slice %arg3[%add3A_96, %dma_start3A_97] : memref<50x1024xi32, #tpu.memory_space<hbm>> -> memref<1x1024xi32, #tpu.memory_space<hbm>>
      %dma_start3A_99 = tpu.memref_squeeze %dma_start3A_98 : memref<1x1024xi32, #tpu.memory_space<hbm>> -> memref<1024xi32, #tpu.memory_space<hbm>>
      %dma_start3A_100 = arith.constant 0 : i32
      %dma_start3A_101 = tpu.memref_slice %arg3[%add3A_96, %dma_start3A_100] : memref<50x1024xi32, #tpu.memory_space<hbm>> -> memref<1x1024xi32, #tpu.memory_space<hbm>>
      %dma_start3A_102 = tpu.memref_squeeze %dma_start3A_101 : memref<1x1024xi32, #tpu.memory_space<hbm>> -> memref<1024xi32, #tpu.memory_space<hbm>>
      tpu.enqueue_dma source(%dma_start3A_102 : memref<1024xi32, #tpu.memory_space<hbm>>) target(%arg7 : memref<1024xi32, #tpu.memory_space<vmem>>) target_semaphore(%arg13 : memref<!tpu.dma_semaphore, #tpu.memory_space<semaphore_mem>>)
      %dma_wait3A_103 = arith.constant 0 : i32
      %dma_wait3A_104 = arith.constant 0 : i32
      %dma_wait3A_105 = arith.constant 0 : i32
      %dma_wait3A_106 = arith.constant 0 : i32
      %dma_wait3A_107 = tpu.memref_slice %arg4[%dma_wait3A_103, %min3A_3, %dma_wait3A_104, %dma_wait3A_105, %dma_wait3A_106] : memref<50x125x8x8x128xf32, #tpu.memory_space<hbm>> -> memref<1x4x8x8x128xf32, #tpu.memory_space<hbm>>
      %dma_wait3A_108 = tpu.memref_squeeze %dma_wait3A_107 : memref<1x4x8x8x128xf32, #tpu.memory_space<hbm>> -> memref<4x8x8x128xf32, #tpu.memory_space<hbm>>
      %dma_wait3A_109 = arith.constant 0 : i32
      %dma_wait3A_110 = arith.constant 0 : i32
      %dma_wait3A_111 = arith.constant 0 : i32
      %dma_wait3A_112 = tpu.memref_slice %arg4[%dma_wait3A_103, %min3A_3, %dma_wait3A_109, %dma_wait3A_110, %dma_wait3A_111] : memref<50x125x8x8x128xf32, #tpu.memory_space<hbm>> -> memref<1x4x8x8x128xf32, #tpu.memory_space<hbm>>
      %dma_wait3A_113 = tpu.memref_squeeze %dma_wait3A_112 : memref<1x4x8x8x128xf32, #tpu.memory_space<hbm>> -> memref<4x8x8x128xf32, #tpu.memory_space<hbm>>
      tpu.wait_dma2 semaphore(%arg10 : memref<!tpu.dma_semaphore, #tpu.memory_space<semaphore_mem>>) src(%arg8 : memref<4x8x8x128xf32, #tpu.memory_space<vmem>>) dst(%dma_wait3A_113 : memref<4x8x8x128xf32, #tpu.memory_space<hbm>>)
      %dma_wait3A_114 = arith.constant 0 : i32
      %dma_wait3A_115 = arith.constant 0 : i32
      %dma_wait3A_116 = tpu.memref_slice %arg3[%dma_wait3A_114, %dma_wait3A_115] : memref<50x1024xi32, #tpu.memory_space<hbm>> -> memref<1x1024xi32, #tpu.memory_space<hbm>>
      %dma_wait3A_117 = tpu.memref_squeeze %dma_wait3A_116 : memref<1x1024xi32, #tpu.memory_space<hbm>> -> memref<1024xi32, #tpu.memory_space<hbm>>
      %dma_wait3A_118 = arith.constant 0 : i32
      %dma_wait3A_119 = tpu.memref_slice %arg3[%dma_wait3A_114, %dma_wait3A_118] : memref<50x1024xi32, #tpu.memory_space<hbm>> -> memref<1x1024xi32, #tpu.memory_space<hbm>>
      %dma_wait3A_120 = tpu.memref_squeeze %dma_wait3A_119 : memref<1x1024xi32, #tpu.memory_space<hbm>> -> memref<1024xi32, #tpu.memory_space<hbm>>
      tpu.wait_dma2 semaphore(%arg12 : memref<!tpu.dma_semaphore, #tpu.memory_space<semaphore_mem>>) src(%dma_wait3A_120 : memref<1024xi32, #tpu.memory_space<hbm>>) dst(%arg6 : memref<1024xi32, #tpu.memory_space<vmem>>)
      %parallel_loop3A_121 = arith.constant 0 : i32
      %parallel_loop3A_122 = arith.constant 64 : i32
      %parallel_loop3A_123 = arith.constant 1 : i32
      scf.for %parallel_loop3A_167 = %parallel_loop3A_121 to %parallel_loop3A_122 step %parallel_loop3A_123  : i32 {
        %parallel_loop3A_168 = arith.constant 8 : i32
        %parallel_loop3A_169 = arith.divsi %parallel_loop3A_167, %parallel_loop3A_168 : i32
        %parallel_loop3A_170 = arith.constant 0 : i32
        %parallel_loop3A_171 = arith.cmpi sgt, %parallel_loop3A_167, %parallel_loop3A_170 : i32
        %parallel_loop3A_172 = arith.extui %parallel_loop3A_171 : i1 to i32
        %parallel_loop3A_173 = arith.constant 0 : i32
        %parallel_loop3A_174 = arith.cmpi slt, %parallel_loop3A_167, %parallel_loop3A_173 : i32
        %parallel_loop3A_175 = arith.extui %parallel_loop3A_174 : i1 to i32
        %parallel_loop3A_176 = arith.subi %parallel_loop3A_172, %parallel_loop3A_175 : i32
        %parallel_loop3A_177 = arith.constant 0 : i32
        %parallel_loop3A_178 = arith.cmpi sgt, %parallel_loop3A_168, %parallel_loop3A_177 : i32
        %parallel_loop3A_179 = arith.extui %parallel_loop3A_178 : i1 to i32
        %parallel_loop3A_180 = arith.constant 0 : i32
        %parallel_loop3A_181 = arith.cmpi slt, %parallel_loop3A_168, %parallel_loop3A_180 : i32
        %parallel_loop3A_182 = arith.extui %parallel_loop3A_181 : i1 to i32
        %parallel_loop3A_183 = arith.subi %parallel_loop3A_179, %parallel_loop3A_182 : i32
        %parallel_loop3A_184 = arith.cmpi ne, %parallel_loop3A_176, %parallel_loop3A_183 : i32
        %parallel_loop3A_185 = arith.remsi %parallel_loop3A_167, %parallel_loop3A_168 : i32
        %parallel_loop3A_186 = arith.constant 0 : i32
        %parallel_loop3A_187 = arith.cmpi ne, %parallel_loop3A_185, %parallel_loop3A_186 : i32
        %parallel_loop3A_188 = arith.andi %parallel_loop3A_184, %parallel_loop3A_187 : i1
        %parallel_loop3A_189 = arith.constant 1 : i32
        %parallel_loop3A_190 = arith.subi %parallel_loop3A_169, %parallel_loop3A_189 : i32
        %parallel_loop3A_191 = arith.select %parallel_loop3A_188, %parallel_loop3A_190, %parallel_loop3A_169 : i32
        %parallel_loop3A_192 = arith.constant 8 : i32
        %parallel_loop3A_193 = arith.muli %parallel_loop3A_192, %parallel_loop3A_191 : i32
        %parallel_loop3A_194 = arith.subi %parallel_loop3A_167, %parallel_loop3A_193 : i32
        %parallel_loop3A_195 = arith.constant 16 : i32
        %parallel_loop3A_196 = arith.muli %parallel_loop3A_167, %parallel_loop3A_195 : i32
        %parallel_loop3A_197 = arith.index_cast %parallel_loop3A_196 : i32 to index
        %parallel_loop3A_198 = tpu.vector_load %arg6[%parallel_loop3A_197] {strides = array<i32>} : memref<1024xi32, #tpu.memory_space<vmem>>, vector<16xi32>,
        %parallel_loop3A_199 = arith.constant 0 : i32
        %parallel_loop3A_200 = arith.constant 0 : i32
        %parallel_loop3A_201 = tpu.memref_slice %arg5[%parallel_loop3A_199, %parallel_loop3A_200] : memref<32x1024xf32, #tpu.memory_space<vmem>> -> memref<1x1024xf32, #tpu.memory_space<vmem>>
        %parallel_loop3A_202 = tpu.memref_squeeze %parallel_loop3A_201 : memref<1x1024xf32, #tpu.memory_space<vmem>> -> memref<1024xf32, #tpu.memory_space<vmem>>
        %parallel_loop3A_203 = tpu.vector_load_idx %parallel_loop3A_202[%parallel_loop3A_198] : memref<1024xf32, #tpu.memory_space<vmem>>[vector<16xi32>], vector<16xf32>,
        %parallel_loop3A_204 = arith.constant 16 : i32
        %parallel_loop3A_205 = arith.muli %parallel_loop3A_194, %parallel_loop3A_204 : i32
        %parallel_loop3A_206 = arith.constant 0 : i32
        %parallel_loop3A_207 = arith.constant 0 : i32
        %parallel_loop3A_208 = arith.index_cast %parallel_loop3A_206 : i32 to index
        %parallel_loop3A_209 = arith.index_cast %parallel_loop3A_191 : i32 to index
        %parallel_loop3A_210 = arith.index_cast %parallel_loop3A_207 : i32 to index
        %parallel_loop3A_211 = arith.index_cast %parallel_loop3A_205 : i32 to index
        %parallel_loop3A_212 = tpu.vector_load %arg8[%parallel_loop3A_208, %parallel_loop3A_209, %parallel_loop3A_210, %parallel_loop3A_211] {strides = array<i32>} : memref<4x8x8x128xf32, #tpu.memory_space<vmem>>, vector<16xf32>,
        tpu.vector_store %arg8[%parallel_loop3A_208, %parallel_loop3A_209, %parallel_loop3A_210, %parallel_loop3A_211], %parallel_loop3A_203 {strides = array<i32>} : memref<4x8x8x128xf32, #tpu.memory_space<vmem>>, vector<16xf32>,
        %parallel_loop3A_213 = arith.constant 1 : i32
        %parallel_loop3A_214 = arith.constant 0 : i32
        %parallel_loop3A_215 = tpu.memref_slice %arg5[%parallel_loop3A_213, %parallel_loop3A_214] : memref<32x1024xf32, #tpu.memory_space<vmem>> -> memref<1x1024xf32, #tpu.memory_space<vmem>>
        %parallel_loop3A_216 = tpu.memref_squeeze %parallel_loop3A_215 : memref<1x1024xf32, #tpu.memory_space<vmem>> -> memref<1024xf32, #tpu.memory_space<vmem>>
        %parallel_loop3A_217 = tpu.vector_load_idx %parallel_loop3A_216[%parallel_loop3A_198] : memref<1024xf32, #tpu.memory_space<vmem>>[vector<16xi32>], vector<16xf32>,
        %parallel_loop3A_218 = arith.constant 16 : i32
        %parallel_loop3A_219 = arith.muli %parallel_loop3A_194, %parallel_loop3A_218 : i32
        %parallel_loop3A_220 = arith.constant 0 : i32
        %parallel_loop3A_221 = arith.constant 1 : i32
        %parallel_loop3A_222 = arith.index_cast %parallel_loop3A_220 : i32 to index
        %parallel_loop3A_223 = arith.index_cast %parallel_loop3A_191 : i32 to index
        %parallel_loop3A_224 = arith.index_cast %parallel_loop3A_221 : i32 to index
        %parallel_loop3A_225 = arith.index_cast %parallel_loop3A_219 : i32 to index
        %parallel_loop3A_226 = tpu.vector_load %arg8[%parallel_loop3A_222, %parallel_loop3A_223, %parallel_loop3A_224, %parallel_loop3A_225] {strides = array<i32>} : memref<4x8x8x128xf32, #tpu.memory_space<vmem>>, vector<16xf32>,
        tpu.vector_store %arg8[%parallel_loop3A_222, %parallel_loop3A_223, %parallel_loop3A_224, %parallel_loop3A_225], %parallel_loop3A_217 {strides = array<i32>} : memref<4x8x8x128xf32, #tpu.memory_space<vmem>>, vector<16xf32>,
        %parallel_loop3A_227 = arith.constant 2 : i32
        %parallel_loop3A_228 = arith.constant 0 : i32
        %parallel_loop3A_229 = tpu.memref_slice %arg5[%parallel_loop3A_227, %parallel_loop3A_228] : memref<32x1024xf32, #tpu.memory_space<vmem>> -> memref<1x1024xf32, #tpu.memory_space<vmem>>
        %parallel_loop3A_230 = tpu.memref_squeeze %parallel_loop3A_229 : memref<1x1024xf32, #tpu.memory_space<vmem>> -> memref<1024xf32, #tpu.memory_space<vmem>>
        %parallel_loop3A_231 = tpu.vector_load_idx %parallel_loop3A_230[%parallel_loop3A_198] : memref<1024xf32, #tpu.memory_space<vmem>>[vector<16xi32>], vector<16xf32>,
        %parallel_loop3A_232 = arith.constant 16 : i32
        %parallel_loop3A_233 = arith.muli %parallel_loop3A_194, %parallel_loop3A_232 : i32
        %parallel_loop3A_234 = arith.constant 0 : i32
        %parallel_loop3A_235 = arith.constant 2 : i32
        %parallel_loop3A_236 = arith.index_cast %parallel_loop3A_234 : i32 to index
        %parallel_loop3A_237 = arith.index_cast %parallel_loop3A_191 : i32 to index
        %parallel_loop3A_238 = arith.index_cast %parallel_loop3A_235 : i32 to index
        %parallel_loop3A_239 = arith.index_cast %parallel_loop3A_233 : i32 to index
        %parallel_loop3A_240 = tpu.vector_load %arg8[%parallel_loop3A_236, %parallel_loop3A_237, %parallel_loop3A_238, %parallel_loop3A_239] {strides = array<i32>} : memref<4x8x8x128xf32, #tpu.memory_space<vmem>>, vector<16xf32>,
        tpu.vector_store %arg8[%parallel_loop3A_236, %parallel_loop3A_237, %parallel_loop3A_238, %parallel_loop3A_239], %parallel_loop3A_231 {strides = array<i32>} : memref<4x8x8x128xf32, #tpu.memory_space<vmem>>, vector<16xf32>,
        %parallel_loop3A_241 = arith.constant 3 : i32
        %parallel_loop3A_242 = arith.constant 0 : i32
        %parallel_loop3A_243 = tpu.memref_slice %arg5[%parallel_loop3A_241, %parallel_loop3A_242] : memref<32x1024xf32, #tpu.memory_space<vmem>> -> memref<1x1024xf32, #tpu.memory_space<vmem>>
        %parallel_loop3A_244 = tpu.memref_squeeze %parallel_loop3A_243 : memref<1x1024xf32, #tpu.memory_space<vmem>> -> memref<1024xf32, #tpu.memory_space<vmem>>
        %parallel_loop3A_245 = tpu.vector_load_idx %parallel_loop3A_244[%parallel_loop3A_198] : memref<1024xf32, #tpu.memory_space<vmem>>[vector<16xi32>], vector<16xf32>,
        %parallel_loop3A_246 = arith.constant 16 : i32
        %parallel_loop3A_247 = arith.muli %parallel_loop3A_194, %parallel_loop3A_246 : i32
        %parallel_loop3A_248 = arith.constant 0 : i32
        %parallel_loop3A_249 = arith.constant 3 : i32
        %parallel_loop3A_250 = arith.index_cast %parallel_loop3A_248 : i32 to index
        %parallel_loop3A_251 = arith.index_cast %parallel_loop3A_191 : i32 to index
        %parallel_loop3A_252 = arith.index_cast %parallel_loop3A_249 : i32 to index
        %parallel_loop3A_253 = arith.index_cast %parallel_loop3A_247 : i32 to index
        %parallel_loop3A_254 = tpu.vector_load %arg8[%parallel_loop3A_250, %parallel_loop3A_251, %parallel_loop3A_252, %parallel_loop3A_253] {strides = array<i32>} : memref<4x8x8x128xf32, #tpu.memory_space<vmem>>, vector<16xf32>,
        tpu.vector_store %arg8[%parallel_loop3A_250, %parallel_loop3A_251, %parallel_loop3A_252, %parallel_loop3A_253], %parallel_loop3A_245 {strides = array<i32>} : memref<4x8x8x128xf32, #tpu.memory_space<vmem>>, vector<16xf32>,
        %parallel_loop3A_255 = arith.constant 4 : i32
        %parallel_loop3A_256 = arith.constant 0 : i32
        %parallel_loop3A_257 = tpu.memref_slice %arg5[%parallel_loop3A_255, %parallel_loop3A_256] : memref<32x1024xf32, #tpu.memory_space<vmem>> -> memref<1x1024xf32, #tpu.memory_space<vmem>>
        %parallel_loop3A_258 = tpu.memref_squeeze %parallel_loop3A_257 : memref<1x1024xf32, #tpu.memory_space<vmem>> -> memref<1024xf32, #tpu.memory_space<vmem>>
        %parallel_loop3A_259 = tpu.vector_load_idx %parallel_loop3A_258[%parallel_loop3A_198] : memref<1024xf32, #tpu.memory_space<vmem>>[vector<16xi32>], vector<16xf32>,
        %parallel_loop3A_260 = arith.constant 16 : i32
        %parallel_loop3A_261 = arith.muli %parallel_loop3A_194, %parallel_loop3A_260 : i32
        %parallel_loop3A_262 = arith.constant 0 : i32
        %parallel_loop3A_263 = arith.constant 4 : i32
        %parallel_loop3A_264 = arith.index_cast %parallel_loop3A_262 : i32 to index
        %parallel_loop3A_265 = arith.index_cast %parallel_loop3A_191 : i32 to index
        %parallel_loop3A_266 = arith.index_cast %parallel_loop3A_263 : i32 to index
        %parallel_loop3A_267 = arith.index_cast %parallel_loop3A_261 : i32 to index
        %parallel_loop3A_268 = tpu.vector_load %arg8[%parallel_loop3A_264, %parallel_loop3A_265, %parallel_loop3A_266, %parallel_loop3A_267] {strides = array<i32>} : memref<4x8x8x128xf32, #tpu.memory_space<vmem>>, vector<16xf32>,
        tpu.vector_store %arg8[%parallel_loop3A_264, %parallel_loop3A_265, %parallel_loop3A_266, %parallel_loop3A_267], %parallel_loop3A_259 {strides = array<i32>} : memref<4x8x8x128xf32, #tpu.memory_space<vmem>>, vector<16xf32>,
        %parallel_loop3A_269 = arith.constant 5 : i32
        %parallel_loop3A_270 = arith.constant 0 : i32
        %parallel_loop3A_271 = tpu.memref_slice %arg5[%parallel_loop3A_269, %parallel_loop3A_270] : memref<32x1024xf32, #tpu.memory_space<vmem>> -> memref<1x1024xf32, #tpu.memory_space<vmem>>
        %parallel_loop3A_272 = tpu.memref_squeeze %parallel_loop3A_271 : memref<1x1024xf32, #tpu.memory_space<vmem>> -> memref<1024xf32, #tpu.memory_space<vmem>>
        %parallel_loop3A_273 = tpu.vector_load_idx %parallel_loop3A_272[%parallel_loop3A_198] : memref<1024xf32, #tpu.memory_space<vmem>>[vector<16xi32>], vector<16xf32>,
        %parallel_loop3A_274 = arith.constant 16 : i32
        %parallel_loop3A_275 = arith.muli %parallel_loop3A_194, %parallel_loop3A_274 : i32
        %parallel_loop3A_276 = arith.constant 0 : i32
        %parallel_loop3A_277 = arith.constant 5 : i32
        %parallel_loop3A_278 = arith.index_cast %parallel_loop3A_276 : i32 to index
        %parallel_loop3A_279 = arith.index_cast %parallel_loop3A_191 : i32 to index
        %parallel_loop3A_280 = arith.index_cast %parallel_loop3A_277 : i32 to index
        %parallel_loop3A_281 = arith.index_cast %parallel_loop3A_275 : i32 to index
        %parallel_loop3A_282 = tpu.vector_load %arg8[%parallel_loop3A_278, %parallel_loop3A_279, %parallel_loop3A_280, %parallel_loop3A_281] {strides = array<i32>} : memref<4x8x8x128xf32, #tpu.memory_space<vmem>>, vector<16xf32>,
        tpu.vector_store %arg8[%parallel_loop3A_278, %parallel_loop3A_279, %parallel_loop3A_280, %parallel_loop3A_281], %parallel_loop3A_273 {strides = array<i32>} : memref<4x8x8x128xf32, #tpu.memory_space<vmem>>, vector<16xf32>,
        %parallel_loop3A_283 = arith.constant 6 : i32
        %parallel_loop3A_284 = arith.constant 0 : i32
        %parallel_loop3A_285 = tpu.memref_slice %arg5[%parallel_loop3A_283, %parallel_loop3A_284] : memref<32x1024xf32, #tpu.memory_space<vmem>> -> memref<1x1024xf32, #tpu.memory_space<vmem>>
        %parallel_loop3A_286 = tpu.memref_squeeze %parallel_loop3A_285 : memref<1x1024xf32, #tpu.memory_space<vmem>> -> memref<1024xf32, #tpu.memory_space<vmem>>
        %parallel_loop3A_287 = tpu.vector_load_idx %parallel_loop3A_286[%parallel_loop3A_198] : memref<1024xf32, #tpu.memory_space<vmem>>[vector<16xi32>], vector<16xf32>,
        %parallel_loop3A_288 = arith.constant 16 : i32
        %parallel_loop3A_289 = arith.muli %parallel_loop3A_194, %parallel_loop3A_288 : i32
        %parallel_loop3A_290 = arith.constant 0 : i32
        %parallel_loop3A_291 = arith.constant 6 : i32
        %parallel_loop3A_292 = arith.index_cast %parallel_loop3A_290 : i32 to index
        %parallel_loop3A_293 = arith.index_cast %parallel_loop3A_191 : i32 to index
        %parallel_loop3A_294 = arith.index_cast %parallel_loop3A_291 : i32 to index
        %parallel_loop3A_295 = arith.index_cast %parallel_loop3A_289 : i32 to index
        %parallel_loop3A_296 = tpu.vector_load %arg8[%parallel_loop3A_292, %parallel_loop3A_293, %parallel_loop3A_294, %parallel_loop3A_295] {strides = array<i32>} : memref<4x8x8x128xf32, #tpu.memory_space<vmem>>, vector<16xf32>,
        tpu.vector_store %arg8[%parallel_loop3A_292, %parallel_loop3A_293, %parallel_loop3A_294, %parallel_loop3A_295], %parallel_loop3A_287 {strides = array<i32>} : memref<4x8x8x128xf32, #tpu.memory_space<vmem>>, vector<16xf32>,
        %parallel_loop3A_297 = arith.constant 7 : i32
        %parallel_loop3A_298 = arith.constant 0 : i32
        %parallel_loop3A_299 = tpu.memref_slice %arg5[%parallel_loop3A_297, %parallel_loop3A_298] : memref<32x1024xf32, #tpu.memory_space<vmem>> -> memref<1x1024xf32, #tpu.memory_space<vmem>>
        %parallel_loop3A_300 = tpu.memref_squeeze %parallel_loop3A_299 : memref<1x1024xf32, #tpu.memory_space<vmem>> -> memref<1024xf32, #tpu.memory_space<vmem>>
        %parallel_loop3A_301 = tpu.vector_load_idx %parallel_loop3A_300[%parallel_loop3A_198] : memref<1024xf32, #tpu.memory_space<vmem>>[vector<16xi32>], vector<16xf32>,
        %parallel_loop3A_302 = arith.constant 16 : i32
        %parallel_loop3A_303 = arith.muli %parallel_loop3A_194, %parallel_loop3A_302 : i32
        %parallel_loop3A_304 = arith.constant 0 : i32
        %parallel_loop3A_305 = arith.constant 7 : i32
        %parallel_loop3A_306 = arith.index_cast %parallel_loop3A_304 : i32 to index
        %parallel_loop3A_307 = arith.index_cast %parallel_loop3A_191 : i32 to index
        %parallel_loop3A_308 = arith.index_cast %parallel_loop3A_305 : i32 to index
        %parallel_loop3A_309 = arith.index_cast %parallel_loop3A_303 : i32 to index
        %parallel_loop3A_310 = tpu.vector_load %arg8[%parallel_loop3A_306, %parallel_loop3A_307, %parallel_loop3A_308, %parallel_loop3A_309] {strides = array<i32>} : memref<4x8x8x128xf32, #tpu.memory_space<vmem>>, vector<16xf32>,
        tpu.vector_store %arg8[%parallel_loop3A_306, %parallel_loop3A_307, %parallel_loop3A_308, %parallel_loop3A_309], %parallel_loop3A_301 {strides = array<i32>} : memref<4x8x8x128xf32, #tpu.memory_space<vmem>>, vector<16xf32>,
        %parallel_loop3A_311 = arith.constant 8 : i32
        %parallel_loop3A_312 = arith.constant 0 : i32
        %parallel_loop3A_313 = tpu.memref_slice %arg5[%parallel_loop3A_311, %parallel_loop3A_312] : memref<32x1024xf32, #tpu.memory_space<vmem>> -> memref<1x1024xf32, #tpu.memory_space<vmem>>
        %parallel_loop3A_314 = tpu.memref_squeeze %parallel_loop3A_313 : memref<1x1024xf32, #tpu.memory_space<vmem>> -> memref<1024xf32, #tpu.memory_space<vmem>>
        %parallel_loop3A_315 = tpu.vector_load_idx %parallel_loop3A_314[%parallel_loop3A_198] : memref<1024xf32, #tpu.memory_space<vmem>>[vector<16xi32>], vector<16xf32>,
        %parallel_loop3A_316 = arith.constant 16 : i32
        %parallel_loop3A_317 = arith.muli %parallel_loop3A_194, %parallel_loop3A_316 : i32
        %parallel_loop3A_318 = arith.constant 1 : i32
        %parallel_loop3A_319 = arith.constant 0 : i32
        %parallel_loop3A_320 = arith.index_cast %parallel_loop3A_318 : i32 to index
        %parallel_loop3A_321 = arith.index_cast %parallel_loop3A_191 : i32 to index
        %parallel_loop3A_322 = arith.index_cast %parallel_loop3A_319 : i32 to index
        %parallel_loop3A_323 = arith.index_cast %parallel_loop3A_317 : i32 to index
        %parallel_loop3A_324 = tpu.vector_load %arg8[%parallel_loop3A_320, %parallel_loop3A_321, %parallel_loop3A_322, %parallel_loop3A_323] {strides = array<i32>} : memref<4x8x8x128xf32, #tpu.memory_space<vmem>>, vector<16xf32>,
        tpu.vector_store %arg8[%parallel_loop3A_320, %parallel_loop3A_321, %parallel_loop3A_322, %parallel_loop3A_323], %parallel_loop3A_315 {strides = array<i32>} : memref<4x8x8x128xf32, #tpu.memory_space<vmem>>, vector<16xf32>,
        %parallel_loop3A_325 = arith.constant 9 : i32
        %parallel_loop3A_326 = arith.constant 0 : i32
        %parallel_loop3A_327 = tpu.memref_slice %arg5[%parallel_loop3A_325, %parallel_loop3A_326] : memref<32x1024xf32, #tpu.memory_space<vmem>> -> memref<1x1024xf32, #tpu.memory_space<vmem>>
        %parallel_loop3A_328 = tpu.memref_squeeze %parallel_loop3A_327 : memref<1x1024xf32, #tpu.memory_space<vmem>> -> memref<1024xf32, #tpu.memory_space<vmem>>
        %parallel_loop3A_329 = tpu.vector_load_idx %parallel_loop3A_328[%parallel_loop3A_198] : memref<1024xf32, #tpu.memory_space<vmem>>[vector<16xi32>], vector<16xf32>,
        %parallel_loop3A_330 = arith.constant 16 : i32
        %parallel_loop3A_331 = arith.muli %parallel_loop3A_194, %parallel_loop3A_330 : i32
        %parallel_loop3A_332 = arith.constant 1 : i32
        %parallel_loop3A_333 = arith.constant 1 : i32
        %parallel_loop3A_334 = arith.index_cast %parallel_loop3A_332 : i32 to index
        %parallel_loop3A_335 = arith.index_cast %parallel_loop3A_191 : i32 to index
        %parallel_loop3A_336 = arith.index_cast %parallel_loop3A_333 : i32 to index
        %parallel_loop3A_337 = arith.index_cast %parallel_loop3A_331 : i32 to index
        %parallel_loop3A_338 = tpu.vector_load %arg8[%parallel_loop3A_334, %parallel_loop3A_335, %parallel_loop3A_336, %parallel_loop3A_337] {strides = array<i32>} : memref<4x8x8x128xf32, #tpu.memory_space<vmem>>, vector<16xf32>,
        tpu.vector_store %arg8[%parallel_loop3A_334, %parallel_loop3A_335, %parallel_loop3A_336, %parallel_loop3A_337], %parallel_loop3A_329 {strides = array<i32>} : memref<4x8x8x128xf32, #tpu.memory_space<vmem>>, vector<16xf32>,
        %parallel_loop3A_339 = arith.constant 10 : i32
        %parallel_loop3A_340 = arith.constant 0 : i32
        %parallel_loop3A_341 = tpu.memref_slice %arg5[%parallel_loop3A_339, %parallel_loop3A_340] : memref<32x1024xf32, #tpu.memory_space<vmem>> -> memref<1x1024xf32, #tpu.memory_space<vmem>>
        %parallel_loop3A_342 = tpu.memref_squeeze %parallel_loop3A_341 : memref<1x1024xf32, #tpu.memory_space<vmem>> -> memref<1024xf32, #tpu.memory_space<vmem>>
        %parallel_loop3A_343 = tpu.vector_load_idx %parallel_loop3A_342[%parallel_loop3A_198] : memref<1024xf32, #tpu.memory_space<vmem>>[vector<16xi32>], vector<16xf32>,
        %parallel_loop3A_344 = arith.constant 16 : i32
        %parallel_loop3A_345 = arith.muli %parallel_loop3A_194, %parallel_loop3A_344 : i32
        %parallel_loop3A_346 = arith.constant 1 : i32
        %parallel_loop3A_347 = arith.constant 2 : i32
        %parallel_loop3A_348 = arith.index_cast %parallel_loop3A_346 : i32 to index
        %parallel_loop3A_349 = arith.index_cast %parallel_loop3A_191 : i32 to index
        %parallel_loop3A_350 = arith.index_cast %parallel_loop3A_347 : i32 to index
        %parallel_loop3A_351 = arith.index_cast %parallel_loop3A_345 : i32 to index
        %parallel_loop3A_352 = tpu.vector_load %arg8[%parallel_loop3A_348, %parallel_loop3A_349, %parallel_loop3A_350, %parallel_loop3A_351] {strides = array<i32>} : memref<4x8x8x128xf32, #tpu.memory_space<vmem>>, vector<16xf32>,
        tpu.vector_store %arg8[%parallel_loop3A_348, %parallel_loop3A_349, %parallel_loop3A_350, %parallel_loop3A_351], %parallel_loop3A_343 {strides = array<i32>} : memref<4x8x8x128xf32, #tpu.memory_space<vmem>>, vector<16xf32>,
        %parallel_loop3A_353 = arith.constant 11 : i32
        %parallel_loop3A_354 = arith.constant 0 : i32
        %parallel_loop3A_355 = tpu.memref_slice %arg5[%parallel_loop3A_353, %parallel_loop3A_354] : memref<32x1024xf32, #tpu.memory_space<vmem>> -> memref<1x1024xf32, #tpu.memory_space<vmem>>
        %parallel_loop3A_356 = tpu.memref_squeeze %parallel_loop3A_355 : memref<1x1024xf32, #tpu.memory_space<vmem>> -> memref<1024xf32, #tpu.memory_space<vmem>>
        %parallel_loop3A_357 = tpu.vector_load_idx %parallel_loop3A_356[%parallel_loop3A_198] : memref<1024xf32, #tpu.memory_space<vmem>>[vector<16xi32>], vector<16xf32>,
        %parallel_loop3A_358 = arith.constant 16 : i32
        %parallel_loop3A_359 = arith.muli %parallel_loop3A_194, %parallel_loop3A_358 : i32
        %parallel_loop3A_360 = arith.constant 1 : i32
        %parallel_loop3A_361 = arith.constant 3 : i32
        %parallel_loop3A_362 = arith.index_cast %parallel_loop3A_360 : i32 to index
        %parallel_loop3A_363 = arith.index_cast %parallel_loop3A_191 : i32 to index
        %parallel_loop3A_364 = arith.index_cast %parallel_loop3A_361 : i32 to index
        %parallel_loop3A_365 = arith.index_cast %parallel_loop3A_359 : i32 to index
        %parallel_loop3A_366 = tpu.vector_load %arg8[%parallel_loop3A_362, %parallel_loop3A_363, %parallel_loop3A_364, %parallel_loop3A_365] {strides = array<i32>} : memref<4x8x8x128xf32, #tpu.memory_space<vmem>>, vector<16xf32>,
        tpu.vector_store %arg8[%parallel_loop3A_362, %parallel_loop3A_363, %parallel_loop3A_364, %parallel_loop3A_365], %parallel_loop3A_357 {strides = array<i32>} : memref<4x8x8x128xf32, #tpu.memory_space<vmem>>, vector<16xf32>,
        %parallel_loop3A_367 = arith.constant 12 : i32
        %parallel_loop3A_368 = arith.constant 0 : i32
        %parallel_loop3A_369 = tpu.memref_slice %arg5[%parallel_loop3A_367, %parallel_loop3A_368] : memref<32x1024xf32, #tpu.memory_space<vmem>> -> memref<1x1024xf32, #tpu.memory_space<vmem>>
        %parallel_loop3A_370 = tpu.memref_squeeze %parallel_loop3A_369 : memref<1x1024xf32, #tpu.memory_space<vmem>> -> memref<1024xf32, #tpu.memory_space<vmem>>
        %parallel_loop3A_371 = tpu.vector_load_idx %parallel_loop3A_370[%parallel_loop3A_198] : memref<1024xf32, #tpu.memory_space<vmem>>[vector<16xi32>], vector<16xf32>,
        %parallel_loop3A_372 = arith.constant 16 : i32
        %parallel_loop3A_373 = arith.muli %parallel_loop3A_194, %parallel_loop3A_372 : i32
        %parallel_loop3A_374 = arith.constant 1 : i32
        %parallel_loop3A_375 = arith.constant 4 : i32
        %parallel_loop3A_376 = arith.index_cast %parallel_loop3A_374 : i32 to index
        %parallel_loop3A_377 = arith.index_cast %parallel_loop3A_191 : i32 to index
        %parallel_loop3A_378 = arith.index_cast %parallel_loop3A_375 : i32 to index
        %parallel_loop3A_379 = arith.index_cast %parallel_loop3A_373 : i32 to index
        %parallel_loop3A_380 = tpu.vector_load %arg8[%parallel_loop3A_376, %parallel_loop3A_377, %parallel_loop3A_378, %parallel_loop3A_379] {strides = array<i32>} : memref<4x8x8x128xf32, #tpu.memory_space<vmem>>, vector<16xf32>,
        tpu.vector_store %arg8[%parallel_loop3A_376, %parallel_loop3A_377, %parallel_loop3A_378, %parallel_loop3A_379], %parallel_loop3A_371 {strides = array<i32>} : memref<4x8x8x128xf32, #tpu.memory_space<vmem>>, vector<16xf32>,
        %parallel_loop3A_381 = arith.constant 13 : i32
        %parallel_loop3A_382 = arith.constant 0 : i32
        %parallel_loop3A_383 = tpu.memref_slice %arg5[%parallel_loop3A_381, %parallel_loop3A_382] : memref<32x1024xf32, #tpu.memory_space<vmem>> -> memref<1x1024xf32, #tpu.memory_space<vmem>>
        %parallel_loop3A_384 = tpu.memref_squeeze %parallel_loop3A_383 : memref<1x1024xf32, #tpu.memory_space<vmem>> -> memref<1024xf32, #tpu.memory_space<vmem>>
        %parallel_loop3A_385 = tpu.vector_load_idx %parallel_loop3A_384[%parallel_loop3A_198] : memref<1024xf32, #tpu.memory_space<vmem>>[vector<16xi32>], vector<16xf32>,
        %parallel_loop3A_386 = arith.constant 16 : i32
        %parallel_loop3A_387 = arith.muli %parallel_loop3A_194, %parallel_loop3A_386 : i32
        %parallel_loop3A_388 = arith.constant 1 : i32
        %parallel_loop3A_389 = arith.constant 5 : i32
        %parallel_loop3A_390 = arith.index_cast %parallel_loop3A_388 : i32 to index
        %parallel_loop3A_391 = arith.index_cast %parallel_loop3A_191 : i32 to index
        %parallel_loop3A_392 = arith.index_cast %parallel_loop3A_389 : i32 to index
        %parallel_loop3A_393 = arith.index_cast %parallel_loop3A_387 : i32 to index
        %parallel_loop3A_394 = tpu.vector_load %arg8[%parallel_loop3A_390, %parallel_loop3A_391, %parallel_loop3A_392, %parallel_loop3A_393] {strides = array<i32>} : memref<4x8x8x128xf32, #tpu.memory_space<vmem>>, vector<16xf32>,
        tpu.vector_store %arg8[%parallel_loop3A_390, %parallel_loop3A_391, %parallel_loop3A_392, %parallel_loop3A_393], %parallel_loop3A_385 {strides = array<i32>} : memref<4x8x8x128xf32, #tpu.memory_space<vmem>>, vector<16xf32>,
        %parallel_loop3A_395 = arith.constant 14 : i32
        %parallel_loop3A_396 = arith.constant 0 : i32
        %parallel_loop3A_397 = tpu.memref_slice %arg5[%parallel_loop3A_395, %parallel_loop3A_396] : memref<32x1024xf32, #tpu.memory_space<vmem>> -> memref<1x1024xf32, #tpu.memory_space<vmem>>
        %parallel_loop3A_398 = tpu.memref_squeeze %parallel_loop3A_397 : memref<1x1024xf32, #tpu.memory_space<vmem>> -> memref<1024xf32, #tpu.memory_space<vmem>>
        %parallel_loop3A_399 = tpu.vector_load_idx %parallel_loop3A_398[%parallel_loop3A_198] : memref<1024xf32, #tpu.memory_space<vmem>>[vector<16xi32>], vector<16xf32>,
        %parallel_loop3A_400 = arith.constant 16 : i32
        %parallel_loop3A_401 = arith.muli %parallel_loop3A_194, %parallel_loop3A_400 : i32
        %parallel_loop3A_402 = arith.constant 1 : i32
        %parallel_loop3A_403 = arith.constant 6 : i32
        %parallel_loop3A_404 = arith.index_cast %parallel_loop3A_402 : i32 to index
        %parallel_loop3A_405 = arith.index_cast %parallel_loop3A_191 : i32 to index
        %parallel_loop3A_406 = arith.index_cast %parallel_loop3A_403 : i32 to index
        %parallel_loop3A_407 = arith.index_cast %parallel_loop3A_401 : i32 to index
        %parallel_loop3A_408 = tpu.vector_load %arg8[%parallel_loop3A_404, %parallel_loop3A_405, %parallel_loop3A_406, %parallel_loop3A_407] {strides = array<i32>} : memref<4x8x8x128xf32, #tpu.memory_space<vmem>>, vector<16xf32>,
        tpu.vector_store %arg8[%parallel_loop3A_404, %parallel_loop3A_405, %parallel_loop3A_406, %parallel_loop3A_407], %parallel_loop3A_399 {strides = array<i32>} : memref<4x8x8x128xf32, #tpu.memory_space<vmem>>, vector<16xf32>,
        %parallel_loop3A_409 = arith.constant 15 : i32
        %parallel_loop3A_410 = arith.constant 0 : i32
        %parallel_loop3A_411 = tpu.memref_slice %arg5[%parallel_loop3A_409, %parallel_loop3A_410] : memref<32x1024xf32, #tpu.memory_space<vmem>> -> memref<1x1024xf32, #tpu.memory_space<vmem>>
        %parallel_loop3A_412 = tpu.memref_squeeze %parallel_loop3A_411 : memref<1x1024xf32, #tpu.memory_space<vmem>> -> memref<1024xf32, #tpu.memory_space<vmem>>
        %parallel_loop3A_413 = tpu.vector_load_idx %parallel_loop3A_412[%parallel_loop3A_198] : memref<1024xf32, #tpu.memory_space<vmem>>[vector<16xi32>], vector<16xf32>,
        %parallel_loop3A_414 = arith.constant 16 : i32
        %parallel_loop3A_415 = arith.muli %parallel_loop3A_194, %parallel_loop3A_414 : i32
        %parallel_loop3A_416 = arith.constant 1 : i32
        %parallel_loop3A_417 = arith.constant 7 : i32
        %parallel_loop3A_418 = arith.index_cast %parallel_loop3A_416 : i32 to index
        %parallel_loop3A_419 = arith.index_cast %parallel_loop3A_191 : i32 to index
        %parallel_loop3A_420 = arith.index_cast %parallel_loop3A_417 : i32 to index
        %parallel_loop3A_421 = arith.index_cast %parallel_loop3A_415 : i32 to index
        %parallel_loop3A_422 = tpu.vector_load %arg8[%parallel_loop3A_418, %parallel_loop3A_419, %parallel_loop3A_420, %parallel_loop3A_421] {strides = array<i32>} : memref<4x8x8x128xf32, #tpu.memory_space<vmem>>, vector<16xf32>,
        tpu.vector_store %arg8[%parallel_loop3A_418, %parallel_loop3A_419, %parallel_loop3A_420, %parallel_loop3A_421], %parallel_loop3A_413 {strides = array<i32>} : memref<4x8x8x128xf32, #tpu.memory_space<vmem>>, vector<16xf32>,
        %parallel_loop3A_423 = arith.constant 16 : i32
        %parallel_loop3A_424 = arith.constant 0 : i32
        %parallel_loop3A_425 = tpu.memref_slice %arg5[%parallel_loop3A_423, %parallel_loop3A_424] : memref<32x1024xf32, #tpu.memory_space<vmem>> -> memref<1x1024xf32, #tpu.memory_space<vmem>>
        %parallel_loop3A_426 = tpu.memref_squeeze %parallel_loop3A_425 : memref<1x1024xf32, #tpu.memory_space<vmem>> -> memref<1024xf32, #tpu.memory_space<vmem>>
        %parallel_loop3A_427 = tpu.vector_load_idx %parallel_loop3A_426[%parallel_loop3A_198] : memref<1024xf32, #tpu.memory_space<vmem>>[vector<16xi32>], vector<16xf32>,
        %parallel_loop3A_428 = arith.constant 16 : i32
        %parallel_loop3A_429 = arith.muli %parallel_loop3A_194, %parallel_loop3A_428 : i32
        %parallel_loop3A_430 = arith.constant 2 : i32
        %parallel_loop3A_431 = arith.constant 0 : i32
        %parallel_loop3A_432 = arith.index_cast %parallel_loop3A_430 : i32 to index
        %parallel_loop3A_433 = arith.index_cast %parallel_loop3A_191 : i32 to index
        %parallel_loop3A_434 = arith.index_cast %parallel_loop3A_431 : i32 to index
        %parallel_loop3A_435 = arith.index_cast %parallel_loop3A_429 : i32 to index
        %parallel_loop3A_436 = tpu.vector_load %arg8[%parallel_loop3A_432, %parallel_loop3A_433, %parallel_loop3A_434, %parallel_loop3A_435] {strides = array<i32>} : memref<4x8x8x128xf32, #tpu.memory_space<vmem>>, vector<16xf32>,
        tpu.vector_store %arg8[%parallel_loop3A_432, %parallel_loop3A_433, %parallel_loop3A_434, %parallel_loop3A_435], %parallel_loop3A_427 {strides = array<i32>} : memref<4x8x8x128xf32, #tpu.memory_space<vmem>>, vector<16xf32>,
        %parallel_loop3A_437 = arith.constant 17 : i32
        %parallel_loop3A_438 = arith.constant 0 : i32
        %parallel_loop3A_439 = tpu.memref_slice %arg5[%parallel_loop3A_437, %parallel_loop3A_438] : memref<32x1024xf32, #tpu.memory_space<vmem>> -> memref<1x1024xf32, #tpu.memory_space<vmem>>
        %parallel_loop3A_440 = tpu.memref_squeeze %parallel_loop3A_439 : memref<1x1024xf32, #tpu.memory_space<vmem>> -> memref<1024xf32, #tpu.memory_space<vmem>>
        %parallel_loop3A_441 = tpu.vector_load_idx %parallel_loop3A_440[%parallel_loop3A_198] : memref<1024xf32, #tpu.memory_space<vmem>>[vector<16xi32>], vector<16xf32>,
        %parallel_loop3A_442 = arith.constant 16 : i32
        %parallel_loop3A_443 = arith.muli %parallel_loop3A_194, %parallel_loop3A_442 : i32
        %parallel_loop3A_444 = arith.constant 2 : i32
        %parallel_loop3A_445 = arith.constant 1 : i32
        %parallel_loop3A_446 = arith.index_cast %parallel_loop3A_444 : i32 to index
        %parallel_loop3A_447 = arith.index_cast %parallel_loop3A_191 : i32 to index
        %parallel_loop3A_448 = arith.index_cast %parallel_loop3A_445 : i32 to index
        %parallel_loop3A_449 = arith.index_cast %parallel_loop3A_443 : i32 to index
        %parallel_loop3A_450 = tpu.vector_load %arg8[%parallel_loop3A_446, %parallel_loop3A_447, %parallel_loop3A_448, %parallel_loop3A_449] {strides = array<i32>} : memref<4x8x8x128xf32, #tpu.memory_space<vmem>>, vector<16xf32>,
        tpu.vector_store %arg8[%parallel_loop3A_446, %parallel_loop3A_447, %parallel_loop3A_448, %parallel_loop3A_449], %parallel_loop3A_441 {strides = array<i32>} : memref<4x8x8x128xf32, #tpu.memory_space<vmem>>, vector<16xf32>,
        %parallel_loop3A_451 = arith.constant 18 : i32
        %parallel_loop3A_452 = arith.constant 0 : i32
        %parallel_loop3A_453 = tpu.memref_slice %arg5[%parallel_loop3A_451, %parallel_loop3A_452] : memref<32x1024xf32, #tpu.memory_space<vmem>> -> memref<1x1024xf32, #tpu.memory_space<vmem>>
        %parallel_loop3A_454 = tpu.memref_squeeze %parallel_loop3A_453 : memref<1x1024xf32, #tpu.memory_space<vmem>> -> memref<1024xf32, #tpu.memory_space<vmem>>
        %parallel_loop3A_455 = tpu.vector_load_idx %parallel_loop3A_454[%parallel_loop3A_198] : memref<1024xf32, #tpu.memory_space<vmem>>[vector<16xi32>], vector<16xf32>,
        %parallel_loop3A_456 = arith.constant 16 : i32
        %parallel_loop3A_457 = arith.muli %parallel_loop3A_194, %parallel_loop3A_456 : i32
        %parallel_loop3A_458 = arith.constant 2 : i32
        %parallel_loop3A_459 = arith.constant 2 : i32
        %parallel_loop3A_460 = arith.index_cast %parallel_loop3A_458 : i32 to index
        %parallel_loop3A_461 = arith.index_cast %parallel_loop3A_191 : i32 to index
        %parallel_loop3A_462 = arith.index_cast %parallel_loop3A_459 : i32 to index
        %parallel_loop3A_463 = arith.index_cast %parallel_loop3A_457 : i32 to index
        %parallel_loop3A_464 = tpu.vector_load %arg8[%parallel_loop3A_460, %parallel_loop3A_461, %parallel_loop3A_462, %parallel_loop3A_463] {strides = array<i32>} : memref<4x8x8x128xf32, #tpu.memory_space<vmem>>, vector<16xf32>,
        tpu.vector_store %arg8[%parallel_loop3A_460, %parallel_loop3A_461, %parallel_loop3A_462, %parallel_loop3A_463], %parallel_loop3A_455 {strides = array<i32>} : memref<4x8x8x128xf32, #tpu.memory_space<vmem>>, vector<16xf32>,
        %parallel_loop3A_465 = arith.constant 19 : i32
        %parallel_loop3A_466 = arith.constant 0 : i32
        %parallel_loop3A_467 = tpu.memref_slice %arg5[%parallel_loop3A_465, %parallel_loop3A_466] : memref<32x1024xf32, #tpu.memory_space<vmem>> -> memref<1x1024xf32, #tpu.memory_space<vmem>>
        %parallel_loop3A_468 = tpu.memref_squeeze %parallel_loop3A_467 : memref<1x1024xf32, #tpu.memory_space<vmem>> -> memref<1024xf32, #tpu.memory_space<vmem>>
        %parallel_loop3A_469 = tpu.vector_load_idx %parallel_loop3A_468[%parallel_loop3A_198] : memref<1024xf32, #tpu.memory_space<vmem>>[vector<16xi32>], vector<16xf32>,
        %parallel_loop3A_470 = arith.constant 16 : i32
        %parallel_loop3A_471 = arith.muli %parallel_loop3A_194, %parallel_loop3A_470 : i32
        %parallel_loop3A_472 = arith.constant 2 : i32
        %parallel_loop3A_473 = arith.constant 3 : i32
        %parallel_loop3A_474 = arith.index_cast %parallel_loop3A_472 : i32 to index
        %parallel_loop3A_475 = arith.index_cast %parallel_loop3A_191 : i32 to index
        %parallel_loop3A_476 = arith.index_cast %parallel_loop3A_473 : i32 to index
        %parallel_loop3A_477 = arith.index_cast %parallel_loop3A_471 : i32 to index
        %parallel_loop3A_478 = tpu.vector_load %arg8[%parallel_loop3A_474, %parallel_loop3A_475, %parallel_loop3A_476, %parallel_loop3A_477] {strides = array<i32>} : memref<4x8x8x128xf32, #tpu.memory_space<vmem>>, vector<16xf32>,
        tpu.vector_store %arg8[%parallel_loop3A_474, %parallel_loop3A_475, %parallel_loop3A_476, %parallel_loop3A_477], %parallel_loop3A_469 {strides = array<i32>} : memref<4x8x8x128xf32, #tpu.memory_space<vmem>>, vector<16xf32>,
        %parallel_loop3A_479 = arith.constant 20 : i32
        %parallel_loop3A_480 = arith.constant 0 : i32
        %parallel_loop3A_481 = tpu.memref_slice %arg5[%parallel_loop3A_479, %parallel_loop3A_480] : memref<32x1024xf32, #tpu.memory_space<vmem>> -> memref<1x1024xf32, #tpu.memory_space<vmem>>
        %parallel_loop3A_482 = tpu.memref_squeeze %parallel_loop3A_481 : memref<1x1024xf32, #tpu.memory_space<vmem>> -> memref<1024xf32, #tpu.memory_space<vmem>>
        %parallel_loop3A_483 = tpu.vector_load_idx %parallel_loop3A_482[%parallel_loop3A_198] : memref<1024xf32, #tpu.memory_space<vmem>>[vector<16xi32>], vector<16xf32>,
        %parallel_loop3A_484 = arith.constant 16 : i32
        %parallel_loop3A_485 = arith.muli %parallel_loop3A_194, %parallel_loop3A_484 : i32
        %parallel_loop3A_486 = arith.constant 2 : i32
        %parallel_loop3A_487 = arith.constant 4 : i32
        %parallel_loop3A_488 = arith.index_cast %parallel_loop3A_486 : i32 to index
        %parallel_loop3A_489 = arith.index_cast %parallel_loop3A_191 : i32 to index
        %parallel_loop3A_490 = arith.index_cast %parallel_loop3A_487 : i32 to index
        %parallel_loop3A_491 = arith.index_cast %parallel_loop3A_485 : i32 to index
        %parallel_loop3A_492 = tpu.vector_load %arg8[%parallel_loop3A_488, %parallel_loop3A_489, %parallel_loop3A_490, %parallel_loop3A_491] {strides = array<i32>} : memref<4x8x8x128xf32, #tpu.memory_space<vmem>>, vector<16xf32>,
        tpu.vector_store %arg8[%parallel_loop3A_488, %parallel_loop3A_489, %parallel_loop3A_490, %parallel_loop3A_491], %parallel_loop3A_483 {strides = array<i32>} : memref<4x8x8x128xf32, #tpu.memory_space<vmem>>, vector<16xf32>,
        %parallel_loop3A_493 = arith.constant 21 : i32
        %parallel_loop3A_494 = arith.constant 0 : i32
        %parallel_loop3A_495 = tpu.memref_slice %arg5[%parallel_loop3A_493, %parallel_loop3A_494] : memref<32x1024xf32, #tpu.memory_space<vmem>> -> memref<1x1024xf32, #tpu.memory_space<vmem>>
        %parallel_loop3A_496 = tpu.memref_squeeze %parallel_loop3A_495 : memref<1x1024xf32, #tpu.memory_space<vmem>> -> memref<1024xf32, #tpu.memory_space<vmem>>
        %parallel_loop3A_497 = tpu.vector_load_idx %parallel_loop3A_496[%parallel_loop3A_198] : memref<1024xf32, #tpu.memory_space<vmem>>[vector<16xi32>], vector<16xf32>,
        %parallel_loop3A_498 = arith.constant 16 : i32
        %parallel_loop3A_499 = arith.muli %parallel_loop3A_194, %parallel_loop3A_498 : i32
        %parallel_loop3A_500 = arith.constant 2 : i32
        %parallel_loop3A_501 = arith.constant 5 : i32
        %parallel_loop3A_502 = arith.index_cast %parallel_loop3A_500 : i32 to index
        %parallel_loop3A_503 = arith.index_cast %parallel_loop3A_191 : i32 to index
        %parallel_loop3A_504 = arith.index_cast %parallel_loop3A_501 : i32 to index
        %parallel_loop3A_505 = arith.index_cast %parallel_loop3A_499 : i32 to index
        %parallel_loop3A_506 = tpu.vector_load %arg8[%parallel_loop3A_502, %parallel_loop3A_503, %parallel_loop3A_504, %parallel_loop3A_505] {strides = array<i32>} : memref<4x8x8x128xf32, #tpu.memory_space<vmem>>, vector<16xf32>,
        tpu.vector_store %arg8[%parallel_loop3A_502, %parallel_loop3A_503, %parallel_loop3A_504, %parallel_loop3A_505], %parallel_loop3A_497 {strides = array<i32>} : memref<4x8x8x128xf32, #tpu.memory_space<vmem>>, vector<16xf32>,
        %parallel_loop3A_507 = arith.constant 22 : i32
        %parallel_loop3A_508 = arith.constant 0 : i32
        %parallel_loop3A_509 = tpu.memref_slice %arg5[%parallel_loop3A_507, %parallel_loop3A_508] : memref<32x1024xf32, #tpu.memory_space<vmem>> -> memref<1x1024xf32, #tpu.memory_space<vmem>>
        %parallel_loop3A_510 = tpu.memref_squeeze %parallel_loop3A_509 : memref<1x1024xf32, #tpu.memory_space<vmem>> -> memref<1024xf32, #tpu.memory_space<vmem>>
        %parallel_loop3A_511 = tpu.vector_load_idx %parallel_loop3A_510[%parallel_loop3A_198] : memref<1024xf32, #tpu.memory_space<vmem>>[vector<16xi32>], vector<16xf32>,
        %parallel_loop3A_512 = arith.constant 16 : i32
        %parallel_loop3A_513 = arith.muli %parallel_loop3A_194, %parallel_loop3A_512 : i32
        %parallel_loop3A_514 = arith.constant 2 : i32
        %parallel_loop3A_515 = arith.constant 6 : i32
        %parallel_loop3A_516 = arith.index_cast %parallel_loop3A_514 : i32 to index
        %parallel_loop3A_517 = arith.index_cast %parallel_loop3A_191 : i32 to index
        %parallel_loop3A_518 = arith.index_cast %parallel_loop3A_515 : i32 to index
        %parallel_loop3A_519 = arith.index_cast %parallel_loop3A_513 : i32 to index
        %parallel_loop3A_520 = tpu.vector_load %arg8[%parallel_loop3A_516, %parallel_loop3A_517, %parallel_loop3A_518, %parallel_loop3A_519] {strides = array<i32>} : memref<4x8x8x128xf32, #tpu.memory_space<vmem>>, vector<16xf32>,
        tpu.vector_store %arg8[%parallel_loop3A_516, %parallel_loop3A_517, %parallel_loop3A_518, %parallel_loop3A_519], %parallel_loop3A_511 {strides = array<i32>} : memref<4x8x8x128xf32, #tpu.memory_space<vmem>>, vector<16xf32>,
        %parallel_loop3A_521 = arith.constant 23 : i32
        %parallel_loop3A_522 = arith.constant 0 : i32
        %parallel_loop3A_523 = tpu.memref_slice %arg5[%parallel_loop3A_521, %parallel_loop3A_522] : memref<32x1024xf32, #tpu.memory_space<vmem>> -> memref<1x1024xf32, #tpu.memory_space<vmem>>
        %parallel_loop3A_524 = tpu.memref_squeeze %parallel_loop3A_523 : memref<1x1024xf32, #tpu.memory_space<vmem>> -> memref<1024xf32, #tpu.memory_space<vmem>>
        %parallel_loop3A_525 = tpu.vector_load_idx %parallel_loop3A_524[%parallel_loop3A_198] : memref<1024xf32, #tpu.memory_space<vmem>>[vector<16xi32>], vector<16xf32>,
        %parallel_loop3A_526 = arith.constant 16 : i32
        %parallel_loop3A_527 = arith.muli %parallel_loop3A_194, %parallel_loop3A_526 : i32
        %parallel_loop3A_528 = arith.constant 2 : i32
        %parallel_loop3A_529 = arith.constant 7 : i32
        %parallel_loop3A_530 = arith.index_cast %parallel_loop3A_528 : i32 to index
        %parallel_loop3A_531 = arith.index_cast %parallel_loop3A_191 : i32 to index
        %parallel_loop3A_532 = arith.index_cast %parallel_loop3A_529 : i32 to index
        %parallel_loop3A_533 = arith.index_cast %parallel_loop3A_527 : i32 to index
        %parallel_loop3A_534 = tpu.vector_load %arg8[%parallel_loop3A_530, %parallel_loop3A_531, %parallel_loop3A_532, %parallel_loop3A_533] {strides = array<i32>} : memref<4x8x8x128xf32, #tpu.memory_space<vmem>>, vector<16xf32>,
        tpu.vector_store %arg8[%parallel_loop3A_530, %parallel_loop3A_531, %parallel_loop3A_532, %parallel_loop3A_533], %parallel_loop3A_525 {strides = array<i32>} : memref<4x8x8x128xf32, #tpu.memory_space<vmem>>, vector<16xf32>,
        %parallel_loop3A_535 = arith.constant 24 : i32
        %parallel_loop3A_536 = arith.constant 0 : i32
        %parallel_loop3A_537 = tpu.memref_slice %arg5[%parallel_loop3A_535, %parallel_loop3A_536] : memref<32x1024xf32, #tpu.memory_space<vmem>> -> memref<1x1024xf32, #tpu.memory_space<vmem>>
        %parallel_loop3A_538 = tpu.memref_squeeze %parallel_loop3A_537 : memref<1x1024xf32, #tpu.memory_space<vmem>> -> memref<1024xf32, #tpu.memory_space<vmem>>
        %parallel_loop3A_539 = tpu.vector_load_idx %parallel_loop3A_538[%parallel_loop3A_198] : memref<1024xf32, #tpu.memory_space<vmem>>[vector<16xi32>], vector<16xf32>,
        %parallel_loop3A_540 = arith.constant 16 : i32
        %parallel_loop3A_541 = arith.muli %parallel_loop3A_194, %parallel_loop3A_540 : i32
        %parallel_loop3A_542 = arith.constant 3 : i32
        %parallel_loop3A_543 = arith.constant 0 : i32
        %parallel_loop3A_544 = arith.index_cast %parallel_loop3A_542 : i32 to index
        %parallel_loop3A_545 = arith.index_cast %parallel_loop3A_191 : i32 to index
        %parallel_loop3A_546 = arith.index_cast %parallel_loop3A_543 : i32 to index
        %parallel_loop3A_547 = arith.index_cast %parallel_loop3A_541 : i32 to index
        %parallel_loop3A_548 = tpu.vector_load %arg8[%parallel_loop3A_544, %parallel_loop3A_545, %parallel_loop3A_546, %parallel_loop3A_547] {strides = array<i32>} : memref<4x8x8x128xf32, #tpu.memory_space<vmem>>, vector<16xf32>,
        tpu.vector_store %arg8[%parallel_loop3A_544, %parallel_loop3A_545, %parallel_loop3A_546, %parallel_loop3A_547], %parallel_loop3A_539 {strides = array<i32>} : memref<4x8x8x128xf32, #tpu.memory_space<vmem>>, vector<16xf32>,
        %parallel_loop3A_549 = arith.constant 25 : i32
        %parallel_loop3A_550 = arith.constant 0 : i32
        %parallel_loop3A_551 = tpu.memref_slice %arg5[%parallel_loop3A_549, %parallel_loop3A_550] : memref<32x1024xf32, #tpu.memory_space<vmem>> -> memref<1x1024xf32, #tpu.memory_space<vmem>>
        %parallel_loop3A_552 = tpu.memref_squeeze %parallel_loop3A_551 : memref<1x1024xf32, #tpu.memory_space<vmem>> -> memref<1024xf32, #tpu.memory_space<vmem>>
        %parallel_loop3A_553 = tpu.vector_load_idx %parallel_loop3A_552[%parallel_loop3A_198] : memref<1024xf32, #tpu.memory_space<vmem>>[vector<16xi32>], vector<16xf32>,
        %parallel_loop3A_554 = arith.constant 16 : i32
        %parallel_loop3A_555 = arith.muli %parallel_loop3A_194, %parallel_loop3A_554 : i32
        %parallel_loop3A_556 = arith.constant 3 : i32
        %parallel_loop3A_557 = arith.constant 1 : i32
        %parallel_loop3A_558 = arith.index_cast %parallel_loop3A_556 : i32 to index
        %parallel_loop3A_559 = arith.index_cast %parallel_loop3A_191 : i32 to index
        %parallel_loop3A_560 = arith.index_cast %parallel_loop3A_557 : i32 to index
        %parallel_loop3A_561 = arith.index_cast %parallel_loop3A_555 : i32 to index
        %parallel_loop3A_562 = tpu.vector_load %arg8[%parallel_loop3A_558, %parallel_loop3A_559, %parallel_loop3A_560, %parallel_loop3A_561] {strides = array<i32>} : memref<4x8x8x128xf32, #tpu.memory_space<vmem>>, vector<16xf32>,
        tpu.vector_store %arg8[%parallel_loop3A_558, %parallel_loop3A_559, %parallel_loop3A_560, %parallel_loop3A_561], %parallel_loop3A_553 {strides = array<i32>} : memref<4x8x8x128xf32, #tpu.memory_space<vmem>>, vector<16xf32>,
        %parallel_loop3A_563 = arith.constant 26 : i32
        %parallel_loop3A_564 = arith.constant 0 : i32
        %parallel_loop3A_565 = tpu.memref_slice %arg5[%parallel_loop3A_563, %parallel_loop3A_564] : memref<32x1024xf32, #tpu.memory_space<vmem>> -> memref<1x1024xf32, #tpu.memory_space<vmem>>
        %parallel_loop3A_566 = tpu.memref_squeeze %parallel_loop3A_565 : memref<1x1024xf32, #tpu.memory_space<vmem>> -> memref<1024xf32, #tpu.memory_space<vmem>>
        %parallel_loop3A_567 = tpu.vector_load_idx %parallel_loop3A_566[%parallel_loop3A_198] : memref<1024xf32, #tpu.memory_space<vmem>>[vector<16xi32>], vector<16xf32>,
        %parallel_loop3A_568 = arith.constant 16 : i32
        %parallel_loop3A_569 = arith.muli %parallel_loop3A_194, %parallel_loop3A_568 : i32
        %parallel_loop3A_570 = arith.constant 3 : i32
        %parallel_loop3A_571 = arith.constant 2 : i32
        %parallel_loop3A_572 = arith.index_cast %parallel_loop3A_570 : i32 to index
        %parallel_loop3A_573 = arith.index_cast %parallel_loop3A_191 : i32 to index
        %parallel_loop3A_574 = arith.index_cast %parallel_loop3A_571 : i32 to index
        %parallel_loop3A_575 = arith.index_cast %parallel_loop3A_569 : i32 to index
        %parallel_loop3A_576 = tpu.vector_load %arg8[%parallel_loop3A_572, %parallel_loop3A_573, %parallel_loop3A_574, %parallel_loop3A_575] {strides = array<i32>} : memref<4x8x8x128xf32, #tpu.memory_space<vmem>>, vector<16xf32>,
        tpu.vector_store %arg8[%parallel_loop3A_572, %parallel_loop3A_573, %parallel_loop3A_574, %parallel_loop3A_575], %parallel_loop3A_567 {strides = array<i32>} : memref<4x8x8x128xf32, #tpu.memory_space<vmem>>, vector<16xf32>,
        %parallel_loop3A_577 = arith.constant 27 : i32
        %parallel_loop3A_578 = arith.constant 0 : i32
        %parallel_loop3A_579 = tpu.memref_slice %arg5[%parallel_loop3A_577, %parallel_loop3A_578] : memref<32x1024xf32, #tpu.memory_space<vmem>> -> memref<1x1024xf32, #tpu.memory_space<vmem>>
        %parallel_loop3A_580 = tpu.memref_squeeze %parallel_loop3A_579 : memref<1x1024xf32, #tpu.memory_space<vmem>> -> memref<1024xf32, #tpu.memory_space<vmem>>
        %parallel_loop3A_581 = tpu.vector_load_idx %parallel_loop3A_580[%parallel_loop3A_198] : memref<1024xf32, #tpu.memory_space<vmem>>[vector<16xi32>], vector<16xf32>,
        %parallel_loop3A_582 = arith.constant 16 : i32
        %parallel_loop3A_583 = arith.muli %parallel_loop3A_194, %parallel_loop3A_582 : i32
        %parallel_loop3A_584 = arith.constant 3 : i32
        %parallel_loop3A_585 = arith.constant 3 : i32
        %parallel_loop3A_586 = arith.index_cast %parallel_loop3A_584 : i32 to index
        %parallel_loop3A_587 = arith.index_cast %parallel_loop3A_191 : i32 to index
        %parallel_loop3A_588 = arith.index_cast %parallel_loop3A_585 : i32 to index
        %parallel_loop3A_589 = arith.index_cast %parallel_loop3A_583 : i32 to index
        %parallel_loop3A_590 = tpu.vector_load %arg8[%parallel_loop3A_586, %parallel_loop3A_587, %parallel_loop3A_588, %parallel_loop3A_589] {strides = array<i32>} : memref<4x8x8x128xf32, #tpu.memory_space<vmem>>, vector<16xf32>,
        tpu.vector_store %arg8[%parallel_loop3A_586, %parallel_loop3A_587, %parallel_loop3A_588, %parallel_loop3A_589], %parallel_loop3A_581 {strides = array<i32>} : memref<4x8x8x128xf32, #tpu.memory_space<vmem>>, vector<16xf32>,
        %parallel_loop3A_591 = arith.constant 28 : i32
        %parallel_loop3A_592 = arith.constant 0 : i32
        %parallel_loop3A_593 = tpu.memref_slice %arg5[%parallel_loop3A_591, %parallel_loop3A_592] : memref<32x1024xf32, #tpu.memory_space<vmem>> -> memref<1x1024xf32, #tpu.memory_space<vmem>>
        %parallel_loop3A_594 = tpu.memref_squeeze %parallel_loop3A_593 : memref<1x1024xf32, #tpu.memory_space<vmem>> -> memref<1024xf32, #tpu.memory_space<vmem>>
        %parallel_loop3A_595 = tpu.vector_load_idx %parallel_loop3A_594[%parallel_loop3A_198] : memref<1024xf32, #tpu.memory_space<vmem>>[vector<16xi32>], vector<16xf32>,
        %parallel_loop3A_596 = arith.constant 16 : i32
        %parallel_loop3A_597 = arith.muli %parallel_loop3A_194, %parallel_loop3A_596 : i32
        %parallel_loop3A_598 = arith.constant 3 : i32
        %parallel_loop3A_599 = arith.constant 4 : i32
        %parallel_loop3A_600 = arith.index_cast %parallel_loop3A_598 : i32 to index
        %parallel_loop3A_601 = arith.index_cast %parallel_loop3A_191 : i32 to index
        %parallel_loop3A_602 = arith.index_cast %parallel_loop3A_599 : i32 to index
        %parallel_loop3A_603 = arith.index_cast %parallel_loop3A_597 : i32 to index
        %parallel_loop3A_604 = tpu.vector_load %arg8[%parallel_loop3A_600, %parallel_loop3A_601, %parallel_loop3A_602, %parallel_loop3A_603] {strides = array<i32>} : memref<4x8x8x128xf32, #tpu.memory_space<vmem>>, vector<16xf32>,
        tpu.vector_store %arg8[%parallel_loop3A_600, %parallel_loop3A_601, %parallel_loop3A_602, %parallel_loop3A_603], %parallel_loop3A_595 {strides = array<i32>} : memref<4x8x8x128xf32, #tpu.memory_space<vmem>>, vector<16xf32>,
        %parallel_loop3A_605 = arith.constant 29 : i32
        %parallel_loop3A_606 = arith.constant 0 : i32
        %parallel_loop3A_607 = tpu.memref_slice %arg5[%parallel_loop3A_605, %parallel_loop3A_606] : memref<32x1024xf32, #tpu.memory_space<vmem>> -> memref<1x1024xf32, #tpu.memory_space<vmem>>
        %parallel_loop3A_608 = tpu.memref_squeeze %parallel_loop3A_607 : memref<1x1024xf32, #tpu.memory_space<vmem>> -> memref<1024xf32, #tpu.memory_space<vmem>>
        %parallel_loop3A_609 = tpu.vector_load_idx %parallel_loop3A_608[%parallel_loop3A_198] : memref<1024xf32, #tpu.memory_space<vmem>>[vector<16xi32>], vector<16xf32>,
        %parallel_loop3A_610 = arith.constant 16 : i32
        %parallel_loop3A_611 = arith.muli %parallel_loop3A_194, %parallel_loop3A_610 : i32
        %parallel_loop3A_612 = arith.constant 3 : i32
        %parallel_loop3A_613 = arith.constant 5 : i32
        %parallel_loop3A_614 = arith.index_cast %parallel_loop3A_612 : i32 to index
        %parallel_loop3A_615 = arith.index_cast %parallel_loop3A_191 : i32 to index
        %parallel_loop3A_616 = arith.index_cast %parallel_loop3A_613 : i32 to index
        %parallel_loop3A_617 = arith.index_cast %parallel_loop3A_611 : i32 to index
        %parallel_loop3A_618 = tpu.vector_load %arg8[%parallel_loop3A_614, %parallel_loop3A_615, %parallel_loop3A_616, %parallel_loop3A_617] {strides = array<i32>} : memref<4x8x8x128xf32, #tpu.memory_space<vmem>>, vector<16xf32>,
        tpu.vector_store %arg8[%parallel_loop3A_614, %parallel_loop3A_615, %parallel_loop3A_616, %parallel_loop3A_617], %parallel_loop3A_609 {strides = array<i32>} : memref<4x8x8x128xf32, #tpu.memory_space<vmem>>, vector<16xf32>,
        %parallel_loop3A_619 = arith.constant 30 : i32
        %parallel_loop3A_620 = arith.constant 0 : i32
        %parallel_loop3A_621 = tpu.memref_slice %arg5[%parallel_loop3A_619, %parallel_loop3A_620] : memref<32x1024xf32, #tpu.memory_space<vmem>> -> memref<1x1024xf32, #tpu.memory_space<vmem>>
        %parallel_loop3A_622 = tpu.memref_squeeze %parallel_loop3A_621 : memref<1x1024xf32, #tpu.memory_space<vmem>> -> memref<1024xf32, #tpu.memory_space<vmem>>
        %parallel_loop3A_623 = tpu.vector_load_idx %parallel_loop3A_622[%parallel_loop3A_198] : memref<1024xf32, #tpu.memory_space<vmem>>[vector<16xi32>], vector<16xf32>,
        %parallel_loop3A_624 = arith.constant 16 : i32
        %parallel_loop3A_625 = arith.muli %parallel_loop3A_194, %parallel_loop3A_624 : i32
        %parallel_loop3A_626 = arith.constant 3 : i32
        %parallel_loop3A_627 = arith.constant 6 : i32
        %parallel_loop3A_628 = arith.index_cast %parallel_loop3A_626 : i32 to index
        %parallel_loop3A_629 = arith.index_cast %parallel_loop3A_191 : i32 to index
        %parallel_loop3A_630 = arith.index_cast %parallel_loop3A_627 : i32 to index
        %parallel_loop3A_631 = arith.index_cast %parallel_loop3A_625 : i32 to index
        %parallel_loop3A_632 = tpu.vector_load %arg8[%parallel_loop3A_628, %parallel_loop3A_629, %parallel_loop3A_630, %parallel_loop3A_631] {strides = array<i32>} : memref<4x8x8x128xf32, #tpu.memory_space<vmem>>, vector<16xf32>,
        tpu.vector_store %arg8[%parallel_loop3A_628, %parallel_loop3A_629, %parallel_loop3A_630, %parallel_loop3A_631], %parallel_loop3A_623 {strides = array<i32>} : memref<4x8x8x128xf32, #tpu.memory_space<vmem>>, vector<16xf32>,
        %parallel_loop3A_633 = arith.constant 31 : i32
        %parallel_loop3A_634 = arith.constant 0 : i32
        %parallel_loop3A_635 = tpu.memref_slice %arg5[%parallel_loop3A_633, %parallel_loop3A_634] : memref<32x1024xf32, #tpu.memory_space<vmem>> -> memref<1x1024xf32, #tpu.memory_space<vmem>>
        %parallel_loop3A_636 = tpu.memref_squeeze %parallel_loop3A_635 : memref<1x1024xf32, #tpu.memory_space<vmem>> -> memref<1024xf32, #tpu.memory_space<vmem>>
        %parallel_loop3A_637 = tpu.vector_load_idx %parallel_loop3A_636[%parallel_loop3A_198] : memref<1024xf32, #tpu.memory_space<vmem>>[vector<16xi32>], vector<16xf32>,
        %parallel_loop3A_638 = arith.constant 16 : i32
        %parallel_loop3A_639 = arith.muli %parallel_loop3A_194, %parallel_loop3A_638 : i32
        %parallel_loop3A_640 = arith.constant 3 : i32
        %parallel_loop3A_641 = arith.constant 7 : i32
        %parallel_loop3A_642 = arith.index_cast %parallel_loop3A_640 : i32 to index
        %parallel_loop3A_643 = arith.index_cast %parallel_loop3A_191 : i32 to index
        %parallel_loop3A_644 = arith.index_cast %parallel_loop3A_641 : i32 to index
        %parallel_loop3A_645 = arith.index_cast %parallel_loop3A_639 : i32 to index
        %parallel_loop3A_646 = tpu.vector_load %arg8[%parallel_loop3A_642, %parallel_loop3A_643, %parallel_loop3A_644, %parallel_loop3A_645] {strides = array<i32>} : memref<4x8x8x128xf32, #tpu.memory_space<vmem>>, vector<16xf32>,
        tpu.vector_store %arg8[%parallel_loop3A_642, %parallel_loop3A_643, %parallel_loop3A_644, %parallel_loop3A_645], %parallel_loop3A_637 {strides = array<i32>} : memref<4x8x8x128xf32, #tpu.memory_space<vmem>>, vector<16xf32>,
      } {sc.loop_unroll_factor = 8 : i64, sc.parallel_access}
      %dma_start3A_124 = arith.constant 0 : i32
      %dma_start3A_125 = arith.constant 0 : i32
      %dma_start3A_126 = arith.constant 0 : i32
      %dma_start3A_127 = tpu.memref_slice %arg4[%mul3A_88, %min3A_3, %dma_start3A_124, %dma_start3A_125, %dma_start3A_126] : memref<50x125x8x8x128xf32, #tpu.memory_space<hbm>> -> memref<1x4x8x8x128xf32, #tpu.memory_space<hbm>>
      %dma_start3A_128 = tpu.memref_squeeze %dma_start3A_127 : memref<1x4x8x8x128xf32, #tpu.memory_space<hbm>> -> memref<4x8x8x128xf32, #tpu.memory_space<hbm>>
      %dma_start3A_129 = arith.constant 0 : i32
      %dma_start3A_130 = arith.constant 0 : i32
      %dma_start3A_131 = arith.constant 0 : i32
      %dma_start3A_132 = tpu.memref_slice %arg4[%mul3A_88, %min3A_3, %dma_start3A_129, %dma_start3A_130, %dma_start3A_131] : memref<50x125x8x8x128xf32, #tpu.memory_space<hbm>> -> memref<1x4x8x8x128xf32, #tpu.memory_space<hbm>>
      %dma_start3A_133 = tpu.memref_squeeze %dma_start3A_132 : memref<1x4x8x8x128xf32, #tpu.memory_space<hbm>> -> memref<4x8x8x128xf32, #tpu.memory_space<hbm>>
      tpu.enqueue_dma source(%arg8 : memref<4x8x8x128xf32, #tpu.memory_space<vmem>>) target(%dma_start3A_133 : memref<4x8x8x128xf32, #tpu.memory_space<hbm>>) target_semaphore(%arg10 : memref<!tpu.dma_semaphore, #tpu.memory_space<semaphore_mem>>)
      %dma_wait3A_134 = arith.constant 0 : i32
      %dma_wait3A_135 = arith.constant 0 : i32
      %dma_wait3A_136 = arith.constant 0 : i32
      %dma_wait3A_137 = arith.constant 0 : i32
      %dma_wait3A_138 = tpu.memref_slice %arg4[%dma_wait3A_134, %min3A_3, %dma_wait3A_135, %dma_wait3A_136, %dma_wait3A_137] : memref<50x125x8x8x128xf32, #tpu.memory_space<hbm>> -> memref<1x4x8x8x128xf32, #tpu.memory_space<hbm>>
      %dma_wait3A_139 = tpu.memref_squeeze %dma_wait3A_138 : memref<1x4x8x8x128xf32, #tpu.memory_space<hbm>> -> memref<4x8x8x128xf32, #tpu.memory_space<hbm>>
      %dma_wait3A_140 = arith.constant 0 : i32
      %dma_wait3A_141 = arith.constant 0 : i32
      %dma_wait3A_142 = arith.constant 0 : i32
      %dma_wait3A_143 = tpu.memref_slice %arg4[%dma_wait3A_134, %min3A_3, %dma_wait3A_140, %dma_wait3A_141, %dma_wait3A_142] : memref<50x125x8x8x128xf32, #tpu.memory_space<hbm>> -> memref<1x4x8x8x128xf32, #tpu.memory_space<hbm>>
      %dma_wait3A_144 = tpu.memref_squeeze %dma_wait3A_143 : memref<1x4x8x8x128xf32, #tpu.memory_space<hbm>> -> memref<4x8x8x128xf32, #tpu.memory_space<hbm>>
      tpu.wait_dma2 semaphore(%arg11 : memref<!tpu.dma_semaphore, #tpu.memory_space<semaphore_mem>>) src(%arg9 : memref<4x8x8x128xf32, #tpu.memory_space<vmem>>) dst(%dma_wait3A_144 : memref<4x8x8x128xf32, #tpu.memory_space<hbm>>)
      %dma_wait3A_145 = arith.constant 0 : i32
      %dma_wait3A_146 = arith.constant 0 : i32
      %dma_wait3A_147 = tpu.memref_slice %arg3[%dma_wait3A_145, %dma_wait3A_146] : memref<50x1024xi32, #tpu.memory_space<hbm>> -> memref<1x1024xi32, #tpu.memory_space<hbm>>
      %dma_wait3A_148 = tpu.memref_squeeze %dma_wait3A_147 : memref<1x1024xi32, #tpu.memory_space<hbm>> -> memref<1024xi32, #tpu.memory_space<hbm>>
      %dma_wait3A_149 = arith.constant 0 : i32
      %dma_wait3A_150 = tpu.memref_slice %arg3[%dma_wait3A_145, %dma_wait3A_149] : memref<50x1024xi32, #tpu.memory_space<hbm>> -> memref<1x1024xi32, #tpu.memory_space<hbm>>
      %dma_wait3A_151 = tpu.memref_squeeze %dma_wait3A_150 : memref<1x1024xi32, #tpu.memory_space<hbm>> -> memref<1024xi32, #tpu.memory_space<hbm>>
      tpu.wait_dma2 semaphore(%arg13 : memref<!tpu.dma_semaphore, #tpu.memory_space<semaphore_mem>>) src(%dma_wait3A_151 : memref<1024xi32, #tpu.memory_space<hbm>>) dst(%arg7 : memref<1024xi32, #tpu.memory_space<vmem>>)
      %parallel_loop3A_152 = arith.constant 0 : i32
      %parallel_loop3A_153 = arith.constant 64 : i32
      %parallel_loop3A_154 = arith.constant 1 : i32
      scf.for %parallel_loop3A_167 = %parallel_loop3A_152 to %parallel_loop3A_153 step %parallel_loop3A_154  : i32 {
        %parallel_loop3A_168 = arith.constant 8 : i32
        %parallel_loop3A_169 = arith.divsi %parallel_loop3A_167, %parallel_loop3A_168 : i32
        %parallel_loop3A_170 = arith.constant 0 : i32
        %parallel_loop3A_171 = arith.cmpi sgt, %parallel_loop3A_167, %parallel_loop3A_170 : i32
        %parallel_loop3A_172 = arith.extui %parallel_loop3A_171 : i1 to i32
        %parallel_loop3A_173 = arith.constant 0 : i32
        %parallel_loop3A_174 = arith.cmpi slt, %parallel_loop3A_167, %parallel_loop3A_173 : i32
        %parallel_loop3A_175 = arith.extui %parallel_loop3A_174 : i1 to i32
        %parallel_loop3A_176 = arith.subi %parallel_loop3A_172, %parallel_loop3A_175 : i32
        %parallel_loop3A_177 = arith.constant 0 : i32
        %parallel_loop3A_178 = arith.cmpi sgt, %parallel_loop3A_168, %parallel_loop3A_177 : i32
        %parallel_loop3A_179 = arith.extui %parallel_loop3A_178 : i1 to i32
        %parallel_loop3A_180 = arith.constant 0 : i32
        %parallel_loop3A_181 = arith.cmpi slt, %parallel_loop3A_168, %parallel_loop3A_180 : i32
        %parallel_loop3A_182 = arith.extui %parallel_loop3A_181 : i1 to i32
        %parallel_loop3A_183 = arith.subi %parallel_loop3A_179, %parallel_loop3A_182 : i32
        %parallel_loop3A_184 = arith.cmpi ne, %parallel_loop3A_176, %parallel_loop3A_183 : i32
        %parallel_loop3A_185 = arith.remsi %parallel_loop3A_167, %parallel_loop3A_168 : i32
        %parallel_loop3A_186 = arith.constant 0 : i32
        %parallel_loop3A_187 = arith.cmpi ne, %parallel_loop3A_185, %parallel_loop3A_186 : i32
        %parallel_loop3A_188 = arith.andi %parallel_loop3A_184, %parallel_loop3A_187 : i1
        %parallel_loop3A_189 = arith.constant 1 : i32
        %parallel_loop3A_190 = arith.subi %parallel_loop3A_169, %parallel_loop3A_189 : i32
        %parallel_loop3A_191 = arith.select %parallel_loop3A_188, %parallel_loop3A_190, %parallel_loop3A_169 : i32
        %parallel_loop3A_192 = arith.constant 8 : i32
        %parallel_loop3A_193 = arith.muli %parallel_loop3A_192, %parallel_loop3A_191 : i32
        %parallel_loop3A_194 = arith.subi %parallel_loop3A_167, %parallel_loop3A_193 : i32
        %parallel_loop3A_195 = arith.constant 16 : i32
        %parallel_loop3A_196 = arith.muli %parallel_loop3A_167, %parallel_loop3A_195 : i32
        %parallel_loop3A_197 = arith.index_cast %parallel_loop3A_196 : i32 to index
        %parallel_loop3A_198 = tpu.vector_load %arg7[%parallel_loop3A_197] {strides = array<i32>} : memref<1024xi32, #tpu.memory_space<vmem>>, vector<16xi32>,
        %parallel_loop3A_199 = arith.constant 0 : i32
        %parallel_loop3A_200 = arith.constant 0 : i32
        %parallel_loop3A_201 = tpu.memref_slice %arg5[%parallel_loop3A_199, %parallel_loop3A_200] : memref<32x1024xf32, #tpu.memory_space<vmem>> -> memref<1x1024xf32, #tpu.memory_space<vmem>>
        %parallel_loop3A_202 = tpu.memref_squeeze %parallel_loop3A_201 : memref<1x1024xf32, #tpu.memory_space<vmem>> -> memref<1024xf32, #tpu.memory_space<vmem>>
        %parallel_loop3A_203 = tpu.vector_load_idx %parallel_loop3A_202[%parallel_loop3A_198] : memref<1024xf32, #tpu.memory_space<vmem>>[vector<16xi32>], vector<16xf32>,
        %parallel_loop3A_204 = arith.constant 16 : i32
        %parallel_loop3A_205 = arith.muli %parallel_loop3A_194, %parallel_loop3A_204 : i32
        %parallel_loop3A_206 = arith.constant 0 : i32
        %parallel_loop3A_207 = arith.constant 0 : i32
        %parallel_loop3A_208 = arith.index_cast %parallel_loop3A_206 : i32 to index
        %parallel_loop3A_209 = arith.index_cast %parallel_loop3A_191 : i32 to index
        %parallel_loop3A_210 = arith.index_cast %parallel_loop3A_207 : i32 to index
        %parallel_loop3A_211 = arith.index_cast %parallel_loop3A_205 : i32 to index
        %parallel_loop3A_212 = tpu.vector_load %arg9[%parallel_loop3A_208, %parallel_loop3A_209, %parallel_loop3A_210, %parallel_loop3A_211] {strides = array<i32>} : memref<4x8x8x128xf32, #tpu.memory_space<vmem>>, vector<16xf32>,
        tpu.vector_store %arg9[%parallel_loop3A_208, %parallel_loop3A_209, %parallel_loop3A_210, %parallel_loop3A_211], %parallel_loop3A_203 {strides = array<i32>} : memref<4x8x8x128xf32, #tpu.memory_space<vmem>>, vector<16xf32>,
        %parallel_loop3A_213 = arith.constant 1 : i32
        %parallel_loop3A_214 = arith.constant 0 : i32
        %parallel_loop3A_215 = tpu.memref_slice %arg5[%parallel_loop3A_213, %parallel_loop3A_214] : memref<32x1024xf32, #tpu.memory_space<vmem>> -> memref<1x1024xf32, #tpu.memory_space<vmem>>
        %parallel_loop3A_216 = tpu.memref_squeeze %parallel_loop3A_215 : memref<1x1024xf32, #tpu.memory_space<vmem>> -> memref<1024xf32, #tpu.memory_space<vmem>>
        %parallel_loop3A_217 = tpu.vector_load_idx %parallel_loop3A_216[%parallel_loop3A_198] : memref<1024xf32, #tpu.memory_space<vmem>>[vector<16xi32>], vector<16xf32>,
        %parallel_loop3A_218 = arith.constant 16 : i32
        %parallel_loop3A_219 = arith.muli %parallel_loop3A_194, %parallel_loop3A_218 : i32
        %parallel_loop3A_220 = arith.constant 0 : i32
        %parallel_loop3A_221 = arith.constant 1 : i32
        %parallel_loop3A_222 = arith.index_cast %parallel_loop3A_220 : i32 to index
        %parallel_loop3A_223 = arith.index_cast %parallel_loop3A_191 : i32 to index
        %parallel_loop3A_224 = arith.index_cast %parallel_loop3A_221 : i32 to index
        %parallel_loop3A_225 = arith.index_cast %parallel_loop3A_219 : i32 to index
        %parallel_loop3A_226 = tpu.vector_load %arg9[%parallel_loop3A_222, %parallel_loop3A_223, %parallel_loop3A_224, %parallel_loop3A_225] {strides = array<i32>} : memref<4x8x8x128xf32, #tpu.memory_space<vmem>>, vector<16xf32>,
        tpu.vector_store %arg9[%parallel_loop3A_222, %parallel_loop3A_223, %parallel_loop3A_224, %parallel_loop3A_225], %parallel_loop3A_217 {strides = array<i32>} : memref<4x8x8x128xf32, #tpu.memory_space<vmem>>, vector<16xf32>,
        %parallel_loop3A_227 = arith.constant 2 : i32
        %parallel_loop3A_228 = arith.constant 0 : i32
        %parallel_loop3A_229 = tpu.memref_slice %arg5[%parallel_loop3A_227, %parallel_loop3A_228] : memref<32x1024xf32, #tpu.memory_space<vmem>> -> memref<1x1024xf32, #tpu.memory_space<vmem>>
        %parallel_loop3A_230 = tpu.memref_squeeze %parallel_loop3A_229 : memref<1x1024xf32, #tpu.memory_space<vmem>> -> memref<1024xf32, #tpu.memory_space<vmem>>
        %parallel_loop3A_231 = tpu.vector_load_idx %parallel_loop3A_230[%parallel_loop3A_198] : memref<1024xf32, #tpu.memory_space<vmem>>[vector<16xi32>], vector<16xf32>,
        %parallel_loop3A_232 = arith.constant 16 : i32
        %parallel_loop3A_233 = arith.muli %parallel_loop3A_194, %parallel_loop3A_232 : i32
        %parallel_loop3A_234 = arith.constant 0 : i32
        %parallel_loop3A_235 = arith.constant 2 : i32
        %parallel_loop3A_236 = arith.index_cast %parallel_loop3A_234 : i32 to index
        %parallel_loop3A_237 = arith.index_cast %parallel_loop3A_191 : i32 to index
        %parallel_loop3A_238 = arith.index_cast %parallel_loop3A_235 : i32 to index
        %parallel_loop3A_239 = arith.index_cast %parallel_loop3A_233 : i32 to index
        %parallel_loop3A_240 = tpu.vector_load %arg9[%parallel_loop3A_236, %parallel_loop3A_237, %parallel_loop3A_238, %parallel_loop3A_239] {strides = array<i32>} : memref<4x8x8x128xf32, #tpu.memory_space<vmem>>, vector<16xf32>,
        tpu.vector_store %arg9[%parallel_loop3A_236, %parallel_loop3A_237, %parallel_loop3A_238, %parallel_loop3A_239], %parallel_loop3A_231 {strides = array<i32>} : memref<4x8x8x128xf32, #tpu.memory_space<vmem>>, vector<16xf32>,
        %parallel_loop3A_241 = arith.constant 3 : i32
        %parallel_loop3A_242 = arith.constant 0 : i32
        %parallel_loop3A_243 = tpu.memref_slice %arg5[%parallel_loop3A_241, %parallel_loop3A_242] : memref<32x1024xf32, #tpu.memory_space<vmem>> -> memref<1x1024xf32, #tpu.memory_space<vmem>>
        %parallel_loop3A_244 = tpu.memref_squeeze %parallel_loop3A_243 : memref<1x1024xf32, #tpu.memory_space<vmem>> -> memref<1024xf32, #tpu.memory_space<vmem>>
        %parallel_loop3A_245 = tpu.vector_load_idx %parallel_loop3A_244[%parallel_loop3A_198] : memref<1024xf32, #tpu.memory_space<vmem>>[vector<16xi32>], vector<16xf32>,
        %parallel_loop3A_246 = arith.constant 16 : i32
        %parallel_loop3A_247 = arith.muli %parallel_loop3A_194, %parallel_loop3A_246 : i32
        %parallel_loop3A_248 = arith.constant 0 : i32
        %parallel_loop3A_249 = arith.constant 3 : i32
        %parallel_loop3A_250 = arith.index_cast %parallel_loop3A_248 : i32 to index
        %parallel_loop3A_251 = arith.index_cast %parallel_loop3A_191 : i32 to index
        %parallel_loop3A_252 = arith.index_cast %parallel_loop3A_249 : i32 to index
        %parallel_loop3A_253 = arith.index_cast %parallel_loop3A_247 : i32 to index
        %parallel_loop3A_254 = tpu.vector_load %arg9[%parallel_loop3A_250, %parallel_loop3A_251, %parallel_loop3A_252, %parallel_loop3A_253] {strides = array<i32>} : memref<4x8x8x128xf32, #tpu.memory_space<vmem>>, vector<16xf32>,
        tpu.vector_store %arg9[%parallel_loop3A_250, %parallel_loop3A_251, %parallel_loop3A_252, %parallel_loop3A_253], %parallel_loop3A_245 {strides = array<i32>} : memref<4x8x8x128xf32, #tpu.memory_space<vmem>>, vector<16xf32>,
        %parallel_loop3A_255 = arith.constant 4 : i32
        %parallel_loop3A_256 = arith.constant 0 : i32
        %parallel_loop3A_257 = tpu.memref_slice %arg5[%parallel_loop3A_255, %parallel_loop3A_256] : memref<32x1024xf32, #tpu.memory_space<vmem>> -> memref<1x1024xf32, #tpu.memory_space<vmem>>
        %parallel_loop3A_258 = tpu.memref_squeeze %parallel_loop3A_257 : memref<1x1024xf32, #tpu.memory_space<vmem>> -> memref<1024xf32, #tpu.memory_space<vmem>>
        %parallel_loop3A_259 = tpu.vector_load_idx %parallel_loop3A_258[%parallel_loop3A_198] : memref<1024xf32, #tpu.memory_space<vmem>>[vector<16xi32>], vector<16xf32>,
        %parallel_loop3A_260 = arith.constant 16 : i32
        %parallel_loop3A_261 = arith.muli %parallel_loop3A_194, %parallel_loop3A_260 : i32
        %parallel_loop3A_262 = arith.constant 0 : i32
        %parallel_loop3A_263 = arith.constant 4 : i32
        %parallel_loop3A_264 = arith.index_cast %parallel_loop3A_262 : i32 to index
        %parallel_loop3A_265 = arith.index_cast %parallel_loop3A_191 : i32 to index
        %parallel_loop3A_266 = arith.index_cast %parallel_loop3A_263 : i32 to index
        %parallel_loop3A_267 = arith.index_cast %parallel_loop3A_261 : i32 to index
        %parallel_loop3A_268 = tpu.vector_load %arg9[%parallel_loop3A_264, %parallel_loop3A_265, %parallel_loop3A_266, %parallel_loop3A_267] {strides = array<i32>} : memref<4x8x8x128xf32, #tpu.memory_space<vmem>>, vector<16xf32>,
        tpu.vector_store %arg9[%parallel_loop3A_264, %parallel_loop3A_265, %parallel_loop3A_266, %parallel_loop3A_267], %parallel_loop3A_259 {strides = array<i32>} : memref<4x8x8x128xf32, #tpu.memory_space<vmem>>, vector<16xf32>,
        %parallel_loop3A_269 = arith.constant 5 : i32
        %parallel_loop3A_270 = arith.constant 0 : i32
        %parallel_loop3A_271 = tpu.memref_slice %arg5[%parallel_loop3A_269, %parallel_loop3A_270] : memref<32x1024xf32, #tpu.memory_space<vmem>> -> memref<1x1024xf32, #tpu.memory_space<vmem>>
        %parallel_loop3A_272 = tpu.memref_squeeze %parallel_loop3A_271 : memref<1x1024xf32, #tpu.memory_space<vmem>> -> memref<1024xf32, #tpu.memory_space<vmem>>
        %parallel_loop3A_273 = tpu.vector_load_idx %parallel_loop3A_272[%parallel_loop3A_198] : memref<1024xf32, #tpu.memory_space<vmem>>[vector<16xi32>], vector<16xf32>,
        %parallel_loop3A_274 = arith.constant 16 : i32
        %parallel_loop3A_275 = arith.muli %parallel_loop3A_194, %parallel_loop3A_274 : i32
        %parallel_loop3A_276 = arith.constant 0 : i32
        %parallel_loop3A_277 = arith.constant 5 : i32
        %parallel_loop3A_278 = arith.index_cast %parallel_loop3A_276 : i32 to index
        %parallel_loop3A_279 = arith.index_cast %parallel_loop3A_191 : i32 to index
        %parallel_loop3A_280 = arith.index_cast %parallel_loop3A_277 : i32 to index
        %parallel_loop3A_281 = arith.index_cast %parallel_loop3A_275 : i32 to index
        %parallel_loop3A_282 = tpu.vector_load %arg9[%parallel_loop3A_278, %parallel_loop3A_279, %parallel_loop3A_280, %parallel_loop3A_281] {strides = array<i32>} : memref<4x8x8x128xf32, #tpu.memory_space<vmem>>, vector<16xf32>,
        tpu.vector_store %arg9[%parallel_loop3A_278, %parallel_loop3A_279, %parallel_loop3A_280, %parallel_loop3A_281], %parallel_loop3A_273 {strides = array<i32>} : memref<4x8x8x128xf32, #tpu.memory_space<vmem>>, vector<16xf32>,
        %parallel_loop3A_283 = arith.constant 6 : i32
        %parallel_loop3A_284 = arith.constant 0 : i32
        %parallel_loop3A_285 = tpu.memref_slice %arg5[%parallel_loop3A_283, %parallel_loop3A_284] : memref<32x1024xf32, #tpu.memory_space<vmem>> -> memref<1x1024xf32, #tpu.memory_space<vmem>>
        %parallel_loop3A_286 = tpu.memref_squeeze %parallel_loop3A_285 : memref<1x1024xf32, #tpu.memory_space<vmem>> -> memref<1024xf32, #tpu.memory_space<vmem>>
        %parallel_loop3A_287 = tpu.vector_load_idx %parallel_loop3A_286[%parallel_loop3A_198] : memref<1024xf32, #tpu.memory_space<vmem>>[vector<16xi32>], vector<16xf32>,
        %parallel_loop3A_288 = arith.constant 16 : i32
        %parallel_loop3A_289 = arith.muli %parallel_loop3A_194, %parallel_loop3A_288 : i32
        %parallel_loop3A_290 = arith.constant 0 : i32
        %parallel_loop3A_291 = arith.constant 6 : i32
        %parallel_loop3A_292 = arith.index_cast %parallel_loop3A_290 : i32 to index
        %parallel_loop3A_293 = arith.index_cast %parallel_loop3A_191 : i32 to index
        %parallel_loop3A_294 = arith.index_cast %parallel_loop3A_291 : i32 to index
        %parallel_loop3A_295 = arith.index_cast %parallel_loop3A_289 : i32 to index
        %parallel_loop3A_296 = tpu.vector_load %arg9[%parallel_loop3A_292, %parallel_loop3A_293, %parallel_loop3A_294, %parallel_loop3A_295] {strides = array<i32>} : memref<4x8x8x128xf32, #tpu.memory_space<vmem>>, vector<16xf32>,
        tpu.vector_store %arg9[%parallel_loop3A_292, %parallel_loop3A_293, %parallel_loop3A_294, %parallel_loop3A_295], %parallel_loop3A_287 {strides = array<i32>} : memref<4x8x8x128xf32, #tpu.memory_space<vmem>>, vector<16xf32>,
        %parallel_loop3A_297 = arith.constant 7 : i32
        %parallel_loop3A_298 = arith.constant 0 : i32
        %parallel_loop3A_299 = tpu.memref_slice %arg5[%parallel_loop3A_297, %parallel_loop3A_298] : memref<32x1024xf32, #tpu.memory_space<vmem>> -> memref<1x1024xf32, #tpu.memory_space<vmem>>
        %parallel_loop3A_300 = tpu.memref_squeeze %parallel_loop3A_299 : memref<1x1024xf32, #tpu.memory_space<vmem>> -> memref<1024xf32, #tpu.memory_space<vmem>>
        %parallel_loop3A_301 = tpu.vector_load_idx %parallel_loop3A_300[%parallel_loop3A_198] : memref<1024xf32, #tpu.memory_space<vmem>>[vector<16xi32>], vector<16xf32>,
        %parallel_loop3A_302 = arith.constant 16 : i32
        %parallel_loop3A_303 = arith.muli %parallel_loop3A_194, %parallel_loop3A_302 : i32
        %parallel_loop3A_304 = arith.constant 0 : i32
        %parallel_loop3A_305 = arith.constant 7 : i32
        %parallel_loop3A_306 = arith.index_cast %parallel_loop3A_304 : i32 to index
        %parallel_loop3A_307 = arith.index_cast %parallel_loop3A_191 : i32 to index
        %parallel_loop3A_308 = arith.index_cast %parallel_loop3A_305 : i32 to index
        %parallel_loop3A_309 = arith.index_cast %parallel_loop3A_303 : i32 to index
        %parallel_loop3A_310 = tpu.vector_load %arg9[%parallel_loop3A_306, %parallel_loop3A_307, %parallel_loop3A_308, %parallel_loop3A_309] {strides = array<i32>} : memref<4x8x8x128xf32, #tpu.memory_space<vmem>>, vector<16xf32>,
        tpu.vector_store %arg9[%parallel_loop3A_306, %parallel_loop3A_307, %parallel_loop3A_308, %parallel_loop3A_309], %parallel_loop3A_301 {strides = array<i32>} : memref<4x8x8x128xf32, #tpu.memory_space<vmem>>, vector<16xf32>,
        %parallel_loop3A_311 = arith.constant 8 : i32
        %parallel_loop3A_312 = arith.constant 0 : i32
        %parallel_loop3A_313 = tpu.memref_slice %arg5[%parallel_loop3A_311, %parallel_loop3A_312] : memref<32x1024xf32, #tpu.memory_space<vmem>> -> memref<1x1024xf32, #tpu.memory_space<vmem>>
        %parallel_loop3A_314 = tpu.memref_squeeze %parallel_loop3A_313 : memref<1x1024xf32, #tpu.memory_space<vmem>> -> memref<1024xf32, #tpu.memory_space<vmem>>
        %parallel_loop3A_315 = tpu.vector_load_idx %parallel_loop3A_314[%parallel_loop3A_198] : memref<1024xf32, #tpu.memory_space<vmem>>[vector<16xi32>], vector<16xf32>,
        %parallel_loop3A_316 = arith.constant 16 : i32
        %parallel_loop3A_317 = arith.muli %parallel_loop3A_194, %parallel_loop3A_316 : i32
        %parallel_loop3A_318 = arith.constant 1 : i32
        %parallel_loop3A_319 = arith.constant 0 : i32
        %parallel_loop3A_320 = arith.index_cast %parallel_loop3A_318 : i32 to index
        %parallel_loop3A_321 = arith.index_cast %parallel_loop3A_191 : i32 to index
        %parallel_loop3A_322 = arith.index_cast %parallel_loop3A_319 : i32 to index
        %parallel_loop3A_323 = arith.index_cast %parallel_loop3A_317 : i32 to index
        %parallel_loop3A_324 = tpu.vector_load %arg9[%parallel_loop3A_320, %parallel_loop3A_321, %parallel_loop3A_322, %parallel_loop3A_323] {strides = array<i32>} : memref<4x8x8x128xf32, #tpu.memory_space<vmem>>, vector<16xf32>,
        tpu.vector_store %arg9[%parallel_loop3A_320, %parallel_loop3A_321, %parallel_loop3A_322, %parallel_loop3A_323], %parallel_loop3A_315 {strides = array<i32>} : memref<4x8x8x128xf32, #tpu.memory_space<vmem>>, vector<16xf32>,
        %parallel_loop3A_325 = arith.constant 9 : i32
        %parallel_loop3A_326 = arith.constant 0 : i32
        %parallel_loop3A_327 = tpu.memref_slice %arg5[%parallel_loop3A_325, %parallel_loop3A_326] : memref<32x1024xf32, #tpu.memory_space<vmem>> -> memref<1x1024xf32, #tpu.memory_space<vmem>>
        %parallel_loop3A_328 = tpu.memref_squeeze %parallel_loop3A_327 : memref<1x1024xf32, #tpu.memory_space<vmem>> -> memref<1024xf32, #tpu.memory_space<vmem>>
        %parallel_loop3A_329 = tpu.vector_load_idx %parallel_loop3A_328[%parallel_loop3A_198] : memref<1024xf32, #tpu.memory_space<vmem>>[vector<16xi32>], vector<16xf32>,
        %parallel_loop3A_330 = arith.constant 16 : i32
        %parallel_loop3A_331 = arith.muli %parallel_loop3A_194, %parallel_loop3A_330 : i32
        %parallel_loop3A_332 = arith.constant 1 : i32
        %parallel_loop3A_333 = arith.constant 1 : i32
        %parallel_loop3A_334 = arith.index_cast %parallel_loop3A_332 : i32 to index
        %parallel_loop3A_335 = arith.index_cast %parallel_loop3A_191 : i32 to index
        %parallel_loop3A_336 = arith.index_cast %parallel_loop3A_333 : i32 to index
        %parallel_loop3A_337 = arith.index_cast %parallel_loop3A_331 : i32 to index
        %parallel_loop3A_338 = tpu.vector_load %arg9[%parallel_loop3A_334, %parallel_loop3A_335, %parallel_loop3A_336, %parallel_loop3A_337] {strides = array<i32>} : memref<4x8x8x128xf32, #tpu.memory_space<vmem>>, vector<16xf32>,
        tpu.vector_store %arg9[%parallel_loop3A_334, %parallel_loop3A_335, %parallel_loop3A_336, %parallel_loop3A_337], %parallel_loop3A_329 {strides = array<i32>} : memref<4x8x8x128xf32, #tpu.memory_space<vmem>>, vector<16xf32>,
        %parallel_loop3A_339 = arith.constant 10 : i32
        %parallel_loop3A_340 = arith.constant 0 : i32
        %parallel_loop3A_341 = tpu.memref_slice %arg5[%parallel_loop3A_339, %parallel_loop3A_340] : memref<32x1024xf32, #tpu.memory_space<vmem>> -> memref<1x1024xf32, #tpu.memory_space<vmem>>
        %parallel_loop3A_342 = tpu.memref_squeeze %parallel_loop3A_341 : memref<1x1024xf32, #tpu.memory_space<vmem>> -> memref<1024xf32, #tpu.memory_space<vmem>>
        %parallel_loop3A_343 = tpu.vector_load_idx %parallel_loop3A_342[%parallel_loop3A_198] : memref<1024xf32, #tpu.memory_space<vmem>>[vector<16xi32>], vector<16xf32>,
        %parallel_loop3A_344 = arith.constant 16 : i32
        %parallel_loop3A_345 = arith.muli %parallel_loop3A_194, %parallel_loop3A_344 : i32
        %parallel_loop3A_346 = arith.constant 1 : i32
        %parallel_loop3A_347 = arith.constant 2 : i32
        %parallel_loop3A_348 = arith.index_cast %parallel_loop3A_346 : i32 to index
        %parallel_loop3A_349 = arith.index_cast %parallel_loop3A_191 : i32 to index
        %parallel_loop3A_350 = arith.index_cast %parallel_loop3A_347 : i32 to index
        %parallel_loop3A_351 = arith.index_cast %parallel_loop3A_345 : i32 to index
        %parallel_loop3A_352 = tpu.vector_load %arg9[%parallel_loop3A_348, %parallel_loop3A_349, %parallel_loop3A_350, %parallel_loop3A_351] {strides = array<i32>} : memref<4x8x8x128xf32, #tpu.memory_space<vmem>>, vector<16xf32>,
        tpu.vector_store %arg9[%parallel_loop3A_348, %parallel_loop3A_349, %parallel_loop3A_350, %parallel_loop3A_351], %parallel_loop3A_343 {strides = array<i32>} : memref<4x8x8x128xf32, #tpu.memory_space<vmem>>, vector<16xf32>,
        %parallel_loop3A_353 = arith.constant 11 : i32
        %parallel_loop3A_354 = arith.constant 0 : i32
        %parallel_loop3A_355 = tpu.memref_slice %arg5[%parallel_loop3A_353, %parallel_loop3A_354] : memref<32x1024xf32, #tpu.memory_space<vmem>> -> memref<1x1024xf32, #tpu.memory_space<vmem>>
        %parallel_loop3A_356 = tpu.memref_squeeze %parallel_loop3A_355 : memref<1x1024xf32, #tpu.memory_space<vmem>> -> memref<1024xf32, #tpu.memory_space<vmem>>
        %parallel_loop3A_357 = tpu.vector_load_idx %parallel_loop3A_356[%parallel_loop3A_198] : memref<1024xf32, #tpu.memory_space<vmem>>[vector<16xi32>], vector<16xf32>,
        %parallel_loop3A_358 = arith.constant 16 : i32
        %parallel_loop3A_359 = arith.muli %parallel_loop3A_194, %parallel_loop3A_358 : i32
        %parallel_loop3A_360 = arith.constant 1 : i32
        %parallel_loop3A_361 = arith.constant 3 : i32
        %parallel_loop3A_362 = arith.index_cast %parallel_loop3A_360 : i32 to index
        %parallel_loop3A_363 = arith.index_cast %parallel_loop3A_191 : i32 to index
        %parallel_loop3A_364 = arith.index_cast %parallel_loop3A_361 : i32 to index
        %parallel_loop3A_365 = arith.index_cast %parallel_loop3A_359 : i32 to index
        %parallel_loop3A_366 = tpu.vector_load %arg9[%parallel_loop3A_362, %parallel_loop3A_363, %parallel_loop3A_364, %parallel_loop3A_365] {strides = array<i32>} : memref<4x8x8x128xf32, #tpu.memory_space<vmem>>, vector<16xf32>,
        tpu.vector_store %arg9[%parallel_loop3A_362, %parallel_loop3A_363, %parallel_loop3A_364, %parallel_loop3A_365], %parallel_loop3A_357 {strides = array<i32>} : memref<4x8x8x128xf32, #tpu.memory_space<vmem>>, vector<16xf32>,
        %parallel_loop3A_367 = arith.constant 12 : i32
        %parallel_loop3A_368 = arith.constant 0 : i32
        %parallel_loop3A_369 = tpu.memref_slice %arg5[%parallel_loop3A_367, %parallel_loop3A_368] : memref<32x1024xf32, #tpu.memory_space<vmem>> -> memref<1x1024xf32, #tpu.memory_space<vmem>>
        %parallel_loop3A_370 = tpu.memref_squeeze %parallel_loop3A_369 : memref<1x1024xf32, #tpu.memory_space<vmem>> -> memref<1024xf32, #tpu.memory_space<vmem>>
        %parallel_loop3A_371 = tpu.vector_load_idx %parallel_loop3A_370[%parallel_loop3A_198] : memref<1024xf32, #tpu.memory_space<vmem>>[vector<16xi32>], vector<16xf32>,
        %parallel_loop3A_372 = arith.constant 16 : i32
        %parallel_loop3A_373 = arith.muli %parallel_loop3A_194, %parallel_loop3A_372 : i32
        %parallel_loop3A_374 = arith.constant 1 : i32
        %parallel_loop3A_375 = arith.constant 4 : i32
        %parallel_loop3A_376 = arith.index_cast %parallel_loop3A_374 : i32 to index
        %parallel_loop3A_377 = arith.index_cast %parallel_loop3A_191 : i32 to index
        %parallel_loop3A_378 = arith.index_cast %parallel_loop3A_375 : i32 to index
        %parallel_loop3A_379 = arith.index_cast %parallel_loop3A_373 : i32 to index
        %parallel_loop3A_380 = tpu.vector_load %arg9[%parallel_loop3A_376, %parallel_loop3A_377, %parallel_loop3A_378, %parallel_loop3A_379] {strides = array<i32>} : memref<4x8x8x128xf32, #tpu.memory_space<vmem>>, vector<16xf32>,
        tpu.vector_store %arg9[%parallel_loop3A_376, %parallel_loop3A_377, %parallel_loop3A_378, %parallel_loop3A_379], %parallel_loop3A_371 {strides = array<i32>} : memref<4x8x8x128xf32, #tpu.memory_space<vmem>>, vector<16xf32>,
        %parallel_loop3A_381 = arith.constant 13 : i32
        %parallel_loop3A_382 = arith.constant 0 : i32
        %parallel_loop3A_383 = tpu.memref_slice %arg5[%parallel_loop3A_381, %parallel_loop3A_382] : memref<32x1024xf32, #tpu.memory_space<vmem>> -> memref<1x1024xf32, #tpu.memory_space<vmem>>
        %parallel_loop3A_384 = tpu.memref_squeeze %parallel_loop3A_383 : memref<1x1024xf32, #tpu.memory_space<vmem>> -> memref<1024xf32, #tpu.memory_space<vmem>>
        %parallel_loop3A_385 = tpu.vector_load_idx %parallel_loop3A_384[%parallel_loop3A_198] : memref<1024xf32, #tpu.memory_space<vmem>>[vector<16xi32>], vector<16xf32>,
        %parallel_loop3A_386 = arith.constant 16 : i32
        %parallel_loop3A_387 = arith.muli %parallel_loop3A_194, %parallel_loop3A_386 : i32
        %parallel_loop3A_388 = arith.constant 1 : i32
        %parallel_loop3A_389 = arith.constant 5 : i32
        %parallel_loop3A_390 = arith.index_cast %parallel_loop3A_388 : i32 to index
        %parallel_loop3A_391 = arith.index_cast %parallel_loop3A_191 : i32 to index
        %parallel_loop3A_392 = arith.index_cast %parallel_loop3A_389 : i32 to index
        %parallel_loop3A_393 = arith.index_cast %parallel_loop3A_387 : i32 to index
        %parallel_loop3A_394 = tpu.vector_load %arg9[%parallel_loop3A_390, %parallel_loop3A_391, %parallel_loop3A_392, %parallel_loop3A_393] {strides = array<i32>} : memref<4x8x8x128xf32, #tpu.memory_space<vmem>>, vector<16xf32>,
        tpu.vector_store %arg9[%parallel_loop3A_390, %parallel_loop3A_391, %parallel_loop3A_392, %parallel_loop3A_393], %parallel_loop3A_385 {strides = array<i32>} : memref<4x8x8x128xf32, #tpu.memory_space<vmem>>, vector<16xf32>,
        %parallel_loop3A_395 = arith.constant 14 : i32
        %parallel_loop3A_396 = arith.constant 0 : i32
        %parallel_loop3A_397 = tpu.memref_slice %arg5[%parallel_loop3A_395, %parallel_loop3A_396] : memref<32x1024xf32, #tpu.memory_space<vmem>> -> memref<1x1024xf32, #tpu.memory_space<vmem>>
        %parallel_loop3A_398 = tpu.memref_squeeze %parallel_loop3A_397 : memref<1x1024xf32, #tpu.memory_space<vmem>> -> memref<1024xf32, #tpu.memory_space<vmem>>
        %parallel_loop3A_399 = tpu.vector_load_idx %parallel_loop3A_398[%parallel_loop3A_198] : memref<1024xf32, #tpu.memory_space<vmem>>[vector<16xi32>], vector<16xf32>,
        %parallel_loop3A_400 = arith.constant 16 : i32
        %parallel_loop3A_401 = arith.muli %parallel_loop3A_194, %parallel_loop3A_400 : i32
        %parallel_loop3A_402 = arith.constant 1 : i32
        %parallel_loop3A_403 = arith.constant 6 : i32
        %parallel_loop3A_404 = arith.index_cast %parallel_loop3A_402 : i32 to index
        %parallel_loop3A_405 = arith.index_cast %parallel_loop3A_191 : i32 to index
        %parallel_loop3A_406 = arith.index_cast %parallel_loop3A_403 : i32 to index
        %parallel_loop3A_407 = arith.index_cast %parallel_loop3A_401 : i32 to index
        %parallel_loop3A_408 = tpu.vector_load %arg9[%parallel_loop3A_404, %parallel_loop3A_405, %parallel_loop3A_406, %parallel_loop3A_407] {strides = array<i32>} : memref<4x8x8x128xf32, #tpu.memory_space<vmem>>, vector<16xf32>,
        tpu.vector_store %arg9[%parallel_loop3A_404, %parallel_loop3A_405, %parallel_loop3A_406, %parallel_loop3A_407], %parallel_loop3A_399 {strides = array<i32>} : memref<4x8x8x128xf32, #tpu.memory_space<vmem>>, vector<16xf32>,
        %parallel_loop3A_409 = arith.constant 15 : i32
        %parallel_loop3A_410 = arith.constant 0 : i32
        %parallel_loop3A_411 = tpu.memref_slice %arg5[%parallel_loop3A_409, %parallel_loop3A_410] : memref<32x1024xf32, #tpu.memory_space<vmem>> -> memref<1x1024xf32, #tpu.memory_space<vmem>>
        %parallel_loop3A_412 = tpu.memref_squeeze %parallel_loop3A_411 : memref<1x1024xf32, #tpu.memory_space<vmem>> -> memref<1024xf32, #tpu.memory_space<vmem>>
        %parallel_loop3A_413 = tpu.vector_load_idx %parallel_loop3A_412[%parallel_loop3A_198] : memref<1024xf32, #tpu.memory_space<vmem>>[vector<16xi32>], vector<16xf32>,
        %parallel_loop3A_414 = arith.constant 16 : i32
        %parallel_loop3A_415 = arith.muli %parallel_loop3A_194, %parallel_loop3A_414 : i32
        %parallel_loop3A_416 = arith.constant 1 : i32
        %parallel_loop3A_417 = arith.constant 7 : i32
        %parallel_loop3A_418 = arith.index_cast %parallel_loop3A_416 : i32 to index
        %parallel_loop3A_419 = arith.index_cast %parallel_loop3A_191 : i32 to index
        %parallel_loop3A_420 = arith.index_cast %parallel_loop3A_417 : i32 to index
        %parallel_loop3A_421 = arith.index_cast %parallel_loop3A_415 : i32 to index
        %parallel_loop3A_422 = tpu.vector_load %arg9[%parallel_loop3A_418, %parallel_loop3A_419, %parallel_loop3A_420, %parallel_loop3A_421] {strides = array<i32>} : memref<4x8x8x128xf32, #tpu.memory_space<vmem>>, vector<16xf32>,
        tpu.vector_store %arg9[%parallel_loop3A_418, %parallel_loop3A_419, %parallel_loop3A_420, %parallel_loop3A_421], %parallel_loop3A_413 {strides = array<i32>} : memref<4x8x8x128xf32, #tpu.memory_space<vmem>>, vector<16xf32>,
        %parallel_loop3A_423 = arith.constant 16 : i32
        %parallel_loop3A_424 = arith.constant 0 : i32
        %parallel_loop3A_425 = tpu.memref_slice %arg5[%parallel_loop3A_423, %parallel_loop3A_424] : memref<32x1024xf32, #tpu.memory_space<vmem>> -> memref<1x1024xf32, #tpu.memory_space<vmem>>
        %parallel_loop3A_426 = tpu.memref_squeeze %parallel_loop3A_425 : memref<1x1024xf32, #tpu.memory_space<vmem>> -> memref<1024xf32, #tpu.memory_space<vmem>>
        %parallel_loop3A_427 = tpu.vector_load_idx %parallel_loop3A_426[%parallel_loop3A_198] : memref<1024xf32, #tpu.memory_space<vmem>>[vector<16xi32>], vector<16xf32>,
        %parallel_loop3A_428 = arith.constant 16 : i32
        %parallel_loop3A_429 = arith.muli %parallel_loop3A_194, %parallel_loop3A_428 : i32
        %parallel_loop3A_430 = arith.constant 2 : i32
        %parallel_loop3A_431 = arith.constant 0 : i32
        %parallel_loop3A_432 = arith.index_cast %parallel_loop3A_430 : i32 to index
        %parallel_loop3A_433 = arith.index_cast %parallel_loop3A_191 : i32 to index
        %parallel_loop3A_434 = arith.index_cast %parallel_loop3A_431 : i32 to index
        %parallel_loop3A_435 = arith.index_cast %parallel_loop3A_429 : i32 to index
        %parallel_loop3A_436 = tpu.vector_load %arg9[%parallel_loop3A_432, %parallel_loop3A_433, %parallel_loop3A_434, %parallel_loop3A_435] {strides = array<i32>} : memref<4x8x8x128xf32, #tpu.memory_space<vmem>>, vector<16xf32>,
        tpu.vector_store %arg9[%parallel_loop3A_432, %parallel_loop3A_433, %parallel_loop3A_434, %parallel_loop3A_435], %parallel_loop3A_427 {strides = array<i32>} : memref<4x8x8x128xf32, #tpu.memory_space<vmem>>, vector<16xf32>,
        %parallel_loop3A_437 = arith.constant 17 : i32
        %parallel_loop3A_438 = arith.constant 0 : i32
        %parallel_loop3A_439 = tpu.memref_slice %arg5[%parallel_loop3A_437, %parallel_loop3A_438] : memref<32x1024xf32, #tpu.memory_space<vmem>> -> memref<1x1024xf32, #tpu.memory_space<vmem>>
        %parallel_loop3A_440 = tpu.memref_squeeze %parallel_loop3A_439 : memref<1x1024xf32, #tpu.memory_space<vmem>> -> memref<1024xf32, #tpu.memory_space<vmem>>
        %parallel_loop3A_441 = tpu.vector_load_idx %parallel_loop3A_440[%parallel_loop3A_198] : memref<1024xf32, #tpu.memory_space<vmem>>[vector<16xi32>], vector<16xf32>,
        %parallel_loop3A_442 = arith.constant 16 : i32
        %parallel_loop3A_443 = arith.muli %parallel_loop3A_194, %parallel_loop3A_442 : i32
        %parallel_loop3A_444 = arith.constant 2 : i32
        %parallel_loop3A_445 = arith.constant 1 : i32
        %parallel_loop3A_446 = arith.index_cast %parallel_loop3A_444 : i32 to index
        %parallel_loop3A_447 = arith.index_cast %parallel_loop3A_191 : i32 to index
        %parallel_loop3A_448 = arith.index_cast %parallel_loop3A_445 : i32 to index
        %parallel_loop3A_449 = arith.index_cast %parallel_loop3A_443 : i32 to index
        %parallel_loop3A_450 = tpu.vector_load %arg9[%parallel_loop3A_446, %parallel_loop3A_447, %parallel_loop3A_448, %parallel_loop3A_449] {strides = array<i32>} : memref<4x8x8x128xf32, #tpu.memory_space<vmem>>, vector<16xf32>,
        tpu.vector_store %arg9[%parallel_loop3A_446, %parallel_loop3A_447, %parallel_loop3A_448, %parallel_loop3A_449], %parallel_loop3A_441 {strides = array<i32>} : memref<4x8x8x128xf32, #tpu.memory_space<vmem>>, vector<16xf32>,
        %parallel_loop3A_451 = arith.constant 18 : i32
        %parallel_loop3A_452 = arith.constant 0 : i32
        %parallel_loop3A_453 = tpu.memref_slice %arg5[%parallel_loop3A_451, %parallel_loop3A_452] : memref<32x1024xf32, #tpu.memory_space<vmem>> -> memref<1x1024xf32, #tpu.memory_space<vmem>>
        %parallel_loop3A_454 = tpu.memref_squeeze %parallel_loop3A_453 : memref<1x1024xf32, #tpu.memory_space<vmem>> -> memref<1024xf32, #tpu.memory_space<vmem>>
        %parallel_loop3A_455 = tpu.vector_load_idx %parallel_loop3A_454[%parallel_loop3A_198] : memref<1024xf32, #tpu.memory_space<vmem>>[vector<16xi32>], vector<16xf32>,
        %parallel_loop3A_456 = arith.constant 16 : i32
        %parallel_loop3A_457 = arith.muli %parallel_loop3A_194, %parallel_loop3A_456 : i32
        %parallel_loop3A_458 = arith.constant 2 : i32
        %parallel_loop3A_459 = arith.constant 2 : i32
        %parallel_loop3A_460 = arith.index_cast %parallel_loop3A_458 : i32 to index
        %parallel_loop3A_461 = arith.index_cast %parallel_loop3A_191 : i32 to index
        %parallel_loop3A_462 = arith.index_cast %parallel_loop3A_459 : i32 to index
        %parallel_loop3A_463 = arith.index_cast %parallel_loop3A_457 : i32 to index
        %parallel_loop3A_464 = tpu.vector_load %arg9[%parallel_loop3A_460, %parallel_loop3A_461, %parallel_loop3A_462, %parallel_loop3A_463] {strides = array<i32>} : memref<4x8x8x128xf32, #tpu.memory_space<vmem>>, vector<16xf32>,
        tpu.vector_store %arg9[%parallel_loop3A_460, %parallel_loop3A_461, %parallel_loop3A_462, %parallel_loop3A_463], %parallel_loop3A_455 {strides = array<i32>} : memref<4x8x8x128xf32, #tpu.memory_space<vmem>>, vector<16xf32>,
        %parallel_loop3A_465 = arith.constant 19 : i32
        %parallel_loop3A_466 = arith.constant 0 : i32
        %parallel_loop3A_467 = tpu.memref_slice %arg5[%parallel_loop3A_465, %parallel_loop3A_466] : memref<32x1024xf32, #tpu.memory_space<vmem>> -> memref<1x1024xf32, #tpu.memory_space<vmem>>
        %parallel_loop3A_468 = tpu.memref_squeeze %parallel_loop3A_467 : memref<1x1024xf32, #tpu.memory_space<vmem>> -> memref<1024xf32, #tpu.memory_space<vmem>>
        %parallel_loop3A_469 = tpu.vector_load_idx %parallel_loop3A_468[%parallel_loop3A_198] : memref<1024xf32, #tpu.memory_space<vmem>>[vector<16xi32>], vector<16xf32>,
        %parallel_loop3A_470 = arith.constant 16 : i32
        %parallel_loop3A_471 = arith.muli %parallel_loop3A_194, %parallel_loop3A_470 : i32
        %parallel_loop3A_472 = arith.constant 2 : i32
        %parallel_loop3A_473 = arith.constant 3 : i32
        %parallel_loop3A_474 = arith.index_cast %parallel_loop3A_472 : i32 to index
        %parallel_loop3A_475 = arith.index_cast %parallel_loop3A_191 : i32 to index
        %parallel_loop3A_476 = arith.index_cast %parallel_loop3A_473 : i32 to index
        %parallel_loop3A_477 = arith.index_cast %parallel_loop3A_471 : i32 to index
        %parallel_loop3A_478 = tpu.vector_load %arg9[%parallel_loop3A_474, %parallel_loop3A_475, %parallel_loop3A_476, %parallel_loop3A_477] {strides = array<i32>} : memref<4x8x8x128xf32, #tpu.memory_space<vmem>>, vector<16xf32>,
        tpu.vector_store %arg9[%parallel_loop3A_474, %parallel_loop3A_475, %parallel_loop3A_476, %parallel_loop3A_477], %parallel_loop3A_469 {strides = array<i32>} : memref<4x8x8x128xf32, #tpu.memory_space<vmem>>, vector<16xf32>,
        %parallel_loop3A_479 = arith.constant 20 : i32
        %parallel_loop3A_480 = arith.constant 0 : i32
        %parallel_loop3A_481 = tpu.memref_slice %arg5[%parallel_loop3A_479, %parallel_loop3A_480] : memref<32x1024xf32, #tpu.memory_space<vmem>> -> memref<1x1024xf32, #tpu.memory_space<vmem>>
        %parallel_loop3A_482 = tpu.memref_squeeze %parallel_loop3A_481 : memref<1x1024xf32, #tpu.memory_space<vmem>> -> memref<1024xf32, #tpu.memory_space<vmem>>
        %parallel_loop3A_483 = tpu.vector_load_idx %parallel_loop3A_482[%parallel_loop3A_198] : memref<1024xf32, #tpu.memory_space<vmem>>[vector<16xi32>], vector<16xf32>,
        %parallel_loop3A_484 = arith.constant 16 : i32
        %parallel_loop3A_485 = arith.muli %parallel_loop3A_194, %parallel_loop3A_484 : i32
        %parallel_loop3A_486 = arith.constant 2 : i32
        %parallel_loop3A_487 = arith.constant 4 : i32
        %parallel_loop3A_488 = arith.index_cast %parallel_loop3A_486 : i32 to index
        %parallel_loop3A_489 = arith.index_cast %parallel_loop3A_191 : i32 to index
        %parallel_loop3A_490 = arith.index_cast %parallel_loop3A_487 : i32 to index
        %parallel_loop3A_491 = arith.index_cast %parallel_loop3A_485 : i32 to index
        %parallel_loop3A_492 = tpu.vector_load %arg9[%parallel_loop3A_488, %parallel_loop3A_489, %parallel_loop3A_490, %parallel_loop3A_491] {strides = array<i32>} : memref<4x8x8x128xf32, #tpu.memory_space<vmem>>, vector<16xf32>,
        tpu.vector_store %arg9[%parallel_loop3A_488, %parallel_loop3A_489, %parallel_loop3A_490, %parallel_loop3A_491], %parallel_loop3A_483 {strides = array<i32>} : memref<4x8x8x128xf32, #tpu.memory_space<vmem>>, vector<16xf32>,
        %parallel_loop3A_493 = arith.constant 21 : i32
        %parallel_loop3A_494 = arith.constant 0 : i32
        %parallel_loop3A_495 = tpu.memref_slice %arg5[%parallel_loop3A_493, %parallel_loop3A_494] : memref<32x1024xf32, #tpu.memory_space<vmem>> -> memref<1x1024xf32, #tpu.memory_space<vmem>>
        %parallel_loop3A_496 = tpu.memref_squeeze %parallel_loop3A_495 : memref<1x1024xf32, #tpu.memory_space<vmem>> -> memref<1024xf32, #tpu.memory_space<vmem>>
        %parallel_loop3A_497 = tpu.vector_load_idx %parallel_loop3A_496[%parallel_loop3A_198] : memref<1024xf32, #tpu.memory_space<vmem>>[vector<16xi32>], vector<16xf32>,
        %parallel_loop3A_498 = arith.constant 16 : i32
        %parallel_loop3A_499 = arith.muli %parallel_loop3A_194, %parallel_loop3A_498 : i32
        %parallel_loop3A_500 = arith.constant 2 : i32
        %parallel_loop3A_501 = arith.constant 5 : i32
        %parallel_loop3A_502 = arith.index_cast %parallel_loop3A_500 : i32 to index
        %parallel_loop3A_503 = arith.index_cast %parallel_loop3A_191 : i32 to index
        %parallel_loop3A_504 = arith.index_cast %parallel_loop3A_501 : i32 to index
        %parallel_loop3A_505 = arith.index_cast %parallel_loop3A_499 : i32 to index
        %parallel_loop3A_506 = tpu.vector_load %arg9[%parallel_loop3A_502, %parallel_loop3A_503, %parallel_loop3A_504, %parallel_loop3A_505] {strides = array<i32>} : memref<4x8x8x128xf32, #tpu.memory_space<vmem>>, vector<16xf32>,
        tpu.vector_store %arg9[%parallel_loop3A_502, %parallel_loop3A_503, %parallel_loop3A_504, %parallel_loop3A_505], %parallel_loop3A_497 {strides = array<i32>} : memref<4x8x8x128xf32, #tpu.memory_space<vmem>>, vector<16xf32>,
        %parallel_loop3A_507 = arith.constant 22 : i32
        %parallel_loop3A_508 = arith.constant 0 : i32
        %parallel_loop3A_509 = tpu.memref_slice %arg5[%parallel_loop3A_507, %parallel_loop3A_508] : memref<32x1024xf32, #tpu.memory_space<vmem>> -> memref<1x1024xf32, #tpu.memory_space<vmem>>
        %parallel_loop3A_510 = tpu.memref_squeeze %parallel_loop3A_509 : memref<1x1024xf32, #tpu.memory_space<vmem>> -> memref<1024xf32, #tpu.memory_space<vmem>>
        %parallel_loop3A_511 = tpu.vector_load_idx %parallel_loop3A_510[%parallel_loop3A_198] : memref<1024xf32, #tpu.memory_space<vmem>>[vector<16xi32>], vector<16xf32>,
        %parallel_loop3A_512 = arith.constant 16 : i32
        %parallel_loop3A_513 = arith.muli %parallel_loop3A_194, %parallel_loop3A_512 : i32
        %parallel_loop3A_514 = arith.constant 2 : i32
        %parallel_loop3A_515 = arith.constant 6 : i32
        %parallel_loop3A_516 = arith.index_cast %parallel_loop3A_514 : i32 to index
        %parallel_loop3A_517 = arith.index_cast %parallel_loop3A_191 : i32 to index
        %parallel_loop3A_518 = arith.index_cast %parallel_loop3A_515 : i32 to index
        %parallel_loop3A_519 = arith.index_cast %parallel_loop3A_513 : i32 to index
        %parallel_loop3A_520 = tpu.vector_load %arg9[%parallel_loop3A_516, %parallel_loop3A_517, %parallel_loop3A_518, %parallel_loop3A_519] {strides = array<i32>} : memref<4x8x8x128xf32, #tpu.memory_space<vmem>>, vector<16xf32>,
        tpu.vector_store %arg9[%parallel_loop3A_516, %parallel_loop3A_517, %parallel_loop3A_518, %parallel_loop3A_519], %parallel_loop3A_511 {strides = array<i32>} : memref<4x8x8x128xf32, #tpu.memory_space<vmem>>, vector<16xf32>,
        %parallel_loop3A_521 = arith.constant 23 : i32
        %parallel_loop3A_522 = arith.constant 0 : i32
        %parallel_loop3A_523 = tpu.memref_slice %arg5[%parallel_loop3A_521, %parallel_loop3A_522] : memref<32x1024xf32, #tpu.memory_space<vmem>> -> memref<1x1024xf32, #tpu.memory_space<vmem>>
        %parallel_loop3A_524 = tpu.memref_squeeze %parallel_loop3A_523 : memref<1x1024xf32, #tpu.memory_space<vmem>> -> memref<1024xf32, #tpu.memory_space<vmem>>
        %parallel_loop3A_525 = tpu.vector_load_idx %parallel_loop3A_524[%parallel_loop3A_198] : memref<1024xf32, #tpu.memory_space<vmem>>[vector<16xi32>], vector<16xf32>,
        %parallel_loop3A_526 = arith.constant 16 : i32
        %parallel_loop3A_527 = arith.muli %parallel_loop3A_194, %parallel_loop3A_526 : i32
        %parallel_loop3A_528 = arith.constant 2 : i32
        %parallel_loop3A_529 = arith.constant 7 : i32
        %parallel_loop3A_530 = arith.index_cast %parallel_loop3A_528 : i32 to index
        %parallel_loop3A_531 = arith.index_cast %parallel_loop3A_191 : i32 to index
        %parallel_loop3A_532 = arith.index_cast %parallel_loop3A_529 : i32 to index
        %parallel_loop3A_533 = arith.index_cast %parallel_loop3A_527 : i32 to index
        %parallel_loop3A_534 = tpu.vector_load %arg9[%parallel_loop3A_530, %parallel_loop3A_531, %parallel_loop3A_532, %parallel_loop3A_533] {strides = array<i32>} : memref<4x8x8x128xf32, #tpu.memory_space<vmem>>, vector<16xf32>,
        tpu.vector_store %arg9[%parallel_loop3A_530, %parallel_loop3A_531, %parallel_loop3A_532, %parallel_loop3A_533], %parallel_loop3A_525 {strides = array<i32>} : memref<4x8x8x128xf32, #tpu.memory_space<vmem>>, vector<16xf32>,
        %parallel_loop3A_535 = arith.constant 24 : i32
        %parallel_loop3A_536 = arith.constant 0 : i32
        %parallel_loop3A_537 = tpu.memref_slice %arg5[%parallel_loop3A_535, %parallel_loop3A_536] : memref<32x1024xf32, #tpu.memory_space<vmem>> -> memref<1x1024xf32, #tpu.memory_space<vmem>>
        %parallel_loop3A_538 = tpu.memref_squeeze %parallel_loop3A_537 : memref<1x1024xf32, #tpu.memory_space<vmem>> -> memref<1024xf32, #tpu.memory_space<vmem>>
        %parallel_loop3A_539 = tpu.vector_load_idx %parallel_loop3A_538[%parallel_loop3A_198] : memref<1024xf32, #tpu.memory_space<vmem>>[vector<16xi32>], vector<16xf32>,
        %parallel_loop3A_540 = arith.constant 16 : i32
        %parallel_loop3A_541 = arith.muli %parallel_loop3A_194, %parallel_loop3A_540 : i32
        %parallel_loop3A_542 = arith.constant 3 : i32
        %parallel_loop3A_543 = arith.constant 0 : i32
        %parallel_loop3A_544 = arith.index_cast %parallel_loop3A_542 : i32 to index
        %parallel_loop3A_545 = arith.index_cast %parallel_loop3A_191 : i32 to index
        %parallel_loop3A_546 = arith.index_cast %parallel_loop3A_543 : i32 to index
        %parallel_loop3A_547 = arith.index_cast %parallel_loop3A_541 : i32 to index
        %parallel_loop3A_548 = tpu.vector_load %arg9[%parallel_loop3A_544, %parallel_loop3A_545, %parallel_loop3A_546, %parallel_loop3A_547] {strides = array<i32>} : memref<4x8x8x128xf32, #tpu.memory_space<vmem>>, vector<16xf32>,
        tpu.vector_store %arg9[%parallel_loop3A_544, %parallel_loop3A_545, %parallel_loop3A_546, %parallel_loop3A_547], %parallel_loop3A_539 {strides = array<i32>} : memref<4x8x8x128xf32, #tpu.memory_space<vmem>>, vector<16xf32>,
        %parallel_loop3A_549 = arith.constant 25 : i32
        %parallel_loop3A_550 = arith.constant 0 : i32
        %parallel_loop3A_551 = tpu.memref_slice %arg5[%parallel_loop3A_549, %parallel_loop3A_550] : memref<32x1024xf32, #tpu.memory_space<vmem>> -> memref<1x1024xf32, #tpu.memory_space<vmem>>
        %parallel_loop3A_552 = tpu.memref_squeeze %parallel_loop3A_551 : memref<1x1024xf32, #tpu.memory_space<vmem>> -> memref<1024xf32, #tpu.memory_space<vmem>>
        %parallel_loop3A_553 = tpu.vector_load_idx %parallel_loop3A_552[%parallel_loop3A_198] : memref<1024xf32, #tpu.memory_space<vmem>>[vector<16xi32>], vector<16xf32>,
        %parallel_loop3A_554 = arith.constant 16 : i32
        %parallel_loop3A_555 = arith.muli %parallel_loop3A_194, %parallel_loop3A_554 : i32
        %parallel_loop3A_556 = arith.constant 3 : i32
        %parallel_loop3A_557 = arith.constant 1 : i32
        %parallel_loop3A_558 = arith.index_cast %parallel_loop3A_556 : i32 to index
        %parallel_loop3A_559 = arith.index_cast %parallel_loop3A_191 : i32 to index
        %parallel_loop3A_560 = arith.index_cast %parallel_loop3A_557 : i32 to index
        %parallel_loop3A_561 = arith.index_cast %parallel_loop3A_555 : i32 to index
        %parallel_loop3A_562 = tpu.vector_load %arg9[%parallel_loop3A_558, %parallel_loop3A_559, %parallel_loop3A_560, %parallel_loop3A_561] {strides = array<i32>} : memref<4x8x8x128xf32, #tpu.memory_space<vmem>>, vector<16xf32>,
        tpu.vector_store %arg9[%parallel_loop3A_558, %parallel_loop3A_559, %parallel_loop3A_560, %parallel_loop3A_561], %parallel_loop3A_553 {strides = array<i32>} : memref<4x8x8x128xf32, #tpu.memory_space<vmem>>, vector<16xf32>,
        %parallel_loop3A_563 = arith.constant 26 : i32
        %parallel_loop3A_564 = arith.constant 0 : i32
        %parallel_loop3A_565 = tpu.memref_slice %arg5[%parallel_loop3A_563, %parallel_loop3A_564] : memref<32x1024xf32, #tpu.memory_space<vmem>> -> memref<1x1024xf32, #tpu.memory_space<vmem>>
        %parallel_loop3A_566 = tpu.memref_squeeze %parallel_loop3A_565 : memref<1x1024xf32, #tpu.memory_space<vmem>> -> memref<1024xf32, #tpu.memory_space<vmem>>
        %parallel_loop3A_567 = tpu.vector_load_idx %parallel_loop3A_566[%parallel_loop3A_198] : memref<1024xf32, #tpu.memory_space<vmem>>[vector<16xi32>], vector<16xf32>,
        %parallel_loop3A_568 = arith.constant 16 : i32
        %parallel_loop3A_569 = arith.muli %parallel_loop3A_194, %parallel_loop3A_568 : i32
        %parallel_loop3A_570 = arith.constant 3 : i32
        %parallel_loop3A_571 = arith.constant 2 : i32
        %parallel_loop3A_572 = arith.index_cast %parallel_loop3A_570 : i32 to index
        %parallel_loop3A_573 = arith.index_cast %parallel_loop3A_191 : i32 to index
        %parallel_loop3A_574 = arith.index_cast %parallel_loop3A_571 : i32 to index
        %parallel_loop3A_575 = arith.index_cast %parallel_loop3A_569 : i32 to index
        %parallel_loop3A_576 = tpu.vector_load %arg9[%parallel_loop3A_572, %parallel_loop3A_573, %parallel_loop3A_574, %parallel_loop3A_575] {strides = array<i32>} : memref<4x8x8x128xf32, #tpu.memory_space<vmem>>, vector<16xf32>,
        tpu.vector_store %arg9[%parallel_loop3A_572, %parallel_loop3A_573, %parallel_loop3A_574, %parallel_loop3A_575], %parallel_loop3A_567 {strides = array<i32>} : memref<4x8x8x128xf32, #tpu.memory_space<vmem>>, vector<16xf32>,
        %parallel_loop3A_577 = arith.constant 27 : i32
        %parallel_loop3A_578 = arith.constant 0 : i32
        %parallel_loop3A_579 = tpu.memref_slice %arg5[%parallel_loop3A_577, %parallel_loop3A_578] : memref<32x1024xf32, #tpu.memory_space<vmem>> -> memref<1x1024xf32, #tpu.memory_space<vmem>>
        %parallel_loop3A_580 = tpu.memref_squeeze %parallel_loop3A_579 : memref<1x1024xf32, #tpu.memory_space<vmem>> -> memref<1024xf32, #tpu.memory_space<vmem>>
        %parallel_loop3A_581 = tpu.vector_load_idx %parallel_loop3A_580[%parallel_loop3A_198] : memref<1024xf32, #tpu.memory_space<vmem>>[vector<16xi32>], vector<16xf32>,
        %parallel_loop3A_582 = arith.constant 16 : i32
        %parallel_loop3A_583 = arith.muli %parallel_loop3A_194, %parallel_loop3A_582 : i32
        %parallel_loop3A_584 = arith.constant 3 : i32
        %parallel_loop3A_585 = arith.constant 3 : i32
        %parallel_loop3A_586 = arith.index_cast %parallel_loop3A_584 : i32 to index
        %parallel_loop3A_587 = arith.index_cast %parallel_loop3A_191 : i32 to index
        %parallel_loop3A_588 = arith.index_cast %parallel_loop3A_585 : i32 to index
        %parallel_loop3A_589 = arith.index_cast %parallel_loop3A_583 : i32 to index
        %parallel_loop3A_590 = tpu.vector_load %arg9[%parallel_loop3A_586, %parallel_loop3A_587, %parallel_loop3A_588, %parallel_loop3A_589] {strides = array<i32>} : memref<4x8x8x128xf32, #tpu.memory_space<vmem>>, vector<16xf32>,
        tpu.vector_store %arg9[%parallel_loop3A_586, %parallel_loop3A_587, %parallel_loop3A_588, %parallel_loop3A_589], %parallel_loop3A_581 {strides = array<i32>} : memref<4x8x8x128xf32, #tpu.memory_space<vmem>>, vector<16xf32>,
        %parallel_loop3A_591 = arith.constant 28 : i32
        %parallel_loop3A_592 = arith.constant 0 : i32
        %parallel_loop3A_593 = tpu.memref_slice %arg5[%parallel_loop3A_591, %parallel_loop3A_592] : memref<32x1024xf32, #tpu.memory_space<vmem>> -> memref<1x1024xf32, #tpu.memory_space<vmem>>
        %parallel_loop3A_594 = tpu.memref_squeeze %parallel_loop3A_593 : memref<1x1024xf32, #tpu.memory_space<vmem>> -> memref<1024xf32, #tpu.memory_space<vmem>>
        %parallel_loop3A_595 = tpu.vector_load_idx %parallel_loop3A_594[%parallel_loop3A_198] : memref<1024xf32, #tpu.memory_space<vmem>>[vector<16xi32>], vector<16xf32>,
        %parallel_loop3A_596 = arith.constant 16 : i32
        %parallel_loop3A_597 = arith.muli %parallel_loop3A_194, %parallel_loop3A_596 : i32
        %parallel_loop3A_598 = arith.constant 3 : i32
        %parallel_loop3A_599 = arith.constant 4 : i32
        %parallel_loop3A_600 = arith.index_cast %parallel_loop3A_598 : i32 to index
        %parallel_loop3A_601 = arith.index_cast %parallel_loop3A_191 : i32 to index
        %parallel_loop3A_602 = arith.index_cast %parallel_loop3A_599 : i32 to index
        %parallel_loop3A_603 = arith.index_cast %parallel_loop3A_597 : i32 to index
        %parallel_loop3A_604 = tpu.vector_load %arg9[%parallel_loop3A_600, %parallel_loop3A_601, %parallel_loop3A_602, %parallel_loop3A_603] {strides = array<i32>} : memref<4x8x8x128xf32, #tpu.memory_space<vmem>>, vector<16xf32>,
        tpu.vector_store %arg9[%parallel_loop3A_600, %parallel_loop3A_601, %parallel_loop3A_602, %parallel_loop3A_603], %parallel_loop3A_595 {strides = array<i32>} : memref<4x8x8x128xf32, #tpu.memory_space<vmem>>, vector<16xf32>,
        %parallel_loop3A_605 = arith.constant 29 : i32
        %parallel_loop3A_606 = arith.constant 0 : i32
        %parallel_loop3A_607 = tpu.memref_slice %arg5[%parallel_loop3A_605, %parallel_loop3A_606] : memref<32x1024xf32, #tpu.memory_space<vmem>> -> memref<1x1024xf32, #tpu.memory_space<vmem>>
        %parallel_loop3A_608 = tpu.memref_squeeze %parallel_loop3A_607 : memref<1x1024xf32, #tpu.memory_space<vmem>> -> memref<1024xf32, #tpu.memory_space<vmem>>
        %parallel_loop3A_609 = tpu.vector_load_idx %parallel_loop3A_608[%parallel_loop3A_198] : memref<1024xf32, #tpu.memory_space<vmem>>[vector<16xi32>], vector<16xf32>,
        %parallel_loop3A_610 = arith.constant 16 : i32
        %parallel_loop3A_611 = arith.muli %parallel_loop3A_194, %parallel_loop3A_610 : i32
        %parallel_loop3A_612 = arith.constant 3 : i32
        %parallel_loop3A_613 = arith.constant 5 : i32
        %parallel_loop3A_614 = arith.index_cast %parallel_loop3A_612 : i32 to index
        %parallel_loop3A_615 = arith.index_cast %parallel_loop3A_191 : i32 to index
        %parallel_loop3A_616 = arith.index_cast %parallel_loop3A_613 : i32 to index
        %parallel_loop3A_617 = arith.index_cast %parallel_loop3A_611 : i32 to index
        %parallel_loop3A_618 = tpu.vector_load %arg9[%parallel_loop3A_614, %parallel_loop3A_615, %parallel_loop3A_616, %parallel_loop3A_617] {strides = array<i32>} : memref<4x8x8x128xf32, #tpu.memory_space<vmem>>, vector<16xf32>,
        tpu.vector_store %arg9[%parallel_loop3A_614, %parallel_loop3A_615, %parallel_loop3A_616, %parallel_loop3A_617], %parallel_loop3A_609 {strides = array<i32>} : memref<4x8x8x128xf32, #tpu.memory_space<vmem>>, vector<16xf32>,
        %parallel_loop3A_619 = arith.constant 30 : i32
        %parallel_loop3A_620 = arith.constant 0 : i32
        %parallel_loop3A_621 = tpu.memref_slice %arg5[%parallel_loop3A_619, %parallel_loop3A_620] : memref<32x1024xf32, #tpu.memory_space<vmem>> -> memref<1x1024xf32, #tpu.memory_space<vmem>>
        %parallel_loop3A_622 = tpu.memref_squeeze %parallel_loop3A_621 : memref<1x1024xf32, #tpu.memory_space<vmem>> -> memref<1024xf32, #tpu.memory_space<vmem>>
        %parallel_loop3A_623 = tpu.vector_load_idx %parallel_loop3A_622[%parallel_loop3A_198] : memref<1024xf32, #tpu.memory_space<vmem>>[vector<16xi32>], vector<16xf32>,
        %parallel_loop3A_624 = arith.constant 16 : i32
        %parallel_loop3A_625 = arith.muli %parallel_loop3A_194, %parallel_loop3A_624 : i32
        %parallel_loop3A_626 = arith.constant 3 : i32
        %parallel_loop3A_627 = arith.constant 6 : i32
        %parallel_loop3A_628 = arith.index_cast %parallel_loop3A_626 : i32 to index
        %parallel_loop3A_629 = arith.index_cast %parallel_loop3A_191 : i32 to index
        %parallel_loop3A_630 = arith.index_cast %parallel_loop3A_627 : i32 to index
        %parallel_loop3A_631 = arith.index_cast %parallel_loop3A_625 : i32 to index
        %parallel_loop3A_632 = tpu.vector_load %arg9[%parallel_loop3A_628, %parallel_loop3A_629, %parallel_loop3A_630, %parallel_loop3A_631] {strides = array<i32>} : memref<4x8x8x128xf32, #tpu.memory_space<vmem>>, vector<16xf32>,
        tpu.vector_store %arg9[%parallel_loop3A_628, %parallel_loop3A_629, %parallel_loop3A_630, %parallel_loop3A_631], %parallel_loop3A_623 {strides = array<i32>} : memref<4x8x8x128xf32, #tpu.memory_space<vmem>>, vector<16xf32>,
        %parallel_loop3A_633 = arith.constant 31 : i32
        %parallel_loop3A_634 = arith.constant 0 : i32
        %parallel_loop3A_635 = tpu.memref_slice %arg5[%parallel_loop3A_633, %parallel_loop3A_634] : memref<32x1024xf32, #tpu.memory_space<vmem>> -> memref<1x1024xf32, #tpu.memory_space<vmem>>
        %parallel_loop3A_636 = tpu.memref_squeeze %parallel_loop3A_635 : memref<1x1024xf32, #tpu.memory_space<vmem>> -> memref<1024xf32, #tpu.memory_space<vmem>>
        %parallel_loop3A_637 = tpu.vector_load_idx %parallel_loop3A_636[%parallel_loop3A_198] : memref<1024xf32, #tpu.memory_space<vmem>>[vector<16xi32>], vector<16xf32>,
        %parallel_loop3A_638 = arith.constant 16 : i32
        %parallel_loop3A_639 = arith.muli %parallel_loop3A_194, %parallel_loop3A_638 : i32
        %parallel_loop3A_640 = arith.constant 3 : i32
        %parallel_loop3A_641 = arith.constant 7 : i32
        %parallel_loop3A_642 = arith.index_cast %parallel_loop3A_640 : i32 to index
        %parallel_loop3A_643 = arith.index_cast %parallel_loop3A_191 : i32 to index
        %parallel_loop3A_644 = arith.index_cast %parallel_loop3A_641 : i32 to index
        %parallel_loop3A_645 = arith.index_cast %parallel_loop3A_639 : i32 to index
        %parallel_loop3A_646 = tpu.vector_load %arg9[%parallel_loop3A_642, %parallel_loop3A_643, %parallel_loop3A_644, %parallel_loop3A_645] {strides = array<i32>} : memref<4x8x8x128xf32, #tpu.memory_space<vmem>>, vector<16xf32>,
        tpu.vector_store %arg9[%parallel_loop3A_642, %parallel_loop3A_643, %parallel_loop3A_644, %parallel_loop3A_645], %parallel_loop3A_637 {strides = array<i32>} : memref<4x8x8x128xf32, #tpu.memory_space<vmem>>, vector<16xf32>,
      } {sc.loop_unroll_factor = 8 : i64, sc.parallel_access}
      %add3A_155 = arith.constant 1 : i32
      %add3A_156 = arith.addi %mul3A_88, %add3A_155 : i32
      %dma_start3A_157 = arith.constant 0 : i32
      %dma_start3A_158 = arith.constant 0 : i32
      %dma_start3A_159 = arith.constant 0 : i32
      %dma_start3A_160 = tpu.memref_slice %arg4[%add3A_156, %min3A_3, %dma_start3A_157, %dma_start3A_158, %dma_start3A_159] : memref<50x125x8x8x128xf32, #tpu.memory_space<hbm>> -> memref<1x4x8x8x128xf32, #tpu.memory_space<hbm>>
      %dma_start3A_161 = tpu.memref_squeeze %dma_start3A_160 : memref<1x4x8x8x128xf32, #tpu.memory_space<hbm>> -> memref<4x8x8x128xf32, #tpu.memory_space<hbm>>
      %dma_start3A_162 = arith.constant 0 : i32
      %dma_start3A_163 = arith.constant 0 : i32
      %dma_start3A_164 = arith.constant 0 : i32
      %dma_start3A_165 = tpu.memref_slice %arg4[%add3A_156, %min3A_3, %dma_start3A_162, %dma_start3A_163, %dma_start3A_164] : memref<50x125x8x8x128xf32, #tpu.memory_space<hbm>> -> memref<1x4x8x8x128xf32, #tpu.memory_space<hbm>>
      %dma_start3A_166 = tpu.memref_squeeze %dma_start3A_165 : memref<1x4x8x8x128xf32, #tpu.memory_space<hbm>> -> memref<4x8x8x128xf32, #tpu.memory_space<hbm>>
      tpu.enqueue_dma source(%arg9 : memref<4x8x8x128xf32, #tpu.memory_space<vmem>>) target(%dma_start3A_166 : memref<4x8x8x128xf32, #tpu.memory_space<hbm>>) target_semaphore(%arg11 : memref<!tpu.dma_semaphore, #tpu.memory_space<semaphore_mem>>)
    }
    %scan3A_63 = arith.constant 24 : i32
    %dma_wait3A_64 = arith.constant 0 : i32
    %dma_wait3A_65 = arith.constant 0 : i32
    %dma_wait3A_66 = arith.constant 0 : i32
    %dma_wait3A_67 = arith.constant 0 : i32
    %dma_wait3A_68 = tpu.memref_slice %arg4[%dma_wait3A_64, %min3A_3, %dma_wait3A_65, %dma_wait3A_66, %dma_wait3A_67] : memref<50x125x8x8x128xf32, #tpu.memory_space<hbm>> -> memref<1x4x8x8x128xf32, #tpu.memory_space<hbm>>
    %dma_wait3A_69 = tpu.memref_squeeze %dma_wait3A_68 : memref<1x4x8x8x128xf32, #tpu.memory_space<hbm>> -> memref<4x8x8x128xf32, #tpu.memory_space<hbm>>
    %dma_wait3A_70 = arith.constant 0 : i32
    %dma_wait3A_71 = arith.constant 0 : i32
    %dma_wait3A_72 = arith.constant 0 : i32
    %dma_wait3A_73 = tpu.memref_slice %arg4[%dma_wait3A_64, %min3A_3, %dma_wait3A_70, %dma_wait3A_71, %dma_wait3A_72] : memref<50x125x8x8x128xf32, #tpu.memory_space<hbm>> -> memref<1x4x8x8x128xf32, #tpu.memory_space<hbm>>
    %dma_wait3A_74 = tpu.memref_squeeze %dma_wait3A_73 : memref<1x4x8x8x128xf32, #tpu.memory_space<hbm>> -> memref<4x8x8x128xf32, #tpu.memory_space<hbm>>
    tpu.wait_dma2 semaphore(%arg10 : memref<!tpu.dma_semaphore, #tpu.memory_space<semaphore_mem>>) src(%arg8 : memref<4x8x8x128xf32, #tpu.memory_space<vmem>>) dst(%dma_wait3A_74 : memref<4x8x8x128xf32, #tpu.memory_space<hbm>>)
    %dma_wait3A_75 = arith.constant 0 : i32
    %dma_wait3A_76 = arith.constant 0 : i32
    %dma_wait3A_77 = arith.constant 0 : i32
    %dma_wait3A_78 = arith.constant 0 : i32
    %dma_wait3A_79 = tpu.memref_slice %arg4[%dma_wait3A_75, %min3A_3, %dma_wait3A_76, %dma_wait3A_77, %dma_wait3A_78] : memref<50x125x8x8x128xf32, #tpu.memory_space<hbm>> -> memref<1x4x8x8x128xf32, #tpu.memory_space<hbm>>
    %dma_wait3A_80 = tpu.memref_squeeze %dma_wait3A_79 : memref<1x4x8x8x128xf32, #tpu.memory_space<hbm>> -> memref<4x8x8x128xf32, #tpu.memory_space<hbm>>
    %dma_wait3A_81 = arith.constant 0 : i32
    %dma_wait3A_82 = arith.constant 0 : i32
    %dma_wait3A_83 = arith.constant 0 : i32
    %dma_wait3A_84 = tpu.memref_slice %arg4[%dma_wait3A_75, %min3A_3, %dma_wait3A_81, %dma_wait3A_82, %dma_wait3A_83] : memref<50x125x8x8x128xf32, #tpu.memory_space<hbm>> -> memref<1x4x8x8x128xf32, #tpu.memory_space<hbm>>
    %dma_wait3A_85 = tpu.memref_squeeze %dma_wait3A_84 : memref<1x4x8x8x128xf32, #tpu.memory_space<hbm>> -> memref<4x8x8x128xf32, #tpu.memory_space<hbm>>
    tpu.wait_dma2 semaphore(%arg11 : memref<!tpu.dma_semaphore, #tpu.memory_space<semaphore_mem>>) src(%arg9 : memref<4x8x8x128xf32, #tpu.memory_space<vmem>>) dst(%dma_wait3A_85 : memref<4x8x8x128xf32, #tpu.memory_space<hbm>>)
    return
  }
}

module attributes {stable_mosaic.version = 14 : i64} {
  func.func @_table_body(%arg0: memref<1000x128xf32, #tpu.memory_space<vmem>>, %arg1: memref<1024x128xf32, #tpu.memory_space<vmem>>, %arg2: memref<1000x1xf32, #tpu.memory_space<vmem>>, %arg3: memref<1000x8x128xf32, #tpu.memory_space<vmem>>) attributes {dimension_semantics = [], scalar_prefetch = 0 : i64, scratch_operands = 0 : i64, tpu.core_type = #tpu.core_type<tc>} {
    %get3A = arith.constant 0 : index
    %get3A_0 = arith.constant 0 : index
    %get3A_1 = vector.load %arg0[%get3A, %get3A_0] : memref<1000x128xf32, #tpu.memory_space<vmem>>, vector<1000x128xf32>
    %get3A_2 = arith.constant 0 : index
    %get3A_3 = arith.constant 0 : index
    %get3A_4 = vector.load %arg1[%get3A_2, %get3A_3] : memref<1024x128xf32, #tpu.memory_space<vmem>>, vector<1024x128xf32>
    %dot_general3A = arith.constant dense<0.000000e+00> : vector<1000x1024xf32>
    %dot_general3A_5 = tpu.matmul %get3A_1, %get3A_4, %dot_general3A {dimension_numbers = #tpu.dot_dimension_numbers<[1], [1], [0], [0], [0, 0, 1, 0], [], []>, precision = #tpu.contract_precision<fp32>, transpose_lhs_hint = false} : vector<1000x128xf32>, vector<1024x128xf32>, vector<1000x1024xf32> -> vector<1000x1024xf32>
    %get3A_6 = arith.constant 0 : index
    %get3A_7 = arith.constant 0 : index
    %get3A_8 = vector.load %arg2[%get3A_6, %get3A_7] : memref<1000x1xf32, #tpu.memory_space<vmem>>, vector<1000x1xf32>
    %add3A = vector.broadcast %get3A_8 : vector<1000x1xf32> to vector<1000x1024xf32>
    %add3A_9 = arith.addf %dot_general3A_5, %add3A : vector<1000x1024xf32>
    %slice3A = vector.extract_strided_slice %add3A_9 {offsets = [0, 0], sizes = [1000, 128], strides = [1, 1]} : vector<1000x1024xf32> to vector<1000x128xf32>
    %swap3A = arith.constant 0 : index
    %swap3A_10 = arith.constant 0 : index
    %swap3A_11 = arith.constant 0 : index
    %swap3A_12 = vector.load %arg3[%swap3A, %swap3A_10, %swap3A_11] : memref<1000x8x128xf32, #tpu.memory_space<vmem>>, vector<1000x1x128xf32>
    %swap3A_13 = vector.shape_cast %swap3A_12 : vector<1000x1x128xf32> to vector<1000x128xf32>
    %swap3A_14 = vector.shape_cast %slice3A : vector<1000x128xf32> to vector<1000x1x128xf32>
    tpu.vector_store %arg3[%swap3A, %swap3A_10, %swap3A_11], %swap3A_14 {strides = array<i32>} : memref<1000x8x128xf32, #tpu.memory_space<vmem>>, vector<1000x1x128xf32>,
    %slice3A_15 = vector.extract_strided_slice %add3A_9 {offsets = [0, 128], sizes = [1000, 128], strides = [1, 1]} : vector<1000x1024xf32> to vector<1000x128xf32>
    %swap3A_16 = arith.constant 0 : index
    %swap3A_17 = arith.constant 1 : index
    %swap3A_18 = arith.constant 0 : index
    %swap3A_19 = vector.load %arg3[%swap3A_16, %swap3A_17, %swap3A_18] : memref<1000x8x128xf32, #tpu.memory_space<vmem>>, vector<1000x1x128xf32>
    %swap3A_20 = vector.shape_cast %swap3A_19 : vector<1000x1x128xf32> to vector<1000x128xf32>
    %swap3A_21 = vector.shape_cast %slice3A_15 : vector<1000x128xf32> to vector<1000x1x128xf32>
    tpu.vector_store %arg3[%swap3A_16, %swap3A_17, %swap3A_18], %swap3A_21 {strides = array<i32>} : memref<1000x8x128xf32, #tpu.memory_space<vmem>>, vector<1000x1x128xf32>,
    %slice3A_22 = vector.extract_strided_slice %add3A_9 {offsets = [0, 256], sizes = [1000, 128], strides = [1, 1]} : vector<1000x1024xf32> to vector<1000x128xf32>
    %swap3A_23 = arith.constant 0 : index
    %swap3A_24 = arith.constant 2 : index
    %swap3A_25 = arith.constant 0 : index
    %swap3A_26 = vector.load %arg3[%swap3A_23, %swap3A_24, %swap3A_25] : memref<1000x8x128xf32, #tpu.memory_space<vmem>>, vector<1000x1x128xf32>
    %swap3A_27 = vector.shape_cast %swap3A_26 : vector<1000x1x128xf32> to vector<1000x128xf32>
    %swap3A_28 = vector.shape_cast %slice3A_22 : vector<1000x128xf32> to vector<1000x1x128xf32>
    tpu.vector_store %arg3[%swap3A_23, %swap3A_24, %swap3A_25], %swap3A_28 {strides = array<i32>} : memref<1000x8x128xf32, #tpu.memory_space<vmem>>, vector<1000x1x128xf32>,
    %slice3A_29 = vector.extract_strided_slice %add3A_9 {offsets = [0, 384], sizes = [1000, 128], strides = [1, 1]} : vector<1000x1024xf32> to vector<1000x128xf32>
    %swap3A_30 = arith.constant 0 : index
    %swap3A_31 = arith.constant 3 : index
    %swap3A_32 = arith.constant 0 : index
    %swap3A_33 = vector.load %arg3[%swap3A_30, %swap3A_31, %swap3A_32] : memref<1000x8x128xf32, #tpu.memory_space<vmem>>, vector<1000x1x128xf32>
    %swap3A_34 = vector.shape_cast %swap3A_33 : vector<1000x1x128xf32> to vector<1000x128xf32>
    %swap3A_35 = vector.shape_cast %slice3A_29 : vector<1000x128xf32> to vector<1000x1x128xf32>
    tpu.vector_store %arg3[%swap3A_30, %swap3A_31, %swap3A_32], %swap3A_35 {strides = array<i32>} : memref<1000x8x128xf32, #tpu.memory_space<vmem>>, vector<1000x1x128xf32>,
    %slice3A_36 = vector.extract_strided_slice %add3A_9 {offsets = [0, 512], sizes = [1000, 128], strides = [1, 1]} : vector<1000x1024xf32> to vector<1000x128xf32>
    %swap3A_37 = arith.constant 0 : index
    %swap3A_38 = arith.constant 4 : index
    %swap3A_39 = arith.constant 0 : index
    %swap3A_40 = vector.load %arg3[%swap3A_37, %swap3A_38, %swap3A_39] : memref<1000x8x128xf32, #tpu.memory_space<vmem>>, vector<1000x1x128xf32>
    %swap3A_41 = vector.shape_cast %swap3A_40 : vector<1000x1x128xf32> to vector<1000x128xf32>
    %swap3A_42 = vector.shape_cast %slice3A_36 : vector<1000x128xf32> to vector<1000x1x128xf32>
    tpu.vector_store %arg3[%swap3A_37, %swap3A_38, %swap3A_39], %swap3A_42 {strides = array<i32>} : memref<1000x8x128xf32, #tpu.memory_space<vmem>>, vector<1000x1x128xf32>,
    %slice3A_43 = vector.extract_strided_slice %add3A_9 {offsets = [0, 640], sizes = [1000, 128], strides = [1, 1]} : vector<1000x1024xf32> to vector<1000x128xf32>
    %swap3A_44 = arith.constant 0 : index
    %swap3A_45 = arith.constant 5 : index
    %swap3A_46 = arith.constant 0 : index
    %swap3A_47 = vector.load %arg3[%swap3A_44, %swap3A_45, %swap3A_46] : memref<1000x8x128xf32, #tpu.memory_space<vmem>>, vector<1000x1x128xf32>
    %swap3A_48 = vector.shape_cast %swap3A_47 : vector<1000x1x128xf32> to vector<1000x128xf32>
    %swap3A_49 = vector.shape_cast %slice3A_43 : vector<1000x128xf32> to vector<1000x1x128xf32>
    tpu.vector_store %arg3[%swap3A_44, %swap3A_45, %swap3A_46], %swap3A_49 {strides = array<i32>} : memref<1000x8x128xf32, #tpu.memory_space<vmem>>, vector<1000x1x128xf32>,
    %slice3A_50 = vector.extract_strided_slice %add3A_9 {offsets = [0, 768], sizes = [1000, 128], strides = [1, 1]} : vector<1000x1024xf32> to vector<1000x128xf32>
    %swap3A_51 = arith.constant 0 : index
    %swap3A_52 = arith.constant 6 : index
    %swap3A_53 = arith.constant 0 : index
    %swap3A_54 = vector.load %arg3[%swap3A_51, %swap3A_52, %swap3A_53] : memref<1000x8x128xf32, #tpu.memory_space<vmem>>, vector<1000x1x128xf32>
    %swap3A_55 = vector.shape_cast %swap3A_54 : vector<1000x1x128xf32> to vector<1000x128xf32>
    %swap3A_56 = vector.shape_cast %slice3A_50 : vector<1000x128xf32> to vector<1000x1x128xf32>
    tpu.vector_store %arg3[%swap3A_51, %swap3A_52, %swap3A_53], %swap3A_56 {strides = array<i32>} : memref<1000x8x128xf32, #tpu.memory_space<vmem>>, vector<1000x1x128xf32>,
    %slice3A_57 = vector.extract_strided_slice %add3A_9 {offsets = [0, 896], sizes = [1000, 128], strides = [1, 1]} : vector<1000x1024xf32> to vector<1000x128xf32>
    %swap3A_58 = arith.constant 0 : index
    %swap3A_59 = arith.constant 7 : index
    %swap3A_60 = arith.constant 0 : index
    %swap3A_61 = vector.load %arg3[%swap3A_58, %swap3A_59, %swap3A_60] : memref<1000x8x128xf32, #tpu.memory_space<vmem>>, vector<1000x1x128xf32>
    %swap3A_62 = vector.shape_cast %swap3A_61 : vector<1000x1x128xf32> to vector<1000x128xf32>
    %swap3A_63 = vector.shape_cast %slice3A_57 : vector<1000x128xf32> to vector<1000x1x128xf32>
    tpu.vector_store %arg3[%swap3A_58, %swap3A_59, %swap3A_60], %swap3A_63 {strides = array<i32>} : memref<1000x8x128xf32, #tpu.memory_space<vmem>>, vector<1000x1x128xf32>,
    return
  }
}

</mosaic_0001>

<sc_bundles>
// kernel: kernel.4.cloned.1.call-start
scs
__scs_entry_jumppad:
0x0: {  	(pc) =	sbr.rel $0x88, $3  }
0x1: {  	(tag) =	ssettag $0x0;
	lr =	simm.s32 $0x1  }
0x2: {  	[smem:$0x3F9D] =	sst lr;
	_ =	strace $0xD0000000  }
0x3: {  	_ = 	snop  }
0x4: {  	_ = 	snop  }
0x5: {  	_ = 	snop  }
0x6: {  	_ = 	snop  }
0x7: {  	_ = 	snop  }
__scs_overlays_trampoline_lowered:
0x8: {  	[smem:$0x3FAC] =	sst s0  }
0x9: {  	[smem:$0x3FAD] =	sst s1  }
0xa: {  	[smem:$0x3FAE] =	sst s2  }
0xb: {  	[smem:$0x3FAF] =	sst s3  }
0xc: {  	[smem:$0x3FB0] =	sst s4  }
0xd: {  	[smem:$0x3FB1] =	sst s5  }
0xe: {  	[smem:$0x3FB2] =	sst s6  }
0xf: {  	[smem:$0x3FB3] =	sst s7  }
0x10: {  	[smem:$0x3FB4] =	sst s8  }
0x11: {  	[smem:$0x3FB5] =	sst s9;
	s0 =	simm.s32 @!p0 $0x0  }
0x12: {  	s1 =	sld [smem:$0x3F9B];
	s0 =	simm.s32 @p0 $0x1  }
0x13: {  	[smem:$0x3FB6] =	sst s0;
	s0 =	simm.s32 @!p1 $0x0  }
0x14: {  	s2 =	sld [smem:$0x3F9A];
	s0 =	simm.s32 @p1 $0x1  }
0x15: {  	[smem:$0x3FB7] =	sst s0;
	s0 =	simm.s32 @!p2 $0x0  }
0x16: {  	s3 =	sld [smem:$0x3FDB];
	s0 =	simm.s32 @p2 $0x1  }
0x17: {  	s4 =	simm.s32 $0x1BF5;
	[smem:$0x3FB9] =	sst s0  }
0x18: {  	s0 =	sld [smem:$0x3F9C];
	_ =	swait.ge [sflag:s4], $0x0  }
0x19: {  	s7 =	sld [smem:$0x3F9D]  }
0x1a: {  	s8 =	sadd.s32 $0xFFFFE003, lr  }
0x1b: {  	s9 =	sadd.s32 $0xFFFFFEF7, lr;
	s5 =	simm.s32 $0xFFFFFFFF;
	p2 =	slt.u32 s8, $0xFFFFF086  }
0x1c: {  	p1 =	slt.u32 s9, $0xF7A;
	s5 =	simm.s32 @!p2 $0x0  }
0x1d: {  	s5 =	simm.s32 @p1 $0x1;
	p0 =	seq.s32 s7, s2  }
0x1e: {  	s7 =	smul.u32 @!p0 $0xF7A, s2;
	p2 =	seq.s32 @!p0 s5, $0x0  }
0x1f: {  	s9 =	smul.u32 $0xF7A, s1;
	s8 =	simm.s32 @!p0 $0x1BF5;
	p2 =	por !p2, p0  }
0x20: {  	[sflag:s8] =	ssyncset.s32 @!p0 $0xFFFFF086;
	s6 =	sadd.s32 @!p0 s3, s7;
	s7 =	simm.s32 @!p0 $0x108  }
0x21: {  	s3 =	sadd.s32 s3, s9;
	s6 =	sadd.s32 @!p0 $0x88, s6;
	s7 =	simm.s32 @p2 $0x1082  }
0x22: {  	[simem:s7], [sflag:s8] =	dma.local @!p0 [hbm:s6], $0xF7A  }
0x23: {  	s9 =	sor.u32 $0xD0000000, s2;
	s6 =	simm.s32 $0x108;
	_ =	swait.ge @!p0 [sflag:s8], $0x0  }
0x24: {  	s3 =	sadd.s32 $0x88, s3;
	s6 =	simm.s32 @!p1 $0x1082;
	[sflag:s4] =	ssyncset.s32 $0xFFFFF086  }
0x25: {  	[simem:s6], [sflag:s4] =	dma.local [hbm:s3], $0xF7A  }
0x26: {  	[smem:$0x3F9D] =	sst s1;
	(tag) =	ssettag s2;
	_ =	strace s9  }
0x27: {  	s1 =	sld [smem:$0x3FAD]  }
0x28: {  	s2 =	sld [smem:$0x3FAE]  }
0x29: {  	s4 =	sld [smem:$0x3FB0]  }
0x2a: {  	p0 =	seq.s32 s5, $0x0;
	s5 =	sld [smem:$0x3FB1]  }
0x2b: {  	s6 =	sld [smem:$0x3FB2]  }
0x2c: {  	s7 =	sld [smem:$0x3FB3]  }
0x2d: {  	s3 =	simm.s32 $0x108;
	s8 =	sld [smem:$0x3FB4]  }
0x2e: {  	s3 =	simm.s32 @!p0 $0x1082;
	s9 =	sld [smem:$0x3FB5]  }
0x2f: {  	lr =	sadd.s32 s0, s3;
	s0 =	sld [smem:$0x3FAC]  }
0x30: {  	s3 =	sld [smem:$0x3FAF]  }
0x31: {  	[smem:$0x3FB8] =	sst s10  }
0x32: {  	s10 =	sld [smem:$0x3FB6];
	_ =	sdelay $0x3  }
0x33: {  	p0 =	seq.s32 s10, $0x1;
	s10 =	sld [smem:$0x3FB8];
	_ =	sdelay $0x3  }
0x34: {  	[smem:$0x3FB8] =	sst s10  }
0x35: {  	s10 =	sld [smem:$0x3FB7];
	_ =	sdelay $0x3  }
0x36: {  	p1 =	seq.s32 s10, $0x1;
	s10 =	sld [smem:$0x3FB8];
	_ =	sdelay $0x3  }
0x37: {  	[smem:$0x3FB8] =	sst s10  }
0x38: {  	s10 =	sld [smem:$0x3FB9]  }
0x39: {  	_ = 	snop;
	(pc) =	sbr.ind lr, $3  }
0x3a: {  	_ = 	snop  }
0x3b: {  	_ = 	snop  }
0x3c: {  	p2 =	seq.s32 s10, $0x1;
	s10 =	sld [smem:$0x3FB8]  }
0x3d: {  	_ =	shalt  }
0x3e: {  	_ =	shalt  }
0x3f: {  	_ =	shalt  }
0x40: {  	_ =	shalt  }
0x41: {  	_ =	shalt  }
0x42: {  	_ =	shalt  }
0x43: {  	_ =	shalt  }
0x44: {  	_ =	shalt  }
0x45: {  	_ =	shalt  }
0x46: {  	_ =	shalt  }
0x47: {  	_ =	shalt  }
0x48: {  	_ =	shalt  }
0x49: {  	_ =	shalt  }
0x4a: {  	_ =	shalt  }
0x4b: {  	_ =	shalt  }
0x4c: {  	_ =	shalt  }
0x4d: {  	_ =	shalt  }
0x4e: {  	_ =	shalt  }
0x4f: {  	_ =	shalt  }
0x50: {  	_ =	shalt  }
0x51: {  	_ =	shalt  }
0x52: {  	_ =	shalt  }
0x53: {  	_ =	shalt  }
0x54: {  	_ =	shalt  }
0x55: {  	_ =	shalt  }
0x56: {  	_ =	shalt  }
0x57: {  	_ =	shalt  }
0x58: {  	_ =	shalt  }
0x59: {  	_ =	shalt  }
0x5a: {  	_ =	shalt  }
0x5b: {  	_ =	shalt  }
0x5c: {  	_ =	shalt  }
0x5d: {  	_ =	shalt  }
0x5e: {  	_ =	shalt  }
0x5f: {  	_ =	shalt  }
0x60: {  	_ =	shalt  }
0x61: {  	_ =	shalt  }
0x62: {  	_ =	shalt  }
0x63: {  	_ =	shalt  }
0x64: {  	_ =	shalt  }
0x65: {  	_ =	shalt  }
0x66: {  	_ =	shalt  }
0x67: {  	_ =	shalt  }
0x68: {  	_ =	shalt  }
0x69: {  	_ =	shalt  }
0x6a: {  	_ =	shalt  }
0x6b: {  	_ =	shalt  }
0x6c: {  	_ =	shalt  }
0x6d: {  	_ =	shalt  }
0x6e: {  	_ =	shalt  }
0x6f: {  	_ =	shalt  }
0x70: {  	_ =	shalt  }
0x71: {  	_ =	shalt  }
0x72: {  	_ =	shalt  }
0x73: {  	_ =	shalt  }
0x74: {  	_ =	shalt  }
0x75: {  	_ =	shalt  }
0x76: {  	_ =	shalt  }
0x77: {  	_ =	shalt  }
0x78: {  	_ =	shalt  }
0x79: {  	_ =	shalt  }
0x7a: {  	_ =	shalt  }
0x7b: {  	_ =	shalt  }
0x7c: {  	_ =	shalt  }
0x7d: {  	_ =	shalt  }
0x7e: {  	_ =	shalt  }
0x7f: {  	_ =	shalt  }
0x80: {  	_ =	shalt  }
0x81: {  	_ =	shalt  }
0x82: {  	_ =	shalt  }
0x83: {  	_ =	shalt  }
0x84: {  	_ =	shalt  }
0x85: {  	_ =	shalt  }
0x86: {  	_ =	shalt  }
0x87: {  	_ =	shalt  }
.Lfunc_end0:
.L_simem_size_0:
called_computation_lowered:
.L_overlay_start_0:
0x88: {  	s2 =	sld [smem:$0x3FD9]  }
0x89: {  	s3 =	sld [smem:$0x3FFE];
	_ =	sdelay $0x1  }
0x8a: {  	s1 =	srdreg.scid  }
0x8b: {  	s0 =	sand.u32 $0x1, s1  }
0x8c: {  	s17 =	sshll.u32 s0, $0xA;
	s2 =	sadd.s32 s3, s2  }
0x8d: {  	s2 =	sadd.s32 s2, s17  }
0x8e: {  	[smem:$0x3FC4] =	sst s2  }
0x8f: {  	_ = 	snop  }
0x90: {  	s2 =	sld [smem:$0x3FD0];
	(tm) =	ssettm $0x1  }
0x91: {  	s18 =	sld [smem:$0x3FFB];
	_ =	sdelay $0x3  }
0x92: {  	_ =	strace s18  }
0x93: {  	s3 =	sld [smem:$0x3FFC];
	_ =	sdelay $0x3  }
0x94: {  	_ =	strace s3  }
0x95: {  	s3 =	sld [smem:$0x3FFD];
	_ =	sdelay $0x3  }
0x96: {  	_ =	strace s3  }
0x97: {  	_ =	strace $0x8FFFFFFF  }
0x98: {  	s19 =	sld [smem:$0x3FDB];
	_ =	sdelay $0x1  }
0x99: {  	s4 =	simm.s32 $_scs_section_size  }
0x9a: {  	s5 =	simm.s32 $_size__tile_overlayer_lowered;
	s6 =	simm.s32 $_tile_overlayer_lowered  }
0x9b: {  	s22 =	simm.s32 $0x1BFF;
	s21 =	sshll.u32 s6, $0x1;
	s3 =	sadd.s32 s4, s19  }
0x9c: {  	s7 =	simm.s32 $0x0;
	s20 =	sshll.u32 s5, $0x1;
	s5 =	sadd.s32 s21, s3  }
0x9d: {  	[timem:s7], [sflag:s22] =	dma.local [hbm:s5], s20  }
0x9e: {  	_ =	swait.ge [sflag:s22], s20  }
0x9f: {  	s4 =	ssub.s32 $0x0, s20;
	[sflag:s22] =	ssyncset.done $0x0  }
0xa0: {  	[sflag:s22] =	ssyncadd.s32 s4;
	_ =	sdelay $0x1  }
0xa1: {  	s23 =	simm.s32 $0x1B8B  }
0xa2: {  	_ =	swait.ge [sflag:s23], $0x1  }
0xa3: {  	[sflag:s23] =	ssyncset.done $0x0  }
0xa4: {  	s25 =	simm.s32 $0x1B8E;
	s24 =	sld [smem:$0x3FFE];
	[sflag:s23] =	ssyncadd.s32 $0xFFFFFFFF  }
0xa5: {  	s26 =	simm.s32 $execute0_lowered;
	[smem:$0x3FD2] =	sst s25  }
0xa6: {  	s5 =	sshll.u32 s26, $0x1;
	_ =	strace $0x80000046;
	[dreg:$0x1] =	wrdreg $0xFFFFFFFF  }
0xa7: {  	s28 =	simm.s32 $_size_execute0_lowered;
	s3 =	sadd.s32 s3, s5;
	[dreg:$0x0] =	wrdreg $0x0  }
0xa8: {  	s5 =	sshll.u32 s28, $0x1;
	[dreg:$0x2] =	wrdreg s3  }
0xa9: {  	[dreg:$0x3] =	wrdreg s5  }
0xaa: {  	[dreg:$0x4] =	wrdreg $0xC0  }
0xab: {  	_ =	task [dreg:s7], $0x5FFFF  }
0xac: {  	[dreg:$0x1] =	wrdreg $0xFFFFFFFF  }
0xad: {  	[dreg:$0x0] =	wrdreg $0x60  }
0xae: {  	[dreg:$0x2] =	wrdreg s24  }
0xaf: {  	[dreg:$0x3] =	wrdreg s2  }
0xb0: {  	[dreg:$0x4] =	wrdreg $0x9  }
0xb1: {  	_ =	task.clear_ibuf [dreg:s7], $0x5FFFF;
	_ =	strace $0x90000046  }
0xb2: {  	s29 =	simm.s32 $0x9;
	_ =	strace $0x80000048  }
0xb3: {  	_ =	swait.ge [sflag:s29], $0x1  }
0xb4: {  	[sflag:s29] =	ssyncadd.s32 $0xFFFFFFFF  }
0xb5: {  	_ =	strace $0x90000048  }
0xb6: {  	_ =	sfence  }
0xb7: {  	s30 =	sld [smem:$0x0];
	_ =	sdelay $0x2  }
0xb8: {  	s31 =	sshll.u32 s1, $0xD;
	s1 =	sshrl.u32 s1, $0x2  }
0xb9: {  	s3 =	sand.u32 $0x4000, s31;
	s1 =	sadd.s32 s1, s30  }
0xba: {  	s0 =	sor.u32 s3, s0;
	s1 =	sshll.u32 s1, $0x11  }
0xbb: {  	s0 =	sor.u32 s1, s0  }
0xbc: {  	s0 =	sadd.s32 $0x8F2B, s0  }
0xbd: {  	[sflag:s0] =	ssyncadd.remote.s32 $0x1  }
0xbe: {  	_ =	sfence.sel $0xFFFF  }
0xbf: {  	[dreg:$0x0] =	wrdreg $0xFFFFFFFF;
	(pc) =	sbr.abs _section_cstart, $3  }
0xc0: {  	[dreg:$0x1] =	wrdreg $0xFFFFFFFF  }
0xc1: {  	_ =	task.clear_ibuf [dreg:s7], $0x2FFFF;
	_ =	strace $0x9FFFFFFF  }
0xc2: {  	(tm) =	ssettm $0x7FFFFFFF  }
0xc3: {  	_ =	shalt  }
tec
execute0_lowered:
.L_overlay_start_1:
0x0: {  	(tag) =	ssettag $0x1  }
0x1: {  	s0 =	srdreg.scid;
	s1 =	rddreg [dreg:$0x0]  }
0x2: {  	s2 =	stileid.u32;
	s6 =	rddreg [dreg:$0x1]  }
0x3: {  	s18 =	simm.s32 $0x0;
	s17 =	simm.s32 $0x400;
	s19 =	simm.s32 $0x800  }
0x4: {  	s28 =	simm.s32 $0x2800;
	s29 =	simm.s32 $0x2C00;
	s30 =	simm.s32 $0x3000  }
0x5: {  	s7 =	simm.s32 $0x4000;
	s8 =	simm.s32 $0x4400;
	s9 =	simm.s32 $0x4800  }
0x6: {  	s10 =	simm.s32 $0x4C00;
	s11 =	simm.s32 $0x5000;
	s12 =	simm.s32 $0x5400  }
0x7: {  	s14 =	simm.s32 $0x6400;
	s31 =	simm.s32 $0x7000;
	s16 =	simm.s32 $0x0  }
0x8: {  	s0 =	sand.u32 $0x1, s0;
	s2 =	sshll.u32 s2, $0x3;
	[smem:$0x7FF] =	sst s18  }
0x9: {  	s21 =	sadd.s32 $0x800, s1;
	s3 =	sshll.u32 s0, $0x2;
	_ =	strace $0x80000047  }
0xa: {  	s0 =	ssub.s32 $0x2, s0;
	[dreg:$0x5] =	wrdreg s21;
	s21 =	simm.s32 $0x1000  }
0xb: {  	s2 =	sor.u32 s3, s2;
	s22 =	sshrl.u32 s0, $0x1;
	s3 =	simm.s32 $0x6C00  }
0xc: {  	s2 =	smin.u32 s2, $0x79;
	s0 =	ssub.s32 s0, s22;
	s22 =	simm.s32 $0x1400  }
0xd: {  	s20 =	sshll.u32 s2, $0xA;
	s5 =	sshll.u32 s2, $0xD;
	s0 =	smax.u32 s0, $0x1  }
0xe: {  	s2 =	simm.s32 $0x5C00;
	s4 =	sadd.s32 s20, s1;
	[dreg:$0x4] =	wrdreg s5  }
0xf: {  	s5 =	sshrl.u32 s5, $0x3;
	s1 =	sadd.s32 $0x880, s1;
	s25 =	sadd.s32 s6, s20  }
0x10: {  	[dreg:$0xa] =	wrdreg s0;
	s20 =	simm.s32 $0xC00;
	s0 =	simm.s32 $0x3800  }
0x11: {  	s23 =	sadd.s32 $0x2200, s4;
	s24 =	sadd.s32 s6, s5;
	[dreg:$0x7] =	wrdreg s1  }
0x12: {  	[dreg:$0x8] =	wrdreg s25;
	s25 =	simm.s32 $0x2000;
	s1 =	simm.s32 $0x3400  }
0x13: {  	s6 =	simm.s32 $0x3C00;
	s4 =	simm.s32 $0x6000;
	s5 =	simm.s32 $0x6800  }
0x14: {  	[dreg:$0x6] =	wrdreg s23;
	s26 =	sadd.s32 $0x1F400, s24;
	s23 =	simm.s32 $0x1800  }
0x15: {  	s24 =	simm.s32 $0x1C00;
	[dreg:$0x9] =	wrdreg s26;
	s26 =	simm.s32 $0x2400  }
.LBB2_1:
0x16: {  	[dreg:$0xb] =	wrdreg s16  }
0x17: {  	s15 =	rddreg [dreg:$0x6];
	s13 =	simm.s32 $0x5  }
0x18: {  	[tilespmem:s18], [sflag:$0x5] =	stream.linear.gather [hbm4b:s15+s18], $0x8000, $0x38;
	[tilespmem:$0x18800] =	vst v63  }
0x19: {  	_ =	swait.ge [sflag:s13], $0x8000  }
0x1a: {  	[sflag:s13] =	ssyncset.done $0x0  }
0x1b: {  	s16 =	rddreg [dreg:$0x5];
	[sflag:s13] =	ssyncadd.s32 $0xFFFF8000;
	s13 =	simm.s32 $0x8000  }
0x1c: {  	[tilespmem:s13], [sflag:$0x3] =	stream.linear.gather [hbm4b:s16+s18], $0x400, $0x38;
	[tilespmem:$0x18800] =	vst v63  }
0x1d: {  	s15 =	simm.s32 $0x3;
	s16 =	rddreg [dreg:$0x7];
	s13 =	simm.s32 $0x8400  }
0x1e: {  	[tilespmem:s13], [sflag:$0x4] =	stream.linear.gather [hbm4b:s16+s18], $0x400, $0x38;
	[tilespmem:$0x18800] =	vst v63  }
0x1f: {  	_ =	swait.ge [sflag:s15], $0x400  }
0x20: {  	s13 =	simm.s32 $0x0;
	[sflag:s15] =	ssyncset.done $0x0  }
0x21: {  	s16 =	sand.u32 $0x3FFFFFF0, s13;
	[sflag:s15] =	ssyncadd.s32 $0xFFFFFC00  }
0x22: {  	v0 =	vld [tilespmem:s16+$0x8000];
	_ =	sdelay $0x1  }
0x23: {  	v7 =	vld [tilespmem:s16+$0x8070];
	_ =	sdelay $0x5  }
0x24: {  	v1 =	vld.idx.msk [tilespmem:v0+s18+$0x0], $0xffff;
	_ =	sdelay $0x1  }
0x25: {  	v9 =	vld.idx.msk [tilespmem:v7+s18+$0x0], $0xffff  }
0x26: {  	s13 =	simm.s32 $0x0  }
0x27: {  	s15 =	sand.u32 $0x3FFFFF80, s13  }
0x28: {  	[tilespmem:s15+$0x8800] =	vst v1  }
0x29: {  	v1 =	vld.idx.msk [tilespmem:v0+s17+$0x0], $0xffff  }
0x2a: {  	[tilespmem:s15+$0x8870] =	vst v9  }
0x2b: {  	v9 =	vld.idx.msk [tilespmem:v7+s17+$0x0], $0xffff;
	_ =	sdelay $0x2  }
0x2c: {  	[tilespmem:s15+$0x8880] =	vst v1  }
0x2d: {  	v1 =	vld.idx.msk [tilespmem:v0+s19+$0x0], $0xffff  }
0x2e: {  	[tilespmem:s15+$0x88F0] =	vst v9  }
0x2f: {  	v9 =	vld.idx.msk [tilespmem:v7+s19+$0x0], $0xffff;
	_ =	sdelay $0x2  }
0x30: {  	v6 =	vld [tilespmem:s16+$0x8010];
	[tilespmem:s15+$0x8900] =	vst v1  }
0x31: {  	v1 =	vld.idx.msk [tilespmem:v0+s20+$0x0], $0xffff  }
0x32: {  	v5 =	vld [tilespmem:s16+$0x8020];
	[tilespmem:s15+$0x8970] =	vst v9  }
0x33: {  	v9 =	vld.idx.msk [tilespmem:v7+s20+$0x0], $0xffff  }
0x34: {  	v4 =	vld [tilespmem:s16+$0x8030];
	_ =	sdelay $0x1  }
0x35: {  	v3 =	vld [tilespmem:s16+$0x8040];
	[tilespmem:s15+$0x8980] =	vst v1  }
0x36: {  	v1 =	vld.idx.msk [tilespmem:v0+s21+$0x0], $0xffff  }
0x37: {  	[tilespmem:s15+$0x89F0] =	vst v9  }
0x38: {  	v9 =	vld.idx.msk [tilespmem:v7+s21+$0x0], $0xffff  }
0x39: {  	v10 =	vld.idx.msk [tilespmem:v6+s18+$0x0], $0xffff  }
0x3a: {  	v11 =	vld.idx.msk [tilespmem:v5+s18+$0x0], $0xffff  }
0x3b: {  	v12 =	vld.idx.msk [tilespmem:v4+s18+$0x0], $0xffff;
	[tilespmem:s15+$0x8A00] =	vst v1  }
0x3c: {  	v1 =	vld.idx.msk [tilespmem:v0+s22+$0x0], $0xffff  }
0x3d: {  	v13 =	vld.idx.msk [tilespmem:v3+s18+$0x0], $0xffff;
	[tilespmem:s15+$0x8A70] =	vst v9  }
0x3e: {  	[tilespmem:s15+$0x8810] =	vst v10;
	v9 =	vld.idx.msk [tilespmem:v7+s22+$0x0], $0xffff  }
0x3f: {  	[tilespmem:s15+$0x8820] =	vst v11;
	v10 =	vld.idx.msk [tilespmem:v6+s17+$0x0], $0xffff  }
0x40: {  	[tilespmem:s15+$0x8830] =	vst v12;
	v11 =	vld.idx.msk [tilespmem:v5+s17+$0x0], $0xffff  }
0x41: {  	v12 =	vld.idx.msk [tilespmem:v4+s17+$0x0], $0xffff;
	[tilespmem:s15+$0x8A80] =	vst v1  }
0x42: {  	[tilespmem:s15+$0x8840] =	vst v13;
	v1 =	vld.idx.msk [tilespmem:v0+s23+$0x0], $0xffff  }
0x43: {  	v13 =	vld.idx.msk [tilespmem:v3+s17+$0x0], $0xffff;
	[tilespmem:s15+$0x8AF0] =	vst v9  }
0x44: {  	[tilespmem:s15+$0x8890] =	vst v10;
	v9 =	vld.idx.msk [tilespmem:v7+s23+$0x0], $0xffff  }
0x45: {  	[tilespmem:s15+$0x88A0] =	vst v11;
	v10 =	vld.idx.msk [tilespmem:v6+s19+$0x0], $0xffff  }
0x46: {  	[tilespmem:s15+$0x88B0] =	vst v12;
	v11 =	vld.idx.msk [tilespmem:v5+s19+$0x0], $0xffff  }
0x47: {  	v12 =	vld.idx.msk [tilespmem:v4+s19+$0x0], $0xffff;
	[tilespmem:s15+$0x8B00] =	vst v1  }
0x48: {  	[tilespmem:s15+$0x88C0] =	vst v13;
	v1 =	vld.idx.msk [tilespmem:v0+s24+$0x0], $0xffff  }
0x49: {  	v13 =	vld.idx.msk [tilespmem:v3+s19+$0x0], $0xffff;
	[tilespmem:s15+$0x8B70] =	vst v9  }
0x4a: {  	[tilespmem:s15+$0x8910] =	vst v10;
	v9 =	vld.idx.msk [tilespmem:v7+s24+$0x0], $0xffff  }
0x4b: {  	[tilespmem:s15+$0x8920] =	vst v11;
	v10 =	vld.idx.msk [tilespmem:v6+s20+$0x0], $0xffff  }
0x4c: {  	[tilespmem:s15+$0x8930] =	vst v12;
	v11 =	vld.idx.msk [tilespmem:v5+s20+$0x0], $0xffff  }
0x4d: {  	v12 =	vld.idx.msk [tilespmem:v4+s20+$0x0], $0xffff;
	[tilespmem:s15+$0x8B80] =	vst v1  }
0x4e: {  	[tilespmem:s15+$0x8940] =	vst v13;
	v1 =	vld.idx.msk [tilespmem:v0+s25+$0x0], $0xffff  }
0x4f: {  	v13 =	vld.idx.msk [tilespmem:v3+s20+$0x0], $0xffff;
	[tilespmem:s15+$0x8BF0] =	vst v9  }
0x50: {  	[tilespmem:s15+$0x8990] =	vst v10;
	v9 =	vld.idx.msk [tilespmem:v7+s25+$0x0], $0xffff  }
0x51: {  	[tilespmem:s15+$0x89A0] =	vst v11;
	v10 =	vld.idx.msk [tilespmem:v6+s21+$0x0], $0xffff  }
0x52: {  	[tilespmem:s15+$0x89B0] =	vst v12;
	v11 =	vld.idx.msk [tilespmem:v5+s21+$0x0], $0xffff  }
0x53: {  	v12 =	vld.idx.msk [tilespmem:v4+s21+$0x0], $0xffff;
	[tilespmem:s15+$0xA800] =	vst v1  }
0x54: {  	[tilespmem:s15+$0x89C0] =	vst v13;
	v2 =	vld.idx.msk [tilespmem:v0+s26+$0x0], $0xffff  }
0x55: {  	v13 =	vld.idx.msk [tilespmem:v3+s21+$0x0], $0xffff;
	[tilespmem:s15+$0xA870] =	vst v9  }
0x56: {  	[tilespmem:s15+$0x8A10] =	vst v10;
	v9 =	vld.idx.msk [tilespmem:v7+s26+$0x0], $0xffff  }
0x57: {  	v10 =	vld.idx.msk [tilespmem:v6+s22+$0x0], $0xffff  }
0x58: {  	[tilespmem:s15+$0x8A20] =	vst v11;
	v1 =	vld [tilespmem:s16+$0x8050]  }
0x59: {  	[tilespmem:s15+$0xA880] =	vst v2;
	v2 =	vld [tilespmem:s16+$0x8060]  }
0x5a: {  	v11 =	vld.idx.msk [tilespmem:v5+s22+$0x0], $0xffff  }
0x5b: {  	[tilespmem:s15+$0xA8F0] =	vst v9;
	v8 =	vld.idx.msk [tilespmem:v0+s28+$0x0], $0xffff  }
0x5c: {  	[tilespmem:s15+$0x8A30] =	vst v12;
	v9 =	vld.idx.msk [tilespmem:v7+s28+$0x0], $0xffff  }
0x5d: {  	[tilespmem:s15+$0x8A40] =	vst v13;
	v12 =	vld.idx.msk [tilespmem:v4+s22+$0x0], $0xffff  }
0x5e: {  	v13 =	vld.idx.msk [tilespmem:v3+s22+$0x0], $0xffff;
	[tilespmem:s15+$0x8A90] =	vst v10  }
0x5f: {  	[tilespmem:s15+$0x8AA0] =	vst v11;
	v10 =	vld.idx.msk [tilespmem:v6+s23+$0x0], $0xffff  }
0x60: {  	[tilespmem:s15+$0xA900] =	vst v8;
	v8 =	vld.idx.msk [tilespmem:v1+s18+$0x0], $0xffff  }
0x61: {  	[tilespmem:s15+$0xA970] =	vst v9;
	v14 =	vld.idx.msk [tilespmem:v2+s18+$0x0], $0xffff  }
0x62: {  	[tilespmem:s15+$0x8AB0] =	vst v12;
	v9 =	vld.idx.msk [tilespmem:v7+s29+$0x0], $0xffff  }
0x63: {  	[tilespmem:s15+$0x8AC0] =	vst v13;
	v11 =	vld.idx.msk [tilespmem:v5+s23+$0x0], $0xffff  }
0x64: {  	v12 =	vld.idx.msk [tilespmem:v4+s23+$0x0], $0xffff;
	[tilespmem:s15+$0x8B10] =	vst v10  }
0x65: {  	v13 =	vld.idx.msk [tilespmem:v3+s23+$0x0], $0xffff;
	[tilespmem:s15+$0x8850] =	vst v8  }
0x66: {  	v8 =	vld.idx.msk [tilespmem:v1+s17+$0x0], $0xffff;
	[tilespmem:s15+$0x8860] =	vst v14  }
0x67: {  	[tilespmem:s15+$0xA9F0] =	vst v9;
	v14 =	vld.idx.msk [tilespmem:v2+s17+$0x0], $0xffff  }
0x68: {  	[tilespmem:s15+$0x8B20] =	vst v11;
	v9 =	vld.idx.msk [tilespmem:v7+s30+$0x0], $0xffff  }
0x69: {  	[tilespmem:s15+$0x8B30] =	vst v12;
	v10 =	vld.idx.msk [tilespmem:v6+s24+$0x0], $0xffff  }
0x6a: {  	[tilespmem:s15+$0x8B40] =	vst v13;
	v11 =	vld.idx.msk [tilespmem:v5+s24+$0x0], $0xffff  }
0x6b: {  	v12 =	vld.idx.msk [tilespmem:v4+s24+$0x0], $0xffff;
	[tilespmem:s15+$0x88D0] =	vst v8  }
0x6c: {  	v8 =	vld.idx.msk [tilespmem:v1+s19+$0x0], $0xffff;
	[tilespmem:s15+$0x88E0] =	vst v14  }
0x6d: {  	[tilespmem:s15+$0xAA70] =	vst v9;
	v14 =	vld.idx.msk [tilespmem:v2+s19+$0x0], $0xffff  }
0x6e: {  	[tilespmem:s15+$0x8B90] =	vst v10;
	v9 =	vld.idx.msk [tilespmem:v7+s1+$0x0], $0xffff  }
0x6f: {  	v13 =	vld.idx.msk [tilespmem:v3+s24+$0x0], $0xffff;
	[tilespmem:s15+$0x8BA0] =	vst v11  }
0x70: {  	[tilespmem:s15+$0x8BB0] =	vst v12;
	v10 =	vld.idx.msk [tilespmem:v6+s25+$0x0], $0xffff  }
0x71: {  	v11 =	vld.idx.msk [tilespmem:v5+s25+$0x0], $0xffff;
	[tilespmem:s15+$0x8950] =	vst v8  }
0x72: {  	v8 =	vld.idx.msk [tilespmem:v1+s20+$0x0], $0xffff;
	[tilespmem:s15+$0x8960] =	vst v14  }
0x73: {  	[tilespmem:s15+$0xAAF0] =	vst v9;
	v14 =	vld.idx.msk [tilespmem:v2+s20+$0x0], $0xffff  }
0x74: {  	[tilespmem:s15+$0x8BC0] =	vst v13;
	v9 =	vld.idx.msk [tilespmem:v7+s0+$0x0], $0xffff  }
0x75: {  	v12 =	vld.idx.msk [tilespmem:v4+s25+$0x0], $0xffff;
	[tilespmem:s15+$0xA810] =	vst v10  }
0x76: {  	v13 =	vld.idx.msk [tilespmem:v3+s25+$0x0], $0xffff;
	[tilespmem:s15+$0xA820] =	vst v11  }
0x77: {  	v10 =	vld.idx.msk [tilespmem:v6+s26+$0x0], $0xffff;
	[tilespmem:s15+$0x89D0] =	vst v8  }
0x78: {  	v8 =	vld.idx.msk [tilespmem:v1+s21+$0x0], $0xffff;
	[tilespmem:s15+$0x89E0] =	vst v14  }
0x79: {  	[tilespmem:s15+$0xAB70] =	vst v9;
	v14 =	vld.idx.msk [tilespmem:v2+s21+$0x0], $0xffff  }
0x7a: {  	[tilespmem:s15+$0xA830] =	vst v12;
	v9 =	vld.idx.msk [tilespmem:v7+s6+$0x0], $0xffff  }
0x7b: {  	[tilespmem:s15+$0xA840] =	vst v13;
	v11 =	vld.idx.msk [tilespmem:v5+s26+$0x0], $0xffff  }
0x7c: {  	v12 =	vld.idx.msk [tilespmem:v4+s26+$0x0], $0xffff;
	[tilespmem:s15+$0xA890] =	vst v10  }
0x7d: {  	v13 =	vld.idx.msk [tilespmem:v3+s26+$0x0], $0xffff;
	[tilespmem:s15+$0x8A50] =	vst v8  }
0x7e: {  	v8 =	vld.idx.msk [tilespmem:v1+s22+$0x0], $0xffff;
	[tilespmem:s15+$0x8A60] =	vst v14  }
0x7f: {  	[tilespmem:s15+$0xABF0] =	vst v9;
	v14 =	vld.idx.msk [tilespmem:v2+s22+$0x0], $0xffff  }
0x80: {  	[tilespmem:s15+$0xA8A0] =	vst v11;
	v9 =	vld.idx.msk [tilespmem:v7+s7+$0x0], $0xffff  }
0x81: {  	[tilespmem:s15+$0xA8B0] =	vst v12;
	v10 =	vld.idx.msk [tilespmem:v6+s28+$0x0], $0xffff  }
0x82: {  	[tilespmem:s15+$0xA8C0] =	vst v13;
	v11 =	vld.idx.msk [tilespmem:v5+s28+$0x0], $0xffff  }
0x83: {  	v12 =	vld.idx.msk [tilespmem:v4+s28+$0x0], $0xffff;
	[tilespmem:s15+$0x8AD0] =	vst v8  }
0x84: {  	v8 =	vld.idx.msk [tilespmem:v1+s23+$0x0], $0xffff;
	[tilespmem:s15+$0x8AE0] =	vst v14  }
0x85: {  	[tilespmem:s15+$0xC870] =	vst v9;
	v14 =	vld.idx.msk [tilespmem:v2+s23+$0x0], $0xffff  }
0x86: {  	[tilespmem:s15+$0xA910] =	vst v10;
	v9 =	vld.idx.msk [tilespmem:v7+s8+$0x0], $0xffff  }
0x87: {  	v13 =	vld.idx.msk [tilespmem:v3+s28+$0x0], $0xffff;
	[tilespmem:s15+$0xA920] =	vst v11  }
0x88: {  	[tilespmem:s15+$0xA930] =	vst v12;
	v10 =	vld.idx.msk [tilespmem:v6+s29+$0x0], $0xffff  }
0x89: {  	v11 =	vld.idx.msk [tilespmem:v5+s29+$0x0], $0xffff;
	[tilespmem:s15+$0x8B50] =	vst v8  }
0x8a: {  	v8 =	vld.idx.msk [tilespmem:v1+s24+$0x0], $0xffff;
	[tilespmem:s15+$0x8B60] =	vst v14  }
0x8b: {  	[tilespmem:s15+$0xC8F0] =	vst v9;
	v14 =	vld.idx.msk [tilespmem:v2+s24+$0x0], $0xffff  }
0x8c: {  	[tilespmem:s15+$0xA940] =	vst v13;
	v9 =	vld.idx.msk [tilespmem:v7+s9+$0x0], $0xffff  }
0x8d: {  	v12 =	vld.idx.msk [tilespmem:v4+s29+$0x0], $0xffff;
	[tilespmem:s15+$0xA990] =	vst v10  }
0x8e: {  	v13 =	vld.idx.msk [tilespmem:v3+s29+$0x0], $0xffff;
	[tilespmem:s15+$0xA9A0] =	vst v11  }
0x8f: {  	v10 =	vld.idx.msk [tilespmem:v0+s29+$0x0], $0xffff;
	[tilespmem:s15+$0x8BD0] =	vst v8  }
0x90: {  	v8 =	vld.idx.msk [tilespmem:v1+s25+$0x0], $0xffff;
	[tilespmem:s15+$0x8BE0] =	vst v14  }
0x91: {  	[tilespmem:s15+$0xC970] =	vst v9;
	v14 =	vld.idx.msk [tilespmem:v2+s25+$0x0], $0xffff  }
0x92: {  	[tilespmem:s15+$0xA9B0] =	vst v12;
	v9 =	vld.idx.msk [tilespmem:v7+s10+$0x0], $0xffff  }
0x93: {  	[tilespmem:s15+$0xA9C0] =	vst v13;
	v11 =	vld.idx.msk [tilespmem:v6+s30+$0x0], $0xffff  }
0x94: {  	v12 =	vld.idx.msk [tilespmem:v5+s30+$0x0], $0xffff;
	[tilespmem:s15+$0xA980] =	vst v10  }
0x95: {  	v13 =	vld.idx.msk [tilespmem:v4+s30+$0x0], $0xffff;
	[tilespmem:s15+$0xA850] =	vst v8  }
0x96: {  	v8 =	vld.idx.msk [tilespmem:v1+s26+$0x0], $0xffff;
	[tilespmem:s15+$0xA860] =	vst v14  }
0x97: {  	[tilespmem:s15+$0xC9F0] =	vst v9;
	v14 =	vld.idx.msk [tilespmem:v2+s26+$0x0], $0xffff  }
0x98: {  	[tilespmem:s15+$0xAA10] =	vst v11;
	v9 =	vld.idx.msk [tilespmem:v7+s11+$0x0], $0xffff  }
0x99: {  	v11 =	vld.idx.msk [tilespmem:v0+s30+$0x0], $0xffff;
	[tilespmem:s15+$0xAA20] =	vst v12  }
0x9a: {  	[tilespmem:s15+$0xAA30] =	vst v13;
	v12 =	vld.idx.msk [tilespmem:v6+s1+$0x0], $0xffff  }
0x9b: {  	v13 =	vld.idx.msk [tilespmem:v5+s1+$0x0], $0xffff;
	[tilespmem:s15+$0xA8D0] =	vst v8  }
0x9c: {  	v8 =	vld.idx.msk [tilespmem:v1+s28+$0x0], $0xffff;
	[tilespmem:s15+$0xA8E0] =	vst v14  }
0x9d: {  	[tilespmem:s15+$0xCA70] =	vst v9;
	v14 =	vld.idx.msk [tilespmem:v2+s28+$0x0], $0xffff  }
0x9e: {  	[tilespmem:s15+$0xAA00] =	vst v11;
	v9 =	vld.idx.msk [tilespmem:v7+s12+$0x0], $0xffff  }
0x9f: {  	[tilespmem:s15+$0xAA90] =	vst v12;
	v12 =	vld.idx.msk [tilespmem:v0+s1+$0x0], $0xffff  }
0xa0: {  	[tilespmem:s15+$0xAAA0] =	vst v13;
	v13 =	vld.idx.msk [tilespmem:v6+s0+$0x0], $0xffff  }
0xa1: {  	[tilespmem:s15+$0xA950] =	vst v8  }
0xa2: {  	v8 =	vld.idx.msk [tilespmem:v1+s29+$0x0], $0xffff;
	[tilespmem:s15+$0xA960] =	vst v14  }
0xa3: {  	s13 =	simm.s32 $0x5800;
	[tilespmem:s15+$0xCAF0] =	vst v9;
	v14 =	vld.idx.msk [tilespmem:v2+s29+$0x0], $0xffff  }
0xa4: {  	[tilespmem:s15+$0xAA80] =	vst v12;
	v9 =	vld.idx.msk [tilespmem:v7+s13+$0x0], $0xffff  }
0xa5: {  	[tilespmem:s15+$0xAB10] =	vst v13;
	v13 =	vld.idx.msk [tilespmem:v0+s0+$0x0], $0xffff;
	_ =	sdelay $0x1  }
0xa6: {  	[tilespmem:s15+$0xA9D0] =	vst v8;
	v8 =	vld.idx.msk [tilespmem:v3+s30+$0x0], $0xffff  }
0xa7: {  	[tilespmem:s15+$0xA9E0] =	vst v14;
	v14 =	vld.idx.msk [tilespmem:v1+s30+$0x0], $0xffff  }
0xa8: {  	[tilespmem:s15+$0xCB70] =	vst v9;
	v10 =	vld.idx.msk [tilespmem:v2+s30+$0x0], $0xffff  }
0xa9: {  	[tilespmem:s15+$0xAB00] =	vst v13;
	v9 =	vld.idx.msk [tilespmem:v7+s2+$0x0], $0xffff  }
0xaa: {  	v13 =	vld.idx.msk [tilespmem:v0+s6+$0x0], $0xffff  }
0xab: {  	[tilespmem:s15+$0xAA40] =	vst v8;
	v8 =	vld.idx.msk [tilespmem:v4+s1+$0x0], $0xffff  }
0xac: {  	[tilespmem:s15+$0xAA50] =	vst v14;
	v14 =	vld.idx.msk [tilespmem:v3+s1+$0x0], $0xffff  }
0xad: {  	[tilespmem:s15+$0xAA60] =	vst v10;
	v10 =	vld.idx.msk [tilespmem:v1+s1+$0x0], $0xffff  }
0xae: {  	[tilespmem:s15+$0xCBF0] =	vst v9;
	v11 =	vld.idx.msk [tilespmem:v2+s1+$0x0], $0xffff  }
0xaf: {  	v15 =	vld.idx.msk [tilespmem:v7+s4+$0x0], $0xffff  }
0xb0: {  	[tilespmem:s15+$0xAAB0] =	vst v8;
	v8 =	vld.idx.msk [tilespmem:v5+s0+$0x0], $0xffff  }
0xb1: {  	[tilespmem:s15+$0xAAC0] =	vst v14;
	v14 =	vld.idx.msk [tilespmem:v4+s0+$0x0], $0xffff  }
0xb2: {  	[tilespmem:s15+$0xAAD0] =	vst v10;
	v10 =	vld.idx.msk [tilespmem:v3+s0+$0x0], $0xffff  }
0xb3: {  	[tilespmem:s15+$0xAAE0] =	vst v11;
	v11 =	vld.idx.msk [tilespmem:v1+s0+$0x0], $0xffff  }
0xb4: {  	[tilespmem:s15+$0xAB80] =	vst v13;
	v12 =	vld.idx.msk [tilespmem:v2+s0+$0x0], $0xffff  }
0xb5: {  	[tilespmem:s15+$0xAB20] =	vst v8;
	v8 =	vld.idx.msk [tilespmem:v6+s6+$0x0], $0xffff  }
0xb6: {  	[tilespmem:s15+$0xAB30] =	vst v14;
	v14 =	vld.idx.msk [tilespmem:v5+s6+$0x0], $0xffff  }
0xb7: {  	[tilespmem:s15+$0xAB40] =	vst v10;
	v10 =	vld.idx.msk [tilespmem:v4+s6+$0x0], $0xffff  }
0xb8: {  	[tilespmem:s15+$0xAB50] =	vst v11;
	v11 =	vld.idx.msk [tilespmem:v3+s6+$0x0], $0xffff  }
0xb9: {  	[tilespmem:s15+$0xAB60] =	vst v12;
	v12 =	vld.idx.msk [tilespmem:v1+s6+$0x0], $0xffff  }
0xba: {  	[tilespmem:s15+$0xAB90] =	vst v8;
	v8 =	vld.idx.msk [tilespmem:v2+s6+$0x0], $0xffff  }
0xbb: {  	[tilespmem:s15+$0xABA0] =	vst v14;
	v14 =	vld.idx.msk [tilespmem:v6+s7+$0x0], $0xffff  }
0xbc: {  	[tilespmem:s15+$0xABB0] =	vst v10;
	v10 =	vld.idx.msk [tilespmem:v5+s7+$0x0], $0xffff  }
0xbd: {  	[tilespmem:s15+$0xABC0] =	vst v11;
	v11 =	vld.idx.msk [tilespmem:v4+s7+$0x0], $0xffff  }
0xbe: {  	[tilespmem:s15+$0xABD0] =	vst v12;
	v12 =	vld.idx.msk [tilespmem:v3+s7+$0x0], $0xffff  }
0xbf: {  	[tilespmem:s15+$0xABE0] =	vst v8;
	v8 =	vld.idx.msk [tilespmem:v1+s7+$0x0], $0xffff  }
0xc0: {  	[tilespmem:s15+$0xC810] =	vst v14;
	v13 =	vld.idx.msk [tilespmem:v2+s7+$0x0], $0xffff  }
0xc1: {  	v14 =	vld.idx.msk [tilespmem:v0+s7+$0x0], $0xffff;
	[tilespmem:s15+$0xC820] =	vst v10  }
0xc2: {  	v10 =	vld.idx.msk [tilespmem:v6+s8+$0x0], $0xffff;
	[tilespmem:s15+$0xC830] =	vst v11  }
0xc3: {  	v11 =	vld.idx.msk [tilespmem:v5+s8+$0x0], $0xffff;
	[tilespmem:s15+$0xC840] =	vst v12  }
0xc4: {  	v12 =	vld.idx.msk [tilespmem:v4+s8+$0x0], $0xffff;
	[tilespmem:s15+$0xC850] =	vst v8  }
0xc5: {  	v8 =	vld.idx.msk [tilespmem:v3+s8+$0x0], $0xffff;
	[tilespmem:s15+$0xC860] =	vst v13  }
0xc6: {  	[tilespmem:s15+$0xC800] =	vst v14;
	v13 =	vld.idx.msk [tilespmem:v1+s8+$0x0], $0xffff  }
0xc7: {  	v14 =	vld.idx.msk [tilespmem:v2+s8+$0x0], $0xffff;
	[tilespmem:s15+$0xC890] =	vst v10  }
0xc8: {  	v10 =	vld.idx.msk [tilespmem:v0+s8+$0x0], $0xffff;
	[tilespmem:s15+$0xC8A0] =	vst v11  }
0xc9: {  	v11 =	vld.idx.msk [tilespmem:v6+s9+$0x0], $0xffff;
	[tilespmem:s15+$0xC8B0] =	vst v12  }
0xca: {  	v12 =	vld.idx.msk [tilespmem:v5+s9+$0x0], $0xffff;
	[tilespmem:s15+$0xC8C0] =	vst v8  }
0xcb: {  	v8 =	vld.idx.msk [tilespmem:v4+s9+$0x0], $0xffff;
	[tilespmem:s15+$0xC8D0] =	vst v13  }
0xcc: {  	v13 =	vld.idx.msk [tilespmem:v3+s9+$0x0], $0xffff;
	[tilespmem:s15+$0xC8E0] =	vst v14  }
0xcd: {  	v14 =	vld.idx.msk [tilespmem:v1+s9+$0x0], $0xffff;
	[tilespmem:s15+$0xC880] =	vst v10  }
0xce: {  	[tilespmem:s15+$0xC910] =	vst v11;
	v10 =	vld.idx.msk [tilespmem:v2+s9+$0x0], $0xffff  }
0xcf: {  	v11 =	vld.idx.msk [tilespmem:v0+s9+$0x0], $0xffff;
	[tilespmem:s15+$0xC920] =	vst v12  }
0xd0: {  	v12 =	vld.idx.msk [tilespmem:v6+s10+$0x0], $0xffff;
	[tilespmem:s15+$0xC930] =	vst v8  }
0xd1: {  	v8 =	vld.idx.msk [tilespmem:v5+s10+$0x0], $0xffff;
	[tilespmem:s15+$0xC940] =	vst v13  }
0xd2: {  	v13 =	vld.idx.msk [tilespmem:v4+s10+$0x0], $0xffff;
	[tilespmem:s15+$0xC950] =	vst v14  }
0xd3: {  	v14 =	vld.idx.msk [tilespmem:v3+s10+$0x0], $0xffff;
	[tilespmem:s15+$0xC960] =	vst v10  }
0xd4: {  	[tilespmem:s15+$0xC900] =	vst v11;
	v10 =	vld.idx.msk [tilespmem:v1+s10+$0x0], $0xffff  }
0xd5: {  	[tilespmem:s15+$0xC990] =	vst v12;
	v11 =	vld.idx.msk [tilespmem:v2+s10+$0x0], $0xffff  }
0xd6: {  	v12 =	vld.idx.msk [tilespmem:v0+s10+$0x0], $0xffff;
	[tilespmem:s15+$0xC9A0] =	vst v8  }
0xd7: {  	v8 =	vld.idx.msk [tilespmem:v6+s11+$0x0], $0xffff;
	[tilespmem:s15+$0xC9B0] =	vst v13  }
0xd8: {  	v13 =	vld.idx.msk [tilespmem:v5+s11+$0x0], $0xffff;
	[tilespmem:s15+$0xC9C0] =	vst v14  }
0xd9: {  	v14 =	vld.idx.msk [tilespmem:v4+s11+$0x0], $0xffff;
	[tilespmem:s15+$0xC9D0] =	vst v10  }
0xda: {  	v10 =	vld.idx.msk [tilespmem:v3+s11+$0x0], $0xffff;
	[tilespmem:s15+$0xC9E0] =	vst v11  }
0xdb: {  	[tilespmem:s15+$0xC980] =	vst v12;
	v11 =	vld.idx.msk [tilespmem:v1+s11+$0x0], $0xffff  }
0xdc: {  	[tilespmem:s15+$0xCA10] =	vst v8;
	v8 =	vld.idx.msk [tilespmem:v2+s11+$0x0], $0xffff  }
0xdd: {  	[tilespmem:s15+$0xE870] =	vst v15;
	v12 =	vld.idx.msk [tilespmem:v0+s11+$0x0], $0xffff  }
0xde: {  	[tilespmem:s15+$0xCA20] =	vst v13;
	v13 =	vld.idx.msk [tilespmem:v6+s12+$0x0], $0xffff  }
0xdf: {  	[tilespmem:s15+$0xCA30] =	vst v14;
	v14 =	vld.idx.msk [tilespmem:v5+s12+$0x0], $0xffff  }
0xe0: {  	[tilespmem:s15+$0xCA40] =	vst v10;
	v10 =	vld.idx.msk [tilespmem:v4+s12+$0x0], $0xffff  }
0xe1: {  	[tilespmem:s15+$0xCA50] =	vst v11;
	v11 =	vld.idx.msk [tilespmem:v3+s12+$0x0], $0xffff  }
0xe2: {  	[tilespmem:s15+$0xCA60] =	vst v8;
	v8 =	vld.idx.msk [tilespmem:v1+s12+$0x0], $0xffff  }
0xe3: {  	[tilespmem:s15+$0xCA00] =	vst v12;
	v12 =	vld.idx.msk [tilespmem:v2+s12+$0x0], $0xffff  }
0xe4: {  	[tilespmem:s15+$0xCA90] =	vst v13;
	v13 =	vld.idx.msk [tilespmem:v0+s12+$0x0], $0xffff  }
0xe5: {  	[tilespmem:s15+$0xCAA0] =	vst v14;
	v14 =	vld.idx.msk [tilespmem:v6+s13+$0x0], $0xffff  }
0xe6: {  	[tilespmem:s15+$0xCAB0] =	vst v10;
	v16 =	vld.idx.msk [tilespmem:v5+s13+$0x0], $0xffff  }
0xe7: {  	[tilespmem:s15+$0xCAC0] =	vst v11;
	v9 =	vld.idx.msk [tilespmem:v4+s13+$0x0], $0xffff  }
0xe8: {  	[tilespmem:s15+$0xCAD0] =	vst v8;
	v8 =	vld.idx.msk [tilespmem:v3+s13+$0x0], $0xffff  }
0xe9: {  	[tilespmem:s15+$0xCAE0] =	vst v12;
	v10 =	vld.idx.msk [tilespmem:v1+s13+$0x0], $0xffff  }
0xea: {  	[tilespmem:s15+$0xCA80] =	vst v13;
	v13 =	vld.idx.msk [tilespmem:v7+s14+$0x0], $0xffff  }
0xeb: {  	[tilespmem:s15+$0xCB10] =	vst v14;
	v11 =	vld.idx.msk [tilespmem:v2+s13+$0x0], $0xffff  }
0xec: {  	v12 =	vld.idx.msk [tilespmem:v0+s13+$0x0], $0xffff;
	s13 =	simm.s32 $0x8;
	[tilespmem:s15+$0xCB20] =	vst v16  }
.LBB2_2:
0xed: {  	_ =	sdelay $0x2  }
0xee: {  	s16 =	sshll.u32 s13, $0x4;
	v14 =	vld.idx.msk [tilespmem:v6+s2+$0x0], $0xffff;
	[tilespmem:s15+$0xCB30] =	vst v9  }
0xef: {  	s16 =	sand.u32 $0x3FFFFFF0, s16;
	v9 =	vld.idx.msk [tilespmem:v5+s2+$0x0], $0xffff;
	[tilespmem:s15+$0xCB40] =	vst v8  }
0xf0: {  	v8 =	vld [tilespmem:s16+$0x8000];
	[tilespmem:s15+$0xCB50] =	vst v10  }
0xf1: {  	[tilespmem:s15+$0xCB60] =	vst v11;
	v10 =	vld.idx.msk [tilespmem:v4+s2+$0x0], $0xffff  }
0xf2: {  	[tilespmem:s15+$0xCB00] =	vst v12;
	v11 =	vld.idx.msk [tilespmem:v3+s2+$0x0], $0xffff  }
0xf3: {  	v12 =	vld.idx.msk [tilespmem:v1+s2+$0x0], $0xffff;
	[tilespmem:s15+$0xE8F0] =	vst v13  }
0xf4: {  	v13 =	vld.idx.msk [tilespmem:v7+s5+$0x0], $0xffff  }
0xf5: {  	[tilespmem:s15+$0xCB90] =	vst v14;
	v14 =	vld.idx.msk [tilespmem:v0+s2+$0x0], $0xffff  }
0xf6: {  	v15 =	vld.idx.msk [tilespmem:v6+s4+$0x0], $0xffff;
	[tilespmem:s15+$0xCBA0] =	vst v9  }
0xf7: {  	v9 =	vld.idx.msk [tilespmem:v2+s2+$0x0], $0xffff;
	[tilespmem:s15+$0xCBB0] =	vst v10  }
0xf8: {  	[dreg:$0x3] =	wrdreg s13;
	[tilespmem:s15+$0xCBC0] =	vst v11;
	v10 =	vld.idx.msk [tilespmem:v8+s18+$0x0], $0xffff  }
0xf9: {  	v11 =	vld.idx.msk [tilespmem:v5+s4+$0x0], $0xffff;
	[tilespmem:s15+$0xCBD0] =	vst v12  }
0xfa: {  	[tilespmem:s15+$0xE970] =	vst v13  }
0xfb: {  	v12 =	vld.idx.msk [tilespmem:v4+s4+$0x0], $0xffff;
	[tilespmem:s15+$0xCB80] =	vst v14  }
0xfc: {  	s17 =	sshll.u32 s13, $0x7;
	v13 =	vld.idx.msk [tilespmem:v3+s4+$0x0], $0xffff;
	[tilespmem:s15+$0xE810] =	vst v15  }
0xfd: {  	s17 =	sand.u32 $0x3FFFFF80, s17;
	v14 =	vld.idx.msk [tilespmem:v1+s4+$0x0], $0xffff;
	[tilespmem:s15+$0xCBE0] =	vst v9  }
0xfe: {  	v9 =	vld.idx.msk [tilespmem:v7+s3+$0x0], $0xffff;
	[tilespmem:s17+$0x8800] =	vst v10  }
0xff: {  	v10 =	vld.idx.msk [tilespmem:v2+s4+$0x0], $0xffff;
	[tilespmem:s15+$0xE820] =	vst v11  }
0x100: {  	s19 =	simm.s32 $0x400;
	[tilespmem:s15+$0xE830] =	vst v12;
	v12 =	vld.idx.msk [tilespmem:v6+s14+$0x0], $0xffff  }
0x101: {  	[tilespmem:s15+$0xE840] =	vst v13;
	v15 =	vld.idx.msk [tilespmem:v8+s19+$0x0], $0xffff  }
0x102: {  	v13 =	vld.idx.msk [tilespmem:v5+s14+$0x0], $0xffff;
	[tilespmem:s15+$0xE850] =	vst v14  }
0x103: {  	v14 =	vld.idx.msk [tilespmem:v4+s14+$0x0], $0xffff;
	[tilespmem:s15+$0xE9F0] =	vst v9  }
0x104: {  	v11 =	vld.idx.msk [tilespmem:v0+s4+$0x0], $0xffff;
	[tilespmem:s15+$0xE860] =	vst v10  }
0x105: {  	v9 =	vld.idx.msk [tilespmem:v7+s31+$0x0], $0xffff;
	[tilespmem:s15+$0xE890] =	vst v12  }
0x106: {  	v10 =	vld.idx.msk [tilespmem:v3+s14+$0x0], $0xffff;
	[tilespmem:s17+$0x8880] =	vst v15  }
0x107: {  	v12 =	vld.idx.msk [tilespmem:v2+s14+$0x0], $0xffff;
	[tilespmem:s15+$0xE8A0] =	vst v13  }
0x108: {  	s19 =	simm.s32 $0x800;
	[tilespmem:s15+$0xE8B0] =	vst v14;
	v14 =	vld.idx.msk [tilespmem:v6+s5+$0x0], $0xffff  }
0x109: {  	v15 =	vld.idx.msk [tilespmem:v8+s19+$0x0], $0xffff;
	[tilespmem:s15+$0xE800] =	vst v11  }
0x10a: {  	p0 =	slt.u32 s13, $0x38;
	s13 =	simm.s32 $0x6400;
	v11 =	vld.idx.msk [tilespmem:v1+s14+$0x0], $0xffff;
	[tilespmem:s15+$0xEA70] =	vst v9  }
0x10b: {  	s14 =	simm.s32 $0x7400;
	v13 =	vld.idx.msk [tilespmem:v0+s13+$0x0], $0xffff;
	[tilespmem:s15+$0xE8C0] =	vst v10  }
0x10c: {  	v9 =	vld.idx.msk [tilespmem:v7+s14+$0x0], $0xffff;
	[tilespmem:s15+$0xE8E0] =	vst v12  }
0x10d: {  	v10 =	vld.idx.msk [tilespmem:v5+s5+$0x0], $0xffff;
	[tilespmem:s15+$0xE910] =	vst v14  }
0x10e: {  	v12 =	vld.idx.msk [tilespmem:v3+s5+$0x0], $0xffff;
	[tilespmem:s17+$0x8900] =	vst v15  }
0x10f: {  	[tilespmem:s15+$0xE8D0] =	vst v11;
	v11 =	vld.idx.msk [tilespmem:v4+s5+$0x0], $0xffff  }
0x110: {  	v15 =	vld.idx.msk [tilespmem:v8+s20+$0x0], $0xffff;
	[tilespmem:s15+$0xE880] =	vst v13  }
0x111: {  	s4 =	simm.s32 $0x7800;
	v13 =	vld.idx.msk [tilespmem:v1+s5+$0x0], $0xffff;
	[tilespmem:s15+$0xEAF0] =	vst v9  }
0x112: {  	v9 =	vld.idx.msk [tilespmem:v7+s4+$0x0], $0xffff;
	[tilespmem:s15+$0xE920] =	vst v10  }
0x113: {  	v10 =	vld.idx.msk [tilespmem:v2+s5+$0x0], $0xffff;
	[tilespmem:s15+$0xE940] =	vst v12  }
0x114: {  	v12 =	vld.idx.msk [tilespmem:v5+s3+$0x0], $0xffff;
	[tilespmem:s15+$0xE930] =	vst v11  }
0x115: {  	v11 =	vld.idx.msk [tilespmem:v6+s3+$0x0], $0xffff;
	[tilespmem:s17+$0x8980] =	vst v15  }
0x116: {  	[tilespmem:s15+$0xE950] =	vst v13;
	v14 =	vld.idx.msk [tilespmem:v0+s5+$0x0], $0xffff  }
0x117: {  	v15 =	vld.idx.msk [tilespmem:v8+s21+$0x0], $0xffff;
	[tilespmem:s15+$0xEB70] =	vst v9  }
0x118: {  	v9 =	vld.idx.msk [tilespmem:v4+s3+$0x0], $0xffff;
	[tilespmem:s15+$0xE960] =	vst v10  }
0x119: {  	s13 =	simm.s32 $0x7C00;
	v13 =	vld.idx.msk [tilespmem:v1+s3+$0x0], $0xffff;
	[tilespmem:s15+$0xE9A0] =	vst v12  }
0x11a: {  	v7 =	vld.idx.msk [tilespmem:v7+s13+$0x0], $0xffff;
	[tilespmem:s15+$0xE990] =	vst v11  }
0x11b: {  	v10 =	vld.idx.msk [tilespmem:v3+s3+$0x0], $0xffff;
	[tilespmem:s15+$0xE900] =	vst v14  }
0x11c: {  	v11 =	vld.idx.msk [tilespmem:v2+s3+$0x0], $0xffff;
	[tilespmem:s17+$0x8A00] =	vst v15  }
0x11d: {  	[tilespmem:s15+$0xE9B0] =	vst v9;
	v9 =	vld.idx.msk [tilespmem:v5+s31+$0x0], $0xffff  }
0x11e: {  	[tilespmem:s15+$0xE9D0] =	vst v13;
	v14 =	vld.idx.msk [tilespmem:v8+s22+$0x0], $0xffff  }
0x11f: {  	[tilespmem:s15+$0xEBF0] =	vst v7;
	v7 =	vld.idx.msk [tilespmem:v6+s31+$0x0], $0xffff  }
0x120: {  	[tilespmem:s15+$0xE9C0] =	vst v10;
	v10 =	vld.idx.msk [tilespmem:v4+s31+$0x0], $0xffff  }
0x121: {  	v13 =	vld.idx.msk [tilespmem:v3+s31+$0x0], $0xffff;
	[tilespmem:s15+$0xE9E0] =	vst v11  }
0x122: {  	v12 =	vld.idx.msk [tilespmem:v0+s3+$0x0], $0xffff;
	[tilespmem:s15+$0xEA20] =	vst v9  }
0x123: {  	v11 =	vld.idx.msk [tilespmem:v1+s31+$0x0], $0xffff;
	[tilespmem:s17+$0x8A80] =	vst v14  }
0x124: {  	[tilespmem:s15+$0xEA10] =	vst v7;
	v7 =	vld.idx.msk [tilespmem:v2+s31+$0x0], $0xffff  }
0x125: {  	[tilespmem:s15+$0xEA30] =	vst v10;
	v10 =	vld.idx.msk [tilespmem:v5+s14+$0x0], $0xffff  }
0x126: {  	[tilespmem:s15+$0xEA40] =	vst v13;
	v14 =	vld.idx.msk [tilespmem:v8+s23+$0x0], $0xffff  }
0x127: {  	[tilespmem:s15+$0xE980] =	vst v12;
	v9 =	vld.idx.msk [tilespmem:v6+s14+$0x0], $0xffff  }
0x128: {  	v13 =	vld.idx.msk [tilespmem:v4+s14+$0x0], $0xffff;
	[tilespmem:s15+$0xEA50] =	vst v11  }
0x129: {  	v11 =	vld.idx.msk [tilespmem:v3+s14+$0x0], $0xffff;
	[tilespmem:s15+$0xEA60] =	vst v7  }
0x12a: {  	v12 =	vld.idx.msk [tilespmem:v0+s31+$0x0], $0xffff;
	[tilespmem:s15+$0xEAA0] =	vst v10  }
0x12b: {  	v7 =	vld.idx.msk [tilespmem:v1+s14+$0x0], $0xffff;
	[tilespmem:s17+$0x8B00] =	vst v14  }
0x12c: {  	[tilespmem:s15+$0xEA90] =	vst v9;
	v9 =	vld.idx.msk [tilespmem:v2+s14+$0x0], $0xffff  }
0x12d: {  	[tilespmem:s15+$0xEAB0] =	vst v13;
	v13 =	vld.idx.msk [tilespmem:v5+s4+$0x0], $0xffff  }
0x12e: {  	v14 =	vld.idx.msk [tilespmem:v8+s24+$0x0], $0xffff  }
0x12f: {  	[tilespmem:s15+$0xEAC0] =	vst v11;
	v10 =	vld.idx.msk [tilespmem:v6+s4+$0x0], $0xffff  }
0x130: {  	[tilespmem:s15+$0xEA00] =	vst v12;
	v11 =	vld.idx.msk [tilespmem:v4+s4+$0x0], $0xffff  }
0x131: {  	v12 =	vld.idx.msk [tilespmem:v0+s14+$0x0], $0xffff;
	[tilespmem:s15+$0xEAD0] =	vst v7  }
0x132: {  	v7 =	vld.idx.msk [tilespmem:v3+s4+$0x0], $0xffff;
	[tilespmem:s15+$0xEAE0] =	vst v9  }
0x133: {  	v9 =	vld.idx.msk [tilespmem:v1+s4+$0x0], $0xffff;
	[tilespmem:s15+$0xEB20] =	vst v13  }
0x134: {  	[tilespmem:s15+$0xEB10] =	vst v10;
	v10 =	vld.idx.msk [tilespmem:v2+s4+$0x0], $0xffff  }
0x135: {  	[tilespmem:s17+$0x8B80] =	vst v14;
	v5 =	vld.idx.msk [tilespmem:v5+s13+$0x0], $0xffff  }
0x136: {  	v14 =	vld.idx.msk [tilespmem:v8+s25+$0x0], $0xffff  }
0x137: {  	[tilespmem:s15+$0xEB30] =	vst v11;
	v6 =	vld.idx.msk [tilespmem:v6+s13+$0x0], $0xffff  }
0x138: {  	[tilespmem:s15+$0xEA80] =	vst v12;
	v4 =	vld.idx.msk [tilespmem:v4+s13+$0x0], $0xffff  }
0x139: {  	v12 =	vld.idx.msk [tilespmem:v0+s4+$0x0], $0xffff;
	[tilespmem:s15+$0xEB40] =	vst v7  }
0x13a: {  	[tilespmem:s15+$0xEB50] =	vst v9;
	v3 =	vld.idx.msk [tilespmem:v3+s13+$0x0], $0xffff  }
0x13b: {  	[tilespmem:s15+$0xEB60] =	vst v10;
	v1 =	vld.idx.msk [tilespmem:v1+s13+$0x0], $0xffff  }
0x13c: {  	[tilespmem:s15+$0xEBA0] =	vst v5;
	v2 =	vld.idx.msk [tilespmem:v2+s13+$0x0], $0xffff  }
0x13d: {  	[tilespmem:s17+$0xA800] =	vst v14;
	v5 =	vld [tilespmem:s16+$0x8020]  }
0x13e: {  	[tilespmem:s15+$0xEB90] =	vst v6;
	v13 =	vld.idx.msk [tilespmem:v8+s26+$0x0], $0xffff  }
0x13f: {  	[tilespmem:s15+$0xEBB0] =	vst v4;
	v6 =	vld [tilespmem:s16+$0x8010]  }
0x140: {  	[tilespmem:s15+$0xEB00] =	vst v12;
	v4 =	vld [tilespmem:s16+$0x8030]  }
0x141: {  	v7 =	vld [tilespmem:s16+$0x8070];
	[tilespmem:s15+$0xEBC0] =	vst v3  }
0x142: {  	v3 =	vld [tilespmem:s16+$0x8040];
	[tilespmem:s15+$0xEBE0] =	vst v2  }
0x143: {  	[tilespmem:s17+$0xA880] =	vst v13;
	v2 =	vld [tilespmem:s16+$0x8060]  }
0x144: {  	[tilespmem:s15+$0xEBD0] =	vst v1;
	v9 =	vld.idx.msk [tilespmem:v0+s13+$0x0], $0xffff  }
0x145: {  	v1 =	vld [tilespmem:s16+$0x8050]  }
0x146: {  	v11 =	vld.idx.msk [tilespmem:v5+s18+$0x0], $0xffff  }
0x147: {  	v10 =	vld.idx.msk [tilespmem:v6+s18+$0x0], $0xffff  }
0x148: {  	v12 =	vld.idx.msk [tilespmem:v4+s18+$0x0], $0xffff  }
0x149: {  	[tilespmem:s15+$0xEB80] =	vst v9;
	v9 =	vld.idx.msk [tilespmem:v7+s18+$0x0], $0xffff  }
0x14a: {  	s15 =	smov.u32 s17;
	v13 =	vld.idx.msk [tilespmem:v3+s18+$0x0], $0xffff  }
0x14b: {  	v0 =	vmov v8;
	v8 =	vld.idx.msk [tilespmem:v8+s28+$0x0], $0xffff;
	[tilespmem:s15+$0x8820] =	vst v11  }
0x14c: {  	s17 =	simm.s32 $0x400;
	v14 =	vld.idx.msk [tilespmem:v2+s18+$0x0], $0xffff;
	[tilespmem:s15+$0x8810] =	vst v10  }
0x14d: {  	v11 =	vld.idx.msk [tilespmem:v5+s17+$0x0], $0xffff;
	[tilespmem:s15+$0x8830] =	vst v12  }
0x14e: {  	v10 =	vld.idx.msk [tilespmem:v6+s17+$0x0], $0xffff;
	[tilespmem:s15+$0x8870] =	vst v9  }
0x14f: {  	v12 =	vld.idx.msk [tilespmem:v4+s17+$0x0], $0xffff;
	[tilespmem:s15+$0x8840] =	vst v13  }
0x150: {  	[tilespmem:s15+$0xA900] =	vst v8;
	v8 =	vld.idx.msk [tilespmem:v1+s18+$0x0], $0xffff  }
0x151: {  	v9 =	vld.idx.msk [tilespmem:v7+s17+$0x0], $0xffff;
	[tilespmem:s15+$0x8860] =	vst v14  }
0x152: {  	v13 =	vld.idx.msk [tilespmem:v3+s17+$0x0], $0xffff;
	[tilespmem:s15+$0x88A0] =	vst v11  }
0x153: {  	v14 =	vld.idx.msk [tilespmem:v2+s17+$0x0], $0xffff;
	[tilespmem:s15+$0x8890] =	vst v10  }
0x154: {  	v11 =	vld.idx.msk [tilespmem:v5+s19+$0x0], $0xffff;
	[tilespmem:s15+$0x88B0] =	vst v12  }
0x155: {  	v10 =	vld.idx.msk [tilespmem:v6+s19+$0x0], $0xffff;
	[tilespmem:s15+$0x8850] =	vst v8  }
0x156: {  	v12 =	vld.idx.msk [tilespmem:v4+s19+$0x0], $0xffff;
	[tilespmem:s15+$0x88F0] =	vst v9  }
0x157: {  	[tilespmem:s15+$0x88C0] =	vst v13;
	v8 =	vld.idx.msk [tilespmem:v1+s17+$0x0], $0xffff  }
0x158: {  	v9 =	vld.idx.msk [tilespmem:v7+s19+$0x0], $0xffff;
	[tilespmem:s15+$0x88E0] =	vst v14  }
0x159: {  	v13 =	vld.idx.msk [tilespmem:v3+s19+$0x0], $0xffff;
	[tilespmem:s15+$0x8920] =	vst v11  }
0x15a: {  	v14 =	vld.idx.msk [tilespmem:v2+s19+$0x0], $0xffff;
	[tilespmem:s15+$0x8910] =	vst v10  }
0x15b: {  	v11 =	vld.idx.msk [tilespmem:v5+s20+$0x0], $0xffff;
	[tilespmem:s15+$0x8930] =	vst v12  }
0x15c: {  	v10 =	vld.idx.msk [tilespmem:v6+s20+$0x0], $0xffff;
	[tilespmem:s15+$0x88D0] =	vst v8  }
0x15d: {  	v12 =	vld.idx.msk [tilespmem:v4+s20+$0x0], $0xffff;
	[tilespmem:s15+$0x8970] =	vst v9  }
0x15e: {  	[tilespmem:s15+$0x8940] =	vst v13;
	v8 =	vld.idx.msk [tilespmem:v1+s19+$0x0], $0xffff  }
0x15f: {  	v9 =	vld.idx.msk [tilespmem:v7+s20+$0x0], $0xffff;
	[tilespmem:s15+$0x8960] =	vst v14  }
0x160: {  	v13 =	vld.idx.msk [tilespmem:v3+s20+$0x0], $0xffff;
	[tilespmem:s15+$0x89A0] =	vst v11  }
0x161: {  	v14 =	vld.idx.msk [tilespmem:v2+s20+$0x0], $0xffff;
	[tilespmem:s15+$0x8990] =	vst v10  }
0x162: {  	v11 =	vld.idx.msk [tilespmem:v5+s21+$0x0], $0xffff;
	[tilespmem:s15+$0x89B0] =	vst v12  }
0x163: {  	v10 =	vld.idx.msk [tilespmem:v6+s21+$0x0], $0xffff;
	[tilespmem:s15+$0x8950] =	vst v8  }
0x164: {  	v12 =	vld.idx.msk [tilespmem:v4+s21+$0x0], $0xffff;
	[tilespmem:s15+$0x89F0] =	vst v9  }
0x165: {  	[tilespmem:s15+$0x89C0] =	vst v13;
	v8 =	vld.idx.msk [tilespmem:v1+s20+$0x0], $0xffff  }
0x166: {  	v9 =	vld.idx.msk [tilespmem:v7+s21+$0x0], $0xffff;
	[tilespmem:s15+$0x89E0] =	vst v14  }
0x167: {  	v13 =	vld.idx.msk [tilespmem:v3+s21+$0x0], $0xffff;
	[tilespmem:s15+$0x8A20] =	vst v11  }
0x168: {  	v14 =	vld.idx.msk [tilespmem:v2+s21+$0x0], $0xffff;
	[tilespmem:s15+$0x8A10] =	vst v10  }
0x169: {  	v11 =	vld.idx.msk [tilespmem:v5+s22+$0x0], $0xffff;
	[tilespmem:s15+$0x8A30] =	vst v12  }
0x16a: {  	v10 =	vld.idx.msk [tilespmem:v6+s22+$0x0], $0xffff;
	[tilespmem:s15+$0x89D0] =	vst v8  }
0x16b: {  	v12 =	vld.idx.msk [tilespmem:v4+s22+$0x0], $0xffff;
	[tilespmem:s15+$0x8A70] =	vst v9  }
0x16c: {  	[tilespmem:s15+$0x8A40] =	vst v13;
	v8 =	vld.idx.msk [tilespmem:v1+s21+$0x0], $0xffff  }
0x16d: {  	v9 =	vld.idx.msk [tilespmem:v7+s22+$0x0], $0xffff;
	[tilespmem:s15+$0x8A60] =	vst v14  }
0x16e: {  	v13 =	vld.idx.msk [tilespmem:v3+s22+$0x0], $0xffff;
	[tilespmem:s15+$0x8AA0] =	vst v11  }
0x16f: {  	v14 =	vld.idx.msk [tilespmem:v2+s22+$0x0], $0xffff;
	[tilespmem:s15+$0x8A90] =	vst v10  }
0x170: {  	v11 =	vld.idx.msk [tilespmem:v5+s23+$0x0], $0xffff;
	[tilespmem:s15+$0x8AB0] =	vst v12  }
0x171: {  	v10 =	vld.idx.msk [tilespmem:v6+s23+$0x0], $0xffff;
	[tilespmem:s15+$0x8A50] =	vst v8  }
0x172: {  	v12 =	vld.idx.msk [tilespmem:v4+s23+$0x0], $0xffff;
	[tilespmem:s15+$0x8AF0] =	vst v9  }
0x173: {  	[tilespmem:s15+$0x8AC0] =	vst v13;
	v8 =	vld.idx.msk [tilespmem:v1+s22+$0x0], $0xffff  }
0x174: {  	v9 =	vld.idx.msk [tilespmem:v7+s23+$0x0], $0xffff;
	[tilespmem:s15+$0x8AE0] =	vst v14  }
0x175: {  	v13 =	vld.idx.msk [tilespmem:v3+s23+$0x0], $0xffff;
	[tilespmem:s15+$0x8B20] =	vst v11  }
0x176: {  	v14 =	vld.idx.msk [tilespmem:v2+s23+$0x0], $0xffff;
	[tilespmem:s15+$0x8B10] =	vst v10  }
0x177: {  	v11 =	vld.idx.msk [tilespmem:v5+s24+$0x0], $0xffff;
	[tilespmem:s15+$0x8B30] =	vst v12  }
0x178: {  	v10 =	vld.idx.msk [tilespmem:v6+s24+$0x0], $0xffff;
	[tilespmem:s15+$0x8AD0] =	vst v8  }
0x179: {  	v12 =	vld.idx.msk [tilespmem:v4+s24+$0x0], $0xffff;
	[tilespmem:s15+$0x8B70] =	vst v9  }
0x17a: {  	[tilespmem:s15+$0x8B40] =	vst v13;
	v8 =	vld.idx.msk [tilespmem:v1+s23+$0x0], $0xffff  }
0x17b: {  	v9 =	vld.idx.msk [tilespmem:v7+s24+$0x0], $0xffff;
	[tilespmem:s15+$0x8B60] =	vst v14  }
0x17c: {  	v13 =	vld.idx.msk [tilespmem:v3+s24+$0x0], $0xffff;
	[tilespmem:s15+$0x8BA0] =	vst v11  }
0x17d: {  	v14 =	vld.idx.msk [tilespmem:v2+s24+$0x0], $0xffff;
	[tilespmem:s15+$0x8B90] =	vst v10  }
0x17e: {  	v11 =	vld.idx.msk [tilespmem:v5+s25+$0x0], $0xffff;
	[tilespmem:s15+$0x8BB0] =	vst v12  }
0x17f: {  	v10 =	vld.idx.msk [tilespmem:v6+s25+$0x0], $0xffff;
	[tilespmem:s15+$0x8B50] =	vst v8  }
0x180: {  	v12 =	vld.idx.msk [tilespmem:v4+s25+$0x0], $0xffff;
	[tilespmem:s15+$0x8BF0] =	vst v9  }
0x181: {  	[tilespmem:s15+$0x8BC0] =	vst v13;
	v8 =	vld.idx.msk [tilespmem:v1+s24+$0x0], $0xffff  }
0x182: {  	v9 =	vld.idx.msk [tilespmem:v7+s25+$0x0], $0xffff;
	[tilespmem:s15+$0x8BE0] =	vst v14  }
0x183: {  	v13 =	vld.idx.msk [tilespmem:v3+s25+$0x0], $0xffff;
	[tilespmem:s15+$0xA820] =	vst v11  }
0x184: {  	v14 =	vld.idx.msk [tilespmem:v2+s25+$0x0], $0xffff;
	[tilespmem:s15+$0xA810] =	vst v10  }
0x185: {  	v11 =	vld.idx.msk [tilespmem:v5+s26+$0x0], $0xffff;
	[tilespmem:s15+$0xA830] =	vst v12  }
0x186: {  	v10 =	vld.idx.msk [tilespmem:v6+s26+$0x0], $0xffff;
	[tilespmem:s15+$0x8BD0] =	vst v8  }
0x187: {  	v12 =	vld.idx.msk [tilespmem:v4+s26+$0x0], $0xffff;
	[tilespmem:s15+$0xA870] =	vst v9  }
0x188: {  	[tilespmem:s15+$0xA840] =	vst v13;
	v8 =	vld.idx.msk [tilespmem:v1+s25+$0x0], $0xffff  }
0x189: {  	v9 =	vld.idx.msk [tilespmem:v7+s26+$0x0], $0xffff;
	[tilespmem:s15+$0xA860] =	vst v14  }
0x18a: {  	v13 =	vld.idx.msk [tilespmem:v3+s26+$0x0], $0xffff;
	[tilespmem:s15+$0xA8A0] =	vst v11  }
0x18b: {  	v14 =	vld.idx.msk [tilespmem:v2+s26+$0x0], $0xffff;
	[tilespmem:s15+$0xA890] =	vst v10  }
0x18c: {  	v11 =	vld.idx.msk [tilespmem:v5+s28+$0x0], $0xffff;
	[tilespmem:s15+$0xA8B0] =	vst v12  }
0x18d: {  	v10 =	vld.idx.msk [tilespmem:v6+s28+$0x0], $0xffff;
	[tilespmem:s15+$0xA850] =	vst v8  }
0x18e: {  	v12 =	vld.idx.msk [tilespmem:v4+s28+$0x0], $0xffff;
	[tilespmem:s15+$0xA8F0] =	vst v9  }
0x18f: {  	[tilespmem:s15+$0xA8C0] =	vst v13;
	v8 =	vld.idx.msk [tilespmem:v1+s26+$0x0], $0xffff  }
0x190: {  	v9 =	vld.idx.msk [tilespmem:v7+s28+$0x0], $0xffff;
	[tilespmem:s15+$0xA8E0] =	vst v14  }
0x191: {  	v13 =	vld.idx.msk [tilespmem:v3+s28+$0x0], $0xffff;
	[tilespmem:s15+$0xA920] =	vst v11  }
0x192: {  	v14 =	vld.idx.msk [tilespmem:v2+s28+$0x0], $0xffff;
	[tilespmem:s15+$0xA910] =	vst v10  }
0x193: {  	v11 =	vld.idx.msk [tilespmem:v5+s29+$0x0], $0xffff;
	[tilespmem:s15+$0xA930] =	vst v12  }
0x194: {  	v10 =	vld.idx.msk [tilespmem:v6+s29+$0x0], $0xffff;
	[tilespmem:s15+$0xA8D0] =	vst v8  }
0x195: {  	v12 =	vld.idx.msk [tilespmem:v4+s29+$0x0], $0xffff;
	[tilespmem:s15+$0xA970] =	vst v9  }
0x196: {  	[tilespmem:s15+$0xA940] =	vst v13;
	v8 =	vld.idx.msk [tilespmem:v1+s28+$0x0], $0xffff  }
0x197: {  	v9 =	vld.idx.msk [tilespmem:v7+s29+$0x0], $0xffff;
	[tilespmem:s15+$0xA960] =	vst v14  }
0x198: {  	v13 =	vld.idx.msk [tilespmem:v3+s29+$0x0], $0xffff;
	[tilespmem:s15+$0xA9A0] =	vst v11  }
0x199: {  	v14 =	vld.idx.msk [tilespmem:v2+s29+$0x0], $0xffff;
	[tilespmem:s15+$0xA990] =	vst v10  }
0x19a: {  	v10 =	vld.idx.msk [tilespmem:v0+s29+$0x0], $0xffff;
	[tilespmem:s15+$0xA9B0] =	vst v12  }
0x19b: {  	v12 =	vld.idx.msk [tilespmem:v5+s30+$0x0], $0xffff;
	[tilespmem:s15+$0xA950] =	vst v8  }
0x19c: {  	v11 =	vld.idx.msk [tilespmem:v6+s30+$0x0], $0xffff;
	[tilespmem:s15+$0xA9F0] =	vst v9  }
0x19d: {  	[tilespmem:s15+$0xA9C0] =	vst v13;
	v13 =	vld.idx.msk [tilespmem:v4+s30+$0x0], $0xffff  }
0x19e: {  	v8 =	vld.idx.msk [tilespmem:v1+s29+$0x0], $0xffff;
	[tilespmem:s15+$0xA9E0] =	vst v14  }
0x19f: {  	v9 =	vld.idx.msk [tilespmem:v7+s30+$0x0], $0xffff;
	[tilespmem:s15+$0xA980] =	vst v10  }
0x1a0: {  	[tilespmem:s15+$0xAA20] =	vst v12;
	v10 =	vld.idx.msk [tilespmem:v2+s30+$0x0], $0xffff  }
0x1a1: {  	[tilespmem:s15+$0xAA10] =	vst v11;
	v11 =	vld.idx.msk [tilespmem:v0+s30+$0x0], $0xffff  }
0x1a2: {  	v12 =	vld.idx.msk [tilespmem:v6+s1+$0x0], $0xffff;
	[tilespmem:s15+$0xAA30] =	vst v13  }
0x1a3: {  	v13 =	vld.idx.msk [tilespmem:v5+s1+$0x0], $0xffff;
	[tilespmem:s15+$0xA9D0] =	vst v8  }
0x1a4: {  	v8 =	vld.idx.msk [tilespmem:v3+s30+$0x0], $0xffff;
	[tilespmem:s15+$0xAA70] =	vst v9  }
0x1a5: {  	v14 =	vld.idx.msk [tilespmem:v1+s30+$0x0], $0xffff;
	[tilespmem:s15+$0xAA60] =	vst v10  }
0x1a6: {  	v9 =	vld.idx.msk [tilespmem:v7+s1+$0x0], $0xffff;
	[tilespmem:s15+$0xAA00] =	vst v11  }
0x1a7: {  	[tilespmem:s15+$0xAA90] =	vst v12;
	v11 =	vld.idx.msk [tilespmem:v2+s1+$0x0], $0xffff  }
0x1a8: {  	v12 =	vld.idx.msk [tilespmem:v0+s1+$0x0], $0xffff;
	[tilespmem:s15+$0xAAA0] =	vst v13  }
0x1a9: {  	v13 =	vld.idx.msk [tilespmem:v6+s0+$0x0], $0xffff;
	[tilespmem:s15+$0xAA40] =	vst v8  }
0x1aa: {  	v8 =	vld.idx.msk [tilespmem:v4+s1+$0x0], $0xffff;
	[tilespmem:s15+$0xAA50] =	vst v14  }
0x1ab: {  	v14 =	vld.idx.msk [tilespmem:v3+s1+$0x0], $0xffff;
	[tilespmem:s15+$0xAAF0] =	vst v9  }
0x1ac: {  	v9 =	vld.idx.msk [tilespmem:v7+s0+$0x0], $0xffff;
	[tilespmem:s15+$0xAAE0] =	vst v11  }
0x1ad: {  	v10 =	vld.idx.msk [tilespmem:v1+s1+$0x0], $0xffff;
	[tilespmem:s15+$0xAA80] =	vst v12  }
0x1ae: {  	[tilespmem:s15+$0xAB10] =	vst v13;
	v12 =	vld.idx.msk [tilespmem:v2+s0+$0x0], $0xffff  }
0x1af: {  	v13 =	vld.idx.msk [tilespmem:v0+s0+$0x0], $0xffff;
	[tilespmem:s15+$0xAAB0] =	vst v8  }
0x1b0: {  	v8 =	vld.idx.msk [tilespmem:v5+s0+$0x0], $0xffff;
	[tilespmem:s15+$0xAAC0] =	vst v14  }
0x1b1: {  	v14 =	vld.idx.msk [tilespmem:v4+s0+$0x0], $0xffff;
	[tilespmem:s15+$0xAB70] =	vst v9  }
0x1b2: {  	[tilespmem:s15+$0xAAD0] =	vst v10;
	v10 =	vld.idx.msk [tilespmem:v3+s0+$0x0], $0xffff  }
0x1b3: {  	v9 =	vld.idx.msk [tilespmem:v7+s6+$0x0], $0xffff  }
0x1b4: {  	v11 =	vld.idx.msk [tilespmem:v1+s0+$0x0], $0xffff;
	[tilespmem:s15+$0xAB00] =	vst v13  }
0x1b5: {  	[tilespmem:s15+$0xAB20] =	vst v8;
	v8 =	vld.idx.msk [tilespmem:v6+s6+$0x0], $0xffff  }
0x1b6: {  	v13 =	vld.idx.msk [tilespmem:v0+s6+$0x0], $0xffff;
	[tilespmem:s15+$0xAB30] =	vst v14  }
0x1b7: {  	v14 =	vld.idx.msk [tilespmem:v5+s6+$0x0], $0xffff;
	[tilespmem:s15+$0xAB40] =	vst v10  }
0x1b8: {  	v10 =	vld.idx.msk [tilespmem:v4+s6+$0x0], $0xffff;
	[tilespmem:s15+$0xABF0] =	vst v9  }
0x1b9: {  	[tilespmem:s15+$0xAB50] =	vst v11;
	v11 =	vld.idx.msk [tilespmem:v3+s6+$0x0], $0xffff  }
0x1ba: {  	[tilespmem:s15+$0xAB60] =	vst v12;
	v9 =	vld.idx.msk [tilespmem:v7+s7+$0x0], $0xffff  }
0x1bb: {  	v12 =	vld.idx.msk [tilespmem:v1+s6+$0x0], $0xffff;
	[tilespmem:s15+$0xAB90] =	vst v8  }
0x1bc: {  	v8 =	vld.idx.msk [tilespmem:v2+s6+$0x0], $0xffff;
	[tilespmem:s15+$0xABA0] =	vst v14  }
0x1bd: {  	v14 =	vld.idx.msk [tilespmem:v6+s7+$0x0], $0xffff;
	[tilespmem:s15+$0xABB0] =	vst v10  }
0x1be: {  	v10 =	vld.idx.msk [tilespmem:v5+s7+$0x0], $0xffff;
	[tilespmem:s15+$0xABC0] =	vst v11  }
0x1bf: {  	v11 =	vld.idx.msk [tilespmem:v4+s7+$0x0], $0xffff;
	[tilespmem:s15+$0xC870] =	vst v9  }
0x1c0: {  	[tilespmem:s15+$0xABD0] =	vst v12;
	v12 =	vld.idx.msk [tilespmem:v3+s7+$0x0], $0xffff  }
0x1c1: {  	[tilespmem:s15+$0xAB80] =	vst v13;
	v9 =	vld.idx.msk [tilespmem:v7+s8+$0x0], $0xffff  }
0x1c2: {  	[tilespmem:s15+$0xABE0] =	vst v8;
	v8 =	vld.idx.msk [tilespmem:v1+s7+$0x0], $0xffff  }
0x1c3: {  	[tilespmem:s15+$0xC810] =	vst v14;
	v13 =	vld.idx.msk [tilespmem:v2+s7+$0x0], $0xffff  }
0x1c4: {  	v14 =	vld.idx.msk [tilespmem:v0+s7+$0x0], $0xffff;
	[tilespmem:s15+$0xC820] =	vst v10  }
0x1c5: {  	v10 =	vld.idx.msk [tilespmem:v6+s8+$0x0], $0xffff;
	[tilespmem:s15+$0xC830] =	vst v11  }
0x1c6: {  	v11 =	vld.idx.msk [tilespmem:v5+s8+$0x0], $0xffff;
	[tilespmem:s15+$0xC840] =	vst v12  }
0x1c7: {  	v12 =	vld.idx.msk [tilespmem:v4+s8+$0x0], $0xffff;
	[tilespmem:s15+$0xC8F0] =	vst v9  }
0x1c8: {  	[tilespmem:s15+$0xC850] =	vst v8;
	v8 =	vld.idx.msk [tilespmem:v3+s8+$0x0], $0xffff  }
0x1c9: {  	v9 =	vld.idx.msk [tilespmem:v7+s9+$0x0], $0xffff;
	[tilespmem:s15+$0xC860] =	vst v13  }
0x1ca: {  	[tilespmem:s15+$0xC800] =	vst v14;
	v13 =	vld.idx.msk [tilespmem:v1+s8+$0x0], $0xffff  }
0x1cb: {  	v14 =	vld.idx.msk [tilespmem:v2+s8+$0x0], $0xffff;
	[tilespmem:s15+$0xC890] =	vst v10  }
0x1cc: {  	v10 =	vld.idx.msk [tilespmem:v0+s8+$0x0], $0xffff;
	[tilespmem:s15+$0xC8A0] =	vst v11  }
0x1cd: {  	v11 =	vld.idx.msk [tilespmem:v6+s9+$0x0], $0xffff;
	[tilespmem:s15+$0xC8B0] =	vst v12  }
0x1ce: {  	v12 =	vld.idx.msk [tilespmem:v5+s9+$0x0], $0xffff;
	[tilespmem:s15+$0xC8C0] =	vst v8  }
0x1cf: {  	v8 =	vld.idx.msk [tilespmem:v4+s9+$0x0], $0xffff;
	[tilespmem:s15+$0xC970] =	vst v9  }
0x1d0: {  	[tilespmem:s15+$0xC8D0] =	vst v13;
	v13 =	vld.idx.msk [tilespmem:v3+s9+$0x0], $0xffff  }
0x1d1: {  	v9 =	vld.idx.msk [tilespmem:v7+s10+$0x0], $0xffff;
	[tilespmem:s15+$0xC8E0] =	vst v14  }
0x1d2: {  	v14 =	vld.idx.msk [tilespmem:v1+s9+$0x0], $0xffff;
	[tilespmem:s15+$0xC880] =	vst v10  }
0x1d3: {  	[tilespmem:s15+$0xC910] =	vst v11;
	v10 =	vld.idx.msk [tilespmem:v2+s9+$0x0], $0xffff  }
0x1d4: {  	v11 =	vld.idx.msk [tilespmem:v0+s9+$0x0], $0xffff;
	[tilespmem:s15+$0xC920] =	vst v12  }
0x1d5: {  	v12 =	vld.idx.msk [tilespmem:v6+s10+$0x0], $0xffff;
	[tilespmem:s15+$0xC930] =	vst v8  }
0x1d6: {  	v8 =	vld.idx.msk [tilespmem:v5+s10+$0x0], $0xffff;
	[tilespmem:s15+$0xC940] =	vst v13  }
0x1d7: {  	v13 =	vld.idx.msk [tilespmem:v4+s10+$0x0], $0xffff;
	[tilespmem:s15+$0xC9F0] =	vst v9  }
0x1d8: {  	[tilespmem:s15+$0xC950] =	vst v14;
	v9 =	vld.idx.msk [tilespmem:v7+s11+$0x0], $0xffff  }
0x1d9: {  	v14 =	vld.idx.msk [tilespmem:v3+s10+$0x0], $0xffff;
	[tilespmem:s15+$0xC960] =	vst v10  }
0x1da: {  	[tilespmem:s15+$0xC900] =	vst v11;
	v10 =	vld.idx.msk [tilespmem:v1+s10+$0x0], $0xffff  }
0x1db: {  	[tilespmem:s15+$0xC990] =	vst v12;
	v11 =	vld.idx.msk [tilespmem:v2+s10+$0x0], $0xffff  }
0x1dc: {  	v12 =	vld.idx.msk [tilespmem:v0+s10+$0x0], $0xffff;
	[tilespmem:s15+$0xC9A0] =	vst v8  }
0x1dd: {  	v8 =	vld.idx.msk [tilespmem:v6+s11+$0x0], $0xffff;
	[tilespmem:s15+$0xCA70] =	vst v9  }
0x1de: {  	[tilespmem:s15+$0xC9B0] =	vst v13;
	v9 =	vld.idx.msk [tilespmem:v7+s12+$0x0], $0xffff  }
0x1df: {  	v13 =	vld.idx.msk [tilespmem:v5+s11+$0x0], $0xffff;
	[tilespmem:s15+$0xC9C0] =	vst v14  }
0x1e0: {  	v14 =	vld.idx.msk [tilespmem:v4+s11+$0x0], $0xffff;
	[tilespmem:s15+$0xC9D0] =	vst v10  }
0x1e1: {  	v10 =	vld.idx.msk [tilespmem:v3+s11+$0x0], $0xffff;
	[tilespmem:s15+$0xC9E0] =	vst v11  }
0x1e2: {  	v11 =	vld.idx.msk [tilespmem:v1+s11+$0x0], $0xffff;
	[tilespmem:s15+$0xCA10] =	vst v8  }
0x1e3: {  	s16 =	simm.s32 $0x5800;
	v8 =	vld.idx.msk [tilespmem:v2+s11+$0x0], $0xffff;
	[tilespmem:s15+$0xCAF0] =	vst v9  }
0x1e4: {  	[tilespmem:s15+$0xC980] =	vst v12;
	v9 =	vld.idx.msk [tilespmem:v7+s16+$0x0], $0xffff  }
0x1e5: {  	v12 =	vld.idx.msk [tilespmem:v0+s11+$0x0], $0xffff;
	[tilespmem:s15+$0xCA20] =	vst v13  }
0x1e6: {  	v13 =	vld.idx.msk [tilespmem:v6+s12+$0x0], $0xffff;
	[tilespmem:s15+$0xCA30] =	vst v14  }
0x1e7: {  	v14 =	vld.idx.msk [tilespmem:v5+s12+$0x0], $0xffff;
	[tilespmem:s15+$0xCA40] =	vst v10  }
0x1e8: {  	v10 =	vld.idx.msk [tilespmem:v4+s12+$0x0], $0xffff;
	[tilespmem:s15+$0xCA50] =	vst v11  }
0x1e9: {  	v11 =	vld.idx.msk [tilespmem:v3+s12+$0x0], $0xffff;
	[tilespmem:s15+$0xCB70] =	vst v9  }
0x1ea: {  	[tilespmem:s15+$0xCA60] =	vst v8;
	v9 =	vld.idx.msk [tilespmem:v7+s2+$0x0], $0xffff  }
0x1eb: {  	[tilespmem:s15+$0xCA00] =	vst v12;
	v8 =	vld.idx.msk [tilespmem:v1+s12+$0x0], $0xffff  }
0x1ec: {  	[tilespmem:s15+$0xCA90] =	vst v13;
	v12 =	vld.idx.msk [tilespmem:v2+s12+$0x0], $0xffff  }
0x1ed: {  	v13 =	vld.idx.msk [tilespmem:v0+s12+$0x0], $0xffff;
	[tilespmem:s15+$0xCAA0] =	vst v14  }
0x1ee: {  	v14 =	vld.idx.msk [tilespmem:v6+s16+$0x0], $0xffff;
	[tilespmem:s15+$0xCAB0] =	vst v10  }
0x1ef: {  	s4 =	simm.s32 $0x6000;
	v16 =	vld.idx.msk [tilespmem:v5+s16+$0x0], $0xffff;
	[tilespmem:s15+$0xCBF0] =	vst v9  }
0x1f0: {  	[tilespmem:s15+$0xCAC0] =	vst v11;
	v15 =	vld.idx.msk [tilespmem:v7+s4+$0x0], $0xffff  }
0x1f1: {  	[tilespmem:s15+$0xCAD0] =	vst v8;
	v8 =	vld.idx.msk [tilespmem:v3+s16+$0x0], $0xffff  }
.Ltmp0:
0x1f2: {  	[tilespmem:s15+$0xCAE0] =	vst v12;
	v10 =	vld.idx.msk [tilespmem:v1+s16+$0x0], $0xffff;
	(pc) =	sbr.rel @p0 .LBB2_2-.Ltmp0, $4  }
0x1f3: {  	[tilespmem:s15+$0xCA80] =	vst v13;
	v11 =	vld.idx.msk [tilespmem:v2+s16+$0x0], $0xffff  }
0x1f4: {  	[tilespmem:s15+$0xCB10] =	vst v14;
	v12 =	vld.idx.msk [tilespmem:v0+s16+$0x0], $0xffff  }
0x1f5: {  	s14 =	simm.s32 $0x6400;
	v9 =	vld.idx.msk [tilespmem:v4+s16+$0x0], $0xffff;
	s16 =	rddreg [dreg:$0x3];
	[tilespmem:s15+$0xE870] =	vst v15  }
0x1f6: {  	[tilespmem:s15+$0xCB20] =	vst v16;
	s13 =	sadd.s32 $0x8, s16;
	v13 =	vld.idx.msk [tilespmem:v7+s14+$0x0], $0xffff  }
0x1f7: {  	_ =	sdelay $0x2  }
0x1f8: {  	[tilespmem:s15+$0xCB40] =	vst v8  }
0x1f9: {  	v8 =	vld.idx.msk [tilespmem:v5+s2+$0x0], $0xffff;
	[tilespmem:s15+$0xCB50] =	vst v10  }
0x1fa: {  	[tilespmem:s15+$0xCB30] =	vst v9;
	v9 =	vld.idx.msk [tilespmem:v6+s2+$0x0], $0xffff  }
0x1fb: {  	[tilespmem:s15+$0xCB60] =	vst v11;
	v11 =	vld.idx.msk [tilespmem:v3+s2+$0x0], $0xffff  }
0x1fc: {  	[tilespmem:s15+$0xCB00] =	vst v12;
	v12 =	vld.idx.msk [tilespmem:v1+s2+$0x0], $0xffff  }
0x1fd: {  	v10 =	vld.idx.msk [tilespmem:v4+s2+$0x0], $0xffff;
	[tilespmem:s15+$0xE8F0] =	vst v13  }
0x1fe: {  	[tilespmem:s15+$0xCBA0] =	vst v8;
	v8 =	vld.idx.msk [tilespmem:v2+s2+$0x0], $0xffff  }
0x1ff: {  	[tilespmem:s15+$0xCB90] =	vst v9;
	v9 =	vld.idx.msk [tilespmem:v7+s5+$0x0], $0xffff  }
0x200: {  	[tilespmem:s15+$0xCBC0] =	vst v11  }
0x201: {  	v13 =	vld.idx.msk [tilespmem:v0+s2+$0x0], $0xffff;
	[tilespmem:s15+$0xCBD0] =	vst v12  }
0x202: {  	[tilespmem:s15+$0xCBB0] =	vst v10;
	v10 =	vld.idx.msk [tilespmem:v6+s4+$0x0], $0xffff  }
0x203: {  	v11 =	vld.idx.msk [tilespmem:v5+s4+$0x0], $0xffff;
	[tilespmem:s15+$0xCBE0] =	vst v8  }
0x204: {  	v12 =	vld.idx.msk [tilespmem:v4+s4+$0x0], $0xffff;
	[tilespmem:s15+$0xE970] =	vst v9  }
0x205: {  	v8 =	vld.idx.msk [tilespmem:v7+s3+$0x0], $0xffff  }
0x206: {  	[tilespmem:s15+$0xCB80] =	vst v13;
	v9 =	vld.idx.msk [tilespmem:v3+s4+$0x0], $0xffff  }
0x207: {  	[tilespmem:s15+$0xE810] =	vst v10;
	v10 =	vld.idx.msk [tilespmem:v1+s4+$0x0], $0xffff  }
0x208: {  	v13 =	vld.idx.msk [tilespmem:v2+s4+$0x0], $0xffff;
	[tilespmem:s15+$0xE820] =	vst v11  }
0x209: {  	v11 =	vld.idx.msk [tilespmem:v0+s4+$0x0], $0xffff;
	[tilespmem:s15+$0xE830] =	vst v12  }
0x20a: {  	v12 =	vld.idx.msk [tilespmem:v6+s14+$0x0], $0xffff;
	[tilespmem:s15+$0xE9F0] =	vst v8  }
0x20b: {  	[tilespmem:s15+$0xE840] =	vst v9;
	v9 =	vld.idx.msk [tilespmem:v5+s14+$0x0], $0xffff  }
0x20c: {  	[tilespmem:s15+$0xE850] =	vst v10;
	v10 =	vld.idx.msk [tilespmem:v4+s14+$0x0], $0xffff  }
0x20d: {  	[tilespmem:s15+$0xE860] =	vst v13;
	v8 =	vld.idx.msk [tilespmem:v7+s31+$0x0], $0xffff  }
0x20e: {  	v13 =	vld.idx.msk [tilespmem:v3+s14+$0x0], $0xffff;
	[tilespmem:s15+$0xE800] =	vst v11  }
0x20f: {  	[tilespmem:s15+$0xE890] =	vst v12;
	v11 =	vld.idx.msk [tilespmem:v1+s14+$0x0], $0xffff  }
0x210: {  	v12 =	vld.idx.msk [tilespmem:v2+s14+$0x0], $0xffff;
	[tilespmem:s15+$0xE8A0] =	vst v9  }
0x211: {  	v9 =	vld.idx.msk [tilespmem:v0+s14+$0x0], $0xffff;
	[tilespmem:s15+$0xE8B0] =	vst v10  }
0x212: {  	s13 =	simm.s32 $0x7400;
	v10 =	vld.idx.msk [tilespmem:v6+s5+$0x0], $0xffff;
	[tilespmem:s15+$0xEA70] =	vst v8  }
0x213: {  	[tilespmem:s15+$0xE8C0] =	vst v13;
	v8 =	vld.idx.msk [tilespmem:v7+s13+$0x0], $0xffff  }
0x214: {  	v13 =	vld.idx.msk [tilespmem:v5+s5+$0x0], $0xffff;
	[tilespmem:s15+$0xE8D0] =	vst v11  }
0x215: {  	v11 =	vld.idx.msk [tilespmem:v4+s5+$0x0], $0xffff;
	[tilespmem:s15+$0xE8E0] =	vst v12  }
0x216: {  	v12 =	vld.idx.msk [tilespmem:v3+s5+$0x0], $0xffff;
	[tilespmem:s15+$0xE880] =	vst v9  }
0x217: {  	[tilespmem:s15+$0xE910] =	vst v10;
	v9 =	vld.idx.msk [tilespmem:v1+s5+$0x0], $0xffff  }
0x218: {  	s4 =	simm.s32 $0x7800;
	v10 =	vld.idx.msk [tilespmem:v2+s5+$0x0], $0xffff;
	[tilespmem:s15+$0xEAF0] =	vst v8  }
0x219: {  	[tilespmem:s15+$0xE920] =	vst v13;
	v8 =	vld.idx.msk [tilespmem:v7+s4+$0x0], $0xffff  }
0x21a: {  	v13 =	vld.idx.msk [tilespmem:v0+s5+$0x0], $0xffff;
	[tilespmem:s15+$0xE930] =	vst v11  }
0x21b: {  	v11 =	vld.idx.msk [tilespmem:v6+s3+$0x0], $0xffff;
	[tilespmem:s15+$0xE940] =	vst v12  }
0x21c: {  	v12 =	vld.idx.msk [tilespmem:v5+s3+$0x0], $0xffff;
	[tilespmem:s15+$0xE950] =	vst v9  }
0x21d: {  	[tilespmem:s15+$0xE960] =	vst v10;
	v9 =	vld.idx.msk [tilespmem:v3+s3+$0x0], $0xffff  }
0x21e: {  	s16 =	simm.s32 $0x7C00;
	[tilespmem:s15+$0xEB70] =	vst v8;
	v8 =	vld.idx.msk [tilespmem:v4+s3+$0x0], $0xffff  }
0x21f: {  	[tilespmem:s15+$0xE900] =	vst v13;
	v7 =	vld.idx.msk [tilespmem:v7+s16+$0x0], $0xffff  }
0x220: {  	v10 =	vld.idx.msk [tilespmem:v1+s3+$0x0], $0xffff;
	[tilespmem:s15+$0xE990] =	vst v11  }
0x221: {  	[tilespmem:s15+$0xE9A0] =	vst v12;
	v12 =	vld.idx.msk [tilespmem:v0+s3+$0x0], $0xffff  }
0x222: {  	v11 =	vld.idx.msk [tilespmem:v2+s3+$0x0], $0xffff;
	[tilespmem:s15+$0xE9C0] =	vst v9  }
0x223: {  	[tilespmem:s15+$0xE9B0] =	vst v8;
	v8 =	vld.idx.msk [tilespmem:v5+s31+$0x0], $0xffff  }
0x224: {  	[tilespmem:s15+$0xEBF0] =	vst v7;
	v7 =	vld.idx.msk [tilespmem:v6+s31+$0x0], $0xffff  }
0x225: {  	[tilespmem:s15+$0xE9D0] =	vst v10;
	v9 =	vld.idx.msk [tilespmem:v4+s31+$0x0], $0xffff  }
0x226: {  	v10 =	vld.idx.msk [tilespmem:v3+s31+$0x0], $0xffff;
	[tilespmem:s15+$0xE980] =	vst v12  }
0x227: {  	[tilespmem:s15+$0xE9E0] =	vst v11;
	v12 =	vld.idx.msk [tilespmem:v0+s31+$0x0], $0xffff  }
0x228: {  	v11 =	vld.idx.msk [tilespmem:v1+s31+$0x0], $0xffff;
	[tilespmem:s15+$0xEA20] =	vst v8  }
0x229: {  	[tilespmem:s15+$0xEA10] =	vst v7;
	v7 =	vld.idx.msk [tilespmem:v2+s31+$0x0], $0xffff  }
0x22a: {  	[tilespmem:s15+$0xEA30] =	vst v9;
	v9 =	vld.idx.msk [tilespmem:v5+s13+$0x0], $0xffff  }
0x22b: {  	[tilespmem:s15+$0xEA40] =	vst v10;
	v8 =	vld.idx.msk [tilespmem:v6+s13+$0x0], $0xffff  }
0x22c: {  	[tilespmem:s15+$0xEA00] =	vst v12;
	v10 =	vld.idx.msk [tilespmem:v4+s13+$0x0], $0xffff  }
0x22d: {  	[tilespmem:s15+$0xEA50] =	vst v11;
	v12 =	vld.idx.msk [tilespmem:v0+s13+$0x0], $0xffff  }
0x22e: {  	v11 =	vld.idx.msk [tilespmem:v3+s13+$0x0], $0xffff;
	[tilespmem:s15+$0xEA60] =	vst v7  }
0x22f: {  	v7 =	vld.idx.msk [tilespmem:v1+s13+$0x0], $0xffff;
	[tilespmem:s15+$0xEAA0] =	vst v9  }
0x230: {  	[tilespmem:s15+$0xEA90] =	vst v8;
	v8 =	vld.idx.msk [tilespmem:v2+s13+$0x0], $0xffff  }
0x231: {  	[tilespmem:s15+$0xEAB0] =	vst v10;
	v10 =	vld.idx.msk [tilespmem:v5+s4+$0x0], $0xffff  }
0x232: {  	[tilespmem:s15+$0xEA80] =	vst v12;
	v9 =	vld.idx.msk [tilespmem:v6+s4+$0x0], $0xffff  }
0x233: {  	[tilespmem:s15+$0xEAC0] =	vst v11;
	v12 =	vld.idx.msk [tilespmem:v0+s4+$0x0], $0xffff  }
0x234: {  	v11 =	vld.idx.msk [tilespmem:v4+s4+$0x0], $0xffff;
	[tilespmem:s15+$0xEAD0] =	vst v7  }
0x235: {  	v7 =	vld.idx.msk [tilespmem:v3+s4+$0x0], $0xffff;
	[tilespmem:s15+$0xEAE0] =	vst v8  }
0x236: {  	v8 =	vld.idx.msk [tilespmem:v1+s4+$0x0], $0xffff;
	[tilespmem:s15+$0xEB20] =	vst v10  }
0x237: {  	[tilespmem:s15+$0xEB10] =	vst v9;
	v9 =	vld.idx.msk [tilespmem:v2+s4+$0x0], $0xffff  }
0x238: {  	[tilespmem:s15+$0xEB00] =	vst v12;
	v5 =	vld.idx.msk [tilespmem:v5+s16+$0x0], $0xffff  }
0x239: {  	[tilespmem:s15+$0xEB30] =	vst v11;
	v0 =	vld.idx.msk [tilespmem:v0+s16+$0x0], $0xffff  }
0x23a: {  	v6 =	vld.idx.msk [tilespmem:v6+s16+$0x0], $0xffff;
	[tilespmem:s15+$0xEB40] =	vst v7  }
0x23b: {  	v4 =	vld.idx.msk [tilespmem:v4+s16+$0x0], $0xffff;
	[tilespmem:s15+$0xEB50] =	vst v8  }
0x23c: {  	v3 =	vld.idx.msk [tilespmem:v3+s16+$0x0], $0xffff;
	[tilespmem:s15+$0xEB60] =	vst v9  }
0x23d: {  	v1 =	vld.idx.msk [tilespmem:v1+s16+$0x0], $0xffff;
	[tilespmem:s15+$0xEBA0] =	vst v5  }
0x23e: {  	[tilespmem:s15+$0xEB80] =	vst v0;
	v2 =	vld.idx.msk [tilespmem:v2+s16+$0x0], $0xffff  }
0x23f: {  	[tilespmem:s15+$0xEB90] =	vst v6  }
0x240: {  	[tilespmem:s15+$0xEBB0] =	vst v4  }
0x241: {  	[tilespmem:s15+$0xEBC0] =	vst v3  }
0x242: {  	[tilespmem:s15+$0xEBD0] =	vst v1  }
0x243: {  	s5 =	simm.s32 $0x0;
	[tilespmem:s15+$0xEBE0] =	vst v2  }
0x244: {  	s31 =	simm.s32 $0x4;
	s13 =	simm.s32 $0x8800;
	s16 =	rddreg [dreg:$0x8]  }
0x245: {  	[hbm4b:s16+s5] =	stream.linear.scatter [tilespmem:s13], [sflag:$0x1], $0x8000, $0x38;
	[tilespmem:$0x18800] =	vst v63  }
0x246: {  	_ =	swait.ge [sflag:s31], $0x400  }
0x247: {  	s4 =	simm.s32 $0x0;
	[sflag:s31] =	ssyncset.done $0x0  }
0x248: {  	s5 =	sand.u32 $0x3FFFFFF0, s4;
	[sflag:s31] =	ssyncadd.s32 $0xFFFFFC00  }
0x249: {  	v0 =	vld [tilespmem:s5+$0x8400];
	_ =	sdelay $0x1  }
0x24a: {  	v7 =	vld [tilespmem:s5+$0x8470];
	_ =	sdelay $0x5  }
0x24b: {  	v1 =	vld.idx.msk [tilespmem:v0+s18+$0x0], $0xffff;
	_ =	sdelay $0x1  }
0x24c: {  	v9 =	vld.idx.msk [tilespmem:v7+s18+$0x0], $0xffff  }
0x24d: {  	s13 =	simm.s32 $0x0  }
0x24e: {  	s15 =	sand.u32 $0x3FFFFF80, s13  }
0x24f: {  	[tilespmem:s15+$0x10800] =	vst v1  }
0x250: {  	v1 =	vld.idx.msk [tilespmem:v0+s17+$0x0], $0xffff  }
0x251: {  	[tilespmem:s15+$0x10870] =	vst v9  }
0x252: {  	v9 =	vld.idx.msk [tilespmem:v7+s17+$0x0], $0xffff;
	_ =	sdelay $0x2  }
0x253: {  	[tilespmem:s15+$0x10880] =	vst v1  }
0x254: {  	v1 =	vld.idx.msk [tilespmem:v0+s19+$0x0], $0xffff  }
0x255: {  	[tilespmem:s15+$0x108F0] =	vst v9  }
0x256: {  	v9 =	vld.idx.msk [tilespmem:v7+s19+$0x0], $0xffff;
	_ =	sdelay $0x1  }
0x257: {  	v6 =	vld [tilespmem:s5+$0x8410]  }
0x258: {  	v5 =	vld [tilespmem:s5+$0x8420];
	[tilespmem:s15+$0x10900] =	vst v1  }
0x259: {  	v1 =	vld.idx.msk [tilespmem:v0+s20+$0x0], $0xffff  }
0x25a: {  	v4 =	vld [tilespmem:s5+$0x8430];
	[tilespmem:s15+$0x10970] =	vst v9  }
0x25b: {  	v9 =	vld.idx.msk [tilespmem:v7+s20+$0x0], $0xffff  }
0x25c: {  	v3 =	vld [tilespmem:s5+$0x8440];
	_ =	sdelay $0x1  }
0x25d: {  	[tilespmem:s15+$0x10980] =	vst v1  }
0x25e: {  	v1 =	vld.idx.msk [tilespmem:v0+s21+$0x0], $0xffff  }
0x25f: {  	v10 =	vld.idx.msk [tilespmem:v6+s18+$0x0], $0xffff;
	[tilespmem:s15+$0x109F0] =	vst v9  }
0x260: {  	v9 =	vld.idx.msk [tilespmem:v7+s21+$0x0], $0xffff  }
0x261: {  	v11 =	vld.idx.msk [tilespmem:v5+s18+$0x0], $0xffff  }
0x262: {  	v12 =	vld.idx.msk [tilespmem:v4+s18+$0x0], $0xffff  }
0x263: {  	v13 =	vld.idx.msk [tilespmem:v3+s18+$0x0], $0xffff;
	[tilespmem:s15+$0x10A00] =	vst v1  }
0x264: {  	[tilespmem:s15+$0x10810] =	vst v10;
	v1 =	vld.idx.msk [tilespmem:v0+s22+$0x0], $0xffff  }
0x265: {  	v10 =	vld.idx.msk [tilespmem:v6+s17+$0x0], $0xffff;
	[tilespmem:s15+$0x10A70] =	vst v9  }
0x266: {  	[tilespmem:s15+$0x10820] =	vst v11;
	v9 =	vld.idx.msk [tilespmem:v7+s22+$0x0], $0xffff  }
0x267: {  	[tilespmem:s15+$0x10830] =	vst v12;
	v11 =	vld.idx.msk [tilespmem:v5+s17+$0x0], $0xffff  }
0x268: {  	[tilespmem:s15+$0x10840] =	vst v13;
	v12 =	vld.idx.msk [tilespmem:v4+s17+$0x0], $0xffff  }
0x269: {  	v13 =	vld.idx.msk [tilespmem:v3+s17+$0x0], $0xffff;
	[tilespmem:s15+$0x10A80] =	vst v1  }
0x26a: {  	[tilespmem:s15+$0x10890] =	vst v10;
	v1 =	vld.idx.msk [tilespmem:v0+s23+$0x0], $0xffff  }
0x26b: {  	v10 =	vld.idx.msk [tilespmem:v6+s19+$0x0], $0xffff;
	[tilespmem:s15+$0x10AF0] =	vst v9  }
0x26c: {  	[tilespmem:s15+$0x108A0] =	vst v11;
	v9 =	vld.idx.msk [tilespmem:v7+s23+$0x0], $0xffff  }
0x26d: {  	[tilespmem:s15+$0x108B0] =	vst v12;
	v11 =	vld.idx.msk [tilespmem:v5+s19+$0x0], $0xffff  }
0x26e: {  	[tilespmem:s15+$0x108C0] =	vst v13;
	v12 =	vld.idx.msk [tilespmem:v4+s19+$0x0], $0xffff  }
0x26f: {  	v13 =	vld.idx.msk [tilespmem:v3+s19+$0x0], $0xffff;
	[tilespmem:s15+$0x10B00] =	vst v1  }
0x270: {  	[tilespmem:s15+$0x10910] =	vst v10;
	v1 =	vld.idx.msk [tilespmem:v0+s24+$0x0], $0xffff  }
0x271: {  	v10 =	vld.idx.msk [tilespmem:v6+s20+$0x0], $0xffff;
	[tilespmem:s15+$0x10B70] =	vst v9  }
0x272: {  	[tilespmem:s15+$0x10920] =	vst v11;
	v9 =	vld.idx.msk [tilespmem:v7+s24+$0x0], $0xffff  }
0x273: {  	[tilespmem:s15+$0x10930] =	vst v12;
	v11 =	vld.idx.msk [tilespmem:v5+s20+$0x0], $0xffff  }
0x274: {  	[tilespmem:s15+$0x10940] =	vst v13;
	v12 =	vld.idx.msk [tilespmem:v4+s20+$0x0], $0xffff  }
0x275: {  	v13 =	vld.idx.msk [tilespmem:v3+s20+$0x0], $0xffff;
	[tilespmem:s15+$0x10B80] =	vst v1  }
0x276: {  	[tilespmem:s15+$0x10990] =	vst v10;
	v1 =	vld.idx.msk [tilespmem:v0+s25+$0x0], $0xffff  }
0x277: {  	v10 =	vld.idx.msk [tilespmem:v6+s21+$0x0], $0xffff;
	[tilespmem:s15+$0x10BF0] =	vst v9  }
0x278: {  	[tilespmem:s15+$0x109A0] =	vst v11;
	v9 =	vld.idx.msk [tilespmem:v7+s25+$0x0], $0xffff  }
0x279: {  	[tilespmem:s15+$0x109B0] =	vst v12;
	v11 =	vld.idx.msk [tilespmem:v5+s21+$0x0], $0xffff  }
0x27a: {  	[tilespmem:s15+$0x109C0] =	vst v13;
	v12 =	vld.idx.msk [tilespmem:v4+s21+$0x0], $0xffff  }
0x27b: {  	v13 =	vld.idx.msk [tilespmem:v3+s21+$0x0], $0xffff;
	[tilespmem:s15+$0x12800] =	vst v1  }
0x27c: {  	[tilespmem:s15+$0x10A10] =	vst v10;
	v2 =	vld.idx.msk [tilespmem:v0+s26+$0x0], $0xffff  }
0x27d: {  	v10 =	vld.idx.msk [tilespmem:v6+s22+$0x0], $0xffff;
	[tilespmem:s15+$0x12870] =	vst v9  }
0x27e: {  	v9 =	vld.idx.msk [tilespmem:v7+s26+$0x0], $0xffff  }
0x27f: {  	[tilespmem:s15+$0x10A20] =	vst v11;
	v1 =	vld [tilespmem:s5+$0x8450]  }
0x280: {  	v11 =	vld.idx.msk [tilespmem:v5+s22+$0x0], $0xffff  }
0x281: {  	[tilespmem:s15+$0x12880] =	vst v2;
	v2 =	vld [tilespmem:s5+$0x8460]  }
0x282: {  	[tilespmem:s15+$0x10A30] =	vst v12;
	v8 =	vld.idx.msk [tilespmem:v0+s28+$0x0], $0xffff  }
0x283: {  	v12 =	vld.idx.msk [tilespmem:v4+s22+$0x0], $0xffff;
	[tilespmem:s15+$0x128F0] =	vst v9  }
0x284: {  	[tilespmem:s15+$0x10A40] =	vst v13;
	v9 =	vld.idx.msk [tilespmem:v7+s28+$0x0], $0xffff  }
0x285: {  	v13 =	vld.idx.msk [tilespmem:v3+s22+$0x0], $0xffff;
	[tilespmem:s15+$0x10A90] =	vst v10  }
0x286: {  	[tilespmem:s15+$0x10AA0] =	vst v11;
	v10 =	vld.idx.msk [tilespmem:v6+s23+$0x0], $0xffff  }
0x287: {  	[tilespmem:s15+$0x12900] =	vst v8;
	v8 =	vld.idx.msk [tilespmem:v1+s18+$0x0], $0xffff  }
0x288: {  	[tilespmem:s15+$0x10AB0] =	vst v12;
	v11 =	vld.idx.msk [tilespmem:v5+s23+$0x0], $0xffff  }
0x289: {  	[tilespmem:s15+$0x12970] =	vst v9;
	v14 =	vld.idx.msk [tilespmem:v2+s18+$0x0], $0xffff  }
0x28a: {  	[tilespmem:s15+$0x10AC0] =	vst v13;
	v9 =	vld.idx.msk [tilespmem:v7+s29+$0x0], $0xffff  }
0x28b: {  	v12 =	vld.idx.msk [tilespmem:v4+s23+$0x0], $0xffff;
	[tilespmem:s15+$0x10B10] =	vst v10  }
0x28c: {  	v13 =	vld.idx.msk [tilespmem:v3+s23+$0x0], $0xffff;
	[tilespmem:s15+$0x10850] =	vst v8  }
0x28d: {  	[tilespmem:s15+$0x10B20] =	vst v11;
	v8 =	vld.idx.msk [tilespmem:v1+s17+$0x0], $0xffff  }
0x28e: {  	v10 =	vld.idx.msk [tilespmem:v6+s24+$0x0], $0xffff;
	[tilespmem:s15+$0x10860] =	vst v14  }
0x28f: {  	[tilespmem:s15+$0x129F0] =	vst v9;
	v14 =	vld.idx.msk [tilespmem:v2+s17+$0x0], $0xffff  }
0x290: {  	[tilespmem:s15+$0x10B30] =	vst v12;
	v9 =	vld.idx.msk [tilespmem:v7+s30+$0x0], $0xffff  }
0x291: {  	[tilespmem:s15+$0x10B40] =	vst v13;
	v11 =	vld.idx.msk [tilespmem:v5+s24+$0x0], $0xffff  }
0x292: {  	v12 =	vld.idx.msk [tilespmem:v4+s24+$0x0], $0xffff;
	[tilespmem:s15+$0x108D0] =	vst v8  }
0x293: {  	[tilespmem:s15+$0x10B90] =	vst v10;
	v8 =	vld.idx.msk [tilespmem:v1+s19+$0x0], $0xffff  }
0x294: {  	v13 =	vld.idx.msk [tilespmem:v3+s24+$0x0], $0xffff;
	[tilespmem:s15+$0x108E0] =	vst v14  }
0x295: {  	[tilespmem:s15+$0x12A70] =	vst v9;
	v14 =	vld.idx.msk [tilespmem:v2+s19+$0x0], $0xffff  }
0x296: {  	[tilespmem:s15+$0x10BA0] =	vst v11;
	v9 =	vld.idx.msk [tilespmem:v7+s1+$0x0], $0xffff  }
0x297: {  	[tilespmem:s15+$0x10BB0] =	vst v12;
	v10 =	vld.idx.msk [tilespmem:v6+s25+$0x0], $0xffff  }
0x298: {  	v11 =	vld.idx.msk [tilespmem:v5+s25+$0x0], $0xffff;
	[tilespmem:s15+$0x10950] =	vst v8  }
0x299: {  	[tilespmem:s15+$0x10BC0] =	vst v13;
	v8 =	vld.idx.msk [tilespmem:v1+s20+$0x0], $0xffff  }
0x29a: {  	v12 =	vld.idx.msk [tilespmem:v4+s25+$0x0], $0xffff;
	[tilespmem:s15+$0x10960] =	vst v14  }
0x29b: {  	[tilespmem:s15+$0x12AF0] =	vst v9;
	v14 =	vld.idx.msk [tilespmem:v2+s20+$0x0], $0xffff  }
0x29c: {  	[tilespmem:s15+$0x12810] =	vst v10;
	v9 =	vld.idx.msk [tilespmem:v7+s0+$0x0], $0xffff  }
0x29d: {  	v13 =	vld.idx.msk [tilespmem:v3+s25+$0x0], $0xffff;
	[tilespmem:s15+$0x12820] =	vst v11  }
0x29e: {  	v10 =	vld.idx.msk [tilespmem:v6+s26+$0x0], $0xffff;
	[tilespmem:s15+$0x109D0] =	vst v8  }
0x29f: {  	[tilespmem:s15+$0x12830] =	vst v12;
	v8 =	vld.idx.msk [tilespmem:v1+s21+$0x0], $0xffff  }
0x2a0: {  	v11 =	vld.idx.msk [tilespmem:v5+s26+$0x0], $0xffff;
	[tilespmem:s15+$0x109E0] =	vst v14  }
0x2a1: {  	[tilespmem:s15+$0x12B70] =	vst v9;
	v14 =	vld.idx.msk [tilespmem:v2+s21+$0x0], $0xffff  }
0x2a2: {  	[tilespmem:s15+$0x12840] =	vst v13;
	v9 =	vld.idx.msk [tilespmem:v7+s6+$0x0], $0xffff  }
0x2a3: {  	v12 =	vld.idx.msk [tilespmem:v4+s26+$0x0], $0xffff;
	[tilespmem:s15+$0x12890] =	vst v10  }
0x2a4: {  	v13 =	vld.idx.msk [tilespmem:v3+s26+$0x0], $0xffff;
	[tilespmem:s15+$0x10A50] =	vst v8  }
0x2a5: {  	[tilespmem:s15+$0x128A0] =	vst v11;
	v8 =	vld.idx.msk [tilespmem:v1+s22+$0x0], $0xffff  }
0x2a6: {  	v10 =	vld.idx.msk [tilespmem:v6+s28+$0x0], $0xffff;
	[tilespmem:s15+$0x10A60] =	vst v14  }
0x2a7: {  	[tilespmem:s15+$0x12BF0] =	vst v9;
	v14 =	vld.idx.msk [tilespmem:v2+s22+$0x0], $0xffff  }
0x2a8: {  	[tilespmem:s15+$0x128B0] =	vst v12;
	v9 =	vld.idx.msk [tilespmem:v7+s7+$0x0], $0xffff  }
0x2a9: {  	[tilespmem:s15+$0x128C0] =	vst v13;
	v11 =	vld.idx.msk [tilespmem:v5+s28+$0x0], $0xffff  }
0x2aa: {  	v12 =	vld.idx.msk [tilespmem:v4+s28+$0x0], $0xffff;
	[tilespmem:s15+$0x10AD0] =	vst v8  }
0x2ab: {  	[tilespmem:s15+$0x12910] =	vst v10;
	v8 =	vld.idx.msk [tilespmem:v1+s23+$0x0], $0xffff  }
0x2ac: {  	v13 =	vld.idx.msk [tilespmem:v3+s28+$0x0], $0xffff;
	[tilespmem:s15+$0x10AE0] =	vst v14  }
0x2ad: {  	[tilespmem:s15+$0x14870] =	vst v9;
	v14 =	vld.idx.msk [tilespmem:v2+s23+$0x0], $0xffff  }
0x2ae: {  	[tilespmem:s15+$0x12920] =	vst v11;
	v9 =	vld.idx.msk [tilespmem:v7+s8+$0x0], $0xffff  }
0x2af: {  	[tilespmem:s15+$0x12930] =	vst v12;
	v10 =	vld.idx.msk [tilespmem:v6+s29+$0x0], $0xffff  }
0x2b0: {  	v11 =	vld.idx.msk [tilespmem:v5+s29+$0x0], $0xffff;
	[tilespmem:s15+$0x10B50] =	vst v8  }
0x2b1: {  	[tilespmem:s15+$0x12940] =	vst v13;
	v8 =	vld.idx.msk [tilespmem:v1+s24+$0x0], $0xffff  }
0x2b2: {  	v12 =	vld.idx.msk [tilespmem:v4+s29+$0x0], $0xffff;
	[tilespmem:s15+$0x10B60] =	vst v14  }
0x2b3: {  	[tilespmem:s15+$0x148F0] =	vst v9;
	v14 =	vld.idx.msk [tilespmem:v2+s24+$0x0], $0xffff  }
0x2b4: {  	[tilespmem:s15+$0x12990] =	vst v10;
	v9 =	vld.idx.msk [tilespmem:v7+s9+$0x0], $0xffff  }
0x2b5: {  	v13 =	vld.idx.msk [tilespmem:v3+s29+$0x0], $0xffff;
	[tilespmem:s15+$0x129A0] =	vst v11  }
0x2b6: {  	v10 =	vld.idx.msk [tilespmem:v0+s29+$0x0], $0xffff;
	[tilespmem:s15+$0x10BD0] =	vst v8  }
0x2b7: {  	[tilespmem:s15+$0x129B0] =	vst v12;
	v8 =	vld.idx.msk [tilespmem:v1+s25+$0x0], $0xffff  }
0x2b8: {  	v11 =	vld.idx.msk [tilespmem:v6+s30+$0x0], $0xffff;
	[tilespmem:s15+$0x10BE0] =	vst v14  }
0x2b9: {  	[tilespmem:s15+$0x14970] =	vst v9;
	v14 =	vld.idx.msk [tilespmem:v2+s25+$0x0], $0xffff  }
0x2ba: {  	[tilespmem:s15+$0x129C0] =	vst v13;
	v9 =	vld.idx.msk [tilespmem:v7+s10+$0x0], $0xffff  }
0x2bb: {  	v12 =	vld.idx.msk [tilespmem:v5+s30+$0x0], $0xffff;
	[tilespmem:s15+$0x12980] =	vst v10  }
0x2bc: {  	v13 =	vld.idx.msk [tilespmem:v4+s30+$0x0], $0xffff;
	[tilespmem:s15+$0x12850] =	vst v8  }
0x2bd: {  	[tilespmem:s15+$0x12A10] =	vst v11;
	v8 =	vld.idx.msk [tilespmem:v1+s26+$0x0], $0xffff  }
0x2be: {  	v11 =	vld.idx.msk [tilespmem:v0+s30+$0x0], $0xffff;
	[tilespmem:s15+$0x12860] =	vst v14  }
0x2bf: {  	[tilespmem:s15+$0x149F0] =	vst v9;
	v14 =	vld.idx.msk [tilespmem:v2+s26+$0x0], $0xffff  }
0x2c0: {  	[tilespmem:s15+$0x12A20] =	vst v12;
	v9 =	vld.idx.msk [tilespmem:v7+s11+$0x0], $0xffff  }
0x2c1: {  	[tilespmem:s15+$0x12A30] =	vst v13;
	v12 =	vld.idx.msk [tilespmem:v6+s1+$0x0], $0xffff  }
0x2c2: {  	v13 =	vld.idx.msk [tilespmem:v5+s1+$0x0], $0xffff;
	[tilespmem:s15+$0x128D0] =	vst v8  }
0x2c3: {  	[tilespmem:s15+$0x12A00] =	vst v11;
	v8 =	vld.idx.msk [tilespmem:v1+s28+$0x0], $0xffff  }
0x2c4: {  	[tilespmem:s15+$0x128E0] =	vst v14  }
0x2c5: {  	[tilespmem:s15+$0x14A70] =	vst v9;
	v14 =	vld.idx.msk [tilespmem:v2+s28+$0x0], $0xffff  }
0x2c6: {  	[tilespmem:s15+$0x12A90] =	vst v12;
	v9 =	vld.idx.msk [tilespmem:v7+s12+$0x0], $0xffff  }
0x2c7: {  	v12 =	vld.idx.msk [tilespmem:v0+s1+$0x0], $0xffff;
	[tilespmem:s15+$0x12AA0] =	vst v13  }
0x2c8: {  	v13 =	vld.idx.msk [tilespmem:v6+s0+$0x0], $0xffff;
	[tilespmem:s15+$0x12950] =	vst v8  }
0x2c9: {  	v8 =	vld.idx.msk [tilespmem:v1+s29+$0x0], $0xffff  }
0x2ca: {  	[tilespmem:s15+$0x12960] =	vst v14  }
0x2cb: {  	[tilespmem:s15+$0x14AF0] =	vst v9;
	v14 =	vld.idx.msk [tilespmem:v2+s29+$0x0], $0xffff;
	s29 =	simm.s32 $0x5800  }
0x2cc: {  	[tilespmem:s15+$0x12A80] =	vst v12;
	v9 =	vld.idx.msk [tilespmem:v7+s29+$0x0], $0xffff  }
0x2cd: {  	[tilespmem:s15+$0x12B10] =	vst v13;
	v13 =	vld.idx.msk [tilespmem:v0+s0+$0x0], $0xffff  }
0x2ce: {  	[tilespmem:s15+$0x129D0] =	vst v8;
	v8 =	vld.idx.msk [tilespmem:v3+s30+$0x0], $0xffff;
	_ =	sdelay $0x1  }
0x2cf: {  	[tilespmem:s15+$0x129E0] =	vst v14;
	v14 =	vld.idx.msk [tilespmem:v1+s30+$0x0], $0xffff  }
0x2d0: {  	v10 =	vld.idx.msk [tilespmem:v2+s30+$0x0], $0xffff;
	[tilespmem:s15+$0x14B70] =	vst v9  }
0x2d1: {  	[tilespmem:s15+$0x12B00] =	vst v13;
	v9 =	vld.idx.msk [tilespmem:v7+s2+$0x0], $0xffff  }
0x2d2: {  	[tilespmem:s15+$0x12A40] =	vst v8;
	v8 =	vld.idx.msk [tilespmem:v4+s1+$0x0], $0xffff  }
0x2d3: {  	v13 =	vld.idx.msk [tilespmem:v0+s6+$0x0], $0xffff  }
0x2d4: {  	[tilespmem:s15+$0x12A50] =	vst v14;
	v14 =	vld.idx.msk [tilespmem:v3+s1+$0x0], $0xffff  }
0x2d5: {  	[tilespmem:s15+$0x12A60] =	vst v10;
	v10 =	vld.idx.msk [tilespmem:v1+s1+$0x0], $0xffff  }
0x2d6: {  	v11 =	vld.idx.msk [tilespmem:v2+s1+$0x0], $0xffff;
	[tilespmem:s15+$0x14BF0] =	vst v9  }
0x2d7: {  	s31 =	simm.s32 $0x6000;
	[tilespmem:s15+$0x12AB0] =	vst v8;
	v8 =	vld.idx.msk [tilespmem:v5+s0+$0x0], $0xffff  }
0x2d8: {  	v15 =	vld.idx.msk [tilespmem:v7+s31+$0x0], $0xffff  }
0x2d9: {  	[tilespmem:s15+$0x12AC0] =	vst v14;
	v14 =	vld.idx.msk [tilespmem:v4+s0+$0x0], $0xffff  }
0x2da: {  	[tilespmem:s15+$0x12AD0] =	vst v10;
	v10 =	vld.idx.msk [tilespmem:v3+s0+$0x0], $0xffff  }
0x2db: {  	[tilespmem:s15+$0x12AE0] =	vst v11;
	v11 =	vld.idx.msk [tilespmem:v1+s0+$0x0], $0xffff  }
0x2dc: {  	[tilespmem:s15+$0x12B80] =	vst v13;
	v12 =	vld.idx.msk [tilespmem:v2+s0+$0x0], $0xffff  }
0x2dd: {  	[tilespmem:s15+$0x12B20] =	vst v8;
	v8 =	vld.idx.msk [tilespmem:v6+s6+$0x0], $0xffff  }
0x2de: {  	[tilespmem:s15+$0x12B30] =	vst v14;
	v14 =	vld.idx.msk [tilespmem:v5+s6+$0x0], $0xffff  }
0x2df: {  	[tilespmem:s15+$0x12B40] =	vst v10;
	v10 =	vld.idx.msk [tilespmem:v4+s6+$0x0], $0xffff  }
0x2e0: {  	[tilespmem:s15+$0x12B50] =	vst v11;
	v11 =	vld.idx.msk [tilespmem:v3+s6+$0x0], $0xffff  }
0x2e1: {  	[tilespmem:s15+$0x12B60] =	vst v12;
	v12 =	vld.idx.msk [tilespmem:v1+s6+$0x0], $0xffff  }
0x2e2: {  	[tilespmem:s15+$0x12B90] =	vst v8;
	v8 =	vld.idx.msk [tilespmem:v2+s6+$0x0], $0xffff  }
0x2e3: {  	[tilespmem:s15+$0x12BA0] =	vst v14;
	v14 =	vld.idx.msk [tilespmem:v6+s7+$0x0], $0xffff  }
0x2e4: {  	[tilespmem:s15+$0x12BB0] =	vst v10;
	v10 =	vld.idx.msk [tilespmem:v5+s7+$0x0], $0xffff  }
0x2e5: {  	[tilespmem:s15+$0x12BC0] =	vst v11;
	v11 =	vld.idx.msk [tilespmem:v4+s7+$0x0], $0xffff  }
0x2e6: {  	[tilespmem:s15+$0x12BD0] =	vst v12;
	v12 =	vld.idx.msk [tilespmem:v3+s7+$0x0], $0xffff  }
0x2e7: {  	[tilespmem:s15+$0x12BE0] =	vst v8;
	v8 =	vld.idx.msk [tilespmem:v1+s7+$0x0], $0xffff  }
0x2e8: {  	[tilespmem:s15+$0x14810] =	vst v14;
	v13 =	vld.idx.msk [tilespmem:v2+s7+$0x0], $0xffff  }
0x2e9: {  	v14 =	vld.idx.msk [tilespmem:v0+s7+$0x0], $0xffff;
	[tilespmem:s15+$0x14820] =	vst v10  }
0x2ea: {  	v10 =	vld.idx.msk [tilespmem:v6+s8+$0x0], $0xffff;
	[tilespmem:s15+$0x14830] =	vst v11  }
0x2eb: {  	v11 =	vld.idx.msk [tilespmem:v5+s8+$0x0], $0xffff;
	[tilespmem:s15+$0x14840] =	vst v12  }
0x2ec: {  	v12 =	vld.idx.msk [tilespmem:v4+s8+$0x0], $0xffff;
	[tilespmem:s15+$0x14850] =	vst v8  }
0x2ed: {  	v8 =	vld.idx.msk [tilespmem:v3+s8+$0x0], $0xffff;
	[tilespmem:s15+$0x14860] =	vst v13  }
0x2ee: {  	[tilespmem:s15+$0x14800] =	vst v14;
	v13 =	vld.idx.msk [tilespmem:v1+s8+$0x0], $0xffff  }
0x2ef: {  	v14 =	vld.idx.msk [tilespmem:v2+s8+$0x0], $0xffff;
	[tilespmem:s15+$0x14890] =	vst v10  }
0x2f0: {  	v10 =	vld.idx.msk [tilespmem:v0+s8+$0x0], $0xffff;
	[tilespmem:s15+$0x148A0] =	vst v11  }
0x2f1: {  	v11 =	vld.idx.msk [tilespmem:v6+s9+$0x0], $0xffff;
	[tilespmem:s15+$0x148B0] =	vst v12  }
0x2f2: {  	v12 =	vld.idx.msk [tilespmem:v5+s9+$0x0], $0xffff;
	[tilespmem:s15+$0x148C0] =	vst v8  }
0x2f3: {  	v8 =	vld.idx.msk [tilespmem:v4+s9+$0x0], $0xffff;
	[tilespmem:s15+$0x148D0] =	vst v13  }
0x2f4: {  	v13 =	vld.idx.msk [tilespmem:v3+s9+$0x0], $0xffff;
	[tilespmem:s15+$0x148E0] =	vst v14  }
0x2f5: {  	v14 =	vld.idx.msk [tilespmem:v1+s9+$0x0], $0xffff;
	[tilespmem:s15+$0x14880] =	vst v10  }
0x2f6: {  	[tilespmem:s15+$0x14910] =	vst v11;
	v10 =	vld.idx.msk [tilespmem:v2+s9+$0x0], $0xffff  }
0x2f7: {  	v11 =	vld.idx.msk [tilespmem:v0+s9+$0x0], $0xffff;
	[tilespmem:s15+$0x14920] =	vst v12  }
0x2f8: {  	v12 =	vld.idx.msk [tilespmem:v6+s10+$0x0], $0xffff;
	[tilespmem:s15+$0x14930] =	vst v8  }
0x2f9: {  	v8 =	vld.idx.msk [tilespmem:v5+s10+$0x0], $0xffff;
	[tilespmem:s15+$0x14940] =	vst v13  }
0x2fa: {  	v13 =	vld.idx.msk [tilespmem:v4+s10+$0x0], $0xffff;
	[tilespmem:s15+$0x14950] =	vst v14  }
0x2fb: {  	v14 =	vld.idx.msk [tilespmem:v3+s10+$0x0], $0xffff;
	[tilespmem:s15+$0x14960] =	vst v10  }
0x2fc: {  	[tilespmem:s15+$0x14900] =	vst v11;
	v10 =	vld.idx.msk [tilespmem:v1+s10+$0x0], $0xffff  }
0x2fd: {  	[tilespmem:s15+$0x14990] =	vst v12;
	v11 =	vld.idx.msk [tilespmem:v2+s10+$0x0], $0xffff  }
0x2fe: {  	v12 =	vld.idx.msk [tilespmem:v0+s10+$0x0], $0xffff;
	[tilespmem:s15+$0x149A0] =	vst v8  }
0x2ff: {  	v8 =	vld.idx.msk [tilespmem:v6+s11+$0x0], $0xffff;
	[tilespmem:s15+$0x149B0] =	vst v13  }
0x300: {  	v13 =	vld.idx.msk [tilespmem:v5+s11+$0x0], $0xffff;
	[tilespmem:s15+$0x149C0] =	vst v14  }
0x301: {  	v14 =	vld.idx.msk [tilespmem:v4+s11+$0x0], $0xffff;
	[tilespmem:s15+$0x149D0] =	vst v10  }
0x302: {  	v10 =	vld.idx.msk [tilespmem:v3+s11+$0x0], $0xffff;
	[tilespmem:s15+$0x149E0] =	vst v11  }
0x303: {  	[tilespmem:s15+$0x14980] =	vst v12;
	v11 =	vld.idx.msk [tilespmem:v1+s11+$0x0], $0xffff  }
0x304: {  	[tilespmem:s15+$0x14A10] =	vst v8;
	v8 =	vld.idx.msk [tilespmem:v2+s11+$0x0], $0xffff  }
0x305: {  	[tilespmem:s15+$0x16870] =	vst v15;
	v12 =	vld.idx.msk [tilespmem:v0+s11+$0x0], $0xffff  }
0x306: {  	[tilespmem:s15+$0x14A20] =	vst v13;
	v13 =	vld.idx.msk [tilespmem:v6+s12+$0x0], $0xffff  }
0x307: {  	[tilespmem:s15+$0x14A30] =	vst v14;
	v14 =	vld.idx.msk [tilespmem:v5+s12+$0x0], $0xffff  }
0x308: {  	[tilespmem:s15+$0x14A40] =	vst v10;
	v10 =	vld.idx.msk [tilespmem:v4+s12+$0x0], $0xffff  }
0x309: {  	[tilespmem:s15+$0x14A50] =	vst v11;
	v11 =	vld.idx.msk [tilespmem:v3+s12+$0x0], $0xffff  }
0x30a: {  	[tilespmem:s15+$0x14A60] =	vst v8;
	v8 =	vld.idx.msk [tilespmem:v1+s12+$0x0], $0xffff  }
0x30b: {  	[tilespmem:s15+$0x14A00] =	vst v12;
	v12 =	vld.idx.msk [tilespmem:v2+s12+$0x0], $0xffff  }
0x30c: {  	[tilespmem:s15+$0x14A90] =	vst v13;
	v13 =	vld.idx.msk [tilespmem:v0+s12+$0x0], $0xffff  }
0x30d: {  	[tilespmem:s15+$0x14AA0] =	vst v14;
	v14 =	vld.idx.msk [tilespmem:v6+s29+$0x0], $0xffff  }
0x30e: {  	[tilespmem:s15+$0x14AB0] =	vst v10;
	v16 =	vld.idx.msk [tilespmem:v5+s29+$0x0], $0xffff  }
0x30f: {  	s13 =	simm.s32 $0x5800;
	s19 =	simm.s32 $0x400;
	[tilespmem:s15+$0x14AC0] =	vst v11;
	v9 =	vld.idx.msk [tilespmem:v4+s29+$0x0], $0xffff  }
0x310: {  	s21 =	simm.s32 $0xC00;
	s23 =	simm.s32 $0x1400;
	s25 =	simm.s32 $0x1C00;
	[tilespmem:s15+$0x14AD0] =	vst v8;
	v8 =	vld.idx.msk [tilespmem:v3+s29+$0x0], $0xffff  }
0x311: {  	s28 =	simm.s32 $0x2400;
	s30 =	simm.s32 $0x2C00;
	s2 =	simm.s32 $0x8;
	[tilespmem:s15+$0x14AE0] =	vst v12;
	v10 =	vld.idx.msk [tilespmem:v1+s29+$0x0], $0xffff  }
0x312: {  	s1 =	simm.s32 $0x3400;
	s0 =	simm.s32 $0x3800;
	s6 =	simm.s32 $0x3C00;
	[tilespmem:s15+$0x14A80] =	vst v13;
	v13 =	vld.idx.msk [tilespmem:v7+s14+$0x0], $0xffff  }
0x313: {  	s7 =	simm.s32 $0x4000;
	s8 =	simm.s32 $0x4400;
	s9 =	simm.s32 $0x4800;
	[tilespmem:s15+$0x14B10] =	vst v14;
	v11 =	vld.idx.msk [tilespmem:v2+s29+$0x0], $0xffff  }
0x314: {  	s10 =	simm.s32 $0x4C00;
	s11 =	simm.s32 $0x5000;
	s12 =	simm.s32 $0x5400;
	v12 =	vld.idx.msk [tilespmem:v0+s29+$0x0], $0xffff;
	[tilespmem:s15+$0x14B20] =	vst v16  }
.LBB2_4:
0x315: {  	s24 =	simm.s32 $0x5C00  }
0x316: {  	s16 =	sshll.u32 s2, $0x4;
	p0 =	slt.u32 s2, $0x38;
	[tilespmem:s15+$0x14B30] =	vst v9;
	v14 =	vld.idx.msk [tilespmem:v6+s24+$0x0], $0xffff  }
0x317: {  	s16 =	sand.u32 $0x3FFFFFF0, s16;
	v9 =	vld.idx.msk [tilespmem:v5+s24+$0x0], $0xffff;
	[tilespmem:s15+$0x14B40] =	vst v8  }
0x318: {  	v8 =	vld [tilespmem:s16+$0x8400];
	[tilespmem:s15+$0x14B50] =	vst v10  }
0x319: {  	v10 =	vld.idx.msk [tilespmem:v4+s24+$0x0], $0xffff;
	[tilespmem:s15+$0x14B60] =	vst v11  }
0x31a: {  	[tilespmem:s15+$0x14B00] =	vst v12;
	v11 =	vld.idx.msk [tilespmem:v3+s24+$0x0], $0xffff  }
0x31b: {  	s3 =	simm.s32 $0x6800;
	v12 =	vld.idx.msk [tilespmem:v1+s24+$0x0], $0xffff;
	[tilespmem:s15+$0x168F0] =	vst v13  }
0x31c: {  	[tilespmem:s15+$0x14B90] =	vst v14;
	v13 =	vld.idx.msk [tilespmem:v7+s3+$0x0], $0xffff  }
0x31d: {  	[tilespmem:s15+$0x14BA0] =	vst v9;
	v9 =	vld.idx.msk [tilespmem:v2+s24+$0x0], $0xffff  }
0x31e: {  	s22 =	simm.s32 $0x6000;
	v14 =	vld.idx.msk [tilespmem:v0+s24+$0x0], $0xffff  }
0x31f: {  	v15 =	vld.idx.msk [tilespmem:v6+s22+$0x0], $0xffff;
	[tilespmem:s15+$0x14BB0] =	vst v10  }
0x320: {  	v10 =	vld.idx.msk [tilespmem:v8+s18+$0x0], $0xffff;
	[tilespmem:s15+$0x14BC0] =	vst v11  }
0x321: {  	v11 =	vld.idx.msk [tilespmem:v5+s22+$0x0], $0xffff;
	[tilespmem:s15+$0x14BD0] =	vst v12  }
0x322: {  	s26 =	smov.u32 s2;
	s2 =	simm.s32 $0x6C00;
	v12 =	vld.idx.msk [tilespmem:v4+s22+$0x0], $0xffff;
	[tilespmem:s15+$0x16970] =	vst v13  }
0x323: {  	[tilespmem:s15+$0x14BE0] =	vst v9;
	v9 =	vld.idx.msk [tilespmem:v7+s2+$0x0], $0xffff  }
0x324: {  	s17 =	sshll.u32 s26, $0x7;
	[tilespmem:s15+$0x14B80] =	vst v14;
	v13 =	vld.idx.msk [tilespmem:v3+s22+$0x0], $0xffff  }
0x325: {  	s17 =	sand.u32 $0x3FFFFF80, s17;
	[tilespmem:s15+$0x16810] =	vst v15;
	v14 =	vld.idx.msk [tilespmem:v1+s22+$0x0], $0xffff  }
0x326: {  	[tilespmem:s17+$0x10800] =	vst v10;
	v10 =	vld.idx.msk [tilespmem:v2+s22+$0x0], $0xffff  }
0x327: {  	v15 =	vld.idx.msk [tilespmem:v8+s19+$0x0], $0xffff;
	[tilespmem:s15+$0x16820] =	vst v11  }
0x328: {  	s20 =	simm.s32 $0x6400;
	v11 =	vld.idx.msk [tilespmem:v0+s22+$0x0], $0xffff;
	[tilespmem:s15+$0x16830] =	vst v12  }
0x329: {  	s14 =	simm.s32 $0x7000;
	v12 =	vld.idx.msk [tilespmem:v6+s20+$0x0], $0xffff;
	[tilespmem:s15+$0x169F0] =	vst v9  }
0x32a: {  	[tilespmem:s15+$0x16840] =	vst v13;
	v9 =	vld.idx.msk [tilespmem:v7+s14+$0x0], $0xffff  }
0x32b: {  	v13 =	vld.idx.msk [tilespmem:v5+s20+$0x0], $0xffff;
	[tilespmem:s15+$0x16850] =	vst v14  }
0x32c: {  	v14 =	vld.idx.msk [tilespmem:v4+s20+$0x0], $0xffff;
	[tilespmem:s15+$0x16860] =	vst v10  }
0x32d: {  	s31 =	simm.s32 $0x800;
	[tilespmem:s17+$0x10880] =	vst v15;
	v10 =	vld.idx.msk [tilespmem:v3+s20+$0x0], $0xffff  }
0x32e: {  	v15 =	vld.idx.msk [tilespmem:v8+s31+$0x0], $0xffff;
	[tilespmem:s15+$0x16800] =	vst v11  }
0x32f: {  	[tilespmem:s15+$0x16890] =	vst v12;
	v11 =	vld.idx.msk [tilespmem:v1+s20+$0x0], $0xffff  }
0x330: {  	s4 =	simm.s32 $0x7400;
	v12 =	vld.idx.msk [tilespmem:v2+s20+$0x0], $0xffff;
	[tilespmem:s15+$0x16A70] =	vst v9  }
0x331: {  	[tilespmem:s15+$0x168A0] =	vst v13;
	v9 =	vld.idx.msk [tilespmem:v7+s4+$0x0], $0xffff  }
0x332: {  	v13 =	vld.idx.msk [tilespmem:v0+s20+$0x0], $0xffff;
	[tilespmem:s15+$0x168B0] =	vst v14  }
0x333: {  	v14 =	vld.idx.msk [tilespmem:v6+s3+$0x0], $0xffff;
	[tilespmem:s15+$0x168C0] =	vst v10  }
0x334: {  	[tilespmem:s17+$0x10900] =	vst v15;
	v10 =	vld.idx.msk [tilespmem:v5+s3+$0x0], $0xffff  }
0x335: {  	v15 =	vld.idx.msk [tilespmem:v8+s21+$0x0], $0xffff;
	[tilespmem:s15+$0x168D0] =	vst v11  }
0x336: {  	v11 =	vld.idx.msk [tilespmem:v4+s3+$0x0], $0xffff;
	[tilespmem:s15+$0x168E0] =	vst v12  }
0x337: {  	s5 =	simm.s32 $0x7800;
	v12 =	vld.idx.msk [tilespmem:v3+s3+$0x0], $0xffff;
	[tilespmem:s15+$0x16AF0] =	vst v9  }
0x338: {  	[tilespmem:s15+$0x16880] =	vst v13;
	v9 =	vld.idx.msk [tilespmem:v7+s5+$0x0], $0xffff  }
0x339: {  	[tilespmem:s15+$0x16910] =	vst v14;
	v13 =	vld.idx.msk [tilespmem:v1+s3+$0x0], $0xffff  }
0x33a: {  	[tilespmem:s15+$0x16920] =	vst v10;
	v10 =	vld.idx.msk [tilespmem:v2+s3+$0x0], $0xffff  }
0x33b: {  	s29 =	simm.s32 $0x1000;
	[tilespmem:s17+$0x10980] =	vst v15;
	v14 =	vld.idx.msk [tilespmem:v0+s3+$0x0], $0xffff  }
0x33c: {  	v15 =	vld.idx.msk [tilespmem:v8+s29+$0x0], $0xffff;
	[tilespmem:s15+$0x16930] =	vst v11  }
0x33d: {  	v11 =	vld.idx.msk [tilespmem:v6+s2+$0x0], $0xffff;
	[tilespmem:s15+$0x16940] =	vst v12  }
0x33e: {  	s3 =	simm.s32 $0x7C00;
	v12 =	vld.idx.msk [tilespmem:v5+s2+$0x0], $0xffff;
	[tilespmem:s15+$0x16B70] =	vst v9  }
0x33f: {  	[tilespmem:s15+$0x16950] =	vst v13;
	v7 =	vld.idx.msk [tilespmem:v7+s3+$0x0], $0xffff  }
0x340: {  	v9 =	vld.idx.msk [tilespmem:v4+s2+$0x0], $0xffff;
	[tilespmem:s15+$0x16960] =	vst v10  }
0x341: {  	[tilespmem:s15+$0x16900] =	vst v14;
	v10 =	vld.idx.msk [tilespmem:v3+s2+$0x0], $0xffff  }
0x342: {  	[tilespmem:s17+$0x10A00] =	vst v15;
	v13 =	vld.idx.msk [tilespmem:v1+s2+$0x0], $0xffff  }
0x343: {  	v14 =	vld.idx.msk [tilespmem:v8+s23+$0x0], $0xffff;
	[tilespmem:s15+$0x16990] =	vst v11  }
0x344: {  	[tilespmem:s15+$0x169A0] =	vst v12;
	v11 =	vld.idx.msk [tilespmem:v2+s2+$0x0], $0xffff  }
0x345: {  	v12 =	vld.idx.msk [tilespmem:v0+s2+$0x0], $0xffff;
	s2 =	smov.u32 s26;
	[tilespmem:s15+$0x16BF0] =	vst v7  }
0x346: {  	v7 =	vld.idx.msk [tilespmem:v6+s14+$0x0], $0xffff;
	[tilespmem:s15+$0x169B0] =	vst v9  }
0x347: {  	v9 =	vld.idx.msk [tilespmem:v5+s14+$0x0], $0xffff;
	[tilespmem:s15+$0x169C0] =	vst v10  }
0x348: {  	v10 =	vld.idx.msk [tilespmem:v4+s14+$0x0], $0xffff;
	[tilespmem:s15+$0x169D0] =	vst v13  }
0x349: {  	s26 =	simm.s32 $0x1800;
	[tilespmem:s17+$0x10A80] =	vst v14;
	v13 =	vld.idx.msk [tilespmem:v3+s14+$0x0], $0xffff  }
0x34a: {  	v14 =	vld.idx.msk [tilespmem:v8+s26+$0x0], $0xffff;
	[tilespmem:s15+$0x169E0] =	vst v11  }
0x34b: {  	[tilespmem:s15+$0x16980] =	vst v12;
	v11 =	vld.idx.msk [tilespmem:v1+s14+$0x0], $0xffff  }
0x34c: {  	[tilespmem:s15+$0x16A10] =	vst v7;
	v7 =	vld.idx.msk [tilespmem:v2+s14+$0x0], $0xffff  }
0x34d: {  	v12 =	vld.idx.msk [tilespmem:v0+s14+$0x0], $0xffff;
	[tilespmem:s15+$0x16A20] =	vst v9  }
0x34e: {  	v9 =	vld.idx.msk [tilespmem:v6+s4+$0x0], $0xffff;
	[tilespmem:s15+$0x16A30] =	vst v10  }
0x34f: {  	v10 =	vld.idx.msk [tilespmem:v5+s4+$0x0], $0xffff;
	[tilespmem:s15+$0x16A40] =	vst v13  }
0x350: {  	[tilespmem:s17+$0x10B00] =	vst v14;
	v13 =	vld.idx.msk [tilespmem:v4+s4+$0x0], $0xffff  }
0x351: {  	v14 =	vld.idx.msk [tilespmem:v8+s25+$0x0], $0xffff;
	[tilespmem:s15+$0x16A50] =	vst v11  }
0x352: {  	v11 =	vld.idx.msk [tilespmem:v3+s4+$0x0], $0xffff;
	[tilespmem:s15+$0x16A60] =	vst v7  }
0x353: {  	[tilespmem:s15+$0x16A00] =	vst v12;
	v7 =	vld.idx.msk [tilespmem:v1+s4+$0x0], $0xffff  }
0x354: {  	[tilespmem:s15+$0x16A90] =	vst v9;
	v9 =	vld.idx.msk [tilespmem:v2+s4+$0x0], $0xffff  }
0x355: {  	v12 =	vld.idx.msk [tilespmem:v0+s4+$0x0], $0xffff;
	[tilespmem:s15+$0x16AA0] =	vst v10  }
0x356: {  	v10 =	vld.idx.msk [tilespmem:v6+s5+$0x0], $0xffff;
	[tilespmem:s15+$0x16AB0] =	vst v13  }
0x357: {  	s4 =	simm.s32 $0x2000;
	[tilespmem:s17+$0x10B80] =	vst v14;
	v13 =	vld.idx.msk [tilespmem:v5+s5+$0x0], $0xffff  }
0x358: {  	v14 =	vld.idx.msk [tilespmem:v8+s4+$0x0], $0xffff;
	[tilespmem:s15+$0x16AC0] =	vst v11  }
0x359: {  	v11 =	vld.idx.msk [tilespmem:v4+s5+$0x0], $0xffff;
	[tilespmem:s15+$0x16AD0] =	vst v7  }
0x35a: {  	v7 =	vld.idx.msk [tilespmem:v3+s5+$0x0], $0xffff;
	[tilespmem:s15+$0x16AE0] =	vst v9  }
0x35b: {  	[tilespmem:s15+$0x16A80] =	vst v12;
	v9 =	vld.idx.msk [tilespmem:v1+s5+$0x0], $0xffff  }
0x35c: {  	[tilespmem:s15+$0x16B10] =	vst v10;
	v10 =	vld.idx.msk [tilespmem:v2+s5+$0x0], $0xffff  }
0x35d: {  	v12 =	vld.idx.msk [tilespmem:v0+s5+$0x0], $0xffff;
	[tilespmem:s15+$0x16B20] =	vst v13  }
0x35e: {  	[tilespmem:s17+$0x12800] =	vst v14;
	v6 =	vld.idx.msk [tilespmem:v6+s3+$0x0], $0xffff  }
0x35f: {  	v13 =	vld.idx.msk [tilespmem:v8+s28+$0x0], $0xffff;
	[tilespmem:s15+$0x16B30] =	vst v11  }
0x360: {  	v5 =	vld.idx.msk [tilespmem:v5+s3+$0x0], $0xffff;
	[tilespmem:s15+$0x16B40] =	vst v7  }
0x361: {  	v4 =	vld.idx.msk [tilespmem:v4+s3+$0x0], $0xffff;
	[tilespmem:s15+$0x16B50] =	vst v9  }
0x362: {  	v3 =	vld.idx.msk [tilespmem:v3+s3+$0x0], $0xffff;
	[tilespmem:s15+$0x16B60] =	vst v10  }
0x363: {  	[tilespmem:s15+$0x16B00] =	vst v12;
	v1 =	vld.idx.msk [tilespmem:v1+s3+$0x0], $0xffff  }
0x364: {  	[tilespmem:s15+$0x16B90] =	vst v6;
	v2 =	vld.idx.msk [tilespmem:v2+s3+$0x0], $0xffff  }
0x365: {  	[tilespmem:s17+$0x12880] =	vst v13;
	v9 =	vld.idx.msk [tilespmem:v0+s3+$0x0], $0xffff;
	v0 =	vmov v8  }
0x366: {  	v7 =	vld [tilespmem:s16+$0x8470];
	[tilespmem:s15+$0x16BA0] =	vst v5  }
0x367: {  	v6 =	vld [tilespmem:s16+$0x8410];
	[tilespmem:s15+$0x16BB0] =	vst v4  }
0x368: {  	v5 =	vld [tilespmem:s16+$0x8420];
	[tilespmem:s15+$0x16BC0] =	vst v3  }
0x369: {  	v4 =	vld [tilespmem:s16+$0x8430];
	[tilespmem:s15+$0x16BD0] =	vst v1  }
0x36a: {  	v3 =	vld [tilespmem:s16+$0x8440];
	[tilespmem:s15+$0x16BE0] =	vst v2  }
0x36b: {  	v1 =	vld [tilespmem:s16+$0x8450];
	[tilespmem:s15+$0x16B80] =	vst v9;
	s15 =	smov.u32 s17  }
0x36c: {  	s3 =	simm.s32 $0x2800;
	v2 =	vld [tilespmem:s16+$0x8460]  }
0x36d: {  	v8 =	vld.idx.msk [tilespmem:v8+s3+$0x0], $0xffff  }
0x36e: {  	v9 =	vld.idx.msk [tilespmem:v7+s18+$0x0], $0xffff  }
0x36f: {  	v10 =	vld.idx.msk [tilespmem:v6+s18+$0x0], $0xffff  }
0x370: {  	v11 =	vld.idx.msk [tilespmem:v5+s18+$0x0], $0xffff  }
0x371: {  	v12 =	vld.idx.msk [tilespmem:v4+s18+$0x0], $0xffff  }
0x372: {  	v13 =	vld.idx.msk [tilespmem:v3+s18+$0x0], $0xffff  }
0x373: {  	[tilespmem:s15+$0x12900] =	vst v8;
	v8 =	vld.idx.msk [tilespmem:v1+s18+$0x0], $0xffff  }
0x374: {  	v14 =	vld.idx.msk [tilespmem:v2+s18+$0x0], $0xffff;
	[tilespmem:s15+$0x10870] =	vst v9  }
0x375: {  	[tilespmem:s15+$0x10810] =	vst v10;
	v9 =	vld.idx.msk [tilespmem:v7+s19+$0x0], $0xffff  }
0x376: {  	v10 =	vld.idx.msk [tilespmem:v6+s19+$0x0], $0xffff;
	[tilespmem:s15+$0x10820] =	vst v11  }
0x377: {  	v11 =	vld.idx.msk [tilespmem:v5+s19+$0x0], $0xffff;
	[tilespmem:s15+$0x10830] =	vst v12  }
0x378: {  	v12 =	vld.idx.msk [tilespmem:v4+s19+$0x0], $0xffff;
	[tilespmem:s15+$0x10840] =	vst v13  }
0x379: {  	v13 =	vld.idx.msk [tilespmem:v3+s19+$0x0], $0xffff;
	[tilespmem:s15+$0x10850] =	vst v8  }
0x37a: {  	v8 =	vld.idx.msk [tilespmem:v1+s19+$0x0], $0xffff;
	[tilespmem:s15+$0x10860] =	vst v14  }
0x37b: {  	v14 =	vld.idx.msk [tilespmem:v2+s19+$0x0], $0xffff;
	[tilespmem:s15+$0x108F0] =	vst v9  }
0x37c: {  	[tilespmem:s15+$0x10890] =	vst v10;
	v9 =	vld.idx.msk [tilespmem:v7+s31+$0x0], $0xffff  }
0x37d: {  	v10 =	vld.idx.msk [tilespmem:v6+s31+$0x0], $0xffff;
	[tilespmem:s15+$0x108A0] =	vst v11  }
0x37e: {  	v11 =	vld.idx.msk [tilespmem:v5+s31+$0x0], $0xffff;
	[tilespmem:s15+$0x108B0] =	vst v12  }
0x37f: {  	v12 =	vld.idx.msk [tilespmem:v4+s31+$0x0], $0xffff;
	[tilespmem:s15+$0x108C0] =	vst v13  }
0x380: {  	v13 =	vld.idx.msk [tilespmem:v3+s31+$0x0], $0xffff;
	[tilespmem:s15+$0x108D0] =	vst v8  }
0x381: {  	v8 =	vld.idx.msk [tilespmem:v1+s31+$0x0], $0xffff;
	[tilespmem:s15+$0x108E0] =	vst v14  }
0x382: {  	v14 =	vld.idx.msk [tilespmem:v2+s31+$0x0], $0xffff;
	[tilespmem:s15+$0x10970] =	vst v9  }
0x383: {  	[tilespmem:s15+$0x10910] =	vst v10;
	v9 =	vld.idx.msk [tilespmem:v7+s21+$0x0], $0xffff  }
0x384: {  	v10 =	vld.idx.msk [tilespmem:v6+s21+$0x0], $0xffff;
	[tilespmem:s15+$0x10920] =	vst v11  }
0x385: {  	v11 =	vld.idx.msk [tilespmem:v5+s21+$0x0], $0xffff;
	[tilespmem:s15+$0x10930] =	vst v12  }
0x386: {  	v12 =	vld.idx.msk [tilespmem:v4+s21+$0x0], $0xffff;
	[tilespmem:s15+$0x10940] =	vst v13  }
0x387: {  	v13 =	vld.idx.msk [tilespmem:v3+s21+$0x0], $0xffff;
	[tilespmem:s15+$0x10950] =	vst v8  }
0x388: {  	v8 =	vld.idx.msk [tilespmem:v1+s21+$0x0], $0xffff;
	[tilespmem:s15+$0x10960] =	vst v14  }
0x389: {  	v14 =	vld.idx.msk [tilespmem:v2+s21+$0x0], $0xffff;
	[tilespmem:s15+$0x109F0] =	vst v9  }
0x38a: {  	[tilespmem:s15+$0x10990] =	vst v10;
	v9 =	vld.idx.msk [tilespmem:v7+s29+$0x0], $0xffff  }
0x38b: {  	v10 =	vld.idx.msk [tilespmem:v6+s29+$0x0], $0xffff;
	[tilespmem:s15+$0x109A0] =	vst v11  }
0x38c: {  	v11 =	vld.idx.msk [tilespmem:v5+s29+$0x0], $0xffff;
	[tilespmem:s15+$0x109B0] =	vst v12  }
0x38d: {  	v12 =	vld.idx.msk [tilespmem:v4+s29+$0x0], $0xffff;
	[tilespmem:s15+$0x109C0] =	vst v13  }
0x38e: {  	v13 =	vld.idx.msk [tilespmem:v3+s29+$0x0], $0xffff;
	[tilespmem:s15+$0x109D0] =	vst v8  }
0x38f: {  	v8 =	vld.idx.msk [tilespmem:v1+s29+$0x0], $0xffff;
	[tilespmem:s15+$0x109E0] =	vst v14  }
0x390: {  	v14 =	vld.idx.msk [tilespmem:v2+s29+$0x0], $0xffff;
	[tilespmem:s15+$0x10A70] =	vst v9  }
0x391: {  	[tilespmem:s15+$0x10A10] =	vst v10;
	v9 =	vld.idx.msk [tilespmem:v7+s23+$0x0], $0xffff  }
0x392: {  	v10 =	vld.idx.msk [tilespmem:v6+s23+$0x0], $0xffff;
	[tilespmem:s15+$0x10A20] =	vst v11  }
0x393: {  	v11 =	vld.idx.msk [tilespmem:v5+s23+$0x0], $0xffff;
	[tilespmem:s15+$0x10A30] =	vst v12  }
0x394: {  	v12 =	vld.idx.msk [tilespmem:v4+s23+$0x0], $0xffff;
	[tilespmem:s15+$0x10A40] =	vst v13  }
0x395: {  	v13 =	vld.idx.msk [tilespmem:v3+s23+$0x0], $0xffff;
	[tilespmem:s15+$0x10A50] =	vst v8  }
0x396: {  	v8 =	vld.idx.msk [tilespmem:v1+s23+$0x0], $0xffff;
	[tilespmem:s15+$0x10A60] =	vst v14  }
0x397: {  	v14 =	vld.idx.msk [tilespmem:v2+s23+$0x0], $0xffff;
	[tilespmem:s15+$0x10AF0] =	vst v9  }
0x398: {  	[tilespmem:s15+$0x10A90] =	vst v10;
	v9 =	vld.idx.msk [tilespmem:v7+s26+$0x0], $0xffff  }
0x399: {  	v10 =	vld.idx.msk [tilespmem:v6+s26+$0x0], $0xffff;
	[tilespmem:s15+$0x10AA0] =	vst v11  }
0x39a: {  	v11 =	vld.idx.msk [tilespmem:v5+s26+$0x0], $0xffff;
	[tilespmem:s15+$0x10AB0] =	vst v12  }
0x39b: {  	v12 =	vld.idx.msk [tilespmem:v4+s26+$0x0], $0xffff;
	[tilespmem:s15+$0x10AC0] =	vst v13  }
0x39c: {  	v13 =	vld.idx.msk [tilespmem:v3+s26+$0x0], $0xffff;
	[tilespmem:s15+$0x10AD0] =	vst v8  }
0x39d: {  	v8 =	vld.idx.msk [tilespmem:v1+s26+$0x0], $0xffff;
	[tilespmem:s15+$0x10AE0] =	vst v14  }
0x39e: {  	v14 =	vld.idx.msk [tilespmem:v2+s26+$0x0], $0xffff;
	[tilespmem:s15+$0x10B70] =	vst v9  }
0x39f: {  	[tilespmem:s15+$0x10B10] =	vst v10;
	v9 =	vld.idx.msk [tilespmem:v7+s25+$0x0], $0xffff  }
0x3a0: {  	v10 =	vld.idx.msk [tilespmem:v6+s25+$0x0], $0xffff;
	[tilespmem:s15+$0x10B20] =	vst v11  }
0x3a1: {  	v11 =	vld.idx.msk [tilespmem:v5+s25+$0x0], $0xffff;
	[tilespmem:s15+$0x10B30] =	vst v12  }
0x3a2: {  	v12 =	vld.idx.msk [tilespmem:v4+s25+$0x0], $0xffff;
	[tilespmem:s15+$0x10B40] =	vst v13  }
0x3a3: {  	v13 =	vld.idx.msk [tilespmem:v3+s25+$0x0], $0xffff;
	[tilespmem:s15+$0x10B50] =	vst v8  }
0x3a4: {  	v8 =	vld.idx.msk [tilespmem:v1+s25+$0x0], $0xffff;
	[tilespmem:s15+$0x10B60] =	vst v14  }
0x3a5: {  	v14 =	vld.idx.msk [tilespmem:v2+s25+$0x0], $0xffff;
	[tilespmem:s15+$0x10BF0] =	vst v9  }
0x3a6: {  	[tilespmem:s15+$0x10B90] =	vst v10;
	v9 =	vld.idx.msk [tilespmem:v7+s4+$0x0], $0xffff  }
0x3a7: {  	v10 =	vld.idx.msk [tilespmem:v6+s4+$0x0], $0xffff;
	[tilespmem:s15+$0x10BA0] =	vst v11  }
0x3a8: {  	v11 =	vld.idx.msk [tilespmem:v5+s4+$0x0], $0xffff;
	[tilespmem:s15+$0x10BB0] =	vst v12  }
0x3a9: {  	v12 =	vld.idx.msk [tilespmem:v4+s4+$0x0], $0xffff;
	[tilespmem:s15+$0x10BC0] =	vst v13  }
0x3aa: {  	v13 =	vld.idx.msk [tilespmem:v3+s4+$0x0], $0xffff;
	[tilespmem:s15+$0x10BD0] =	vst v8  }
0x3ab: {  	v8 =	vld.idx.msk [tilespmem:v1+s4+$0x0], $0xffff;
	[tilespmem:s15+$0x10BE0] =	vst v14  }
0x3ac: {  	v14 =	vld.idx.msk [tilespmem:v2+s4+$0x0], $0xffff;
	[tilespmem:s15+$0x12870] =	vst v9  }
0x3ad: {  	[tilespmem:s15+$0x12810] =	vst v10;
	v9 =	vld.idx.msk [tilespmem:v7+s28+$0x0], $0xffff  }
0x3ae: {  	v10 =	vld.idx.msk [tilespmem:v6+s28+$0x0], $0xffff;
	[tilespmem:s15+$0x12820] =	vst v11  }
0x3af: {  	v11 =	vld.idx.msk [tilespmem:v5+s28+$0x0], $0xffff;
	[tilespmem:s15+$0x12830] =	vst v12  }
0x3b0: {  	v12 =	vld.idx.msk [tilespmem:v4+s28+$0x0], $0xffff;
	[tilespmem:s15+$0x12840] =	vst v13  }
0x3b1: {  	v13 =	vld.idx.msk [tilespmem:v3+s28+$0x0], $0xffff;
	[tilespmem:s15+$0x12850] =	vst v8  }
0x3b2: {  	v8 =	vld.idx.msk [tilespmem:v1+s28+$0x0], $0xffff;
	[tilespmem:s15+$0x12860] =	vst v14  }
0x3b3: {  	v14 =	vld.idx.msk [tilespmem:v2+s28+$0x0], $0xffff;
	[tilespmem:s15+$0x128F0] =	vst v9  }
0x3b4: {  	[tilespmem:s15+$0x12890] =	vst v10;
	v9 =	vld.idx.msk [tilespmem:v7+s3+$0x0], $0xffff  }
0x3b5: {  	v10 =	vld.idx.msk [tilespmem:v6+s3+$0x0], $0xffff;
	[tilespmem:s15+$0x128A0] =	vst v11  }
0x3b6: {  	v11 =	vld.idx.msk [tilespmem:v5+s3+$0x0], $0xffff;
	[tilespmem:s15+$0x128B0] =	vst v12  }
0x3b7: {  	v12 =	vld.idx.msk [tilespmem:v4+s3+$0x0], $0xffff;
	[tilespmem:s15+$0x128C0] =	vst v13  }
0x3b8: {  	v13 =	vld.idx.msk [tilespmem:v3+s3+$0x0], $0xffff;
	[tilespmem:s15+$0x128D0] =	vst v8  }
0x3b9: {  	v8 =	vld.idx.msk [tilespmem:v1+s3+$0x0], $0xffff;
	[tilespmem:s15+$0x128E0] =	vst v14  }
0x3ba: {  	v14 =	vld.idx.msk [tilespmem:v2+s3+$0x0], $0xffff;
	[tilespmem:s15+$0x12970] =	vst v9  }
0x3bb: {  	[tilespmem:s15+$0x12910] =	vst v10;
	v9 =	vld.idx.msk [tilespmem:v7+s30+$0x0], $0xffff  }
0x3bc: {  	v10 =	vld.idx.msk [tilespmem:v6+s30+$0x0], $0xffff;
	[tilespmem:s15+$0x12920] =	vst v11  }
0x3bd: {  	v11 =	vld.idx.msk [tilespmem:v5+s30+$0x0], $0xffff;
	[tilespmem:s15+$0x12930] =	vst v12  }
0x3be: {  	v12 =	vld.idx.msk [tilespmem:v4+s30+$0x0], $0xffff;
	[tilespmem:s15+$0x12940] =	vst v13  }
0x3bf: {  	v13 =	vld.idx.msk [tilespmem:v3+s30+$0x0], $0xffff;
	[tilespmem:s15+$0x12950] =	vst v8  }
0x3c0: {  	v8 =	vld.idx.msk [tilespmem:v1+s30+$0x0], $0xffff;
	[tilespmem:s15+$0x12960] =	vst v14  }
0x3c1: {  	s3 =	simm.s32 $0x3000;
	v14 =	vld.idx.msk [tilespmem:v2+s30+$0x0], $0xffff;
	[tilespmem:s15+$0x129F0] =	vst v9  }
0x3c2: {  	[tilespmem:s15+$0x12990] =	vst v10;
	v9 =	vld.idx.msk [tilespmem:v7+s3+$0x0], $0xffff  }
0x3c3: {  	v10 =	vld.idx.msk [tilespmem:v0+s30+$0x0], $0xffff;
	[tilespmem:s15+$0x129A0] =	vst v11  }
0x3c4: {  	v11 =	vld.idx.msk [tilespmem:v6+s3+$0x0], $0xffff;
	[tilespmem:s15+$0x129B0] =	vst v12  }
0x3c5: {  	v12 =	vld.idx.msk [tilespmem:v5+s3+$0x0], $0xffff;
	[tilespmem:s15+$0x129C0] =	vst v13  }
0x3c6: {  	v13 =	vld.idx.msk [tilespmem:v4+s3+$0x0], $0xffff;
	[tilespmem:s15+$0x129D0] =	vst v8  }
0x3c7: {  	v8 =	vld.idx.msk [tilespmem:v3+s3+$0x0], $0xffff;
	[tilespmem:s15+$0x129E0] =	vst v14  }
0x3c8: {  	v14 =	vld.idx.msk [tilespmem:v1+s3+$0x0], $0xffff;
	[tilespmem:s15+$0x12A70] =	vst v9  }
0x3c9: {  	[tilespmem:s15+$0x12980] =	vst v10;
	v9 =	vld.idx.msk [tilespmem:v7+s1+$0x0], $0xffff  }
0x3ca: {  	[tilespmem:s15+$0x12A10] =	vst v11;
	v10 =	vld.idx.msk [tilespmem:v2+s3+$0x0], $0xffff  }
0x3cb: {  	v11 =	vld.idx.msk [tilespmem:v0+s3+$0x0], $0xffff;
	[tilespmem:s15+$0x12A20] =	vst v12  }
0x3cc: {  	v12 =	vld.idx.msk [tilespmem:v6+s1+$0x0], $0xffff;
	[tilespmem:s15+$0x12A30] =	vst v13  }
0x3cd: {  	v13 =	vld.idx.msk [tilespmem:v5+s1+$0x0], $0xffff;
	[tilespmem:s15+$0x12A40] =	vst v8  }
0x3ce: {  	v8 =	vld.idx.msk [tilespmem:v4+s1+$0x0], $0xffff;
	[tilespmem:s15+$0x12A50] =	vst v14  }
0x3cf: {  	v14 =	vld.idx.msk [tilespmem:v3+s1+$0x0], $0xffff;
	[tilespmem:s15+$0x12AF0] =	vst v9  }
0x3d0: {  	[tilespmem:s15+$0x12A60] =	vst v10;
	v9 =	vld.idx.msk [tilespmem:v7+s0+$0x0], $0xffff  }
0x3d1: {  	[tilespmem:s15+$0x12A00] =	vst v11;
	v10 =	vld.idx.msk [tilespmem:v1+s1+$0x0], $0xffff  }
0x3d2: {  	[tilespmem:s15+$0x12A90] =	vst v12;
	v11 =	vld.idx.msk [tilespmem:v2+s1+$0x0], $0xffff  }
0x3d3: {  	v12 =	vld.idx.msk [tilespmem:v0+s1+$0x0], $0xffff;
	[tilespmem:s15+$0x12AA0] =	vst v13  }
0x3d4: {  	v13 =	vld.idx.msk [tilespmem:v6+s0+$0x0], $0xffff;
	[tilespmem:s15+$0x12AB0] =	vst v8  }
0x3d5: {  	v8 =	vld.idx.msk [tilespmem:v5+s0+$0x0], $0xffff;
	[tilespmem:s15+$0x12AC0] =	vst v14  }
0x3d6: {  	v14 =	vld.idx.msk [tilespmem:v4+s0+$0x0], $0xffff;
	[tilespmem:s15+$0x12B70] =	vst v9  }
0x3d7: {  	[tilespmem:s15+$0x12AD0] =	vst v10;
	v9 =	vld.idx.msk [tilespmem:v7+s6+$0x0], $0xffff  }
0x3d8: {  	v10 =	vld.idx.msk [tilespmem:v3+s0+$0x0], $0xffff;
	[tilespmem:s15+$0x12AE0] =	vst v11  }
0x3d9: {  	[tilespmem:s15+$0x12A80] =	vst v12;
	v11 =	vld.idx.msk [tilespmem:v1+s0+$0x0], $0xffff  }
0x3da: {  	[tilespmem:s15+$0x12B10] =	vst v13;
	v12 =	vld.idx.msk [tilespmem:v2+s0+$0x0], $0xffff  }
0x3db: {  	v13 =	vld.idx.msk [tilespmem:v0+s0+$0x0], $0xffff;
	[tilespmem:s15+$0x12B20] =	vst v8  }
0x3dc: {  	v8 =	vld.idx.msk [tilespmem:v6+s6+$0x0], $0xffff;
	[tilespmem:s15+$0x12B30] =	vst v14  }
0x3dd: {  	v14 =	vld.idx.msk [tilespmem:v5+s6+$0x0], $0xffff;
	[tilespmem:s15+$0x12BF0] =	vst v9  }
0x3de: {  	[tilespmem:s15+$0x12B40] =	vst v10;
	v9 =	vld.idx.msk [tilespmem:v7+s7+$0x0], $0xffff  }
0x3df: {  	v10 =	vld.idx.msk [tilespmem:v4+s6+$0x0], $0xffff;
	[tilespmem:s15+$0x12B50] =	vst v11  }
0x3e0: {  	v11 =	vld.idx.msk [tilespmem:v3+s6+$0x0], $0xffff;
	[tilespmem:s15+$0x12B60] =	vst v12  }
0x3e1: {  	[tilespmem:s15+$0x12B00] =	vst v13;
	v12 =	vld.idx.msk [tilespmem:v1+s6+$0x0], $0xffff  }
0x3e2: {  	[tilespmem:s15+$0x12B90] =	vst v8;
	v8 =	vld.idx.msk [tilespmem:v2+s6+$0x0], $0xffff  }
0x3e3: {  	v13 =	vld.idx.msk [tilespmem:v0+s6+$0x0], $0xffff;
	[tilespmem:s15+$0x12BA0] =	vst v14  }
0x3e4: {  	v14 =	vld.idx.msk [tilespmem:v6+s7+$0x0], $0xffff;
	[tilespmem:s15+$0x14870] =	vst v9  }
0x3e5: {  	[tilespmem:s15+$0x12BB0] =	vst v10;
	v9 =	vld.idx.msk [tilespmem:v7+s8+$0x0], $0xffff  }
0x3e6: {  	v10 =	vld.idx.msk [tilespmem:v5+s7+$0x0], $0xffff;
	[tilespmem:s15+$0x12BC0] =	vst v11  }
0x3e7: {  	v11 =	vld.idx.msk [tilespmem:v4+s7+$0x0], $0xffff;
	[tilespmem:s15+$0x12BD0] =	vst v12  }
0x3e8: {  	v12 =	vld.idx.msk [tilespmem:v3+s7+$0x0], $0xffff;
	[tilespmem:s15+$0x12BE0] =	vst v8  }
0x3e9: {  	[tilespmem:s15+$0x12B80] =	vst v13;
	v8 =	vld.idx.msk [tilespmem:v1+s7+$0x0], $0xffff  }
0x3ea: {  	[tilespmem:s15+$0x14810] =	vst v14;
	v13 =	vld.idx.msk [tilespmem:v2+s7+$0x0], $0xffff  }
0x3eb: {  	v14 =	vld.idx.msk [tilespmem:v0+s7+$0x0], $0xffff;
	[tilespmem:s15+$0x148F0] =	vst v9  }
0x3ec: {  	[tilespmem:s15+$0x14820] =	vst v10;
	v9 =	vld.idx.msk [tilespmem:v7+s9+$0x0], $0xffff  }
0x3ed: {  	v10 =	vld.idx.msk [tilespmem:v6+s8+$0x0], $0xffff;
	[tilespmem:s15+$0x14830] =	vst v11  }
0x3ee: {  	v11 =	vld.idx.msk [tilespmem:v5+s8+$0x0], $0xffff;
	[tilespmem:s15+$0x14840] =	vst v12  }
0x3ef: {  	v12 =	vld.idx.msk [tilespmem:v4+s8+$0x0], $0xffff;
	[tilespmem:s15+$0x14850] =	vst v8  }
0x3f0: {  	v8 =	vld.idx.msk [tilespmem:v3+s8+$0x0], $0xffff;
	[tilespmem:s15+$0x14860] =	vst v13  }
0x3f1: {  	[tilespmem:s15+$0x14800] =	vst v14;
	v13 =	vld.idx.msk [tilespmem:v1+s8+$0x0], $0xffff  }
0x3f2: {  	v14 =	vld.idx.msk [tilespmem:v2+s8+$0x0], $0xffff;
	[tilespmem:s15+$0x14970] =	vst v9  }
0x3f3: {  	[tilespmem:s15+$0x14890] =	vst v10;
	v9 =	vld.idx.msk [tilespmem:v7+s10+$0x0], $0xffff  }
0x3f4: {  	v10 =	vld.idx.msk [tilespmem:v0+s8+$0x0], $0xffff;
	[tilespmem:s15+$0x148A0] =	vst v11  }
0x3f5: {  	v11 =	vld.idx.msk [tilespmem:v6+s9+$0x0], $0xffff;
	[tilespmem:s15+$0x148B0] =	vst v12  }
0x3f6: {  	v12 =	vld.idx.msk [tilespmem:v5+s9+$0x0], $0xffff;
	[tilespmem:s15+$0x148C0] =	vst v8  }
0x3f7: {  	v8 =	vld.idx.msk [tilespmem:v4+s9+$0x0], $0xffff;
	[tilespmem:s15+$0x148D0] =	vst v13  }
0x3f8: {  	v13 =	vld.idx.msk [tilespmem:v3+s9+$0x0], $0xffff;
	[tilespmem:s15+$0x148E0] =	vst v14  }
0x3f9: {  	v14 =	vld.idx.msk [tilespmem:v1+s9+$0x0], $0xffff;
	[tilespmem:s15+$0x149F0] =	vst v9  }
0x3fa: {  	[tilespmem:s15+$0x14880] =	vst v10;
	v9 =	vld.idx.msk [tilespmem:v7+s11+$0x0], $0xffff  }
0x3fb: {  	[tilespmem:s15+$0x14910] =	vst v11;
	v10 =	vld.idx.msk [tilespmem:v2+s9+$0x0], $0xffff  }
0x3fc: {  	v11 =	vld.idx.msk [tilespmem:v0+s9+$0x0], $0xffff;
	[tilespmem:s15+$0x14920] =	vst v12  }
0x3fd: {  	v12 =	vld.idx.msk [tilespmem:v6+s10+$0x0], $0xffff;
	[tilespmem:s15+$0x14930] =	vst v8  }
0x3fe: {  	v8 =	vld.idx.msk [tilespmem:v5+s10+$0x0], $0xffff;
	[tilespmem:s15+$0x14940] =	vst v13  }
0x3ff: {  	v13 =	vld.idx.msk [tilespmem:v4+s10+$0x0], $0xffff;
	[tilespmem:s15+$0x14950] =	vst v14  }
0x400: {  	v14 =	vld.idx.msk [tilespmem:v3+s10+$0x0], $0xffff;
	[tilespmem:s15+$0x14A70] =	vst v9  }
0x401: {  	[tilespmem:s15+$0x14960] =	vst v10;
	v9 =	vld.idx.msk [tilespmem:v7+s12+$0x0], $0xffff  }
0x402: {  	[tilespmem:s15+$0x14900] =	vst v11;
	v10 =	vld.idx.msk [tilespmem:v1+s10+$0x0], $0xffff  }
0x403: {  	[tilespmem:s15+$0x14990] =	vst v12;
	v11 =	vld.idx.msk [tilespmem:v2+s10+$0x0], $0xffff  }
0x404: {  	v12 =	vld.idx.msk [tilespmem:v0+s10+$0x0], $0xffff;
	[tilespmem:s15+$0x149A0] =	vst v8  }
0x405: {  	v8 =	vld.idx.msk [tilespmem:v6+s11+$0x0], $0xffff;
	[tilespmem:s15+$0x149B0] =	vst v13  }
0x406: {  	v13 =	vld.idx.msk [tilespmem:v5+s11+$0x0], $0xffff;
	[tilespmem:s15+$0x149C0] =	vst v14  }
0x407: {  	v14 =	vld.idx.msk [tilespmem:v4+s11+$0x0], $0xffff;
	[tilespmem:s15+$0x14AF0] =	vst v9  }
0x408: {  	[tilespmem:s15+$0x149D0] =	vst v10;
	v9 =	vld.idx.msk [tilespmem:v7+s13+$0x0], $0xffff  }
0x409: {  	v10 =	vld.idx.msk [tilespmem:v3+s11+$0x0], $0xffff;
	[tilespmem:s15+$0x149E0] =	vst v11  }
0x40a: {  	[tilespmem:s15+$0x14980] =	vst v12;
	v11 =	vld.idx.msk [tilespmem:v1+s11+$0x0], $0xffff  }
0x40b: {  	[tilespmem:s15+$0x14A10] =	vst v8;
	v8 =	vld.idx.msk [tilespmem:v2+s11+$0x0], $0xffff  }
0x40c: {  	v12 =	vld.idx.msk [tilespmem:v0+s11+$0x0], $0xffff;
	[tilespmem:s15+$0x14A20] =	vst v13  }
0x40d: {  	v13 =	vld.idx.msk [tilespmem:v6+s12+$0x0], $0xffff;
	[tilespmem:s15+$0x14A30] =	vst v14  }
0x40e: {  	v14 =	vld.idx.msk [tilespmem:v5+s12+$0x0], $0xffff;
	[tilespmem:s15+$0x14B70] =	vst v9  }
0x40f: {  	[tilespmem:s15+$0x14A40] =	vst v10;
	v9 =	vld.idx.msk [tilespmem:v7+s24+$0x0], $0xffff  }
0x410: {  	v10 =	vld.idx.msk [tilespmem:v4+s12+$0x0], $0xffff;
	[tilespmem:s15+$0x14A50] =	vst v11  }
0x411: {  	v11 =	vld.idx.msk [tilespmem:v3+s12+$0x0], $0xffff;
	[tilespmem:s15+$0x14A60] =	vst v8  }
0x412: {  	[tilespmem:s15+$0x14A00] =	vst v12;
	v8 =	vld.idx.msk [tilespmem:v1+s12+$0x0], $0xffff  }
0x413: {  	[tilespmem:s15+$0x14A90] =	vst v13;
	v12 =	vld.idx.msk [tilespmem:v2+s12+$0x0], $0xffff  }
0x414: {  	v13 =	vld.idx.msk [tilespmem:v0+s12+$0x0], $0xffff;
	[tilespmem:s15+$0x14AA0] =	vst v14  }
0x415: {  	v14 =	vld.idx.msk [tilespmem:v6+s13+$0x0], $0xffff;
	[tilespmem:s15+$0x14BF0] =	vst v9  }
0x416: {  	[tilespmem:s15+$0x14AB0] =	vst v10;
	v15 =	vld.idx.msk [tilespmem:v7+s22+$0x0], $0xffff  }
0x417: {  	v16 =	vld.idx.msk [tilespmem:v5+s13+$0x0], $0xffff;
	[tilespmem:s15+$0x14AC0] =	vst v11  }
0x418: {  	v9 =	vld.idx.msk [tilespmem:v4+s13+$0x0], $0xffff;
	[tilespmem:s15+$0x14AD0] =	vst v8  }
.Ltmp1:
0x419: {  	v8 =	vld.idx.msk [tilespmem:v3+s13+$0x0], $0xffff;
	[tilespmem:s15+$0x14AE0] =	vst v12;
	(pc) =	sbr.rel @p0 .LBB2_4-.Ltmp1, $4  }
0x41a: {  	[tilespmem:s15+$0x14A80] =	vst v13;
	v10 =	vld.idx.msk [tilespmem:v1+s13+$0x0], $0xffff  }
0x41b: {  	[tilespmem:s15+$0x14B10] =	vst v14;
	v11 =	vld.idx.msk [tilespmem:v2+s13+$0x0], $0xffff  }
0x41c: {  	v12 =	vld.idx.msk [tilespmem:v0+s13+$0x0], $0xffff;
	[tilespmem:s15+$0x16870] =	vst v15  }
0x41d: {  	s2 =	sadd.s32 $0x8, s2;
	[tilespmem:s15+$0x14B20] =	vst v16;
	v13 =	vld.idx.msk [tilespmem:v7+s20+$0x0], $0xffff  }
0x41e: {  	_ =	sdelay $0x2  }
0x41f: {  	[tilespmem:s15+$0x14B30] =	vst v9;
	s1 =	simm.s32 $0x5C00  }
0x420: {  	[tilespmem:s15+$0x14B40] =	vst v8;
	v49 =	vld.idx.msk [tilespmem:v6+s1+$0x0], $0xffff  }
0x421: {  	v50 =	vld.idx.msk [tilespmem:v5+s1+$0x0], $0xffff;
	[tilespmem:s15+$0x14B50] =	vst v10  }
0x422: {  	v51 =	vld.idx.msk [tilespmem:v4+s1+$0x0], $0xffff;
	[tilespmem:s15+$0x14B60] =	vst v11  }
0x423: {  	v52 =	vld.idx.msk [tilespmem:v3+s1+$0x0], $0xffff;
	[tilespmem:s15+$0x14B00] =	vst v12  }
0x424: {  	v53 =	vld.idx.msk [tilespmem:v1+s1+$0x0], $0xffff;
	[tilespmem:s15+$0x168F0] =	vst v13  }
0x425: {  	v55 =	vld.idx.msk [tilespmem:v2+s1+$0x0], $0xffff;
	[tilespmem:s15+$0x14B90] =	vst v49  }
0x426: {  	s0 =	simm.s32 $0x6800;
	v56 =	vld.idx.msk [tilespmem:v0+s1+$0x0], $0xffff;
	[tilespmem:s15+$0x14BA0] =	vst v50  }
0x427: {  	s26 =	simm.s32 $0x6000;
	v54 =	vld.idx.msk [tilespmem:v7+s0+$0x0], $0xffff;
	[tilespmem:s15+$0x14BB0] =	vst v51  }
0x428: {  	[tilespmem:s15+$0x14BC0] =	vst v52;
	v57 =	vld.idx.msk [tilespmem:v6+s26+$0x0], $0xffff  }
0x429: {  	v58 =	vld.idx.msk [tilespmem:v5+s26+$0x0], $0xffff;
	[tilespmem:s15+$0x14BD0] =	vst v53  }
0x42a: {  	v59 =	vld.idx.msk [tilespmem:v4+s26+$0x0], $0xffff;
	[tilespmem:s15+$0x14BE0] =	vst v55  }
0x42b: {  	v61 =	vld.idx.msk [tilespmem:v3+s26+$0x0], $0xffff;
	[tilespmem:s15+$0x14B80] =	vst v56  }
0x42c: {  	v62 =	vld.idx.msk [tilespmem:v1+s26+$0x0], $0xffff;
	[tilespmem:s15+$0x16970] =	vst v54  }
0x42d: {  	v63 =	vld.idx.msk [tilespmem:v2+s26+$0x0], $0xffff;
	[tilespmem:s15+$0x16810] =	vst v57  }
0x42e: {  	s4 =	simm.s32 $0x6C00;
	v16 =	vld.idx.msk [tilespmem:v0+s26+$0x0], $0xffff;
	[tilespmem:s15+$0x16820] =	vst v58  }
0x42f: {  	s28 =	simm.s32 $0x6400;
	v60 =	vld.idx.msk [tilespmem:v7+s4+$0x0], $0xffff;
	[tilespmem:s15+$0x16830] =	vst v59  }
0x430: {  	[tilespmem:s15+$0x16840] =	vst v61;
	v17 =	vld.idx.msk [tilespmem:v6+s28+$0x0], $0xffff  }
0x431: {  	v18 =	vld.idx.msk [tilespmem:v5+s28+$0x0], $0xffff;
	[tilespmem:s15+$0x16850] =	vst v62  }
0x432: {  	v19 =	vld.idx.msk [tilespmem:v4+s28+$0x0], $0xffff;
	[tilespmem:s15+$0x16860] =	vst v63  }
0x433: {  	v20 =	vld.idx.msk [tilespmem:v3+s28+$0x0], $0xffff;
	[tilespmem:s15+$0x16800] =	vst v16  }
0x434: {  	v21 =	vld.idx.msk [tilespmem:v1+s28+$0x0], $0xffff;
	[tilespmem:s15+$0x169F0] =	vst v60  }
0x435: {  	v22 =	vld.idx.msk [tilespmem:v2+s28+$0x0], $0xffff;
	[tilespmem:s15+$0x16890] =	vst v17  }
0x436: {  	s3 =	simm.s32 $0x7000;
	v23 =	vld.idx.msk [tilespmem:v0+s28+$0x0], $0xffff;
	[tilespmem:s15+$0x168A0] =	vst v18  }
0x437: {  	v8 =	vld.idx.msk [tilespmem:v7+s3+$0x0], $0xffff;
	[tilespmem:s15+$0x168B0] =	vst v19  }
0x438: {  	[tilespmem:s15+$0x168C0] =	vst v20;
	v24 =	vld.idx.msk [tilespmem:v6+s0+$0x0], $0xffff  }
0x439: {  	v25 =	vld.idx.msk [tilespmem:v5+s0+$0x0], $0xffff;
	[tilespmem:s15+$0x168D0] =	vst v21  }
0x43a: {  	v26 =	vld.idx.msk [tilespmem:v4+s0+$0x0], $0xffff;
	[tilespmem:s15+$0x168E0] =	vst v22  }
0x43b: {  	v27 =	vld.idx.msk [tilespmem:v3+s0+$0x0], $0xffff;
	[tilespmem:s15+$0x16880] =	vst v23  }
0x43c: {  	v28 =	vld.idx.msk [tilespmem:v1+s0+$0x0], $0xffff;
	[tilespmem:s15+$0x16A70] =	vst v8  }
0x43d: {  	v29 =	vld.idx.msk [tilespmem:v2+s0+$0x0], $0xffff;
	[tilespmem:s15+$0x16910] =	vst v24  }
0x43e: {  	s2 =	simm.s32 $0x7400;
	v30 =	vld.idx.msk [tilespmem:v0+s0+$0x0], $0xffff;
	[tilespmem:s15+$0x16920] =	vst v25  }
0x43f: {  	v8 =	vld.idx.msk [tilespmem:v7+s2+$0x0], $0xffff;
	[tilespmem:s15+$0x16930] =	vst v26  }
0x440: {  	[tilespmem:s15+$0x16940] =	vst v27;
	v31 =	vld.idx.msk [tilespmem:v6+s4+$0x0], $0xffff  }
0x441: {  	v32 =	vld.idx.msk [tilespmem:v5+s4+$0x0], $0xffff;
	[tilespmem:s15+$0x16950] =	vst v28  }
0x442: {  	v34 =	vld.idx.msk [tilespmem:v4+s4+$0x0], $0xffff;
	[tilespmem:s15+$0x16960] =	vst v29  }
0x443: {  	v35 =	vld.idx.msk [tilespmem:v3+s4+$0x0], $0xffff;
	[tilespmem:s15+$0x16900] =	vst v30  }
0x444: {  	v36 =	vld.idx.msk [tilespmem:v1+s4+$0x0], $0xffff;
	[tilespmem:s15+$0x16AF0] =	vst v8  }
0x445: {  	v37 =	vld.idx.msk [tilespmem:v2+s4+$0x0], $0xffff;
	[tilespmem:s15+$0x16990] =	vst v31  }
0x446: {  	s29 =	simm.s32 $0x7800;
	v38 =	vld.idx.msk [tilespmem:v0+s4+$0x0], $0xffff;
	[tilespmem:s15+$0x169A0] =	vst v32  }
0x447: {  	v8 =	vld.idx.msk [tilespmem:v7+s29+$0x0], $0xffff;
	[tilespmem:s15+$0x169B0] =	vst v34  }
0x448: {  	[tilespmem:s15+$0x169C0] =	vst v35;
	v39 =	vld.idx.msk [tilespmem:v6+s3+$0x0], $0xffff  }
0x449: {  	v40 =	vld.idx.msk [tilespmem:v5+s3+$0x0], $0xffff;
	[tilespmem:s15+$0x169D0] =	vst v36  }
0x44a: {  	v41 =	vld.idx.msk [tilespmem:v4+s3+$0x0], $0xffff;
	[tilespmem:s15+$0x169E0] =	vst v37  }
0x44b: {  	v42 =	vld.idx.msk [tilespmem:v3+s3+$0x0], $0xffff;
	[tilespmem:s15+$0x16980] =	vst v38  }
0x44c: {  	v43 =	vld.idx.msk [tilespmem:v1+s3+$0x0], $0xffff;
	[tilespmem:s15+$0x16B70] =	vst v8  }
0x44d: {  	v44 =	vld.idx.msk [tilespmem:v2+s3+$0x0], $0xffff;
	[tilespmem:s15+$0x16A10] =	vst v39  }
0x44e: {  	s30 =	simm.s32 $0x7C00;
	v12 =	vld.idx.msk [tilespmem:v0+s3+$0x0], $0xffff;
	[tilespmem:s15+$0x16A20] =	vst v40  }
0x44f: {  	v33 =	vld.idx.msk [tilespmem:v7+s30+$0x0], $0xffff;
	[tilespmem:s15+$0x16A30] =	vst v41  }
0x450: {  	[tilespmem:s15+$0x16A40] =	vst v42;
	v45 =	vld.idx.msk [tilespmem:v6+s2+$0x0], $0xffff  }
0x451: {  	v46 =	vld.idx.msk [tilespmem:v5+s2+$0x0], $0xffff;
	[tilespmem:s15+$0x16A50] =	vst v43  }
0x452: {  	v47 =	vld.idx.msk [tilespmem:v4+s2+$0x0], $0xffff;
	[tilespmem:s15+$0x16A60] =	vst v44  }
0x453: {  	v48 =	vld.idx.msk [tilespmem:v3+s2+$0x0], $0xffff;
	[tilespmem:s15+$0x16A00] =	vst v12  }
0x454: {  	v49 =	vld.idx.msk [tilespmem:v1+s2+$0x0], $0xffff;
	[tilespmem:s15+$0x16BF0] =	vst v33  }
0x455: {  	v50 =	vld.idx.msk [tilespmem:v2+s2+$0x0], $0xffff;
	[tilespmem:s15+$0x16A90] =	vst v45  }
0x456: {  	v12 =	vld.idx.msk [tilespmem:v0+s2+$0x0], $0xffff;
	[tilespmem:s15+$0x16AA0] =	vst v46  }
0x457: {  	[tilespmem:s15+$0x16AB0] =	vst v47;
	v51 =	vld.idx.msk [tilespmem:v6+s29+$0x0], $0xffff  }
0x458: {  	[tilespmem:s15+$0x16AC0] =	vst v48;
	v52 =	vld.idx.msk [tilespmem:v5+s29+$0x0], $0xffff  }
0x459: {  	v53 =	vld.idx.msk [tilespmem:v4+s29+$0x0], $0xffff;
	[tilespmem:s15+$0x16AD0] =	vst v49  }
0x45a: {  	v54 =	vld.idx.msk [tilespmem:v3+s29+$0x0], $0xffff;
	[tilespmem:s15+$0x16AE0] =	vst v50  }
0x45b: {  	v55 =	vld.idx.msk [tilespmem:v1+s29+$0x0], $0xffff;
	[tilespmem:s15+$0x16A80] =	vst v12  }
0x45c: {  	v56 =	vld.idx.msk [tilespmem:v2+s29+$0x0], $0xffff;
	[tilespmem:s15+$0x16B10] =	vst v51  }
0x45d: {  	v12 =	vld.idx.msk [tilespmem:v0+s29+$0x0], $0xffff;
	[tilespmem:s15+$0x16B20] =	vst v52  }
0x45e: {  	[tilespmem:s15+$0x16B30] =	vst v53;
	v57 =	vld.idx.msk [tilespmem:v6+s30+$0x0], $0xffff  }
0x45f: {  	[tilespmem:s15+$0x16B40] =	vst v54;
	v58 =	vld.idx.msk [tilespmem:v5+s30+$0x0], $0xffff  }
0x460: {  	v59 =	vld.idx.msk [tilespmem:v4+s30+$0x0], $0xffff;
	[tilespmem:s15+$0x16B50] =	vst v55  }
0x461: {  	v60 =	vld.idx.msk [tilespmem:v3+s30+$0x0], $0xffff;
	[tilespmem:s15+$0x16B60] =	vst v56  }
0x462: {  	v61 =	vld.idx.msk [tilespmem:v1+s30+$0x0], $0xffff;
	[tilespmem:s15+$0x16B00] =	vst v12  }
0x463: {  	v62 =	vld.idx.msk [tilespmem:v2+s30+$0x0], $0xffff;
	[tilespmem:s15+$0x16B90] =	vst v57  }
0x464: {  	v63 =	vld.idx.msk [tilespmem:v0+s30+$0x0], $0xffff;
	[tilespmem:s15+$0x16BA0] =	vst v58  }
0x465: {  	[tilespmem:s15+$0x16BB0] =	vst v59  }
0x466: {  	[tilespmem:s15+$0x16BC0] =	vst v60  }
0x467: {  	[tilespmem:s15+$0x16BD0] =	vst v61  }
0x468: {  	[tilespmem:s15+$0x16BE0] =	vst v62  }
0x469: {  	[tilespmem:s15+$0x16B80] =	vst v63  }
0x46a: {  	s31 =	simm.s32 $0x10800;
	s0 =	simm.s32 $0x1;
	s15 =	rddreg [dreg:$0x9]  }
0x46b: {  	[hbm4b:s15+s18] =	stream.linear.scatter [tilespmem:s31], [sflag:$0x2], $0x8000, $0x38;
	[tilespmem:$0x18800] =	vst v63  }
.LBB2_6:
0x46c: {  	s15 =	sshll.u32 s0, $0x8;
	s17 =	rddreg [dreg:$0x5];
	s1 =	simm.s32 $0x0  }
0x46d: {  	s16 =	simm.s32 $0x8000;
	[dreg:$0xc] =	wrdreg s0;
	s19 =	sshllo.u32 s0, $0x1  }
0x46e: {  	s21 =	simm.s32 $0x8400;
	s15 =	sadd.s32 s17, s15;
	s20 =	sshll.u32 s19, $0x7  }
0x46f: {  	[tilespmem:s16], [sflag:$0x3] =	stream.linear.gather [hbm4b:s15+s1], $0x400, $0x38;
	[tilespmem:$0x18800] =	vst v63  }
0x470: {  	s22 =	simm.s32 $0x1;
	[dreg:$0xd] =	wrdreg s19;
	s15 =	sadd.s32 s17, s20  }
0x471: {  	[tilespmem:s21], [sflag:$0x4] =	stream.linear.gather [hbm4b:s15+s1], $0x400, $0x38;
	[tilespmem:$0x18800] =	vst v63  }
0x472: {  	_ =	swait.ge [sflag:s22], $0x8000  }
0x473: {  	[sflag:s22] =	ssyncset.done $0x0  }
0x474: {  	s23 =	simm.s32 $0x3;
	[sflag:s22] =	ssyncadd.s32 $0xFFFF8000  }
0x475: {  	_ =	swait.ge [sflag:s23], $0x400  }
0x476: {  	s24 =	simm.s32 $0x0;
	[sflag:s23] =	ssyncset.done $0x0  }
0x477: {  	s25 =	sand.u32 $0x3FFFFFF0, s24;
	[sflag:s23] =	ssyncadd.s32 $0xFFFFFC00  }
0x478: {  	v0 =	vld [tilespmem:s25+$0x8000];
	_ =	sdelay $0x7  }
0x479: {  	v1 =	vld.idx.msk [tilespmem:v0+s18+$0x0], $0xffff;
	_ =	sdelay $0x2  }
0x47a: {  	s26 =	simm.s32 $0x0  }
0x47b: {  	s15 =	sand.u32 $0x3FFFFF80, s26  }
0x47c: {  	s28 =	simm.s32 $0x400;
	[tilespmem:s15+$0x8800] =	vst v1  }
0x47d: {  	v1 =	vld.idx.msk [tilespmem:v0+s28+$0x0], $0xffff;
	_ =	sdelay $0x4  }
0x47e: {  	s29 =	simm.s32 $0x800;
	v7 =	vld [tilespmem:s25+$0x8070];
	[tilespmem:s15+$0x8880] =	vst v1  }
0x47f: {  	v1 =	vld.idx.msk [tilespmem:v0+s29+$0x0], $0xffff;
	_ =	sdelay $0x3  }
0x480: {  	v6 =	vld [tilespmem:s25+$0x8010]  }
0x481: {  	s2 =	simm.s32 $0xC00;
	v5 =	vld [tilespmem:s25+$0x8020];
	[tilespmem:s15+$0x8900] =	vst v1  }
0x482: {  	v1 =	vld.idx.msk [tilespmem:v0+s2+$0x0], $0xffff  }
0x483: {  	v4 =	vld [tilespmem:s25+$0x8030]  }
0x484: {  	v9 =	vld.idx.msk [tilespmem:v7+s18+$0x0], $0xffff  }
0x485: {  	v3 =	vld [tilespmem:s25+$0x8040];
	_ =	sdelay $0x1  }
0x486: {  	s3 =	simm.s32 $0x1000;
	[tilespmem:s15+$0x8980] =	vst v1  }
0x487: {  	v1 =	vld.idx.msk [tilespmem:v0+s3+$0x0], $0xffff  }
0x488: {  	v10 =	vld.idx.msk [tilespmem:v6+s18+$0x0], $0xffff;
	[tilespmem:s15+$0x8870] =	vst v9  }
0x489: {  	v9 =	vld.idx.msk [tilespmem:v7+s28+$0x0], $0xffff  }
0x48a: {  	v11 =	vld.idx.msk [tilespmem:v5+s18+$0x0], $0xffff  }
0x48b: {  	v12 =	vld.idx.msk [tilespmem:v4+s18+$0x0], $0xffff  }
0x48c: {  	s4 =	simm.s32 $0x1400;
	v13 =	vld.idx.msk [tilespmem:v3+s18+$0x0], $0xffff;
	[tilespmem:s15+$0x8A00] =	vst v1  }
0x48d: {  	[tilespmem:s15+$0x8810] =	vst v10;
	v1 =	vld.idx.msk [tilespmem:v0+s4+$0x0], $0xffff  }
0x48e: {  	v10 =	vld.idx.msk [tilespmem:v6+s28+$0x0], $0xffff;
	[tilespmem:s15+$0x88F0] =	vst v9  }
0x48f: {  	[tilespmem:s15+$0x8820] =	vst v11;
	v9 =	vld.idx.msk [tilespmem:v7+s29+$0x0], $0xffff  }
0x490: {  	[tilespmem:s15+$0x8830] =	vst v12;
	v11 =	vld.idx.msk [tilespmem:v5+s28+$0x0], $0xffff  }
0x491: {  	[tilespmem:s15+$0x8840] =	vst v13;
	v12 =	vld.idx.msk [tilespmem:v4+s28+$0x0], $0xffff  }
0x492: {  	s5 =	simm.s32 $0x1800;
	v13 =	vld.idx.msk [tilespmem:v3+s28+$0x0], $0xffff;
	[tilespmem:s15+$0x8A80] =	vst v1  }
0x493: {  	[tilespmem:s15+$0x8890] =	vst v10;
	v1 =	vld.idx.msk [tilespmem:v0+s5+$0x0], $0xffff  }
0x494: {  	v10 =	vld.idx.msk [tilespmem:v6+s29+$0x0], $0xffff;
	[tilespmem:s15+$0x8970] =	vst v9  }
0x495: {  	[tilespmem:s15+$0x88A0] =	vst v11;
	v9 =	vld.idx.msk [tilespmem:v7+s2+$0x0], $0xffff  }
0x496: {  	[tilespmem:s15+$0x88B0] =	vst v12;
	v11 =	vld.idx.msk [tilespmem:v5+s29+$0x0], $0xffff  }
0x497: {  	[tilespmem:s15+$0x88C0] =	vst v13;
	v12 =	vld.idx.msk [tilespmem:v4+s29+$0x0], $0xffff  }
0x498: {  	s6 =	simm.s32 $0x1C00;
	v13 =	vld.idx.msk [tilespmem:v3+s29+$0x0], $0xffff;
	[tilespmem:s15+$0x8B00] =	vst v1  }
0x499: {  	[tilespmem:s15+$0x8910] =	vst v10;
	v1 =	vld.idx.msk [tilespmem:v0+s6+$0x0], $0xffff  }
0x49a: {  	v10 =	vld.idx.msk [tilespmem:v6+s2+$0x0], $0xffff;
	[tilespmem:s15+$0x89F0] =	vst v9  }
0x49b: {  	[tilespmem:s15+$0x8920] =	vst v11;
	v9 =	vld.idx.msk [tilespmem:v7+s3+$0x0], $0xffff  }
0x49c: {  	[tilespmem:s15+$0x8930] =	vst v12;
	v11 =	vld.idx.msk [tilespmem:v5+s2+$0x0], $0xffff  }
0x49d: {  	[tilespmem:s15+$0x8940] =	vst v13;
	v12 =	vld.idx.msk [tilespmem:v4+s2+$0x0], $0xffff  }
0x49e: {  	s7 =	simm.s32 $0x2000;
	v13 =	vld.idx.msk [tilespmem:v3+s2+$0x0], $0xffff;
	[tilespmem:s15+$0x8B80] =	vst v1  }
0x49f: {  	[tilespmem:s15+$0x8990] =	vst v10;
	v1 =	vld.idx.msk [tilespmem:v0+s7+$0x0], $0xffff  }
0x4a0: {  	v10 =	vld.idx.msk [tilespmem:v6+s3+$0x0], $0xffff;
	[tilespmem:s15+$0x8A70] =	vst v9  }
0x4a1: {  	[tilespmem:s15+$0x89A0] =	vst v11;
	v9 =	vld.idx.msk [tilespmem:v7+s4+$0x0], $0xffff  }
0x4a2: {  	[tilespmem:s15+$0x89B0] =	vst v12;
	v11 =	vld.idx.msk [tilespmem:v5+s3+$0x0], $0xffff  }
0x4a3: {  	[tilespmem:s15+$0x89C0] =	vst v13;
	v12 =	vld.idx.msk [tilespmem:v4+s3+$0x0], $0xffff  }
0x4a4: {  	s8 =	simm.s32 $0x2400;
	v13 =	vld.idx.msk [tilespmem:v3+s3+$0x0], $0xffff;
	[tilespmem:s15+$0xA800] =	vst v1  }
0x4a5: {  	[tilespmem:s15+$0x8A10] =	vst v10;
	v2 =	vld.idx.msk [tilespmem:v0+s8+$0x0], $0xffff  }
0x4a6: {  	v10 =	vld.idx.msk [tilespmem:v6+s4+$0x0], $0xffff;
	[tilespmem:s15+$0x8AF0] =	vst v9  }
0x4a7: {  	v9 =	vld.idx.msk [tilespmem:v7+s5+$0x0], $0xffff  }
0x4a8: {  	[tilespmem:s15+$0x8A20] =	vst v11;
	v1 =	vld [tilespmem:s25+$0x8050]  }
0x4a9: {  	v11 =	vld.idx.msk [tilespmem:v5+s4+$0x0], $0xffff  }
0x4aa: {  	s9 =	simm.s32 $0x2800;
	[tilespmem:s15+$0xA880] =	vst v2;
	v2 =	vld [tilespmem:s25+$0x8060]  }
0x4ab: {  	[tilespmem:s15+$0x8A30] =	vst v12;
	v8 =	vld.idx.msk [tilespmem:v0+s9+$0x0], $0xffff  }
0x4ac: {  	v12 =	vld.idx.msk [tilespmem:v4+s4+$0x0], $0xffff;
	[tilespmem:s15+$0x8B70] =	vst v9  }
0x4ad: {  	[tilespmem:s15+$0x8A40] =	vst v13;
	v9 =	vld.idx.msk [tilespmem:v7+s6+$0x0], $0xffff  }
0x4ae: {  	v13 =	vld.idx.msk [tilespmem:v3+s4+$0x0], $0xffff;
	[tilespmem:s15+$0x8A90] =	vst v10  }
0x4af: {  	[tilespmem:s15+$0x8AA0] =	vst v11;
	v10 =	vld.idx.msk [tilespmem:v6+s5+$0x0], $0xffff  }
0x4b0: {  	[tilespmem:s15+$0xA900] =	vst v8;
	v8 =	vld.idx.msk [tilespmem:v1+s18+$0x0], $0xffff  }
0x4b1: {  	[tilespmem:s15+$0x8AB0] =	vst v12;
	v11 =	vld.idx.msk [tilespmem:v5+s5+$0x0], $0xffff  }
0x4b2: {  	[tilespmem:s15+$0x8BF0] =	vst v9;
	v14 =	vld.idx.msk [tilespmem:v2+s18+$0x0], $0xffff  }
0x4b3: {  	[tilespmem:s15+$0x8AC0] =	vst v13;
	v9 =	vld.idx.msk [tilespmem:v7+s7+$0x0], $0xffff  }
0x4b4: {  	v12 =	vld.idx.msk [tilespmem:v4+s5+$0x0], $0xffff;
	[tilespmem:s15+$0x8B10] =	vst v10  }
0x4b5: {  	v13 =	vld.idx.msk [tilespmem:v3+s5+$0x0], $0xffff;
	[tilespmem:s15+$0x8850] =	vst v8  }
0x4b6: {  	[tilespmem:s15+$0x8B20] =	vst v11;
	v8 =	vld.idx.msk [tilespmem:v1+s28+$0x0], $0xffff  }
0x4b7: {  	v10 =	vld.idx.msk [tilespmem:v6+s6+$0x0], $0xffff;
	[tilespmem:s15+$0x8860] =	vst v14  }
0x4b8: {  	[tilespmem:s15+$0xA870] =	vst v9;
	v14 =	vld.idx.msk [tilespmem:v2+s28+$0x0], $0xffff  }
0x4b9: {  	[tilespmem:s15+$0x8B30] =	vst v12;
	v9 =	vld.idx.msk [tilespmem:v7+s8+$0x0], $0xffff  }
0x4ba: {  	[tilespmem:s15+$0x8B40] =	vst v13;
	v11 =	vld.idx.msk [tilespmem:v5+s6+$0x0], $0xffff  }
0x4bb: {  	v12 =	vld.idx.msk [tilespmem:v4+s6+$0x0], $0xffff;
	[tilespmem:s15+$0x88D0] =	vst v8  }
0x4bc: {  	[tilespmem:s15+$0x8B90] =	vst v10;
	v8 =	vld.idx.msk [tilespmem:v1+s29+$0x0], $0xffff  }
0x4bd: {  	v13 =	vld.idx.msk [tilespmem:v3+s6+$0x0], $0xffff;
	[tilespmem:s15+$0x88E0] =	vst v14  }
0x4be: {  	[tilespmem:s15+$0xA8F0] =	vst v9;
	v14 =	vld.idx.msk [tilespmem:v2+s29+$0x0], $0xffff  }
0x4bf: {  	[tilespmem:s15+$0x8BA0] =	vst v11;
	v9 =	vld.idx.msk [tilespmem:v7+s9+$0x0], $0xffff  }
0x4c0: {  	[tilespmem:s15+$0x8BB0] =	vst v12;
	v10 =	vld.idx.msk [tilespmem:v6+s7+$0x0], $0xffff  }
0x4c1: {  	v11 =	vld.idx.msk [tilespmem:v5+s7+$0x0], $0xffff;
	[tilespmem:s15+$0x8950] =	vst v8  }
0x4c2: {  	[tilespmem:s15+$0x8BC0] =	vst v13;
	v8 =	vld.idx.msk [tilespmem:v1+s2+$0x0], $0xffff  }
0x4c3: {  	v12 =	vld.idx.msk [tilespmem:v4+s7+$0x0], $0xffff;
	[tilespmem:s15+$0x8960] =	vst v14  }
0x4c4: {  	s30 =	simm.s32 $0x2C00;
	[tilespmem:s15+$0xA970] =	vst v9;
	v14 =	vld.idx.msk [tilespmem:v2+s2+$0x0], $0xffff  }
0x4c5: {  	[tilespmem:s15+$0xA810] =	vst v10;
	v9 =	vld.idx.msk [tilespmem:v7+s30+$0x0], $0xffff  }
0x4c6: {  	v13 =	vld.idx.msk [tilespmem:v3+s7+$0x0], $0xffff;
	[tilespmem:s15+$0xA820] =	vst v11  }
0x4c7: {  	v10 =	vld.idx.msk [tilespmem:v6+s8+$0x0], $0xffff;
	[tilespmem:s15+$0x89D0] =	vst v8  }
0x4c8: {  	[tilespmem:s15+$0xA830] =	vst v12;
	v8 =	vld.idx.msk [tilespmem:v1+s3+$0x0], $0xffff  }
0x4c9: {  	v11 =	vld.idx.msk [tilespmem:v5+s8+$0x0], $0xffff;
	[tilespmem:s15+$0x89E0] =	vst v14  }
0x4ca: {  	s31 =	simm.s32 $0x3000;
	[tilespmem:s15+$0xA9F0] =	vst v9;
	v14 =	vld.idx.msk [tilespmem:v2+s3+$0x0], $0xffff  }
0x4cb: {  	[tilespmem:s15+$0xA840] =	vst v13;
	v9 =	vld.idx.msk [tilespmem:v7+s31+$0x0], $0xffff  }
0x4cc: {  	v12 =	vld.idx.msk [tilespmem:v4+s8+$0x0], $0xffff;
	[tilespmem:s15+$0xA890] =	vst v10  }
0x4cd: {  	v13 =	vld.idx.msk [tilespmem:v3+s8+$0x0], $0xffff;
	[tilespmem:s15+$0x8A50] =	vst v8  }
0x4ce: {  	[tilespmem:s15+$0xA8A0] =	vst v11;
	v8 =	vld.idx.msk [tilespmem:v1+s4+$0x0], $0xffff  }
0x4cf: {  	v10 =	vld.idx.msk [tilespmem:v6+s9+$0x0], $0xffff;
	[tilespmem:s15+$0x8A60] =	vst v14  }
0x4d0: {  	s1 =	simm.s32 $0x3400;
	[tilespmem:s15+$0xAA70] =	vst v9;
	v14 =	vld.idx.msk [tilespmem:v2+s4+$0x0], $0xffff  }
0x4d1: {  	[tilespmem:s15+$0xA8B0] =	vst v12;
	v9 =	vld.idx.msk [tilespmem:v7+s1+$0x0], $0xffff  }
0x4d2: {  	[tilespmem:s15+$0xA8C0] =	vst v13;
	v11 =	vld.idx.msk [tilespmem:v5+s9+$0x0], $0xffff  }
0x4d3: {  	v12 =	vld.idx.msk [tilespmem:v4+s9+$0x0], $0xffff;
	[tilespmem:s15+$0x8AD0] =	vst v8  }
0x4d4: {  	[tilespmem:s15+$0xA910] =	vst v10;
	v8 =	vld.idx.msk [tilespmem:v1+s5+$0x0], $0xffff  }
0x4d5: {  	v13 =	vld.idx.msk [tilespmem:v3+s9+$0x0], $0xffff;
	[tilespmem:s15+$0x8AE0] =	vst v14  }
0x4d6: {  	s0 =	simm.s32 $0x3800;
	[tilespmem:s15+$0xAAF0] =	vst v9;
	v14 =	vld.idx.msk [tilespmem:v2+s5+$0x0], $0xffff  }
0x4d7: {  	[tilespmem:s15+$0xA920] =	vst v11;
	v9 =	vld.idx.msk [tilespmem:v7+s0+$0x0], $0xffff  }
0x4d8: {  	[tilespmem:s15+$0xA930] =	vst v12;
	v10 =	vld.idx.msk [tilespmem:v6+s30+$0x0], $0xffff  }
0x4d9: {  	v11 =	vld.idx.msk [tilespmem:v5+s30+$0x0], $0xffff;
	[tilespmem:s15+$0x8B50] =	vst v8  }
0x4da: {  	[tilespmem:s15+$0xA940] =	vst v13;
	v8 =	vld.idx.msk [tilespmem:v1+s6+$0x0], $0xffff  }
0x4db: {  	v12 =	vld.idx.msk [tilespmem:v4+s30+$0x0], $0xffff;
	[tilespmem:s15+$0x8B60] =	vst v14  }
0x4dc: {  	[tilespmem:s15+$0xAB70] =	vst v9;
	v14 =	vld.idx.msk [tilespmem:v2+s6+$0x0], $0xffff;
	s6 =	simm.s32 $0x3C00  }
0x4dd: {  	[tilespmem:s15+$0xA990] =	vst v10;
	v9 =	vld.idx.msk [tilespmem:v7+s6+$0x0], $0xffff  }
0x4de: {  	v13 =	vld.idx.msk [tilespmem:v3+s30+$0x0], $0xffff;
	[tilespmem:s15+$0xA9A0] =	vst v11  }
0x4df: {  	v10 =	vld.idx.msk [tilespmem:v0+s30+$0x0], $0xffff;
	[tilespmem:s15+$0x8BD0] =	vst v8  }
0x4e0: {  	[tilespmem:s15+$0xA9B0] =	vst v12;
	v8 =	vld.idx.msk [tilespmem:v1+s7+$0x0], $0xffff  }
0x4e1: {  	v11 =	vld.idx.msk [tilespmem:v6+s31+$0x0], $0xffff;
	[tilespmem:s15+$0x8BE0] =	vst v14  }
0x4e2: {  	v14 =	vld.idx.msk [tilespmem:v2+s7+$0x0], $0xffff;
	[tilespmem:s15+$0xABF0] =	vst v9;
	s7 =	simm.s32 $0x4000  }
0x4e3: {  	[tilespmem:s15+$0xA9C0] =	vst v13;
	v9 =	vld.idx.msk [tilespmem:v7+s7+$0x0], $0xffff  }
0x4e4: {  	v12 =	vld.idx.msk [tilespmem:v5+s31+$0x0], $0xffff;
	[tilespmem:s15+$0xA980] =	vst v10  }
0x4e5: {  	v13 =	vld.idx.msk [tilespmem:v4+s31+$0x0], $0xffff;
	[tilespmem:s15+$0xA850] =	vst v8  }
0x4e6: {  	[tilespmem:s15+$0xAA10] =	vst v11;
	v8 =	vld.idx.msk [tilespmem:v1+s8+$0x0], $0xffff  }
0x4e7: {  	v11 =	vld.idx.msk [tilespmem:v0+s31+$0x0], $0xffff;
	[tilespmem:s15+$0xA860] =	vst v14  }
0x4e8: {  	v14 =	vld.idx.msk [tilespmem:v2+s8+$0x0], $0xffff;
	[tilespmem:s15+$0xC870] =	vst v9;
	s8 =	simm.s32 $0x4400  }
0x4e9: {  	[tilespmem:s15+$0xAA20] =	vst v12;
	v9 =	vld.idx.msk [tilespmem:v7+s8+$0x0], $0xffff  }
0x4ea: {  	[tilespmem:s15+$0xAA30] =	vst v13;
	v12 =	vld.idx.msk [tilespmem:v6+s1+$0x0], $0xffff  }
0x4eb: {  	v13 =	vld.idx.msk [tilespmem:v5+s1+$0x0], $0xffff;
	[tilespmem:s15+$0xA8D0] =	vst v8  }
0x4ec: {  	[tilespmem:s15+$0xAA00] =	vst v11;
	v8 =	vld.idx.msk [tilespmem:v1+s9+$0x0], $0xffff  }
0x4ed: {  	[tilespmem:s15+$0xA8E0] =	vst v14  }
0x4ee: {  	v14 =	vld.idx.msk [tilespmem:v2+s9+$0x0], $0xffff;
	[tilespmem:s15+$0xC8F0] =	vst v9;
	s9 =	simm.s32 $0x4800  }
0x4ef: {  	[tilespmem:s15+$0xAA90] =	vst v12;
	v9 =	vld.idx.msk [tilespmem:v7+s9+$0x0], $0xffff  }
0x4f0: {  	v12 =	vld.idx.msk [tilespmem:v0+s1+$0x0], $0xffff;
	[tilespmem:s15+$0xAAA0] =	vst v13  }
0x4f1: {  	v13 =	vld.idx.msk [tilespmem:v6+s0+$0x0], $0xffff;
	[tilespmem:s15+$0xA950] =	vst v8  }
0x4f2: {  	v8 =	vld.idx.msk [tilespmem:v1+s30+$0x0], $0xffff  }
0x4f3: {  	[tilespmem:s15+$0xA960] =	vst v14  }
0x4f4: {  	s10 =	simm.s32 $0x4C00;
	v14 =	vld.idx.msk [tilespmem:v2+s30+$0x0], $0xffff;
	[tilespmem:s15+$0xC970] =	vst v9  }
0x4f5: {  	[tilespmem:s15+$0xAA80] =	vst v12;
	v9 =	vld.idx.msk [tilespmem:v7+s10+$0x0], $0xffff  }
0x4f6: {  	[tilespmem:s15+$0xAB10] =	vst v13;
	v13 =	vld.idx.msk [tilespmem:v0+s0+$0x0], $0xffff  }
0x4f7: {  	[tilespmem:s15+$0xA9D0] =	vst v8;
	v8 =	vld.idx.msk [tilespmem:v3+s31+$0x0], $0xffff;
	_ =	sdelay $0x1  }
0x4f8: {  	[tilespmem:s15+$0xA9E0] =	vst v14;
	v14 =	vld.idx.msk [tilespmem:v1+s31+$0x0], $0xffff  }
0x4f9: {  	s11 =	simm.s32 $0x5000;
	v10 =	vld.idx.msk [tilespmem:v2+s31+$0x0], $0xffff;
	[tilespmem:s15+$0xC9F0] =	vst v9  }
0x4fa: {  	[tilespmem:s15+$0xAB00] =	vst v13;
	v9 =	vld.idx.msk [tilespmem:v7+s11+$0x0], $0xffff  }
0x4fb: {  	[tilespmem:s15+$0xAA40] =	vst v8;
	v8 =	vld.idx.msk [tilespmem:v4+s1+$0x0], $0xffff  }
0x4fc: {  	v13 =	vld.idx.msk [tilespmem:v0+s6+$0x0], $0xffff  }
0x4fd: {  	[tilespmem:s15+$0xAA50] =	vst v14;
	v14 =	vld.idx.msk [tilespmem:v3+s1+$0x0], $0xffff  }
0x4fe: {  	[tilespmem:s15+$0xAA60] =	vst v10;
	v10 =	vld.idx.msk [tilespmem:v1+s1+$0x0], $0xffff  }
0x4ff: {  	v11 =	vld.idx.msk [tilespmem:v2+s1+$0x0], $0xffff;
	[tilespmem:s15+$0xCA70] =	vst v9  }
0x500: {  	s12 =	simm.s32 $0x5400;
	[tilespmem:s15+$0xAAB0] =	vst v8;
	v8 =	vld.idx.msk [tilespmem:v5+s0+$0x0], $0xffff  }
0x501: {  	v9 =	vld.idx.msk [tilespmem:v7+s12+$0x0], $0xffff  }
0x502: {  	[tilespmem:s15+$0xAAC0] =	vst v14;
	v14 =	vld.idx.msk [tilespmem:v4+s0+$0x0], $0xffff  }
0x503: {  	[tilespmem:s15+$0xAAD0] =	vst v10;
	v10 =	vld.idx.msk [tilespmem:v3+s0+$0x0], $0xffff  }
0x504: {  	[tilespmem:s15+$0xAAE0] =	vst v11;
	v11 =	vld.idx.msk [tilespmem:v1+s0+$0x0], $0xffff  }
0x505: {  	v12 =	vld.idx.msk [tilespmem:v2+s0+$0x0], $0xffff;
	[tilespmem:s15+$0xAB20] =	vst v8  }
0x506: {  	s13 =	simm.s32 $0x5800;
	v8 =	vld.idx.msk [tilespmem:v6+s6+$0x0], $0xffff;
	[tilespmem:s15+$0xCAF0] =	vst v9  }
0x507: {  	v9 =	vld.idx.msk [tilespmem:v7+s13+$0x0], $0xffff;
	[tilespmem:s15+$0xAB30] =	vst v14  }
0x508: {  	v14 =	vld.idx.msk [tilespmem:v5+s6+$0x0], $0xffff;
	[tilespmem:s15+$0xAB40] =	vst v10  }
0x509: {  	v10 =	vld.idx.msk [tilespmem:v4+s6+$0x0], $0xffff;
	[tilespmem:s15+$0xAB50] =	vst v11  }
0x50a: {  	v11 =	vld.idx.msk [tilespmem:v3+s6+$0x0], $0xffff;
	[tilespmem:s15+$0xAB60] =	vst v12  }
0x50b: {  	v12 =	vld.idx.msk [tilespmem:v1+s6+$0x0], $0xffff;
	[tilespmem:s15+$0xAB90] =	vst v8  }
0x50c: {  	v8 =	vld.idx.msk [tilespmem:v2+s6+$0x0], $0xffff;
	[tilespmem:s15+$0xCB70] =	vst v9  }
0x50d: {  	s2 =	simm.s32 $0x5C00;
	[tilespmem:s15+$0xABA0] =	vst v14;
	v14 =	vld.idx.msk [tilespmem:v6+s7+$0x0], $0xffff  }
0x50e: {  	[tilespmem:s15+$0xAB80] =	vst v13;
	v9 =	vld.idx.msk [tilespmem:v7+s2+$0x0], $0xffff  }
0x50f: {  	[tilespmem:s15+$0xABB0] =	vst v10;
	v10 =	vld.idx.msk [tilespmem:v5+s7+$0x0], $0xffff  }
0x510: {  	[tilespmem:s15+$0xABC0] =	vst v11;
	v11 =	vld.idx.msk [tilespmem:v4+s7+$0x0], $0xffff  }
0x511: {  	[tilespmem:s15+$0xABD0] =	vst v12;
	v12 =	vld.idx.msk [tilespmem:v3+s7+$0x0], $0xffff  }
0x512: {  	[tilespmem:s15+$0xABE0] =	vst v8;
	v8 =	vld.idx.msk [tilespmem:v1+s7+$0x0], $0xffff  }
0x513: {  	[tilespmem:s15+$0xC810] =	vst v14;
	v13 =	vld.idx.msk [tilespmem:v2+s7+$0x0], $0xffff  }
0x514: {  	v14 =	vld.idx.msk [tilespmem:v0+s7+$0x0], $0xffff;
	[tilespmem:s15+$0xCBF0] =	vst v9  }
0x515: {  	s14 =	simm.s32 $0x6000;
	[tilespmem:s15+$0xC820] =	vst v10;
	v10 =	vld.idx.msk [tilespmem:v6+s8+$0x0], $0xffff  }
0x516: {  	v15 =	vld.idx.msk [tilespmem:v7+s14+$0x0], $0xffff;
	[tilespmem:s15+$0xC830] =	vst v11  }
0x517: {  	v11 =	vld.idx.msk [tilespmem:v5+s8+$0x0], $0xffff;
	[tilespmem:s15+$0xC840] =	vst v12  }
0x518: {  	v12 =	vld.idx.msk [tilespmem:v4+s8+$0x0], $0xffff;
	[tilespmem:s15+$0xC850] =	vst v8  }
0x519: {  	v8 =	vld.idx.msk [tilespmem:v3+s8+$0x0], $0xffff;
	[tilespmem:s15+$0xC860] =	vst v13  }
0x51a: {  	[tilespmem:s15+$0xC800] =	vst v14;
	v13 =	vld.idx.msk [tilespmem:v1+s8+$0x0], $0xffff  }
0x51b: {  	v14 =	vld.idx.msk [tilespmem:v2+s8+$0x0], $0xffff;
	[tilespmem:s15+$0xC890] =	vst v10  }
0x51c: {  	v10 =	vld.idx.msk [tilespmem:v0+s8+$0x0], $0xffff;
	[tilespmem:s15+$0xC8A0] =	vst v11  }
0x51d: {  	v11 =	vld.idx.msk [tilespmem:v6+s9+$0x0], $0xffff;
	[tilespmem:s15+$0xC8B0] =	vst v12  }
0x51e: {  	v12 =	vld.idx.msk [tilespmem:v5+s9+$0x0], $0xffff;
	[tilespmem:s15+$0xC8C0] =	vst v8  }
0x51f: {  	v8 =	vld.idx.msk [tilespmem:v4+s9+$0x0], $0xffff;
	[tilespmem:s15+$0xC8D0] =	vst v13  }
0x520: {  	v13 =	vld.idx.msk [tilespmem:v3+s9+$0x0], $0xffff;
	[tilespmem:s15+$0xC8E0] =	vst v14  }
0x521: {  	v14 =	vld.idx.msk [tilespmem:v1+s9+$0x0], $0xffff;
	[tilespmem:s15+$0xC880] =	vst v10  }
0x522: {  	[tilespmem:s15+$0xC910] =	vst v11;
	v10 =	vld.idx.msk [tilespmem:v2+s9+$0x0], $0xffff  }
0x523: {  	v11 =	vld.idx.msk [tilespmem:v0+s9+$0x0], $0xffff;
	[tilespmem:s15+$0xC920] =	vst v12  }
0x524: {  	v12 =	vld.idx.msk [tilespmem:v6+s10+$0x0], $0xffff;
	[tilespmem:s15+$0xC930] =	vst v8  }
0x525: {  	v8 =	vld.idx.msk [tilespmem:v5+s10+$0x0], $0xffff;
	[tilespmem:s15+$0xC940] =	vst v13  }
0x526: {  	v13 =	vld.idx.msk [tilespmem:v4+s10+$0x0], $0xffff;
	[tilespmem:s15+$0xC950] =	vst v14  }
0x527: {  	v14 =	vld.idx.msk [tilespmem:v3+s10+$0x0], $0xffff;
	[tilespmem:s15+$0xC960] =	vst v10  }
0x528: {  	[tilespmem:s15+$0xC900] =	vst v11;
	v10 =	vld.idx.msk [tilespmem:v1+s10+$0x0], $0xffff  }
0x529: {  	[tilespmem:s15+$0xC990] =	vst v12;
	v11 =	vld.idx.msk [tilespmem:v2+s10+$0x0], $0xffff  }
0x52a: {  	v12 =	vld.idx.msk [tilespmem:v0+s10+$0x0], $0xffff;
	[tilespmem:s15+$0xC9A0] =	vst v8  }
0x52b: {  	v8 =	vld.idx.msk [tilespmem:v6+s11+$0x0], $0xffff;
	[tilespmem:s15+$0xC9B0] =	vst v13  }
0x52c: {  	v13 =	vld.idx.msk [tilespmem:v5+s11+$0x0], $0xffff;
	[tilespmem:s15+$0xC9C0] =	vst v14  }
0x52d: {  	v14 =	vld.idx.msk [tilespmem:v4+s11+$0x0], $0xffff;
	[tilespmem:s15+$0xC9D0] =	vst v10  }
0x52e: {  	v10 =	vld.idx.msk [tilespmem:v3+s11+$0x0], $0xffff;
	[tilespmem:s15+$0xC9E0] =	vst v11  }
0x52f: {  	[tilespmem:s15+$0xC980] =	vst v12;
	v11 =	vld.idx.msk [tilespmem:v1+s11+$0x0], $0xffff  }
0x530: {  	[tilespmem:s15+$0xCA10] =	vst v8;
	v8 =	vld.idx.msk [tilespmem:v2+s11+$0x0], $0xffff  }
0x531: {  	[tilespmem:s15+$0xE870] =	vst v15;
	v12 =	vld.idx.msk [tilespmem:v0+s11+$0x0], $0xffff  }
0x532: {  	[tilespmem:s15+$0xCA20] =	vst v13;
	v13 =	vld.idx.msk [tilespmem:v6+s12+$0x0], $0xffff  }
0x533: {  	[tilespmem:s15+$0xCA30] =	vst v14;
	v14 =	vld.idx.msk [tilespmem:v5+s12+$0x0], $0xffff  }
0x534: {  	[tilespmem:s15+$0xCA40] =	vst v10;
	v10 =	vld.idx.msk [tilespmem:v4+s12+$0x0], $0xffff  }
0x535: {  	[tilespmem:s15+$0xCA50] =	vst v11;
	v11 =	vld.idx.msk [tilespmem:v3+s12+$0x0], $0xffff  }
0x536: {  	[tilespmem:s15+$0xCA60] =	vst v8;
	v8 =	vld.idx.msk [tilespmem:v1+s12+$0x0], $0xffff  }
0x537: {  	[tilespmem:s15+$0xCA00] =	vst v12;
	v12 =	vld.idx.msk [tilespmem:v2+s12+$0x0], $0xffff  }
0x538: {  	[tilespmem:s15+$0xCA90] =	vst v13;
	v13 =	vld.idx.msk [tilespmem:v0+s12+$0x0], $0xffff  }
0x539: {  	[tilespmem:s15+$0xCAA0] =	vst v14;
	v14 =	vld.idx.msk [tilespmem:v6+s13+$0x0], $0xffff  }
0x53a: {  	[tilespmem:s15+$0xCAB0] =	vst v10;
	v16 =	vld.idx.msk [tilespmem:v5+s13+$0x0], $0xffff  }
0x53b: {  	[tilespmem:s15+$0xCAC0] =	vst v11;
	v9 =	vld.idx.msk [tilespmem:v4+s13+$0x0], $0xffff  }
0x53c: {  	[tilespmem:s15+$0xCAD0] =	vst v8;
	v8 =	vld.idx.msk [tilespmem:v3+s13+$0x0], $0xffff  }
0x53d: {  	s4 =	simm.s32 $0x6400;
	[tilespmem:s15+$0xCAE0] =	vst v12;
	v10 =	vld.idx.msk [tilespmem:v1+s13+$0x0], $0xffff  }
0x53e: {  	[tilespmem:s15+$0xCA80] =	vst v13;
	v13 =	vld.idx.msk [tilespmem:v7+s4+$0x0], $0xffff  }
0x53f: {  	s16 =	simm.s32 $0x8;
	[tilespmem:s15+$0xCB10] =	vst v14;
	v11 =	vld.idx.msk [tilespmem:v2+s13+$0x0], $0xffff  }
0x540: {  	s20 =	simm.s32 $0x7400;
	s21 =	simm.s32 $0x7800;
	s22 =	simm.s32 $0x7C00;
	v12 =	vld.idx.msk [tilespmem:v0+s13+$0x0], $0xffff;
	[tilespmem:s15+$0xCB20] =	vst v16  }
.LBB2_7:
0x541: {  	s17 =	sshll.u32 s16, $0x4;
	p0 =	slt.u32 s16, $0x38;
	v14 =	vld.idx.msk [tilespmem:v6+s2+$0x0], $0xffff;
	[tilespmem:s15+$0xCB30] =	vst v9  }
0x542: {  	s17 =	sand.u32 $0x3FFFFFF0, s17;
	v9 =	vld.idx.msk [tilespmem:v5+s2+$0x0], $0xffff;
	[tilespmem:s15+$0xCB40] =	vst v8  }
0x543: {  	v8 =	vld [tilespmem:s17+$0x8000];
	[tilespmem:s15+$0xCB50] =	vst v10  }
0x544: {  	v10 =	vld.idx.msk [tilespmem:v4+s2+$0x0], $0xffff;
	[tilespmem:s15+$0xCB60] =	vst v11  }
0x545: {  	[tilespmem:s15+$0xCB00] =	vst v12;
	v11 =	vld.idx.msk [tilespmem:v3+s2+$0x0], $0xffff  }
0x546: {  	s19 =	simm.s32 $0x6800;
	v12 =	vld.idx.msk [tilespmem:v1+s2+$0x0], $0xffff;
	[tilespmem:s15+$0xE8F0] =	vst v13  }
0x547: {  	[tilespmem:s15+$0xCB90] =	vst v14;
	v13 =	vld.idx.msk [tilespmem:v7+s19+$0x0], $0xffff  }
0x548: {  	[tilespmem:s15+$0xCBA0] =	vst v9;
	v9 =	vld.idx.msk [tilespmem:v2+s2+$0x0], $0xffff  }
0x549: {  	v14 =	vld.idx.msk [tilespmem:v0+s2+$0x0], $0xffff  }
0x54a: {  	v15 =	vld.idx.msk [tilespmem:v6+s14+$0x0], $0xffff;
	[tilespmem:s15+$0xCBB0] =	vst v10  }
0x54b: {  	v10 =	vld.idx.msk [tilespmem:v8+s18+$0x0], $0xffff;
	[tilespmem:s15+$0xCBC0] =	vst v11  }
0x54c: {  	v11 =	vld.idx.msk [tilespmem:v5+s14+$0x0], $0xffff;
	[tilespmem:s15+$0xCBD0] =	vst v12  }
0x54d: {  	s5 =	simm.s32 $0x6C00;
	v12 =	vld.idx.msk [tilespmem:v4+s14+$0x0], $0xffff;
	[tilespmem:s15+$0xE970] =	vst v13  }
0x54e: {  	[tilespmem:s15+$0xCBE0] =	vst v9;
	v9 =	vld.idx.msk [tilespmem:v7+s5+$0x0], $0xffff  }
0x54f: {  	s18 =	sshll.u32 s16, $0x7;
	[tilespmem:s15+$0xCB80] =	vst v14;
	v13 =	vld.idx.msk [tilespmem:v3+s14+$0x0], $0xffff  }
0x550: {  	s18 =	sand.u32 $0x3FFFFF80, s18;
	[tilespmem:s15+$0xE810] =	vst v15;
	v14 =	vld.idx.msk [tilespmem:v1+s14+$0x0], $0xffff  }
0x551: {  	s23 =	simm.s32 $0x400;
	[tilespmem:s18+$0x8800] =	vst v10;
	v10 =	vld.idx.msk [tilespmem:v2+s14+$0x0], $0xffff  }
0x552: {  	v15 =	vld.idx.msk [tilespmem:v8+s23+$0x0], $0xffff;
	[tilespmem:s15+$0xE820] =	vst v11  }
0x553: {  	v11 =	vld.idx.msk [tilespmem:v0+s14+$0x0], $0xffff;
	[tilespmem:s15+$0xE830] =	vst v12  }
0x554: {  	s3 =	simm.s32 $0x7000;
	v12 =	vld.idx.msk [tilespmem:v6+s4+$0x0], $0xffff;
	[tilespmem:s15+$0xE9F0] =	vst v9  }
0x555: {  	[tilespmem:s15+$0xE840] =	vst v13;
	v9 =	vld.idx.msk [tilespmem:v7+s3+$0x0], $0xffff  }
0x556: {  	v13 =	vld.idx.msk [tilespmem:v5+s4+$0x0], $0xffff;
	[tilespmem:s15+$0xE850] =	vst v14  }
0x557: {  	v14 =	vld.idx.msk [tilespmem:v4+s4+$0x0], $0xffff;
	[tilespmem:s15+$0xE860] =	vst v10  }
0x558: {  	s24 =	simm.s32 $0x800;
	[tilespmem:s18+$0x8880] =	vst v15;
	v10 =	vld.idx.msk [tilespmem:v3+s4+$0x0], $0xffff  }
0x559: {  	v15 =	vld.idx.msk [tilespmem:v8+s24+$0x0], $0xffff;
	[tilespmem:s15+$0xE800] =	vst v11  }
0x55a: {  	[tilespmem:s15+$0xE890] =	vst v12;
	v11 =	vld.idx.msk [tilespmem:v1+s4+$0x0], $0xffff  }
0x55b: {  	v12 =	vld.idx.msk [tilespmem:v2+s4+$0x0], $0xffff;
	[tilespmem:s15+$0xEA70] =	vst v9  }
0x55c: {  	[tilespmem:s15+$0xE8A0] =	vst v13;
	v9 =	vld.idx.msk [tilespmem:v7+s20+$0x0], $0xffff  }
0x55d: {  	v13 =	vld.idx.msk [tilespmem:v0+s4+$0x0], $0xffff;
	[tilespmem:s15+$0xE8B0] =	vst v14  }
0x55e: {  	v14 =	vld.idx.msk [tilespmem:v6+s19+$0x0], $0xffff;
	[tilespmem:s15+$0xE8C0] =	vst v10  }
0x55f: {  	s25 =	simm.s32 $0xC00;
	[tilespmem:s18+$0x8900] =	vst v15;
	v10 =	vld.idx.msk [tilespmem:v5+s19+$0x0], $0xffff  }
0x560: {  	v15 =	vld.idx.msk [tilespmem:v8+s25+$0x0], $0xffff;
	[tilespmem:s15+$0xE8D0] =	vst v11  }
0x561: {  	v11 =	vld.idx.msk [tilespmem:v4+s19+$0x0], $0xffff;
	[tilespmem:s15+$0xE8E0] =	vst v12  }
0x562: {  	v12 =	vld.idx.msk [tilespmem:v3+s19+$0x0], $0xffff;
	[tilespmem:s15+$0xEAF0] =	vst v9  }
0x563: {  	[tilespmem:s15+$0xE880] =	vst v13;
	v9 =	vld.idx.msk [tilespmem:v7+s21+$0x0], $0xffff  }
0x564: {  	[tilespmem:s15+$0xE910] =	vst v14;
	v13 =	vld.idx.msk [tilespmem:v1+s19+$0x0], $0xffff  }
0x565: {  	[tilespmem:s15+$0xE920] =	vst v10;
	v10 =	vld.idx.msk [tilespmem:v2+s19+$0x0], $0xffff  }
0x566: {  	s26 =	simm.s32 $0x1000;
	[tilespmem:s18+$0x8980] =	vst v15;
	v14 =	vld.idx.msk [tilespmem:v0+s19+$0x0], $0xffff  }
0x567: {  	v15 =	vld.idx.msk [tilespmem:v8+s26+$0x0], $0xffff;
	[tilespmem:s15+$0xE930] =	vst v11  }
0x568: {  	v11 =	vld.idx.msk [tilespmem:v6+s5+$0x0], $0xffff;
	[tilespmem:s15+$0xE940] =	vst v12  }
0x569: {  	v12 =	vld.idx.msk [tilespmem:v5+s5+$0x0], $0xffff;
	[tilespmem:s15+$0xEB70] =	vst v9  }
0x56a: {  	[tilespmem:s15+$0xE950] =	vst v13;
	v7 =	vld.idx.msk [tilespmem:v7+s22+$0x0], $0xffff  }
0x56b: {  	v9 =	vld.idx.msk [tilespmem:v4+s5+$0x0], $0xffff;
	[tilespmem:s15+$0xE960] =	vst v10  }
0x56c: {  	[tilespmem:s15+$0xE900] =	vst v14;
	v10 =	vld.idx.msk [tilespmem:v3+s5+$0x0], $0xffff  }
0x56d: {  	s28 =	simm.s32 $0x1400;
	[tilespmem:s18+$0x8A00] =	vst v15;
	v13 =	vld.idx.msk [tilespmem:v1+s5+$0x0], $0xffff  }
0x56e: {  	v14 =	vld.idx.msk [tilespmem:v8+s28+$0x0], $0xffff;
	[tilespmem:s15+$0xE990] =	vst v11  }
0x56f: {  	[tilespmem:s15+$0xE9A0] =	vst v12;
	v11 =	vld.idx.msk [tilespmem:v2+s5+$0x0], $0xffff  }
0x570: {  	v12 =	vld.idx.msk [tilespmem:v0+s5+$0x0], $0xffff;
	[tilespmem:s15+$0xEBF0] =	vst v7  }
0x571: {  	v7 =	vld.idx.msk [tilespmem:v6+s3+$0x0], $0xffff;
	[tilespmem:s15+$0xE9B0] =	vst v9  }
0x572: {  	v9 =	vld.idx.msk [tilespmem:v5+s3+$0x0], $0xffff;
	[tilespmem:s15+$0xE9C0] =	vst v10  }
0x573: {  	v10 =	vld.idx.msk [tilespmem:v4+s3+$0x0], $0xffff;
	[tilespmem:s15+$0xE9D0] =	vst v13  }
0x574: {  	s29 =	simm.s32 $0x1800;
	[tilespmem:s18+$0x8A80] =	vst v14;
	v13 =	vld.idx.msk [tilespmem:v3+s3+$0x0], $0xffff  }
0x575: {  	v14 =	vld.idx.msk [tilespmem:v8+s29+$0x0], $0xffff;
	[tilespmem:s15+$0xE9E0] =	vst v11  }
0x576: {  	[tilespmem:s15+$0xE980] =	vst v12;
	v11 =	vld.idx.msk [tilespmem:v1+s3+$0x0], $0xffff  }
0x577: {  	[tilespmem:s15+$0xEA10] =	vst v7;
	v7 =	vld.idx.msk [tilespmem:v2+s3+$0x0], $0xffff  }
0x578: {  	v12 =	vld.idx.msk [tilespmem:v0+s3+$0x0], $0xffff;
	[tilespmem:s15+$0xEA20] =	vst v9  }
0x579: {  	v9 =	vld.idx.msk [tilespmem:v6+s20+$0x0], $0xffff;
	[tilespmem:s15+$0xEA30] =	vst v10  }
0x57a: {  	v10 =	vld.idx.msk [tilespmem:v5+s20+$0x0], $0xffff;
	[tilespmem:s15+$0xEA40] =	vst v13  }
0x57b: {  	s19 =	simm.s32 $0x1C00;
	[tilespmem:s18+$0x8B00] =	vst v14;
	v13 =	vld.idx.msk [tilespmem:v4+s20+$0x0], $0xffff  }
0x57c: {  	v14 =	vld.idx.msk [tilespmem:v8+s19+$0x0], $0xffff;
	[tilespmem:s15+$0xEA50] =	vst v11  }
0x57d: {  	v11 =	vld.idx.msk [tilespmem:v3+s20+$0x0], $0xffff;
	[tilespmem:s15+$0xEA60] =	vst v7  }
0x57e: {  	[tilespmem:s15+$0xEA00] =	vst v12;
	v7 =	vld.idx.msk [tilespmem:v1+s20+$0x0], $0xffff  }
0x57f: {  	[tilespmem:s15+$0xEA90] =	vst v9;
	v9 =	vld.idx.msk [tilespmem:v2+s20+$0x0], $0xffff  }
0x580: {  	v12 =	vld.idx.msk [tilespmem:v0+s20+$0x0], $0xffff;
	[tilespmem:s15+$0xEAA0] =	vst v10  }
0x581: {  	v10 =	vld.idx.msk [tilespmem:v6+s21+$0x0], $0xffff;
	[tilespmem:s15+$0xEAB0] =	vst v13  }
0x582: {  	s3 =	simm.s32 $0x2000;
	[tilespmem:s18+$0x8B80] =	vst v14;
	v13 =	vld.idx.msk [tilespmem:v5+s21+$0x0], $0xffff  }
0x583: {  	v14 =	vld.idx.msk [tilespmem:v8+s3+$0x0], $0xffff;
	[tilespmem:s15+$0xEAC0] =	vst v11  }
0x584: {  	v11 =	vld.idx.msk [tilespmem:v4+s21+$0x0], $0xffff;
	[tilespmem:s15+$0xEAD0] =	vst v7  }
0x585: {  	v7 =	vld.idx.msk [tilespmem:v3+s21+$0x0], $0xffff;
	[tilespmem:s15+$0xEAE0] =	vst v9  }
0x586: {  	[tilespmem:s15+$0xEA80] =	vst v12;
	v9 =	vld.idx.msk [tilespmem:v1+s21+$0x0], $0xffff  }
0x587: {  	[tilespmem:s15+$0xEB10] =	vst v10;
	v10 =	vld.idx.msk [tilespmem:v2+s21+$0x0], $0xffff  }
0x588: {  	v12 =	vld.idx.msk [tilespmem:v0+s21+$0x0], $0xffff;
	[tilespmem:s15+$0xEB20] =	vst v13  }
0x589: {  	s5 =	simm.s32 $0x2400;
	[tilespmem:s18+$0xA800] =	vst v14;
	v6 =	vld.idx.msk [tilespmem:v6+s22+$0x0], $0xffff  }
0x58a: {  	v13 =	vld.idx.msk [tilespmem:v8+s5+$0x0], $0xffff;
	[tilespmem:s15+$0xEB30] =	vst v11  }
0x58b: {  	v5 =	vld.idx.msk [tilespmem:v5+s22+$0x0], $0xffff;
	[tilespmem:s15+$0xEB40] =	vst v7  }
0x58c: {  	v4 =	vld.idx.msk [tilespmem:v4+s22+$0x0], $0xffff;
	[tilespmem:s15+$0xEB50] =	vst v9  }
0x58d: {  	v3 =	vld.idx.msk [tilespmem:v3+s22+$0x0], $0xffff;
	[tilespmem:s15+$0xEB60] =	vst v10  }
0x58e: {  	[tilespmem:s15+$0xEB00] =	vst v12;
	v1 =	vld.idx.msk [tilespmem:v1+s22+$0x0], $0xffff  }
0x58f: {  	[tilespmem:s15+$0xEB90] =	vst v6;
	v2 =	vld.idx.msk [tilespmem:v2+s22+$0x0], $0xffff  }
0x590: {  	[tilespmem:s18+$0xA880] =	vst v13;
	v9 =	vld.idx.msk [tilespmem:v0+s22+$0x0], $0xffff;
	v0 =	vmov v8  }
0x591: {  	v7 =	vld [tilespmem:s17+$0x8070];
	[tilespmem:s15+$0xEBA0] =	vst v5  }
0x592: {  	v6 =	vld [tilespmem:s17+$0x8010];
	[tilespmem:s15+$0xEBB0] =	vst v4  }
0x593: {  	v5 =	vld [tilespmem:s17+$0x8020];
	[tilespmem:s15+$0xEBC0] =	vst v3  }
0x594: {  	v4 =	vld [tilespmem:s17+$0x8030];
	[tilespmem:s15+$0xEBD0] =	vst v1  }
0x595: {  	v3 =	vld [tilespmem:s17+$0x8040];
	[tilespmem:s15+$0xEBE0] =	vst v2  }
0x596: {  	v1 =	vld [tilespmem:s17+$0x8050];
	[tilespmem:s15+$0xEB80] =	vst v9;
	s15 =	smov.u32 s18;
	s18 =	simm.s32 $0x0  }
0x597: {  	v2 =	vld [tilespmem:s17+$0x8060];
	s17 =	simm.s32 $0x2800  }
0x598: {  	v8 =	vld.idx.msk [tilespmem:v8+s17+$0x0], $0xffff  }
0x599: {  	v9 =	vld.idx.msk [tilespmem:v7+s18+$0x0], $0xffff  }
0x59a: {  	v10 =	vld.idx.msk [tilespmem:v6+s18+$0x0], $0xffff  }
0x59b: {  	v11 =	vld.idx.msk [tilespmem:v5+s18+$0x0], $0xffff  }
0x59c: {  	v12 =	vld.idx.msk [tilespmem:v4+s18+$0x0], $0xffff  }
0x59d: {  	v13 =	vld.idx.msk [tilespmem:v3+s18+$0x0], $0xffff  }
0x59e: {  	[tilespmem:s15+$0xA900] =	vst v8;
	v8 =	vld.idx.msk [tilespmem:v1+s18+$0x0], $0xffff  }
0x59f: {  	v14 =	vld.idx.msk [tilespmem:v2+s18+$0x0], $0xffff;
	[tilespmem:s15+$0x8870] =	vst v9  }
0x5a0: {  	[tilespmem:s15+$0x8810] =	vst v10;
	v9 =	vld.idx.msk [tilespmem:v7+s23+$0x0], $0xffff  }
0x5a1: {  	v10 =	vld.idx.msk [tilespmem:v6+s23+$0x0], $0xffff;
	[tilespmem:s15+$0x8820] =	vst v11  }
0x5a2: {  	v11 =	vld.idx.msk [tilespmem:v5+s23+$0x0], $0xffff;
	[tilespmem:s15+$0x8830] =	vst v12  }
0x5a3: {  	v12 =	vld.idx.msk [tilespmem:v4+s23+$0x0], $0xffff;
	[tilespmem:s15+$0x8840] =	vst v13  }
0x5a4: {  	v13 =	vld.idx.msk [tilespmem:v3+s23+$0x0], $0xffff;
	[tilespmem:s15+$0x8850] =	vst v8  }
0x5a5: {  	v8 =	vld.idx.msk [tilespmem:v1+s23+$0x0], $0xffff;
	[tilespmem:s15+$0x8860] =	vst v14  }
0x5a6: {  	v14 =	vld.idx.msk [tilespmem:v2+s23+$0x0], $0xffff;
	[tilespmem:s15+$0x88F0] =	vst v9  }
0x5a7: {  	[tilespmem:s15+$0x8890] =	vst v10;
	v9 =	vld.idx.msk [tilespmem:v7+s24+$0x0], $0xffff  }
0x5a8: {  	v10 =	vld.idx.msk [tilespmem:v6+s24+$0x0], $0xffff;
	[tilespmem:s15+$0x88A0] =	vst v11  }
0x5a9: {  	v11 =	vld.idx.msk [tilespmem:v5+s24+$0x0], $0xffff;
	[tilespmem:s15+$0x88B0] =	vst v12  }
0x5aa: {  	v12 =	vld.idx.msk [tilespmem:v4+s24+$0x0], $0xffff;
	[tilespmem:s15+$0x88C0] =	vst v13  }
0x5ab: {  	v13 =	vld.idx.msk [tilespmem:v3+s24+$0x0], $0xffff;
	[tilespmem:s15+$0x88D0] =	vst v8  }
0x5ac: {  	v8 =	vld.idx.msk [tilespmem:v1+s24+$0x0], $0xffff;
	[tilespmem:s15+$0x88E0] =	vst v14  }
0x5ad: {  	v14 =	vld.idx.msk [tilespmem:v2+s24+$0x0], $0xffff;
	[tilespmem:s15+$0x8970] =	vst v9  }
0x5ae: {  	[tilespmem:s15+$0x8910] =	vst v10;
	v9 =	vld.idx.msk [tilespmem:v7+s25+$0x0], $0xffff  }
0x5af: {  	v10 =	vld.idx.msk [tilespmem:v6+s25+$0x0], $0xffff;
	[tilespmem:s15+$0x8920] =	vst v11  }
0x5b0: {  	v11 =	vld.idx.msk [tilespmem:v5+s25+$0x0], $0xffff;
	[tilespmem:s15+$0x8930] =	vst v12  }
0x5b1: {  	v12 =	vld.idx.msk [tilespmem:v4+s25+$0x0], $0xffff;
	[tilespmem:s15+$0x8940] =	vst v13  }
0x5b2: {  	v13 =	vld.idx.msk [tilespmem:v3+s25+$0x0], $0xffff;
	[tilespmem:s15+$0x8950] =	vst v8  }
0x5b3: {  	v8 =	vld.idx.msk [tilespmem:v1+s25+$0x0], $0xffff;
	[tilespmem:s15+$0x8960] =	vst v14  }
0x5b4: {  	v14 =	vld.idx.msk [tilespmem:v2+s25+$0x0], $0xffff;
	[tilespmem:s15+$0x89F0] =	vst v9  }
0x5b5: {  	[tilespmem:s15+$0x8990] =	vst v10;
	v9 =	vld.idx.msk [tilespmem:v7+s26+$0x0], $0xffff  }
0x5b6: {  	v10 =	vld.idx.msk [tilespmem:v6+s26+$0x0], $0xffff;
	[tilespmem:s15+$0x89A0] =	vst v11  }
0x5b7: {  	v11 =	vld.idx.msk [tilespmem:v5+s26+$0x0], $0xffff;
	[tilespmem:s15+$0x89B0] =	vst v12  }
0x5b8: {  	v12 =	vld.idx.msk [tilespmem:v4+s26+$0x0], $0xffff;
	[tilespmem:s15+$0x89C0] =	vst v13  }
0x5b9: {  	v13 =	vld.idx.msk [tilespmem:v3+s26+$0x0], $0xffff;
	[tilespmem:s15+$0x89D0] =	vst v8  }
0x5ba: {  	v8 =	vld.idx.msk [tilespmem:v1+s26+$0x0], $0xffff;
	[tilespmem:s15+$0x89E0] =	vst v14  }
0x5bb: {  	v14 =	vld.idx.msk [tilespmem:v2+s26+$0x0], $0xffff;
	[tilespmem:s15+$0x8A70] =	vst v9  }
0x5bc: {  	[tilespmem:s15+$0x8A10] =	vst v10;
	v9 =	vld.idx.msk [tilespmem:v7+s28+$0x0], $0xffff  }
0x5bd: {  	v10 =	vld.idx.msk [tilespmem:v6+s28+$0x0], $0xffff;
	[tilespmem:s15+$0x8A20] =	vst v11  }
0x5be: {  	v11 =	vld.idx.msk [tilespmem:v5+s28+$0x0], $0xffff;
	[tilespmem:s15+$0x8A30] =	vst v12  }
0x5bf: {  	v12 =	vld.idx.msk [tilespmem:v4+s28+$0x0], $0xffff;
	[tilespmem:s15+$0x8A40] =	vst v13  }
0x5c0: {  	v13 =	vld.idx.msk [tilespmem:v3+s28+$0x0], $0xffff;
	[tilespmem:s15+$0x8A50] =	vst v8  }
0x5c1: {  	v8 =	vld.idx.msk [tilespmem:v1+s28+$0x0], $0xffff;
	[tilespmem:s15+$0x8A60] =	vst v14  }
0x5c2: {  	v14 =	vld.idx.msk [tilespmem:v2+s28+$0x0], $0xffff;
	[tilespmem:s15+$0x8AF0] =	vst v9  }
0x5c3: {  	[tilespmem:s15+$0x8A90] =	vst v10;
	v9 =	vld.idx.msk [tilespmem:v7+s29+$0x0], $0xffff  }
0x5c4: {  	v10 =	vld.idx.msk [tilespmem:v6+s29+$0x0], $0xffff;
	[tilespmem:s15+$0x8AA0] =	vst v11  }
0x5c5: {  	v11 =	vld.idx.msk [tilespmem:v5+s29+$0x0], $0xffff;
	[tilespmem:s15+$0x8AB0] =	vst v12  }
0x5c6: {  	v12 =	vld.idx.msk [tilespmem:v4+s29+$0x0], $0xffff;
	[tilespmem:s15+$0x8AC0] =	vst v13  }
0x5c7: {  	v13 =	vld.idx.msk [tilespmem:v3+s29+$0x0], $0xffff;
	[tilespmem:s15+$0x8AD0] =	vst v8  }
0x5c8: {  	v8 =	vld.idx.msk [tilespmem:v1+s29+$0x0], $0xffff;
	[tilespmem:s15+$0x8AE0] =	vst v14  }
0x5c9: {  	v14 =	vld.idx.msk [tilespmem:v2+s29+$0x0], $0xffff;
	[tilespmem:s15+$0x8B70] =	vst v9  }
0x5ca: {  	[tilespmem:s15+$0x8B10] =	vst v10;
	v9 =	vld.idx.msk [tilespmem:v7+s19+$0x0], $0xffff  }
0x5cb: {  	v10 =	vld.idx.msk [tilespmem:v6+s19+$0x0], $0xffff;
	[tilespmem:s15+$0x8B20] =	vst v11  }
0x5cc: {  	v11 =	vld.idx.msk [tilespmem:v5+s19+$0x0], $0xffff;
	[tilespmem:s15+$0x8B30] =	vst v12  }
0x5cd: {  	v12 =	vld.idx.msk [tilespmem:v4+s19+$0x0], $0xffff;
	[tilespmem:s15+$0x8B40] =	vst v13  }
0x5ce: {  	v13 =	vld.idx.msk [tilespmem:v3+s19+$0x0], $0xffff;
	[tilespmem:s15+$0x8B50] =	vst v8  }
0x5cf: {  	v8 =	vld.idx.msk [tilespmem:v1+s19+$0x0], $0xffff;
	[tilespmem:s15+$0x8B60] =	vst v14  }
0x5d0: {  	v14 =	vld.idx.msk [tilespmem:v2+s19+$0x0], $0xffff;
	[tilespmem:s15+$0x8BF0] =	vst v9  }
0x5d1: {  	[tilespmem:s15+$0x8B90] =	vst v10;
	v9 =	vld.idx.msk [tilespmem:v7+s3+$0x0], $0xffff  }
0x5d2: {  	v10 =	vld.idx.msk [tilespmem:v6+s3+$0x0], $0xffff;
	[tilespmem:s15+$0x8BA0] =	vst v11  }
0x5d3: {  	v11 =	vld.idx.msk [tilespmem:v5+s3+$0x0], $0xffff;
	[tilespmem:s15+$0x8BB0] =	vst v12  }
0x5d4: {  	v12 =	vld.idx.msk [tilespmem:v4+s3+$0x0], $0xffff;
	[tilespmem:s15+$0x8BC0] =	vst v13  }
0x5d5: {  	v13 =	vld.idx.msk [tilespmem:v3+s3+$0x0], $0xffff;
	[tilespmem:s15+$0x8BD0] =	vst v8  }
0x5d6: {  	v8 =	vld.idx.msk [tilespmem:v1+s3+$0x0], $0xffff;
	[tilespmem:s15+$0x8BE0] =	vst v14  }
0x5d7: {  	v14 =	vld.idx.msk [tilespmem:v2+s3+$0x0], $0xffff;
	[tilespmem:s15+$0xA870] =	vst v9  }
0x5d8: {  	[tilespmem:s15+$0xA810] =	vst v10;
	v9 =	vld.idx.msk [tilespmem:v7+s5+$0x0], $0xffff  }
0x5d9: {  	v10 =	vld.idx.msk [tilespmem:v6+s5+$0x0], $0xffff;
	[tilespmem:s15+$0xA820] =	vst v11  }
0x5da: {  	v11 =	vld.idx.msk [tilespmem:v5+s5+$0x0], $0xffff;
	[tilespmem:s15+$0xA830] =	vst v12  }
0x5db: {  	v12 =	vld.idx.msk [tilespmem:v4+s5+$0x0], $0xffff;
	[tilespmem:s15+$0xA840] =	vst v13  }
0x5dc: {  	v13 =	vld.idx.msk [tilespmem:v3+s5+$0x0], $0xffff;
	[tilespmem:s15+$0xA850] =	vst v8  }
0x5dd: {  	v8 =	vld.idx.msk [tilespmem:v1+s5+$0x0], $0xffff;
	[tilespmem:s15+$0xA860] =	vst v14  }
0x5de: {  	v14 =	vld.idx.msk [tilespmem:v2+s5+$0x0], $0xffff;
	[tilespmem:s15+$0xA8F0] =	vst v9  }
0x5df: {  	[tilespmem:s15+$0xA890] =	vst v10;
	v9 =	vld.idx.msk [tilespmem:v7+s17+$0x0], $0xffff  }
0x5e0: {  	v10 =	vld.idx.msk [tilespmem:v6+s17+$0x0], $0xffff;
	[tilespmem:s15+$0xA8A0] =	vst v11  }
0x5e1: {  	v11 =	vld.idx.msk [tilespmem:v5+s17+$0x0], $0xffff;
	[tilespmem:s15+$0xA8B0] =	vst v12  }
0x5e2: {  	v12 =	vld.idx.msk [tilespmem:v4+s17+$0x0], $0xffff;
	[tilespmem:s15+$0xA8C0] =	vst v13  }
0x5e3: {  	v13 =	vld.idx.msk [tilespmem:v3+s17+$0x0], $0xffff;
	[tilespmem:s15+$0xA8D0] =	vst v8  }
0x5e4: {  	v8 =	vld.idx.msk [tilespmem:v1+s17+$0x0], $0xffff;
	[tilespmem:s15+$0xA8E0] =	vst v14  }
0x5e5: {  	v14 =	vld.idx.msk [tilespmem:v2+s17+$0x0], $0xffff;
	[tilespmem:s15+$0xA970] =	vst v9  }
0x5e6: {  	[tilespmem:s15+$0xA910] =	vst v10;
	v9 =	vld.idx.msk [tilespmem:v7+s30+$0x0], $0xffff  }
0x5e7: {  	v10 =	vld.idx.msk [tilespmem:v6+s30+$0x0], $0xffff;
	[tilespmem:s15+$0xA920] =	vst v11  }
0x5e8: {  	v11 =	vld.idx.msk [tilespmem:v5+s30+$0x0], $0xffff;
	[tilespmem:s15+$0xA930] =	vst v12  }
0x5e9: {  	v12 =	vld.idx.msk [tilespmem:v4+s30+$0x0], $0xffff;
	[tilespmem:s15+$0xA940] =	vst v13  }
0x5ea: {  	v13 =	vld.idx.msk [tilespmem:v3+s30+$0x0], $0xffff;
	[tilespmem:s15+$0xA950] =	vst v8  }
0x5eb: {  	v8 =	vld.idx.msk [tilespmem:v1+s30+$0x0], $0xffff;
	[tilespmem:s15+$0xA960] =	vst v14  }
0x5ec: {  	v14 =	vld.idx.msk [tilespmem:v2+s30+$0x0], $0xffff;
	[tilespmem:s15+$0xA9F0] =	vst v9  }
0x5ed: {  	[tilespmem:s15+$0xA990] =	vst v10;
	v9 =	vld.idx.msk [tilespmem:v7+s31+$0x0], $0xffff  }
0x5ee: {  	v10 =	vld.idx.msk [tilespmem:v0+s30+$0x0], $0xffff;
	[tilespmem:s15+$0xA9A0] =	vst v11  }
0x5ef: {  	v11 =	vld.idx.msk [tilespmem:v6+s31+$0x0], $0xffff;
	[tilespmem:s15+$0xA9B0] =	vst v12  }
0x5f0: {  	v12 =	vld.idx.msk [tilespmem:v5+s31+$0x0], $0xffff;
	[tilespmem:s15+$0xA9C0] =	vst v13  }
0x5f1: {  	v13 =	vld.idx.msk [tilespmem:v4+s31+$0x0], $0xffff;
	[tilespmem:s15+$0xA9D0] =	vst v8  }
0x5f2: {  	v8 =	vld.idx.msk [tilespmem:v3+s31+$0x0], $0xffff;
	[tilespmem:s15+$0xA9E0] =	vst v14  }
0x5f3: {  	v14 =	vld.idx.msk [tilespmem:v1+s31+$0x0], $0xffff;
	[tilespmem:s15+$0xAA70] =	vst v9  }
0x5f4: {  	[tilespmem:s15+$0xA980] =	vst v10;
	v9 =	vld.idx.msk [tilespmem:v7+s1+$0x0], $0xffff  }
0x5f5: {  	[tilespmem:s15+$0xAA10] =	vst v11;
	v10 =	vld.idx.msk [tilespmem:v2+s31+$0x0], $0xffff  }
0x5f6: {  	v11 =	vld.idx.msk [tilespmem:v0+s31+$0x0], $0xffff;
	[tilespmem:s15+$0xAA20] =	vst v12  }
0x5f7: {  	v12 =	vld.idx.msk [tilespmem:v6+s1+$0x0], $0xffff;
	[tilespmem:s15+$0xAA30] =	vst v13  }
0x5f8: {  	v13 =	vld.idx.msk [tilespmem:v5+s1+$0x0], $0xffff;
	[tilespmem:s15+$0xAA40] =	vst v8  }
0x5f9: {  	v8 =	vld.idx.msk [tilespmem:v4+s1+$0x0], $0xffff;
	[tilespmem:s15+$0xAA50] =	vst v14  }
0x5fa: {  	v14 =	vld.idx.msk [tilespmem:v3+s1+$0x0], $0xffff;
	[tilespmem:s15+$0xAAF0] =	vst v9  }
0x5fb: {  	[tilespmem:s15+$0xAA60] =	vst v10;
	v9 =	vld.idx.msk [tilespmem:v7+s0+$0x0], $0xffff  }
0x5fc: {  	[tilespmem:s15+$0xAA00] =	vst v11;
	v10 =	vld.idx.msk [tilespmem:v1+s1+$0x0], $0xffff  }
0x5fd: {  	[tilespmem:s15+$0xAA90] =	vst v12;
	v11 =	vld.idx.msk [tilespmem:v2+s1+$0x0], $0xffff  }
0x5fe: {  	v12 =	vld.idx.msk [tilespmem:v0+s1+$0x0], $0xffff;
	[tilespmem:s15+$0xAAA0] =	vst v13  }
0x5ff: {  	v13 =	vld.idx.msk [tilespmem:v6+s0+$0x0], $0xffff;
	[tilespmem:s15+$0xAAB0] =	vst v8  }
0x600: {  	v8 =	vld.idx.msk [tilespmem:v5+s0+$0x0], $0xffff;
	[tilespmem:s15+$0xAAC0] =	vst v14  }
0x601: {  	v14 =	vld.idx.msk [tilespmem:v4+s0+$0x0], $0xffff;
	[tilespmem:s15+$0xAB70] =	vst v9  }
0x602: {  	[tilespmem:s15+$0xAAD0] =	vst v10;
	v9 =	vld.idx.msk [tilespmem:v7+s6+$0x0], $0xffff  }
0x603: {  	v10 =	vld.idx.msk [tilespmem:v3+s0+$0x0], $0xffff;
	[tilespmem:s15+$0xAAE0] =	vst v11  }
0x604: {  	[tilespmem:s15+$0xAA80] =	vst v12;
	v11 =	vld.idx.msk [tilespmem:v1+s0+$0x0], $0xffff  }
0x605: {  	[tilespmem:s15+$0xAB10] =	vst v13;
	v12 =	vld.idx.msk [tilespmem:v2+s0+$0x0], $0xffff  }
0x606: {  	v13 =	vld.idx.msk [tilespmem:v0+s0+$0x0], $0xffff;
	[tilespmem:s15+$0xAB20] =	vst v8  }
0x607: {  	v8 =	vld.idx.msk [tilespmem:v6+s6+$0x0], $0xffff;
	[tilespmem:s15+$0xAB30] =	vst v14  }
0x608: {  	v14 =	vld.idx.msk [tilespmem:v5+s6+$0x0], $0xffff;
	[tilespmem:s15+$0xABF0] =	vst v9  }
0x609: {  	[tilespmem:s15+$0xAB40] =	vst v10;
	v9 =	vld.idx.msk [tilespmem:v7+s7+$0x0], $0xffff  }
0x60a: {  	v10 =	vld.idx.msk [tilespmem:v4+s6+$0x0], $0xffff;
	[tilespmem:s15+$0xAB50] =	vst v11  }
0x60b: {  	v11 =	vld.idx.msk [tilespmem:v3+s6+$0x0], $0xffff;
	[tilespmem:s15+$0xAB60] =	vst v12  }
0x60c: {  	[tilespmem:s15+$0xAB00] =	vst v13;
	v12 =	vld.idx.msk [tilespmem:v1+s6+$0x0], $0xffff  }
0x60d: {  	[tilespmem:s15+$0xAB90] =	vst v8;
	v8 =	vld.idx.msk [tilespmem:v2+s6+$0x0], $0xffff  }
0x60e: {  	v13 =	vld.idx.msk [tilespmem:v0+s6+$0x0], $0xffff;
	[tilespmem:s15+$0xABA0] =	vst v14  }
0x60f: {  	v14 =	vld.idx.msk [tilespmem:v6+s7+$0x0], $0xffff;
	[tilespmem:s15+$0xC870] =	vst v9  }
0x610: {  	[tilespmem:s15+$0xABB0] =	vst v10;
	v9 =	vld.idx.msk [tilespmem:v7+s8+$0x0], $0xffff  }
0x611: {  	v10 =	vld.idx.msk [tilespmem:v5+s7+$0x0], $0xffff;
	[tilespmem:s15+$0xABC0] =	vst v11  }
0x612: {  	v11 =	vld.idx.msk [tilespmem:v4+s7+$0x0], $0xffff;
	[tilespmem:s15+$0xABD0] =	vst v12  }
0x613: {  	v12 =	vld.idx.msk [tilespmem:v3+s7+$0x0], $0xffff;
	[tilespmem:s15+$0xABE0] =	vst v8  }
0x614: {  	[tilespmem:s15+$0xAB80] =	vst v13;
	v8 =	vld.idx.msk [tilespmem:v1+s7+$0x0], $0xffff  }
0x615: {  	[tilespmem:s15+$0xC810] =	vst v14;
	v13 =	vld.idx.msk [tilespmem:v2+s7+$0x0], $0xffff  }
0x616: {  	v14 =	vld.idx.msk [tilespmem:v0+s7+$0x0], $0xffff;
	[tilespmem:s15+$0xC8F0] =	vst v9  }
0x617: {  	[tilespmem:s15+$0xC820] =	vst v10;
	v9 =	vld.idx.msk [tilespmem:v7+s9+$0x0], $0xffff  }
0x618: {  	v10 =	vld.idx.msk [tilespmem:v6+s8+$0x0], $0xffff;
	[tilespmem:s15+$0xC830] =	vst v11  }
0x619: {  	v11 =	vld.idx.msk [tilespmem:v5+s8+$0x0], $0xffff;
	[tilespmem:s15+$0xC840] =	vst v12  }
0x61a: {  	v12 =	vld.idx.msk [tilespmem:v4+s8+$0x0], $0xffff;
	[tilespmem:s15+$0xC850] =	vst v8  }
0x61b: {  	v8 =	vld.idx.msk [tilespmem:v3+s8+$0x0], $0xffff;
	[tilespmem:s15+$0xC860] =	vst v13  }
0x61c: {  	[tilespmem:s15+$0xC800] =	vst v14;
	v13 =	vld.idx.msk [tilespmem:v1+s8+$0x0], $0xffff  }
0x61d: {  	v14 =	vld.idx.msk [tilespmem:v2+s8+$0x0], $0xffff;
	[tilespmem:s15+$0xC970] =	vst v9  }
0x61e: {  	[tilespmem:s15+$0xC890] =	vst v10;
	v9 =	vld.idx.msk [tilespmem:v7+s10+$0x0], $0xffff  }
0x61f: {  	v10 =	vld.idx.msk [tilespmem:v0+s8+$0x0], $0xffff;
	[tilespmem:s15+$0xC8A0] =	vst v11  }
0x620: {  	v11 =	vld.idx.msk [tilespmem:v6+s9+$0x0], $0xffff;
	[tilespmem:s15+$0xC8B0] =	vst v12  }
0x621: {  	v12 =	vld.idx.msk [tilespmem:v5+s9+$0x0], $0xffff;
	[tilespmem:s15+$0xC8C0] =	vst v8  }
0x622: {  	v8 =	vld.idx.msk [tilespmem:v4+s9+$0x0], $0xffff;
	[tilespmem:s15+$0xC8D0] =	vst v13  }
0x623: {  	v13 =	vld.idx.msk [tilespmem:v3+s9+$0x0], $0xffff;
	[tilespmem:s15+$0xC8E0] =	vst v14  }
0x624: {  	v14 =	vld.idx.msk [tilespmem:v1+s9+$0x0], $0xffff;
	[tilespmem:s15+$0xC9F0] =	vst v9  }
0x625: {  	[tilespmem:s15+$0xC880] =	vst v10;
	v9 =	vld.idx.msk [tilespmem:v7+s11+$0x0], $0xffff  }
0x626: {  	[tilespmem:s15+$0xC910] =	vst v11;
	v10 =	vld.idx.msk [tilespmem:v2+s9+$0x0], $0xffff  }
0x627: {  	v11 =	vld.idx.msk [tilespmem:v0+s9+$0x0], $0xffff;
	[tilespmem:s15+$0xC920] =	vst v12  }
0x628: {  	v12 =	vld.idx.msk [tilespmem:v6+s10+$0x0], $0xffff;
	[tilespmem:s15+$0xC930] =	vst v8  }
0x629: {  	v8 =	vld.idx.msk [tilespmem:v5+s10+$0x0], $0xffff;
	[tilespmem:s15+$0xC940] =	vst v13  }
0x62a: {  	v13 =	vld.idx.msk [tilespmem:v4+s10+$0x0], $0xffff;
	[tilespmem:s15+$0xC950] =	vst v14  }
0x62b: {  	v14 =	vld.idx.msk [tilespmem:v3+s10+$0x0], $0xffff;
	[tilespmem:s15+$0xCA70] =	vst v9  }
0x62c: {  	[tilespmem:s15+$0xC960] =	vst v10;
	v9 =	vld.idx.msk [tilespmem:v7+s12+$0x0], $0xffff  }
0x62d: {  	[tilespmem:s15+$0xC900] =	vst v11;
	v10 =	vld.idx.msk [tilespmem:v1+s10+$0x0], $0xffff  }
0x62e: {  	[tilespmem:s15+$0xC990] =	vst v12;
	v11 =	vld.idx.msk [tilespmem:v2+s10+$0x0], $0xffff  }
0x62f: {  	v12 =	vld.idx.msk [tilespmem:v0+s10+$0x0], $0xffff;
	[tilespmem:s15+$0xC9A0] =	vst v8  }
0x630: {  	v8 =	vld.idx.msk [tilespmem:v6+s11+$0x0], $0xffff;
	[tilespmem:s15+$0xC9B0] =	vst v13  }
0x631: {  	v13 =	vld.idx.msk [tilespmem:v5+s11+$0x0], $0xffff;
	[tilespmem:s15+$0xC9C0] =	vst v14  }
0x632: {  	v14 =	vld.idx.msk [tilespmem:v4+s11+$0x0], $0xffff;
	[tilespmem:s15+$0xCAF0] =	vst v9  }
0x633: {  	[tilespmem:s15+$0xC9D0] =	vst v10;
	v9 =	vld.idx.msk [tilespmem:v7+s13+$0x0], $0xffff  }
0x634: {  	v10 =	vld.idx.msk [tilespmem:v3+s11+$0x0], $0xffff;
	[tilespmem:s15+$0xC9E0] =	vst v11  }
0x635: {  	[tilespmem:s15+$0xC980] =	vst v12;
	v11 =	vld.idx.msk [tilespmem:v1+s11+$0x0], $0xffff  }
0x636: {  	[tilespmem:s15+$0xCA10] =	vst v8;
	v8 =	vld.idx.msk [tilespmem:v2+s11+$0x0], $0xffff  }
0x637: {  	v12 =	vld.idx.msk [tilespmem:v0+s11+$0x0], $0xffff;
	[tilespmem:s15+$0xCA20] =	vst v13  }
0x638: {  	v13 =	vld.idx.msk [tilespmem:v6+s12+$0x0], $0xffff;
	[tilespmem:s15+$0xCA30] =	vst v14  }
0x639: {  	v14 =	vld.idx.msk [tilespmem:v5+s12+$0x0], $0xffff;
	[tilespmem:s15+$0xCB70] =	vst v9  }
0x63a: {  	[tilespmem:s15+$0xCA40] =	vst v10;
	v9 =	vld.idx.msk [tilespmem:v7+s2+$0x0], $0xffff  }
0x63b: {  	v10 =	vld.idx.msk [tilespmem:v4+s12+$0x0], $0xffff;
	[tilespmem:s15+$0xCA50] =	vst v11  }
0x63c: {  	v11 =	vld.idx.msk [tilespmem:v3+s12+$0x0], $0xffff;
	[tilespmem:s15+$0xCA60] =	vst v8  }
0x63d: {  	[tilespmem:s15+$0xCA00] =	vst v12;
	v8 =	vld.idx.msk [tilespmem:v1+s12+$0x0], $0xffff  }
0x63e: {  	[tilespmem:s15+$0xCA90] =	vst v13;
	v12 =	vld.idx.msk [tilespmem:v2+s12+$0x0], $0xffff  }
0x63f: {  	v13 =	vld.idx.msk [tilespmem:v0+s12+$0x0], $0xffff;
	[tilespmem:s15+$0xCAA0] =	vst v14  }
0x640: {  	v14 =	vld.idx.msk [tilespmem:v6+s13+$0x0], $0xffff;
	[tilespmem:s15+$0xCBF0] =	vst v9  }
0x641: {  	[tilespmem:s15+$0xCAB0] =	vst v10;
	v15 =	vld.idx.msk [tilespmem:v7+s14+$0x0], $0xffff  }
0x642: {  	v16 =	vld.idx.msk [tilespmem:v5+s13+$0x0], $0xffff;
	[tilespmem:s15+$0xCAC0] =	vst v11  }
0x643: {  	v9 =	vld.idx.msk [tilespmem:v4+s13+$0x0], $0xffff;
	[tilespmem:s15+$0xCAD0] =	vst v8  }
.Ltmp2:
0x644: {  	v8 =	vld.idx.msk [tilespmem:v3+s13+$0x0], $0xffff;
	[tilespmem:s15+$0xCAE0] =	vst v12;
	(pc) =	sbr.rel @p0 .LBB2_7-.Ltmp2, $4  }
0x645: {  	[tilespmem:s15+$0xCA80] =	vst v13;
	v10 =	vld.idx.msk [tilespmem:v1+s13+$0x0], $0xffff  }
0x646: {  	[tilespmem:s15+$0xCB10] =	vst v14;
	v11 =	vld.idx.msk [tilespmem:v2+s13+$0x0], $0xffff  }
0x647: {  	v12 =	vld.idx.msk [tilespmem:v0+s13+$0x0], $0xffff;
	[tilespmem:s15+$0xE870] =	vst v15  }
0x648: {  	s16 =	sadd.s32 $0x8, s16;
	[tilespmem:s15+$0xCB20] =	vst v16;
	v13 =	vld.idx.msk [tilespmem:v7+s4+$0x0], $0xffff  }
0x649: {  	_ =	sdelay $0x2  }
0x64a: {  	[tilespmem:s15+$0xCB30] =	vst v9  }
0x64b: {  	v9 =	vld.idx.msk [tilespmem:v6+s2+$0x0], $0xffff;
	[tilespmem:s15+$0xCB40] =	vst v8  }
0x64c: {  	v8 =	vld.idx.msk [tilespmem:v5+s2+$0x0], $0xffff;
	[tilespmem:s15+$0xCB50] =	vst v10  }
0x64d: {  	v10 =	vld.idx.msk [tilespmem:v4+s2+$0x0], $0xffff;
	[tilespmem:s15+$0xCB60] =	vst v11  }
0x64e: {  	v11 =	vld.idx.msk [tilespmem:v3+s2+$0x0], $0xffff;
	[tilespmem:s15+$0xCB00] =	vst v12  }
0x64f: {  	v12 =	vld.idx.msk [tilespmem:v1+s2+$0x0], $0xffff;
	[tilespmem:s15+$0xE8F0] =	vst v13  }
0x650: {  	s16 =	simm.s32 $0x6800;
	v13 =	vld.idx.msk [tilespmem:v0+s2+$0x0], $0xffff;
	[tilespmem:s15+$0xCB90] =	vst v9  }
0x651: {  	v9 =	vld.idx.msk [tilespmem:v7+s16+$0x0], $0xffff;
	[tilespmem:s15+$0xCBA0] =	vst v8  }
0x652: {  	v8 =	vld.idx.msk [tilespmem:v2+s2+$0x0], $0xffff;
	[tilespmem:s15+$0xCBB0] =	vst v10  }
0x653: {  	v10 =	vld.idx.msk [tilespmem:v6+s14+$0x0], $0xffff;
	[tilespmem:s15+$0xCBC0] =	vst v11  }
0x654: {  	[tilespmem:s15+$0xCBD0] =	vst v12  }
0x655: {  	v11 =	vld.idx.msk [tilespmem:v5+s14+$0x0], $0xffff;
	[tilespmem:s15+$0xCB80] =	vst v13  }
0x656: {  	v12 =	vld.idx.msk [tilespmem:v4+s14+$0x0], $0xffff;
	[tilespmem:s15+$0xE970] =	vst v9  }
0x657: {  	s5 =	simm.s32 $0x6C00;
	[tilespmem:s15+$0xCBE0] =	vst v8;
	v9 =	vld.idx.msk [tilespmem:v3+s14+$0x0], $0xffff  }
0x658: {  	v8 =	vld.idx.msk [tilespmem:v7+s5+$0x0], $0xffff;
	[tilespmem:s15+$0xE810] =	vst v10  }
0x659: {  	v10 =	vld.idx.msk [tilespmem:v1+s14+$0x0], $0xffff  }
0x65a: {  	v13 =	vld.idx.msk [tilespmem:v2+s14+$0x0], $0xffff;
	[tilespmem:s15+$0xE820] =	vst v11  }
0x65b: {  	v11 =	vld.idx.msk [tilespmem:v0+s14+$0x0], $0xffff;
	[tilespmem:s15+$0xE830] =	vst v12  }
0x65c: {  	v12 =	vld.idx.msk [tilespmem:v6+s4+$0x0], $0xffff;
	[tilespmem:s15+$0xE840] =	vst v9  }
0x65d: {  	s3 =	simm.s32 $0x7000;
	v9 =	vld.idx.msk [tilespmem:v5+s4+$0x0], $0xffff;
	[tilespmem:s15+$0xE9F0] =	vst v8  }
0x65e: {  	v8 =	vld.idx.msk [tilespmem:v7+s3+$0x0], $0xffff;
	[tilespmem:s15+$0xE850] =	vst v10  }
0x65f: {  	v10 =	vld.idx.msk [tilespmem:v4+s4+$0x0], $0xffff;
	[tilespmem:s15+$0xE860] =	vst v13  }
0x660: {  	v13 =	vld.idx.msk [tilespmem:v3+s4+$0x0], $0xffff;
	[tilespmem:s15+$0xE800] =	vst v11  }
0x661: {  	[tilespmem:s15+$0xE890] =	vst v12;
	v11 =	vld.idx.msk [tilespmem:v1+s4+$0x0], $0xffff  }
0x662: {  	v12 =	vld.idx.msk [tilespmem:v2+s4+$0x0], $0xffff;
	[tilespmem:s15+$0xE8A0] =	vst v9  }
0x663: {  	v9 =	vld.idx.msk [tilespmem:v0+s4+$0x0], $0xffff;
	[tilespmem:s15+$0xEA70] =	vst v8  }
0x664: {  	[tilespmem:s15+$0xE8B0] =	vst v10;
	v10 =	vld.idx.msk [tilespmem:v6+s16+$0x0], $0xffff  }
0x665: {  	[tilespmem:s15+$0xE8C0] =	vst v13;
	v8 =	vld.idx.msk [tilespmem:v7+s20+$0x0], $0xffff  }
0x666: {  	v13 =	vld.idx.msk [tilespmem:v5+s16+$0x0], $0xffff;
	[tilespmem:s15+$0xE8D0] =	vst v11  }
0x667: {  	v11 =	vld.idx.msk [tilespmem:v4+s16+$0x0], $0xffff;
	[tilespmem:s15+$0xE8E0] =	vst v12  }
0x668: {  	v12 =	vld.idx.msk [tilespmem:v3+s16+$0x0], $0xffff;
	[tilespmem:s15+$0xE880] =	vst v9  }
0x669: {  	v9 =	vld.idx.msk [tilespmem:v1+s16+$0x0], $0xffff;
	[tilespmem:s15+$0xE910] =	vst v10  }
0x66a: {  	v10 =	vld.idx.msk [tilespmem:v2+s16+$0x0], $0xffff;
	[tilespmem:s15+$0xEAF0] =	vst v8  }
0x66b: {  	[tilespmem:s15+$0xE920] =	vst v13;
	v8 =	vld.idx.msk [tilespmem:v7+s21+$0x0], $0xffff  }
0x66c: {  	v13 =	vld.idx.msk [tilespmem:v0+s16+$0x0], $0xffff;
	[tilespmem:s15+$0xE930] =	vst v11  }
0x66d: {  	v11 =	vld.idx.msk [tilespmem:v6+s5+$0x0], $0xffff;
	[tilespmem:s15+$0xE940] =	vst v12  }
0x66e: {  	v12 =	vld.idx.msk [tilespmem:v5+s5+$0x0], $0xffff;
	[tilespmem:s15+$0xE950] =	vst v9  }
0x66f: {  	v9 =	vld.idx.msk [tilespmem:v3+s5+$0x0], $0xffff;
	[tilespmem:s15+$0xE960] =	vst v10  }
0x670: {  	[tilespmem:s15+$0xEB70] =	vst v8;
	v8 =	vld.idx.msk [tilespmem:v4+s5+$0x0], $0xffff  }
0x671: {  	[tilespmem:s15+$0xE900] =	vst v13;
	v7 =	vld.idx.msk [tilespmem:v7+s22+$0x0], $0xffff  }
0x672: {  	v10 =	vld.idx.msk [tilespmem:v1+s5+$0x0], $0xffff;
	[tilespmem:s15+$0xE990] =	vst v11  }
0x673: {  	[tilespmem:s15+$0xE9A0] =	vst v12;
	v12 =	vld.idx.msk [tilespmem:v0+s5+$0x0], $0xffff  }
0x674: {  	v11 =	vld.idx.msk [tilespmem:v2+s5+$0x0], $0xffff;
	[tilespmem:s15+$0xE9C0] =	vst v9  }
0x675: {  	[tilespmem:s15+$0xE9B0] =	vst v8;
	v8 =	vld.idx.msk [tilespmem:v5+s3+$0x0], $0xffff  }
0x676: {  	[tilespmem:s15+$0xEBF0] =	vst v7;
	v7 =	vld.idx.msk [tilespmem:v6+s3+$0x0], $0xffff  }
0x677: {  	[tilespmem:s15+$0xE9D0] =	vst v10;
	v9 =	vld.idx.msk [tilespmem:v4+s3+$0x0], $0xffff  }
0x678: {  	v10 =	vld.idx.msk [tilespmem:v3+s3+$0x0], $0xffff;
	[tilespmem:s15+$0xE980] =	vst v12  }
0x679: {  	[tilespmem:s15+$0xE9E0] =	vst v11;
	v12 =	vld.idx.msk [tilespmem:v0+s3+$0x0], $0xffff  }
0x67a: {  	v11 =	vld.idx.msk [tilespmem:v1+s3+$0x0], $0xffff;
	[tilespmem:s15+$0xEA20] =	vst v8  }
0x67b: {  	[tilespmem:s15+$0xEA10] =	vst v7;
	v7 =	vld.idx.msk [tilespmem:v2+s3+$0x0], $0xffff  }
0x67c: {  	[tilespmem:s15+$0xEA30] =	vst v9;
	v9 =	vld.idx.msk [tilespmem:v5+s20+$0x0], $0xffff  }
0x67d: {  	[tilespmem:s15+$0xEA40] =	vst v10;
	v8 =	vld.idx.msk [tilespmem:v6+s20+$0x0], $0xffff  }
0x67e: {  	[tilespmem:s15+$0xEA00] =	vst v12;
	v10 =	vld.idx.msk [tilespmem:v4+s20+$0x0], $0xffff  }
0x67f: {  	[tilespmem:s15+$0xEA50] =	vst v11;
	v12 =	vld.idx.msk [tilespmem:v0+s20+$0x0], $0xffff  }
0x680: {  	v11 =	vld.idx.msk [tilespmem:v3+s20+$0x0], $0xffff;
	[tilespmem:s15+$0xEA60] =	vst v7  }
0x681: {  	v7 =	vld.idx.msk [tilespmem:v1+s20+$0x0], $0xffff;
	[tilespmem:s15+$0xEAA0] =	vst v9  }
0x682: {  	[tilespmem:s15+$0xEA90] =	vst v8;
	v8 =	vld.idx.msk [tilespmem:v2+s20+$0x0], $0xffff  }
0x683: {  	[tilespmem:s15+$0xEAB0] =	vst v10;
	v10 =	vld.idx.msk [tilespmem:v5+s21+$0x0], $0xffff  }
0x684: {  	[tilespmem:s15+$0xEA80] =	vst v12;
	v9 =	vld.idx.msk [tilespmem:v6+s21+$0x0], $0xffff  }
0x685: {  	[tilespmem:s15+$0xEAC0] =	vst v11;
	v12 =	vld.idx.msk [tilespmem:v0+s21+$0x0], $0xffff  }
0x686: {  	v11 =	vld.idx.msk [tilespmem:v4+s21+$0x0], $0xffff;
	[tilespmem:s15+$0xEAD0] =	vst v7  }
0x687: {  	v7 =	vld.idx.msk [tilespmem:v3+s21+$0x0], $0xffff;
	[tilespmem:s15+$0xEAE0] =	vst v8  }
0x688: {  	v8 =	vld.idx.msk [tilespmem:v1+s21+$0x0], $0xffff;
	[tilespmem:s15+$0xEB20] =	vst v10  }
0x689: {  	[tilespmem:s15+$0xEB10] =	vst v9;
	v9 =	vld.idx.msk [tilespmem:v2+s21+$0x0], $0xffff  }
0x68a: {  	[tilespmem:s15+$0xEB00] =	vst v12;
	v5 =	vld.idx.msk [tilespmem:v5+s22+$0x0], $0xffff  }
0x68b: {  	[tilespmem:s15+$0xEB30] =	vst v11;
	v6 =	vld.idx.msk [tilespmem:v6+s22+$0x0], $0xffff  }
0x68c: {  	v4 =	vld.idx.msk [tilespmem:v4+s22+$0x0], $0xffff;
	[tilespmem:s15+$0xEB40] =	vst v7  }
0x68d: {  	[tilespmem:s15+$0xEB50] =	vst v8;
	v3 =	vld.idx.msk [tilespmem:v3+s22+$0x0], $0xffff  }
0x68e: {  	[tilespmem:s15+$0xEB60] =	vst v9;
	v1 =	vld.idx.msk [tilespmem:v1+s22+$0x0], $0xffff  }
0x68f: {  	[tilespmem:s15+$0xEBA0] =	vst v5  }
0x690: {  	[tilespmem:s15+$0xEB90] =	vst v6  }
0x691: {  	v2 =	vld.idx.msk [tilespmem:v2+s22+$0x0], $0xffff;
	[tilespmem:s15+$0xEBB0] =	vst v4  }
0x692: {  	v0 =	vld.idx.msk [tilespmem:v0+s22+$0x0], $0xffff;
	s17 =	rddreg [dreg:$0xc];
	[tilespmem:s15+$0xEBC0] =	vst v3  }
0x693: {  	s16 =	smul.u32 $0x1F4000, s17;
	[tilespmem:s15+$0xEBD0] =	vst v1  }
0x694: {  	s17 =	rddreg [dreg:$0x4]  }
0x695: {  	s16 =	sadd.s32 s17, s16  }
0x696: {  	s23 =	simm.s32 $0x0;
	s19 =	rddreg [dreg:$0x1];
	[tilespmem:s15+$0xEBE0] =	vst v2;
	s16 =	sshrl.u32 s16, $0x3  }
0x697: {  	s24 =	simm.s32 $0x8800;
	s25 =	simm.s32 $0x2;
	[tilespmem:s15+$0xEB80] =	vst v0;
	s15 =	sadd.s32 s19, s16  }
0x698: {  	[hbm4b:s15+s23] =	stream.linear.scatter [tilespmem:s24], [sflag:$0x1], $0x8000, $0x38;
	[tilespmem:$0x18800] =	vst v63  }
0x699: {  	_ =	swait.ge [sflag:s25], $0x8000  }
0x69a: {  	[sflag:s25] =	ssyncset.done $0x0  }
0x69b: {  	s26 =	simm.s32 $0x4;
	[sflag:s25] =	ssyncadd.s32 $0xFFFF8000  }
0x69c: {  	_ =	swait.ge [sflag:s26], $0x400  }
0x69d: {  	s28 =	simm.s32 $0x0;
	[sflag:s26] =	ssyncset.done $0x0  }
0x69e: {  	s29 =	sand.u32 $0x3FFFFFF0, s28;
	[sflag:s26] =	ssyncadd.s32 $0xFFFFFC00  }
0x69f: {  	v0 =	vld [tilespmem:s29+$0x8400];
	_ =	sdelay $0x1  }
0x6a0: {  	v7 =	vld [tilespmem:s29+$0x8470];
	_ =	sdelay $0x5  }
0x6a1: {  	v1 =	vld.idx.msk [tilespmem:v0+s18+$0x0], $0xffff;
	_ =	sdelay $0x1  }
0x6a2: {  	v9 =	vld.idx.msk [tilespmem:v7+s18+$0x0], $0xffff  }
0x6a3: {  	s28 =	simm.s32 $0x0  }
0x6a4: {  	s15 =	sand.u32 $0x3FFFFF80, s28  }
0x6a5: {  	s17 =	simm.s32 $0x400;
	[tilespmem:s15+$0x10800] =	vst v1  }
0x6a6: {  	v1 =	vld.idx.msk [tilespmem:v0+s17+$0x0], $0xffff  }
0x6a7: {  	[tilespmem:s15+$0x10870] =	vst v9  }
0x6a8: {  	v9 =	vld.idx.msk [tilespmem:v7+s17+$0x0], $0xffff;
	_ =	sdelay $0x2  }
0x6a9: {  	s23 =	simm.s32 $0x800;
	[tilespmem:s15+$0x10880] =	vst v1  }
0x6aa: {  	v1 =	vld.idx.msk [tilespmem:v0+s23+$0x0], $0xffff  }
0x6ab: {  	[tilespmem:s15+$0x108F0] =	vst v9  }
0x6ac: {  	v9 =	vld.idx.msk [tilespmem:v7+s23+$0x0], $0xffff;
	_ =	sdelay $0x2  }
0x6ad: {  	s24 =	simm.s32 $0xC00;
	v6 =	vld [tilespmem:s29+$0x8410];
	[tilespmem:s15+$0x10900] =	vst v1  }
0x6ae: {  	v1 =	vld.idx.msk [tilespmem:v0+s24+$0x0], $0xffff  }
0x6af: {  	v5 =	vld [tilespmem:s29+$0x8420];
	[tilespmem:s15+$0x10970] =	vst v9  }
0x6b0: {  	v9 =	vld.idx.msk [tilespmem:v7+s24+$0x0], $0xffff  }
0x6b1: {  	v4 =	vld [tilespmem:s29+$0x8430];
	_ =	sdelay $0x1  }
0x6b2: {  	s25 =	simm.s32 $0x1000;
	v3 =	vld [tilespmem:s29+$0x8440];
	[tilespmem:s15+$0x10980] =	vst v1  }
0x6b3: {  	v1 =	vld.idx.msk [tilespmem:v0+s25+$0x0], $0xffff  }
0x6b4: {  	[tilespmem:s15+$0x109F0] =	vst v9  }
0x6b5: {  	v9 =	vld.idx.msk [tilespmem:v7+s25+$0x0], $0xffff  }
0x6b6: {  	v10 =	vld.idx.msk [tilespmem:v6+s18+$0x0], $0xffff  }
0x6b7: {  	v11 =	vld.idx.msk [tilespmem:v5+s18+$0x0], $0xffff  }
0x6b8: {  	s26 =	simm.s32 $0x1400;
	v12 =	vld.idx.msk [tilespmem:v4+s18+$0x0], $0xffff;
	[tilespmem:s15+$0x10A00] =	vst v1  }
0x6b9: {  	v1 =	vld.idx.msk [tilespmem:v0+s26+$0x0], $0xffff  }
0x6ba: {  	v13 =	vld.idx.msk [tilespmem:v3+s18+$0x0], $0xffff;
	[tilespmem:s15+$0x10A70] =	vst v9  }
0x6bb: {  	[tilespmem:s15+$0x10810] =	vst v10;
	v9 =	vld.idx.msk [tilespmem:v7+s26+$0x0], $0xffff  }
0x6bc: {  	[tilespmem:s15+$0x10820] =	vst v11;
	v10 =	vld.idx.msk [tilespmem:v6+s17+$0x0], $0xffff  }
0x6bd: {  	[tilespmem:s15+$0x10830] =	vst v12;
	v11 =	vld.idx.msk [tilespmem:v5+s17+$0x0], $0xffff  }
0x6be: {  	s28 =	simm.s32 $0x1800;
	v12 =	vld.idx.msk [tilespmem:v4+s17+$0x0], $0xffff;
	[tilespmem:s15+$0x10A80] =	vst v1  }
0x6bf: {  	[tilespmem:s15+$0x10840] =	vst v13;
	v1 =	vld.idx.msk [tilespmem:v0+s28+$0x0], $0xffff  }
0x6c0: {  	v13 =	vld.idx.msk [tilespmem:v3+s17+$0x0], $0xffff;
	[tilespmem:s15+$0x10AF0] =	vst v9  }
0x6c1: {  	[tilespmem:s15+$0x10890] =	vst v10;
	v9 =	vld.idx.msk [tilespmem:v7+s28+$0x0], $0xffff  }
0x6c2: {  	[tilespmem:s15+$0x108A0] =	vst v11;
	v10 =	vld.idx.msk [tilespmem:v6+s23+$0x0], $0xffff  }
0x6c3: {  	[tilespmem:s15+$0x108B0] =	vst v12;
	v11 =	vld.idx.msk [tilespmem:v5+s23+$0x0], $0xffff  }
0x6c4: {  	s19 =	simm.s32 $0x1C00;
	v12 =	vld.idx.msk [tilespmem:v4+s23+$0x0], $0xffff;
	[tilespmem:s15+$0x10B00] =	vst v1  }
0x6c5: {  	[tilespmem:s15+$0x108C0] =	vst v13;
	v1 =	vld.idx.msk [tilespmem:v0+s19+$0x0], $0xffff  }
0x6c6: {  	v13 =	vld.idx.msk [tilespmem:v3+s23+$0x0], $0xffff;
	[tilespmem:s15+$0x10B70] =	vst v9  }
0x6c7: {  	[tilespmem:s15+$0x10910] =	vst v10;
	v9 =	vld.idx.msk [tilespmem:v7+s19+$0x0], $0xffff  }
0x6c8: {  	[tilespmem:s15+$0x10920] =	vst v11;
	v10 =	vld.idx.msk [tilespmem:v6+s24+$0x0], $0xffff  }
0x6c9: {  	[tilespmem:s15+$0x10930] =	vst v12;
	v11 =	vld.idx.msk [tilespmem:v5+s24+$0x0], $0xffff  }
0x6ca: {  	s3 =	simm.s32 $0x2000;
	v12 =	vld.idx.msk [tilespmem:v4+s24+$0x0], $0xffff;
	[tilespmem:s15+$0x10B80] =	vst v1  }
0x6cb: {  	[tilespmem:s15+$0x10940] =	vst v13;
	v1 =	vld.idx.msk [tilespmem:v0+s3+$0x0], $0xffff  }
0x6cc: {  	v13 =	vld.idx.msk [tilespmem:v3+s24+$0x0], $0xffff;
	[tilespmem:s15+$0x10BF0] =	vst v9  }
0x6cd: {  	[tilespmem:s15+$0x10990] =	vst v10;
	v9 =	vld.idx.msk [tilespmem:v7+s3+$0x0], $0xffff  }
0x6ce: {  	[tilespmem:s15+$0x109A0] =	vst v11;
	v10 =	vld.idx.msk [tilespmem:v6+s25+$0x0], $0xffff  }
0x6cf: {  	[tilespmem:s15+$0x109B0] =	vst v12;
	v11 =	vld.idx.msk [tilespmem:v5+s25+$0x0], $0xffff  }
0x6d0: {  	s5 =	simm.s32 $0x2400;
	v12 =	vld.idx.msk [tilespmem:v4+s25+$0x0], $0xffff;
	[tilespmem:s15+$0x12800] =	vst v1  }
0x6d1: {  	[tilespmem:s15+$0x109C0] =	vst v13;
	v2 =	vld.idx.msk [tilespmem:v0+s5+$0x0], $0xffff  }
0x6d2: {  	v13 =	vld.idx.msk [tilespmem:v3+s25+$0x0], $0xffff;
	[tilespmem:s15+$0x12870] =	vst v9  }
0x6d3: {  	[tilespmem:s15+$0x10A10] =	vst v10;
	v9 =	vld.idx.msk [tilespmem:v7+s5+$0x0], $0xffff  }
0x6d4: {  	v10 =	vld.idx.msk [tilespmem:v6+s26+$0x0], $0xffff  }
0x6d5: {  	[tilespmem:s15+$0x10A20] =	vst v11;
	v1 =	vld [tilespmem:s29+$0x8450]  }
0x6d6: {  	[tilespmem:s15+$0x12880] =	vst v2;
	v2 =	vld [tilespmem:s29+$0x8460]  }
0x6d7: {  	v11 =	vld.idx.msk [tilespmem:v5+s26+$0x0], $0xffff;
	s29 =	simm.s32 $0x2800  }
0x6d8: {  	[tilespmem:s15+$0x128F0] =	vst v9;
	v8 =	vld.idx.msk [tilespmem:v0+s29+$0x0], $0xffff  }
0x6d9: {  	[tilespmem:s15+$0x10A30] =	vst v12;
	v9 =	vld.idx.msk [tilespmem:v7+s29+$0x0], $0xffff  }
0x6da: {  	[tilespmem:s15+$0x10A40] =	vst v13;
	v12 =	vld.idx.msk [tilespmem:v4+s26+$0x0], $0xffff  }
0x6db: {  	v13 =	vld.idx.msk [tilespmem:v3+s26+$0x0], $0xffff;
	[tilespmem:s15+$0x10A90] =	vst v10  }
0x6dc: {  	[tilespmem:s15+$0x10AA0] =	vst v11;
	v10 =	vld.idx.msk [tilespmem:v6+s28+$0x0], $0xffff  }
0x6dd: {  	[tilespmem:s15+$0x12900] =	vst v8;
	v8 =	vld.idx.msk [tilespmem:v1+s18+$0x0], $0xffff  }
0x6de: {  	[tilespmem:s15+$0x12970] =	vst v9;
	v14 =	vld.idx.msk [tilespmem:v2+s18+$0x0], $0xffff  }
0x6df: {  	[tilespmem:s15+$0x10AB0] =	vst v12;
	v9 =	vld.idx.msk [tilespmem:v7+s30+$0x0], $0xffff  }
0x6e0: {  	[tilespmem:s15+$0x10AC0] =	vst v13;
	v11 =	vld.idx.msk [tilespmem:v5+s28+$0x0], $0xffff  }
0x6e1: {  	v12 =	vld.idx.msk [tilespmem:v4+s28+$0x0], $0xffff;
	[tilespmem:s15+$0x10B10] =	vst v10  }
0x6e2: {  	v13 =	vld.idx.msk [tilespmem:v3+s28+$0x0], $0xffff;
	[tilespmem:s15+$0x10850] =	vst v8  }
0x6e3: {  	v8 =	vld.idx.msk [tilespmem:v1+s17+$0x0], $0xffff;
	[tilespmem:s15+$0x10860] =	vst v14  }
0x6e4: {  	[tilespmem:s15+$0x129F0] =	vst v9;
	v14 =	vld.idx.msk [tilespmem:v2+s17+$0x0], $0xffff  }
0x6e5: {  	[tilespmem:s15+$0x10B20] =	vst v11;
	v9 =	vld.idx.msk [tilespmem:v7+s31+$0x0], $0xffff  }
0x6e6: {  	[tilespmem:s15+$0x10B30] =	vst v12;
	v10 =	vld.idx.msk [tilespmem:v6+s19+$0x0], $0xffff  }
0x6e7: {  	[tilespmem:s15+$0x10B40] =	vst v13;
	v11 =	vld.idx.msk [tilespmem:v5+s19+$0x0], $0xffff  }
0x6e8: {  	v12 =	vld.idx.msk [tilespmem:v4+s19+$0x0], $0xffff;
	[tilespmem:s15+$0x108D0] =	vst v8  }
0x6e9: {  	v8 =	vld.idx.msk [tilespmem:v1+s23+$0x0], $0xffff;
	[tilespmem:s15+$0x108E0] =	vst v14  }
0x6ea: {  	[tilespmem:s15+$0x12A70] =	vst v9;
	v14 =	vld.idx.msk [tilespmem:v2+s23+$0x0], $0xffff  }
0x6eb: {  	[tilespmem:s15+$0x10B90] =	vst v10;
	v9 =	vld.idx.msk [tilespmem:v7+s1+$0x0], $0xffff  }
0x6ec: {  	v13 =	vld.idx.msk [tilespmem:v3+s19+$0x0], $0xffff;
	[tilespmem:s15+$0x10BA0] =	vst v11  }
0x6ed: {  	[tilespmem:s15+$0x10BB0] =	vst v12;
	v10 =	vld.idx.msk [tilespmem:v6+s3+$0x0], $0xffff  }
0x6ee: {  	v11 =	vld.idx.msk [tilespmem:v5+s3+$0x0], $0xffff;
	[tilespmem:s15+$0x10950] =	vst v8  }
0x6ef: {  	v8 =	vld.idx.msk [tilespmem:v1+s24+$0x0], $0xffff;
	[tilespmem:s15+$0x10960] =	vst v14  }
0x6f0: {  	[tilespmem:s15+$0x12AF0] =	vst v9;
	v14 =	vld.idx.msk [tilespmem:v2+s24+$0x0], $0xffff  }
0x6f1: {  	[tilespmem:s15+$0x10BC0] =	vst v13;
	v9 =	vld.idx.msk [tilespmem:v7+s0+$0x0], $0xffff  }
0x6f2: {  	v12 =	vld.idx.msk [tilespmem:v4+s3+$0x0], $0xffff;
	[tilespmem:s15+$0x12810] =	vst v10  }
0x6f3: {  	v13 =	vld.idx.msk [tilespmem:v3+s3+$0x0], $0xffff;
	[tilespmem:s15+$0x12820] =	vst v11  }
0x6f4: {  	v10 =	vld.idx.msk [tilespmem:v6+s5+$0x0], $0xffff;
	[tilespmem:s15+$0x109D0] =	vst v8  }
0x6f5: {  	v8 =	vld.idx.msk [tilespmem:v1+s25+$0x0], $0xffff;
	[tilespmem:s15+$0x109E0] =	vst v14  }
0x6f6: {  	[tilespmem:s15+$0x12B70] =	vst v9;
	v14 =	vld.idx.msk [tilespmem:v2+s25+$0x0], $0xffff  }
0x6f7: {  	[tilespmem:s15+$0x12830] =	vst v12;
	v9 =	vld.idx.msk [tilespmem:v7+s6+$0x0], $0xffff  }
0x6f8: {  	[tilespmem:s15+$0x12840] =	vst v13;
	v11 =	vld.idx.msk [tilespmem:v5+s5+$0x0], $0xffff  }
0x6f9: {  	v12 =	vld.idx.msk [tilespmem:v4+s5+$0x0], $0xffff;
	[tilespmem:s15+$0x12890] =	vst v10  }
0x6fa: {  	v13 =	vld.idx.msk [tilespmem:v3+s5+$0x0], $0xffff;
	[tilespmem:s15+$0x10A50] =	vst v8  }
0x6fb: {  	v8 =	vld.idx.msk [tilespmem:v1+s26+$0x0], $0xffff;
	[tilespmem:s15+$0x10A60] =	vst v14  }
0x6fc: {  	[tilespmem:s15+$0x12BF0] =	vst v9;
	v14 =	vld.idx.msk [tilespmem:v2+s26+$0x0], $0xffff  }
0x6fd: {  	[tilespmem:s15+$0x128A0] =	vst v11;
	v9 =	vld.idx.msk [tilespmem:v7+s7+$0x0], $0xffff  }
0x6fe: {  	[tilespmem:s15+$0x128B0] =	vst v12;
	v10 =	vld.idx.msk [tilespmem:v6+s29+$0x0], $0xffff  }
0x6ff: {  	[tilespmem:s15+$0x128C0] =	vst v13;
	v11 =	vld.idx.msk [tilespmem:v5+s29+$0x0], $0xffff  }
0x700: {  	v12 =	vld.idx.msk [tilespmem:v4+s29+$0x0], $0xffff;
	[tilespmem:s15+$0x10AD0] =	vst v8  }
0x701: {  	v8 =	vld.idx.msk [tilespmem:v1+s28+$0x0], $0xffff;
	[tilespmem:s15+$0x10AE0] =	vst v14  }
0x702: {  	[tilespmem:s15+$0x14870] =	vst v9;
	v14 =	vld.idx.msk [tilespmem:v2+s28+$0x0], $0xffff  }
0x703: {  	[tilespmem:s15+$0x12910] =	vst v10;
	v9 =	vld.idx.msk [tilespmem:v7+s8+$0x0], $0xffff  }
0x704: {  	v13 =	vld.idx.msk [tilespmem:v3+s29+$0x0], $0xffff;
	[tilespmem:s15+$0x12920] =	vst v11  }
0x705: {  	[tilespmem:s15+$0x12930] =	vst v12;
	v10 =	vld.idx.msk [tilespmem:v6+s30+$0x0], $0xffff  }
0x706: {  	v11 =	vld.idx.msk [tilespmem:v5+s30+$0x0], $0xffff;
	[tilespmem:s15+$0x10B50] =	vst v8  }
0x707: {  	v8 =	vld.idx.msk [tilespmem:v1+s19+$0x0], $0xffff;
	[tilespmem:s15+$0x10B60] =	vst v14  }
0x708: {  	[tilespmem:s15+$0x148F0] =	vst v9;
	v14 =	vld.idx.msk [tilespmem:v2+s19+$0x0], $0xffff  }
0x709: {  	[tilespmem:s15+$0x12940] =	vst v13;
	v9 =	vld.idx.msk [tilespmem:v7+s9+$0x0], $0xffff  }
0x70a: {  	v12 =	vld.idx.msk [tilespmem:v4+s30+$0x0], $0xffff;
	[tilespmem:s15+$0x12990] =	vst v10  }
0x70b: {  	v13 =	vld.idx.msk [tilespmem:v3+s30+$0x0], $0xffff;
	[tilespmem:s15+$0x129A0] =	vst v11  }
0x70c: {  	v10 =	vld.idx.msk [tilespmem:v0+s30+$0x0], $0xffff;
	[tilespmem:s15+$0x10BD0] =	vst v8  }
0x70d: {  	v8 =	vld.idx.msk [tilespmem:v1+s3+$0x0], $0xffff;
	[tilespmem:s15+$0x10BE0] =	vst v14  }
0x70e: {  	[tilespmem:s15+$0x14970] =	vst v9;
	v14 =	vld.idx.msk [tilespmem:v2+s3+$0x0], $0xffff  }
0x70f: {  	[tilespmem:s15+$0x129B0] =	vst v12;
	v9 =	vld.idx.msk [tilespmem:v7+s10+$0x0], $0xffff  }
0x710: {  	[tilespmem:s15+$0x129C0] =	vst v13;
	v11 =	vld.idx.msk [tilespmem:v6+s31+$0x0], $0xffff  }
0x711: {  	v12 =	vld.idx.msk [tilespmem:v5+s31+$0x0], $0xffff;
	[tilespmem:s15+$0x12980] =	vst v10  }
0x712: {  	v13 =	vld.idx.msk [tilespmem:v4+s31+$0x0], $0xffff;
	[tilespmem:s15+$0x12850] =	vst v8  }
0x713: {  	v8 =	vld.idx.msk [tilespmem:v1+s5+$0x0], $0xffff;
	[tilespmem:s15+$0x12860] =	vst v14  }
0x714: {  	[tilespmem:s15+$0x149F0] =	vst v9;
	v14 =	vld.idx.msk [tilespmem:v2+s5+$0x0], $0xffff  }
0x715: {  	[tilespmem:s15+$0x12A10] =	vst v11;
	v9 =	vld.idx.msk [tilespmem:v7+s11+$0x0], $0xffff  }
0x716: {  	v11 =	vld.idx.msk [tilespmem:v0+s31+$0x0], $0xffff;
	[tilespmem:s15+$0x12A20] =	vst v12  }
0x717: {  	[tilespmem:s15+$0x12A30] =	vst v13;
	v12 =	vld.idx.msk [tilespmem:v6+s1+$0x0], $0xffff  }
0x718: {  	v13 =	vld.idx.msk [tilespmem:v5+s1+$0x0], $0xffff;
	[tilespmem:s15+$0x128D0] =	vst v8  }
0x719: {  	v8 =	vld.idx.msk [tilespmem:v1+s29+$0x0], $0xffff;
	[tilespmem:s15+$0x128E0] =	vst v14  }
0x71a: {  	[tilespmem:s15+$0x14A70] =	vst v9;
	v14 =	vld.idx.msk [tilespmem:v2+s29+$0x0], $0xffff  }
0x71b: {  	[tilespmem:s15+$0x12A00] =	vst v11;
	v9 =	vld.idx.msk [tilespmem:v7+s12+$0x0], $0xffff  }
0x71c: {  	[tilespmem:s15+$0x12A90] =	vst v12;
	v12 =	vld.idx.msk [tilespmem:v0+s1+$0x0], $0xffff  }
0x71d: {  	[tilespmem:s15+$0x12AA0] =	vst v13;
	v13 =	vld.idx.msk [tilespmem:v6+s0+$0x0], $0xffff  }
0x71e: {  	[tilespmem:s15+$0x12950] =	vst v8  }
0x71f: {  	v8 =	vld.idx.msk [tilespmem:v1+s30+$0x0], $0xffff;
	[tilespmem:s15+$0x12960] =	vst v14  }
0x720: {  	[tilespmem:s15+$0x14AF0] =	vst v9;
	v14 =	vld.idx.msk [tilespmem:v2+s30+$0x0], $0xffff  }
0x721: {  	[tilespmem:s15+$0x12A80] =	vst v12;
	v9 =	vld.idx.msk [tilespmem:v7+s13+$0x0], $0xffff  }
0x722: {  	[tilespmem:s15+$0x12B10] =	vst v13;
	v13 =	vld.idx.msk [tilespmem:v0+s0+$0x0], $0xffff;
	_ =	sdelay $0x1  }
0x723: {  	[tilespmem:s15+$0x129D0] =	vst v8;
	v8 =	vld.idx.msk [tilespmem:v3+s31+$0x0], $0xffff  }
0x724: {  	[tilespmem:s15+$0x129E0] =	vst v14;
	v14 =	vld.idx.msk [tilespmem:v1+s31+$0x0], $0xffff  }
0x725: {  	[tilespmem:s15+$0x14B70] =	vst v9;
	v10 =	vld.idx.msk [tilespmem:v2+s31+$0x0], $0xffff  }
0x726: {  	[tilespmem:s15+$0x12B00] =	vst v13;
	v9 =	vld.idx.msk [tilespmem:v7+s2+$0x0], $0xffff  }
0x727: {  	v13 =	vld.idx.msk [tilespmem:v0+s6+$0x0], $0xffff  }
0x728: {  	[tilespmem:s15+$0x12A40] =	vst v8;
	v8 =	vld.idx.msk [tilespmem:v4+s1+$0x0], $0xffff  }
0x729: {  	[tilespmem:s15+$0x12A50] =	vst v14;
	v14 =	vld.idx.msk [tilespmem:v3+s1+$0x0], $0xffff  }
0x72a: {  	[tilespmem:s15+$0x12A60] =	vst v10;
	v10 =	vld.idx.msk [tilespmem:v1+s1+$0x0], $0xffff  }
0x72b: {  	[tilespmem:s15+$0x14BF0] =	vst v9;
	v11 =	vld.idx.msk [tilespmem:v2+s1+$0x0], $0xffff  }
0x72c: {  	v15 =	vld.idx.msk [tilespmem:v7+s14+$0x0], $0xffff  }
0x72d: {  	[tilespmem:s15+$0x12AB0] =	vst v8;
	v8 =	vld.idx.msk [tilespmem:v5+s0+$0x0], $0xffff  }
0x72e: {  	[tilespmem:s15+$0x12AC0] =	vst v14;
	v14 =	vld.idx.msk [tilespmem:v4+s0+$0x0], $0xffff  }
0x72f: {  	[tilespmem:s15+$0x12AD0] =	vst v10;
	v10 =	vld.idx.msk [tilespmem:v3+s0+$0x0], $0xffff  }
0x730: {  	[tilespmem:s15+$0x12AE0] =	vst v11;
	v11 =	vld.idx.msk [tilespmem:v1+s0+$0x0], $0xffff  }
0x731: {  	[tilespmem:s15+$0x12B80] =	vst v13;
	v12 =	vld.idx.msk [tilespmem:v2+s0+$0x0], $0xffff  }
0x732: {  	[tilespmem:s15+$0x12B20] =	vst v8;
	v8 =	vld.idx.msk [tilespmem:v6+s6+$0x0], $0xffff  }
0x733: {  	[tilespmem:s15+$0x12B30] =	vst v14;
	v14 =	vld.idx.msk [tilespmem:v5+s6+$0x0], $0xffff  }
0x734: {  	[tilespmem:s15+$0x12B40] =	vst v10;
	v10 =	vld.idx.msk [tilespmem:v4+s6+$0x0], $0xffff  }
0x735: {  	[tilespmem:s15+$0x12B50] =	vst v11;
	v11 =	vld.idx.msk [tilespmem:v3+s6+$0x0], $0xffff  }
0x736: {  	[tilespmem:s15+$0x12B60] =	vst v12;
	v12 =	vld.idx.msk [tilespmem:v1+s6+$0x0], $0xffff  }
0x737: {  	[tilespmem:s15+$0x12B90] =	vst v8;
	v8 =	vld.idx.msk [tilespmem:v2+s6+$0x0], $0xffff  }
0x738: {  	[tilespmem:s15+$0x12BA0] =	vst v14;
	v14 =	vld.idx.msk [tilespmem:v6+s7+$0x0], $0xffff  }
0x739: {  	[tilespmem:s15+$0x12BB0] =	vst v10;
	v10 =	vld.idx.msk [tilespmem:v5+s7+$0x0], $0xffff  }
0x73a: {  	[tilespmem:s15+$0x12BC0] =	vst v11;
	v11 =	vld.idx.msk [tilespmem:v4+s7+$0x0], $0xffff  }
0x73b: {  	[tilespmem:s15+$0x12BD0] =	vst v12;
	v12 =	vld.idx.msk [tilespmem:v3+s7+$0x0], $0xffff  }
0x73c: {  	[tilespmem:s15+$0x12BE0] =	vst v8;
	v8 =	vld.idx.msk [tilespmem:v1+s7+$0x0], $0xffff  }
0x73d: {  	[tilespmem:s15+$0x14810] =	vst v14;
	v13 =	vld.idx.msk [tilespmem:v2+s7+$0x0], $0xffff  }
0x73e: {  	v14 =	vld.idx.msk [tilespmem:v0+s7+$0x0], $0xffff;
	[tilespmem:s15+$0x14820] =	vst v10  }
0x73f: {  	v10 =	vld.idx.msk [tilespmem:v6+s8+$0x0], $0xffff;
	[tilespmem:s15+$0x14830] =	vst v11  }
0x740: {  	v11 =	vld.idx.msk [tilespmem:v5+s8+$0x0], $0xffff;
	[tilespmem:s15+$0x14840] =	vst v12  }
0x741: {  	v12 =	vld.idx.msk [tilespmem:v4+s8+$0x0], $0xffff;
	[tilespmem:s15+$0x14850] =	vst v8  }
0x742: {  	v8 =	vld.idx.msk [tilespmem:v3+s8+$0x0], $0xffff;
	[tilespmem:s15+$0x14860] =	vst v13  }
0x743: {  	[tilespmem:s15+$0x14800] =	vst v14;
	v13 =	vld.idx.msk [tilespmem:v1+s8+$0x0], $0xffff  }
0x744: {  	v14 =	vld.idx.msk [tilespmem:v2+s8+$0x0], $0xffff;
	[tilespmem:s15+$0x14890] =	vst v10  }
0x745: {  	v10 =	vld.idx.msk [tilespmem:v0+s8+$0x0], $0xffff;
	[tilespmem:s15+$0x148A0] =	vst v11  }
0x746: {  	v11 =	vld.idx.msk [tilespmem:v6+s9+$0x0], $0xffff;
	[tilespmem:s15+$0x148B0] =	vst v12  }
0x747: {  	v12 =	vld.idx.msk [tilespmem:v5+s9+$0x0], $0xffff;
	[tilespmem:s15+$0x148C0] =	vst v8  }
0x748: {  	v8 =	vld.idx.msk [tilespmem:v4+s9+$0x0], $0xffff;
	[tilespmem:s15+$0x148D0] =	vst v13  }
0x749: {  	v13 =	vld.idx.msk [tilespmem:v3+s9+$0x0], $0xffff;
	[tilespmem:s15+$0x148E0] =	vst v14  }
0x74a: {  	v14 =	vld.idx.msk [tilespmem:v1+s9+$0x0], $0xffff;
	[tilespmem:s15+$0x14880] =	vst v10  }
0x74b: {  	[tilespmem:s15+$0x14910] =	vst v11;
	v10 =	vld.idx.msk [tilespmem:v2+s9+$0x0], $0xffff  }
0x74c: {  	v11 =	vld.idx.msk [tilespmem:v0+s9+$0x0], $0xffff;
	[tilespmem:s15+$0x14920] =	vst v12  }
0x74d: {  	v12 =	vld.idx.msk [tilespmem:v6+s10+$0x0], $0xffff;
	[tilespmem:s15+$0x14930] =	vst v8  }
0x74e: {  	v8 =	vld.idx.msk [tilespmem:v5+s10+$0x0], $0xffff;
	[tilespmem:s15+$0x14940] =	vst v13  }
0x74f: {  	v13 =	vld.idx.msk [tilespmem:v4+s10+$0x0], $0xffff;
	[tilespmem:s15+$0x14950] =	vst v14  }
0x750: {  	v14 =	vld.idx.msk [tilespmem:v3+s10+$0x0], $0xffff;
	[tilespmem:s15+$0x14960] =	vst v10  }
0x751: {  	[tilespmem:s15+$0x14900] =	vst v11;
	v10 =	vld.idx.msk [tilespmem:v1+s10+$0x0], $0xffff  }
0x752: {  	[tilespmem:s15+$0x14990] =	vst v12;
	v11 =	vld.idx.msk [tilespmem:v2+s10+$0x0], $0xffff  }
0x753: {  	v12 =	vld.idx.msk [tilespmem:v0+s10+$0x0], $0xffff;
	[tilespmem:s15+$0x149A0] =	vst v8  }
0x754: {  	v8 =	vld.idx.msk [tilespmem:v6+s11+$0x0], $0xffff;
	[tilespmem:s15+$0x149B0] =	vst v13  }
0x755: {  	v13 =	vld.idx.msk [tilespmem:v5+s11+$0x0], $0xffff;
	[tilespmem:s15+$0x149C0] =	vst v14  }
0x756: {  	v14 =	vld.idx.msk [tilespmem:v4+s11+$0x0], $0xffff;
	[tilespmem:s15+$0x149D0] =	vst v10  }
0x757: {  	v10 =	vld.idx.msk [tilespmem:v3+s11+$0x0], $0xffff;
	[tilespmem:s15+$0x149E0] =	vst v11  }
0x758: {  	[tilespmem:s15+$0x14980] =	vst v12;
	v11 =	vld.idx.msk [tilespmem:v1+s11+$0x0], $0xffff  }
0x759: {  	[tilespmem:s15+$0x14A10] =	vst v8;
	v8 =	vld.idx.msk [tilespmem:v2+s11+$0x0], $0xffff  }
0x75a: {  	[tilespmem:s15+$0x16870] =	vst v15;
	v12 =	vld.idx.msk [tilespmem:v0+s11+$0x0], $0xffff  }
0x75b: {  	[tilespmem:s15+$0x14A20] =	vst v13;
	v13 =	vld.idx.msk [tilespmem:v6+s12+$0x0], $0xffff  }
0x75c: {  	[tilespmem:s15+$0x14A30] =	vst v14;
	v14 =	vld.idx.msk [tilespmem:v5+s12+$0x0], $0xffff  }
0x75d: {  	[tilespmem:s15+$0x14A40] =	vst v10;
	v10 =	vld.idx.msk [tilespmem:v4+s12+$0x0], $0xffff  }
0x75e: {  	[tilespmem:s15+$0x14A50] =	vst v11;
	v11 =	vld.idx.msk [tilespmem:v3+s12+$0x0], $0xffff  }
0x75f: {  	[tilespmem:s15+$0x14A60] =	vst v8;
	v8 =	vld.idx.msk [tilespmem:v1+s12+$0x0], $0xffff  }
0x760: {  	[tilespmem:s15+$0x14A00] =	vst v12;
	v12 =	vld.idx.msk [tilespmem:v2+s12+$0x0], $0xffff  }
0x761: {  	[tilespmem:s15+$0x14A90] =	vst v13;
	v13 =	vld.idx.msk [tilespmem:v0+s12+$0x0], $0xffff  }
0x762: {  	[tilespmem:s15+$0x14AA0] =	vst v14;
	v14 =	vld.idx.msk [tilespmem:v6+s13+$0x0], $0xffff  }
0x763: {  	[tilespmem:s15+$0x14AB0] =	vst v10;
	v16 =	vld.idx.msk [tilespmem:v5+s13+$0x0], $0xffff  }
0x764: {  	[tilespmem:s15+$0x14AC0] =	vst v11;
	v9 =	vld.idx.msk [tilespmem:v4+s13+$0x0], $0xffff  }
0x765: {  	[tilespmem:s15+$0x14AD0] =	vst v8;
	v8 =	vld.idx.msk [tilespmem:v3+s13+$0x0], $0xffff  }
0x766: {  	[tilespmem:s15+$0x14AE0] =	vst v12;
	v10 =	vld.idx.msk [tilespmem:v1+s13+$0x0], $0xffff  }
0x767: {  	[tilespmem:s15+$0x14A80] =	vst v13;
	v13 =	vld.idx.msk [tilespmem:v7+s4+$0x0], $0xffff  }
0x768: {  	[tilespmem:s15+$0x14B10] =	vst v14;
	v11 =	vld.idx.msk [tilespmem:v2+s13+$0x0], $0xffff  }
0x769: {  	s16 =	simm.s32 $0x8;
	v12 =	vld.idx.msk [tilespmem:v0+s13+$0x0], $0xffff;
	[tilespmem:s15+$0x14B20] =	vst v16  }
.LBB2_9:
0x76a: {  	s17 =	sshll.u32 s16, $0x4;
	p0 =	slt.u32 s16, $0x38;
	v14 =	vld.idx.msk [tilespmem:v6+s2+$0x0], $0xffff;
	[tilespmem:s15+$0x14B30] =	vst v9  }
0x76b: {  	s17 =	sand.u32 $0x3FFFFFF0, s17;
	v9 =	vld.idx.msk [tilespmem:v5+s2+$0x0], $0xffff;
	[tilespmem:s15+$0x14B40] =	vst v8  }
0x76c: {  	v8 =	vld [tilespmem:s17+$0x8400];
	[tilespmem:s15+$0x14B50] =	vst v10  }
0x76d: {  	v10 =	vld.idx.msk [tilespmem:v4+s2+$0x0], $0xffff;
	[tilespmem:s15+$0x14B60] =	vst v11  }
0x76e: {  	[tilespmem:s15+$0x14B00] =	vst v12;
	v11 =	vld.idx.msk [tilespmem:v3+s2+$0x0], $0xffff  }
0x76f: {  	s19 =	simm.s32 $0x6800;
	v12 =	vld.idx.msk [tilespmem:v1+s2+$0x0], $0xffff;
	[tilespmem:s15+$0x168F0] =	vst v13  }
0x770: {  	[tilespmem:s15+$0x14B90] =	vst v14;
	v13 =	vld.idx.msk [tilespmem:v7+s19+$0x0], $0xffff  }
0x771: {  	[tilespmem:s15+$0x14BA0] =	vst v9;
	v9 =	vld.idx.msk [tilespmem:v2+s2+$0x0], $0xffff  }
0x772: {  	v14 =	vld.idx.msk [tilespmem:v0+s2+$0x0], $0xffff  }
0x773: {  	v15 =	vld.idx.msk [tilespmem:v6+s14+$0x0], $0xffff;
	[tilespmem:s15+$0x14BB0] =	vst v10  }
0x774: {  	v10 =	vld.idx.msk [tilespmem:v8+s18+$0x0], $0xffff;
	[tilespmem:s15+$0x14BC0] =	vst v11  }
0x775: {  	v11 =	vld.idx.msk [tilespmem:v5+s14+$0x0], $0xffff;
	[tilespmem:s15+$0x14BD0] =	vst v12  }
0x776: {  	s5 =	simm.s32 $0x6C00;
	v12 =	vld.idx.msk [tilespmem:v4+s14+$0x0], $0xffff;
	[tilespmem:s15+$0x16970] =	vst v13  }
0x777: {  	[tilespmem:s15+$0x14BE0] =	vst v9;
	v9 =	vld.idx.msk [tilespmem:v7+s5+$0x0], $0xffff  }
0x778: {  	s18 =	sshll.u32 s16, $0x7;
	[tilespmem:s15+$0x14B80] =	vst v14;
	v13 =	vld.idx.msk [tilespmem:v3+s14+$0x0], $0xffff  }
0x779: {  	s18 =	sand.u32 $0x3FFFFF80, s18;
	[tilespmem:s15+$0x16810] =	vst v15;
	v14 =	vld.idx.msk [tilespmem:v1+s14+$0x0], $0xffff  }
0x77a: {  	s23 =	simm.s32 $0x400;
	[tilespmem:s18+$0x10800] =	vst v10;
	v10 =	vld.idx.msk [tilespmem:v2+s14+$0x0], $0xffff  }
0x77b: {  	v15 =	vld.idx.msk [tilespmem:v8+s23+$0x0], $0xffff;
	[tilespmem:s15+$0x16820] =	vst v11  }
0x77c: {  	v11 =	vld.idx.msk [tilespmem:v0+s14+$0x0], $0xffff;
	[tilespmem:s15+$0x16830] =	vst v12  }
0x77d: {  	s3 =	simm.s32 $0x7000;
	v12 =	vld.idx.msk [tilespmem:v6+s4+$0x0], $0xffff;
	[tilespmem:s15+$0x169F0] =	vst v9  }
0x77e: {  	[tilespmem:s15+$0x16840] =	vst v13;
	v9 =	vld.idx.msk [tilespmem:v7+s3+$0x0], $0xffff  }
0x77f: {  	v13 =	vld.idx.msk [tilespmem:v5+s4+$0x0], $0xffff;
	[tilespmem:s15+$0x16850] =	vst v14  }
0x780: {  	v14 =	vld.idx.msk [tilespmem:v4+s4+$0x0], $0xffff;
	[tilespmem:s15+$0x16860] =	vst v10  }
0x781: {  	s24 =	simm.s32 $0x800;
	[tilespmem:s18+$0x10880] =	vst v15;
	v10 =	vld.idx.msk [tilespmem:v3+s4+$0x0], $0xffff  }
0x782: {  	v15 =	vld.idx.msk [tilespmem:v8+s24+$0x0], $0xffff;
	[tilespmem:s15+$0x16800] =	vst v11  }
0x783: {  	[tilespmem:s15+$0x16890] =	vst v12;
	v11 =	vld.idx.msk [tilespmem:v1+s4+$0x0], $0xffff  }
0x784: {  	v12 =	vld.idx.msk [tilespmem:v2+s4+$0x0], $0xffff;
	[tilespmem:s15+$0x16A70] =	vst v9  }
0x785: {  	[tilespmem:s15+$0x168A0] =	vst v13;
	v9 =	vld.idx.msk [tilespmem:v7+s20+$0x0], $0xffff  }
0x786: {  	v13 =	vld.idx.msk [tilespmem:v0+s4+$0x0], $0xffff;
	[tilespmem:s15+$0x168B0] =	vst v14  }
0x787: {  	v14 =	vld.idx.msk [tilespmem:v6+s19+$0x0], $0xffff;
	[tilespmem:s15+$0x168C0] =	vst v10  }
0x788: {  	s25 =	simm.s32 $0xC00;
	[tilespmem:s18+$0x10900] =	vst v15;
	v10 =	vld.idx.msk [tilespmem:v5+s19+$0x0], $0xffff  }
0x789: {  	v15 =	vld.idx.msk [tilespmem:v8+s25+$0x0], $0xffff;
	[tilespmem:s15+$0x168D0] =	vst v11  }
0x78a: {  	v11 =	vld.idx.msk [tilespmem:v4+s19+$0x0], $0xffff;
	[tilespmem:s15+$0x168E0] =	vst v12  }
0x78b: {  	v12 =	vld.idx.msk [tilespmem:v3+s19+$0x0], $0xffff;
	[tilespmem:s15+$0x16AF0] =	vst v9  }
0x78c: {  	[tilespmem:s15+$0x16880] =	vst v13;
	v9 =	vld.idx.msk [tilespmem:v7+s21+$0x0], $0xffff  }
0x78d: {  	[tilespmem:s15+$0x16910] =	vst v14;
	v13 =	vld.idx.msk [tilespmem:v1+s19+$0x0], $0xffff  }
0x78e: {  	[tilespmem:s15+$0x16920] =	vst v10;
	v10 =	vld.idx.msk [tilespmem:v2+s19+$0x0], $0xffff  }
0x78f: {  	s26 =	simm.s32 $0x1000;
	[tilespmem:s18+$0x10980] =	vst v15;
	v14 =	vld.idx.msk [tilespmem:v0+s19+$0x0], $0xffff  }
0x790: {  	v15 =	vld.idx.msk [tilespmem:v8+s26+$0x0], $0xffff;
	[tilespmem:s15+$0x16930] =	vst v11  }
0x791: {  	v11 =	vld.idx.msk [tilespmem:v6+s5+$0x0], $0xffff;
	[tilespmem:s15+$0x16940] =	vst v12  }
0x792: {  	v12 =	vld.idx.msk [tilespmem:v5+s5+$0x0], $0xffff;
	[tilespmem:s15+$0x16B70] =	vst v9  }
0x793: {  	[tilespmem:s15+$0x16950] =	vst v13;
	v7 =	vld.idx.msk [tilespmem:v7+s22+$0x0], $0xffff  }
0x794: {  	v9 =	vld.idx.msk [tilespmem:v4+s5+$0x0], $0xffff;
	[tilespmem:s15+$0x16960] =	vst v10  }
0x795: {  	[tilespmem:s15+$0x16900] =	vst v14;
	v10 =	vld.idx.msk [tilespmem:v3+s5+$0x0], $0xffff  }
0x796: {  	s28 =	simm.s32 $0x1400;
	[tilespmem:s18+$0x10A00] =	vst v15;
	v13 =	vld.idx.msk [tilespmem:v1+s5+$0x0], $0xffff  }
0x797: {  	v14 =	vld.idx.msk [tilespmem:v8+s28+$0x0], $0xffff;
	[tilespmem:s15+$0x16990] =	vst v11  }
0x798: {  	[tilespmem:s15+$0x169A0] =	vst v12;
	v11 =	vld.idx.msk [tilespmem:v2+s5+$0x0], $0xffff  }
0x799: {  	v12 =	vld.idx.msk [tilespmem:v0+s5+$0x0], $0xffff;
	[tilespmem:s15+$0x16BF0] =	vst v7  }
0x79a: {  	v7 =	vld.idx.msk [tilespmem:v6+s3+$0x0], $0xffff;
	[tilespmem:s15+$0x169B0] =	vst v9  }
0x79b: {  	v9 =	vld.idx.msk [tilespmem:v5+s3+$0x0], $0xffff;
	[tilespmem:s15+$0x169C0] =	vst v10  }
0x79c: {  	v10 =	vld.idx.msk [tilespmem:v4+s3+$0x0], $0xffff;
	[tilespmem:s15+$0x169D0] =	vst v13  }
0x79d: {  	s29 =	simm.s32 $0x1800;
	[tilespmem:s18+$0x10A80] =	vst v14;
	v13 =	vld.idx.msk [tilespmem:v3+s3+$0x0], $0xffff  }
0x79e: {  	v14 =	vld.idx.msk [tilespmem:v8+s29+$0x0], $0xffff;
	[tilespmem:s15+$0x169E0] =	vst v11  }
0x79f: {  	[tilespmem:s15+$0x16980] =	vst v12;
	v11 =	vld.idx.msk [tilespmem:v1+s3+$0x0], $0xffff  }
0x7a0: {  	[tilespmem:s15+$0x16A10] =	vst v7;
	v7 =	vld.idx.msk [tilespmem:v2+s3+$0x0], $0xffff  }
0x7a1: {  	v12 =	vld.idx.msk [tilespmem:v0+s3+$0x0], $0xffff;
	[tilespmem:s15+$0x16A20] =	vst v9  }
0x7a2: {  	v9 =	vld.idx.msk [tilespmem:v6+s20+$0x0], $0xffff;
	[tilespmem:s15+$0x16A30] =	vst v10  }
0x7a3: {  	v10 =	vld.idx.msk [tilespmem:v5+s20+$0x0], $0xffff;
	[tilespmem:s15+$0x16A40] =	vst v13  }
0x7a4: {  	s19 =	simm.s32 $0x1C00;
	[tilespmem:s18+$0x10B00] =	vst v14;
	v13 =	vld.idx.msk [tilespmem:v4+s20+$0x0], $0xffff  }
0x7a5: {  	v14 =	vld.idx.msk [tilespmem:v8+s19+$0x0], $0xffff;
	[tilespmem:s15+$0x16A50] =	vst v11  }
0x7a6: {  	v11 =	vld.idx.msk [tilespmem:v3+s20+$0x0], $0xffff;
	[tilespmem:s15+$0x16A60] =	vst v7  }
0x7a7: {  	[tilespmem:s15+$0x16A00] =	vst v12;
	v7 =	vld.idx.msk [tilespmem:v1+s20+$0x0], $0xffff  }
0x7a8: {  	[tilespmem:s15+$0x16A90] =	vst v9;
	v9 =	vld.idx.msk [tilespmem:v2+s20+$0x0], $0xffff  }
0x7a9: {  	v12 =	vld.idx.msk [tilespmem:v0+s20+$0x0], $0xffff;
	[tilespmem:s15+$0x16AA0] =	vst v10  }
0x7aa: {  	v10 =	vld.idx.msk [tilespmem:v6+s21+$0x0], $0xffff;
	[tilespmem:s15+$0x16AB0] =	vst v13  }
0x7ab: {  	s3 =	simm.s32 $0x2000;
	[tilespmem:s18+$0x10B80] =	vst v14;
	v13 =	vld.idx.msk [tilespmem:v5+s21+$0x0], $0xffff  }
0x7ac: {  	v14 =	vld.idx.msk [tilespmem:v8+s3+$0x0], $0xffff;
	[tilespmem:s15+$0x16AC0] =	vst v11  }
0x7ad: {  	v11 =	vld.idx.msk [tilespmem:v4+s21+$0x0], $0xffff;
	[tilespmem:s15+$0x16AD0] =	vst v7  }
0x7ae: {  	v7 =	vld.idx.msk [tilespmem:v3+s21+$0x0], $0xffff;
	[tilespmem:s15+$0x16AE0] =	vst v9  }
0x7af: {  	[tilespmem:s15+$0x16A80] =	vst v12;
	v9 =	vld.idx.msk [tilespmem:v1+s21+$0x0], $0xffff  }
0x7b0: {  	[tilespmem:s15+$0x16B10] =	vst v10;
	v10 =	vld.idx.msk [tilespmem:v2+s21+$0x0], $0xffff  }
0x7b1: {  	v12 =	vld.idx.msk [tilespmem:v0+s21+$0x0], $0xffff;
	[tilespmem:s15+$0x16B20] =	vst v13  }
0x7b2: {  	s5 =	simm.s32 $0x2400;
	[tilespmem:s18+$0x12800] =	vst v14;
	v6 =	vld.idx.msk [tilespmem:v6+s22+$0x0], $0xffff  }
0x7b3: {  	v13 =	vld.idx.msk [tilespmem:v8+s5+$0x0], $0xffff;
	[tilespmem:s15+$0x16B30] =	vst v11  }
0x7b4: {  	v5 =	vld.idx.msk [tilespmem:v5+s22+$0x0], $0xffff;
	[tilespmem:s15+$0x16B40] =	vst v7  }
0x7b5: {  	v4 =	vld.idx.msk [tilespmem:v4+s22+$0x0], $0xffff;
	[tilespmem:s15+$0x16B50] =	vst v9  }
0x7b6: {  	v3 =	vld.idx.msk [tilespmem:v3+s22+$0x0], $0xffff;
	[tilespmem:s15+$0x16B60] =	vst v10  }
0x7b7: {  	[tilespmem:s15+$0x16B00] =	vst v12;
	v1 =	vld.idx.msk [tilespmem:v1+s22+$0x0], $0xffff  }
0x7b8: {  	[tilespmem:s15+$0x16B90] =	vst v6;
	v2 =	vld.idx.msk [tilespmem:v2+s22+$0x0], $0xffff  }
0x7b9: {  	[tilespmem:s18+$0x12880] =	vst v13;
	v9 =	vld.idx.msk [tilespmem:v0+s22+$0x0], $0xffff;
	v0 =	vmov v8  }
0x7ba: {  	v7 =	vld [tilespmem:s17+$0x8470];
	[tilespmem:s15+$0x16BA0] =	vst v5  }
0x7bb: {  	v6 =	vld [tilespmem:s17+$0x8410];
	[tilespmem:s15+$0x16BB0] =	vst v4  }
0x7bc: {  	v5 =	vld [tilespmem:s17+$0x8420];
	[tilespmem:s15+$0x16BC0] =	vst v3  }
0x7bd: {  	v4 =	vld [tilespmem:s17+$0x8430];
	[tilespmem:s15+$0x16BD0] =	vst v1  }
0x7be: {  	v3 =	vld [tilespmem:s17+$0x8440];
	[tilespmem:s15+$0x16BE0] =	vst v2  }
0x7bf: {  	v1 =	vld [tilespmem:s17+$0x8450];
	[tilespmem:s15+$0x16B80] =	vst v9;
	s15 =	smov.u32 s18;
	s18 =	simm.s32 $0x0  }
0x7c0: {  	v2 =	vld [tilespmem:s17+$0x8460];
	s17 =	simm.s32 $0x2800  }
0x7c1: {  	v8 =	vld.idx.msk [tilespmem:v8+s17+$0x0], $0xffff  }
0x7c2: {  	v9 =	vld.idx.msk [tilespmem:v7+s18+$0x0], $0xffff  }
0x7c3: {  	v10 =	vld.idx.msk [tilespmem:v6+s18+$0x0], $0xffff  }
0x7c4: {  	v11 =	vld.idx.msk [tilespmem:v5+s18+$0x0], $0xffff  }
0x7c5: {  	v12 =	vld.idx.msk [tilespmem:v4+s18+$0x0], $0xffff  }
0x7c6: {  	v13 =	vld.idx.msk [tilespmem:v3+s18+$0x0], $0xffff  }
0x7c7: {  	[tilespmem:s15+$0x12900] =	vst v8;
	v8 =	vld.idx.msk [tilespmem:v1+s18+$0x0], $0xffff  }
0x7c8: {  	v14 =	vld.idx.msk [tilespmem:v2+s18+$0x0], $0xffff;
	[tilespmem:s15+$0x10870] =	vst v9  }
0x7c9: {  	[tilespmem:s15+$0x10810] =	vst v10;
	v9 =	vld.idx.msk [tilespmem:v7+s23+$0x0], $0xffff  }
0x7ca: {  	v10 =	vld.idx.msk [tilespmem:v6+s23+$0x0], $0xffff;
	[tilespmem:s15+$0x10820] =	vst v11  }
0x7cb: {  	v11 =	vld.idx.msk [tilespmem:v5+s23+$0x0], $0xffff;
	[tilespmem:s15+$0x10830] =	vst v12  }
0x7cc: {  	v12 =	vld.idx.msk [tilespmem:v4+s23+$0x0], $0xffff;
	[tilespmem:s15+$0x10840] =	vst v13  }
0x7cd: {  	v13 =	vld.idx.msk [tilespmem:v3+s23+$0x0], $0xffff;
	[tilespmem:s15+$0x10850] =	vst v8  }
0x7ce: {  	v8 =	vld.idx.msk [tilespmem:v1+s23+$0x0], $0xffff;
	[tilespmem:s15+$0x10860] =	vst v14  }
0x7cf: {  	v14 =	vld.idx.msk [tilespmem:v2+s23+$0x0], $0xffff;
	[tilespmem:s15+$0x108F0] =	vst v9  }
0x7d0: {  	[tilespmem:s15+$0x10890] =	vst v10;
	v9 =	vld.idx.msk [tilespmem:v7+s24+$0x0], $0xffff  }
0x7d1: {  	v10 =	vld.idx.msk [tilespmem:v6+s24+$0x0], $0xffff;
	[tilespmem:s15+$0x108A0] =	vst v11  }
0x7d2: {  	v11 =	vld.idx.msk [tilespmem:v5+s24+$0x0], $0xffff;
	[tilespmem:s15+$0x108B0] =	vst v12  }
0x7d3: {  	v12 =	vld.idx.msk [tilespmem:v4+s24+$0x0], $0xffff;
	[tilespmem:s15+$0x108C0] =	vst v13  }
0x7d4: {  	v13 =	vld.idx.msk [tilespmem:v3+s24+$0x0], $0xffff;
	[tilespmem:s15+$0x108D0] =	vst v8  }
0x7d5: {  	v8 =	vld.idx.msk [tilespmem:v1+s24+$0x0], $0xffff;
	[tilespmem:s15+$0x108E0] =	vst v14  }
0x7d6: {  	v14 =	vld.idx.msk [tilespmem:v2+s24+$0x0], $0xffff;
	[tilespmem:s15+$0x10970] =	vst v9  }
0x7d7: {  	[tilespmem:s15+$0x10910] =	vst v10;
	v9 =	vld.idx.msk [tilespmem:v7+s25+$0x0], $0xffff  }
0x7d8: {  	v10 =	vld.idx.msk [tilespmem:v6+s25+$0x0], $0xffff;
	[tilespmem:s15+$0x10920] =	vst v11  }
0x7d9: {  	v11 =	vld.idx.msk [tilespmem:v5+s25+$0x0], $0xffff;
	[tilespmem:s15+$0x10930] =	vst v12  }
0x7da: {  	v12 =	vld.idx.msk [tilespmem:v4+s25+$0x0], $0xffff;
	[tilespmem:s15+$0x10940] =	vst v13  }
0x7db: {  	v13 =	vld.idx.msk [tilespmem:v3+s25+$0x0], $0xffff;
	[tilespmem:s15+$0x10950] =	vst v8  }
0x7dc: {  	v8 =	vld.idx.msk [tilespmem:v1+s25+$0x0], $0xffff;
	[tilespmem:s15+$0x10960] =	vst v14  }
0x7dd: {  	v14 =	vld.idx.msk [tilespmem:v2+s25+$0x0], $0xffff;
	[tilespmem:s15+$0x109F0] =	vst v9  }
0x7de: {  	[tilespmem:s15+$0x10990] =	vst v10;
	v9 =	vld.idx.msk [tilespmem:v7+s26+$0x0], $0xffff  }
0x7df: {  	v10 =	vld.idx.msk [tilespmem:v6+s26+$0x0], $0xffff;
	[tilespmem:s15+$0x109A0] =	vst v11  }
0x7e0: {  	v11 =	vld.idx.msk [tilespmem:v5+s26+$0x0], $0xffff;
	[tilespmem:s15+$0x109B0] =	vst v12  }
0x7e1: {  	v12 =	vld.idx.msk [tilespmem:v4+s26+$0x0], $0xffff;
	[tilespmem:s15+$0x109C0] =	vst v13  }
0x7e2: {  	v13 =	vld.idx.msk [tilespmem:v3+s26+$0x0], $0xffff;
	[tilespmem:s15+$0x109D0] =	vst v8  }
0x7e3: {  	v8 =	vld.idx.msk [tilespmem:v1+s26+$0x0], $0xffff;
	[tilespmem:s15+$0x109E0] =	vst v14  }
0x7e4: {  	v14 =	vld.idx.msk [tilespmem:v2+s26+$0x0], $0xffff;
	[tilespmem:s15+$0x10A70] =	vst v9  }
0x7e5: {  	[tilespmem:s15+$0x10A10] =	vst v10;
	v9 =	vld.idx.msk [tilespmem:v7+s28+$0x0], $0xffff  }
0x7e6: {  	v10 =	vld.idx.msk [tilespmem:v6+s28+$0x0], $0xffff;
	[tilespmem:s15+$0x10A20] =	vst v11  }
0x7e7: {  	v11 =	vld.idx.msk [tilespmem:v5+s28+$0x0], $0xffff;
	[tilespmem:s15+$0x10A30] =	vst v12  }
0x7e8: {  	v12 =	vld.idx.msk [tilespmem:v4+s28+$0x0], $0xffff;
	[tilespmem:s15+$0x10A40] =	vst v13  }
0x7e9: {  	v13 =	vld.idx.msk [tilespmem:v3+s28+$0x0], $0xffff;
	[tilespmem:s15+$0x10A50] =	vst v8  }
0x7ea: {  	v8 =	vld.idx.msk [tilespmem:v1+s28+$0x0], $0xffff;
	[tilespmem:s15+$0x10A60] =	vst v14  }
0x7eb: {  	v14 =	vld.idx.msk [tilespmem:v2+s28+$0x0], $0xffff;
	[tilespmem:s15+$0x10AF0] =	vst v9  }
0x7ec: {  	[tilespmem:s15+$0x10A90] =	vst v10;
	v9 =	vld.idx.msk [tilespmem:v7+s29+$0x0], $0xffff  }
0x7ed: {  	v10 =	vld.idx.msk [tilespmem:v6+s29+$0x0], $0xffff;
	[tilespmem:s15+$0x10AA0] =	vst v11  }
0x7ee: {  	v11 =	vld.idx.msk [tilespmem:v5+s29+$0x0], $0xffff;
	[tilespmem:s15+$0x10AB0] =	vst v12  }
0x7ef: {  	v12 =	vld.idx.msk [tilespmem:v4+s29+$0x0], $0xffff;
	[tilespmem:s15+$0x10AC0] =	vst v13  }
0x7f0: {  	v13 =	vld.idx.msk [tilespmem:v3+s29+$0x0], $0xffff;
	[tilespmem:s15+$0x10AD0] =	vst v8  }
0x7f1: {  	v8 =	vld.idx.msk [tilespmem:v1+s29+$0x0], $0xffff;
	[tilespmem:s15+$0x10AE0] =	vst v14  }
0x7f2: {  	v14 =	vld.idx.msk [tilespmem:v2+s29+$0x0], $0xffff;
	[tilespmem:s15+$0x10B70] =	vst v9  }
0x7f3: {  	[tilespmem:s15+$0x10B10] =	vst v10;
	v9 =	vld.idx.msk [tilespmem:v7+s19+$0x0], $0xffff  }
0x7f4: {  	v10 =	vld.idx.msk [tilespmem:v6+s19+$0x0], $0xffff;
	[tilespmem:s15+$0x10B20] =	vst v11  }
0x7f5: {  	v11 =	vld.idx.msk [tilespmem:v5+s19+$0x0], $0xffff;
	[tilespmem:s15+$0x10B30] =	vst v12  }
0x7f6: {  	v12 =	vld.idx.msk [tilespmem:v4+s19+$0x0], $0xffff;
	[tilespmem:s15+$0x10B40] =	vst v13  }
0x7f7: {  	v13 =	vld.idx.msk [tilespmem:v3+s19+$0x0], $0xffff;
	[tilespmem:s15+$0x10B50] =	vst v8  }
0x7f8: {  	v8 =	vld.idx.msk [tilespmem:v1+s19+$0x0], $0xffff;
	[tilespmem:s15+$0x10B60] =	vst v14  }
0x7f9: {  	v14 =	vld.idx.msk [tilespmem:v2+s19+$0x0], $0xffff;
	[tilespmem:s15+$0x10BF0] =	vst v9  }
0x7fa: {  	[tilespmem:s15+$0x10B90] =	vst v10;
	v9 =	vld.idx.msk [tilespmem:v7+s3+$0x0], $0xffff  }
0x7fb: {  	v10 =	vld.idx.msk [tilespmem:v6+s3+$0x0], $0xffff;
	[tilespmem:s15+$0x10BA0] =	vst v11  }
0x7fc: {  	v11 =	vld.idx.msk [tilespmem:v5+s3+$0x0], $0xffff;
	[tilespmem:s15+$0x10BB0] =	vst v12  }
0x7fd: {  	v12 =	vld.idx.msk [tilespmem:v4+s3+$0x0], $0xffff;
	[tilespmem:s15+$0x10BC0] =	vst v13  }
0x7fe: {  	v13 =	vld.idx.msk [tilespmem:v3+s3+$0x0], $0xffff;
	[tilespmem:s15+$0x10BD0] =	vst v8  }
0x7ff: {  	v8 =	vld.idx.msk [tilespmem:v1+s3+$0x0], $0xffff;
	[tilespmem:s15+$0x10BE0] =	vst v14  }
0x800: {  	v14 =	vld.idx.msk [tilespmem:v2+s3+$0x0], $0xffff;
	[tilespmem:s15+$0x12870] =	vst v9  }
0x801: {  	[tilespmem:s15+$0x12810] =	vst v10;
	v9 =	vld.idx.msk [tilespmem:v7+s5+$0x0], $0xffff  }
0x802: {  	v10 =	vld.idx.msk [tilespmem:v6+s5+$0x0], $0xffff;
	[tilespmem:s15+$0x12820] =	vst v11  }
0x803: {  	v11 =	vld.idx.msk [tilespmem:v5+s5+$0x0], $0xffff;
	[tilespmem:s15+$0x12830] =	vst v12  }
0x804: {  	v12 =	vld.idx.msk [tilespmem:v4+s5+$0x0], $0xffff;
	[tilespmem:s15+$0x12840] =	vst v13  }
0x805: {  	v13 =	vld.idx.msk [tilespmem:v3+s5+$0x0], $0xffff;
	[tilespmem:s15+$0x12850] =	vst v8  }
0x806: {  	v8 =	vld.idx.msk [tilespmem:v1+s5+$0x0], $0xffff;
	[tilespmem:s15+$0x12860] =	vst v14  }
0x807: {  	v14 =	vld.idx.msk [tilespmem:v2+s5+$0x0], $0xffff;
	[tilespmem:s15+$0x128F0] =	vst v9  }
0x808: {  	[tilespmem:s15+$0x12890] =	vst v10;
	v9 =	vld.idx.msk [tilespmem:v7+s17+$0x0], $0xffff  }
0x809: {  	v10 =	vld.idx.msk [tilespmem:v6+s17+$0x0], $0xffff;
	[tilespmem:s15+$0x128A0] =	vst v11  }
0x80a: {  	v11 =	vld.idx.msk [tilespmem:v5+s17+$0x0], $0xffff;
	[tilespmem:s15+$0x128B0] =	vst v12  }
0x80b: {  	v12 =	vld.idx.msk [tilespmem:v4+s17+$0x0], $0xffff;
	[tilespmem:s15+$0x128C0] =	vst v13  }
0x80c: {  	v13 =	vld.idx.msk [tilespmem:v3+s17+$0x0], $0xffff;
	[tilespmem:s15+$0x128D0] =	vst v8  }
0x80d: {  	v8 =	vld.idx.msk [tilespmem:v1+s17+$0x0], $0xffff;
	[tilespmem:s15+$0x128E0] =	vst v14  }
0x80e: {  	v14 =	vld.idx.msk [tilespmem:v2+s17+$0x0], $0xffff;
	[tilespmem:s15+$0x12970] =	vst v9  }
0x80f: {  	[tilespmem:s15+$0x12910] =	vst v10;
	v9 =	vld.idx.msk [tilespmem:v7+s30+$0x0], $0xffff  }
0x810: {  	v10 =	vld.idx.msk [tilespmem:v6+s30+$0x0], $0xffff;
	[tilespmem:s15+$0x12920] =	vst v11  }
0x811: {  	v11 =	vld.idx.msk [tilespmem:v5+s30+$0x0], $0xffff;
	[tilespmem:s15+$0x12930] =	vst v12  }
0x812: {  	v12 =	vld.idx.msk [tilespmem:v4+s30+$0x0], $0xffff;
	[tilespmem:s15+$0x12940] =	vst v13  }
0x813: {  	v13 =	vld.idx.msk [tilespmem:v3+s30+$0x0], $0xffff;
	[tilespmem:s15+$0x12950] =	vst v8  }
0x814: {  	v8 =	vld.idx.msk [tilespmem:v1+s30+$0x0], $0xffff;
	[tilespmem:s15+$0x12960] =	vst v14  }
0x815: {  	v14 =	vld.idx.msk [tilespmem:v2+s30+$0x0], $0xffff;
	[tilespmem:s15+$0x129F0] =	vst v9  }
0x816: {  	[tilespmem:s15+$0x12990] =	vst v10;
	v9 =	vld.idx.msk [tilespmem:v7+s31+$0x0], $0xffff  }
0x817: {  	v10 =	vld.idx.msk [tilespmem:v0+s30+$0x0], $0xffff;
	[tilespmem:s15+$0x129A0] =	vst v11  }
0x818: {  	v11 =	vld.idx.msk [tilespmem:v6+s31+$0x0], $0xffff;
	[tilespmem:s15+$0x129B0] =	vst v12  }
0x819: {  	v12 =	vld.idx.msk [tilespmem:v5+s31+$0x0], $0xffff;
	[tilespmem:s15+$0x129C0] =	vst v13  }
0x81a: {  	v13 =	vld.idx.msk [tilespmem:v4+s31+$0x0], $0xffff;
	[tilespmem:s15+$0x129D0] =	vst v8  }
0x81b: {  	v8 =	vld.idx.msk [tilespmem:v3+s31+$0x0], $0xffff;
	[tilespmem:s15+$0x129E0] =	vst v14  }
0x81c: {  	v14 =	vld.idx.msk [tilespmem:v1+s31+$0x0], $0xffff;
	[tilespmem:s15+$0x12A70] =	vst v9  }
0x81d: {  	[tilespmem:s15+$0x12980] =	vst v10;
	v9 =	vld.idx.msk [tilespmem:v7+s1+$0x0], $0xffff  }
0x81e: {  	[tilespmem:s15+$0x12A10] =	vst v11;
	v10 =	vld.idx.msk [tilespmem:v2+s31+$0x0], $0xffff  }
0x81f: {  	v11 =	vld.idx.msk [tilespmem:v0+s31+$0x0], $0xffff;
	[tilespmem:s15+$0x12A20] =	vst v12  }
0x820: {  	v12 =	vld.idx.msk [tilespmem:v6+s1+$0x0], $0xffff;
	[tilespmem:s15+$0x12A30] =	vst v13  }
0x821: {  	v13 =	vld.idx.msk [tilespmem:v5+s1+$0x0], $0xffff;
	[tilespmem:s15+$0x12A40] =	vst v8  }
0x822: {  	v8 =	vld.idx.msk [tilespmem:v4+s1+$0x0], $0xffff;
	[tilespmem:s15+$0x12A50] =	vst v14  }
0x823: {  	v14 =	vld.idx.msk [tilespmem:v3+s1+$0x0], $0xffff;
	[tilespmem:s15+$0x12AF0] =	vst v9  }
0x824: {  	[tilespmem:s15+$0x12A60] =	vst v10;
	v9 =	vld.idx.msk [tilespmem:v7+s0+$0x0], $0xffff  }
0x825: {  	[tilespmem:s15+$0x12A00] =	vst v11;
	v10 =	vld.idx.msk [tilespmem:v1+s1+$0x0], $0xffff  }
0x826: {  	[tilespmem:s15+$0x12A90] =	vst v12;
	v11 =	vld.idx.msk [tilespmem:v2+s1+$0x0], $0xffff  }
0x827: {  	v12 =	vld.idx.msk [tilespmem:v0+s1+$0x0], $0xffff;
	[tilespmem:s15+$0x12AA0] =	vst v13  }
0x828: {  	v13 =	vld.idx.msk [tilespmem:v6+s0+$0x0], $0xffff;
	[tilespmem:s15+$0x12AB0] =	vst v8  }
0x829: {  	v8 =	vld.idx.msk [tilespmem:v5+s0+$0x0], $0xffff;
	[tilespmem:s15+$0x12AC0] =	vst v14  }
0x82a: {  	v14 =	vld.idx.msk [tilespmem:v4+s0+$0x0], $0xffff;
	[tilespmem:s15+$0x12B70] =	vst v9  }
0x82b: {  	[tilespmem:s15+$0x12AD0] =	vst v10;
	v9 =	vld.idx.msk [tilespmem:v7+s6+$0x0], $0xffff  }
0x82c: {  	v10 =	vld.idx.msk [tilespmem:v3+s0+$0x0], $0xffff;
	[tilespmem:s15+$0x12AE0] =	vst v11  }
0x82d: {  	[tilespmem:s15+$0x12A80] =	vst v12;
	v11 =	vld.idx.msk [tilespmem:v1+s0+$0x0], $0xffff  }
0x82e: {  	[tilespmem:s15+$0x12B10] =	vst v13;
	v12 =	vld.idx.msk [tilespmem:v2+s0+$0x0], $0xffff  }
0x82f: {  	v13 =	vld.idx.msk [tilespmem:v0+s0+$0x0], $0xffff;
	[tilespmem:s15+$0x12B20] =	vst v8  }
0x830: {  	v8 =	vld.idx.msk [tilespmem:v6+s6+$0x0], $0xffff;
	[tilespmem:s15+$0x12B30] =	vst v14  }
0x831: {  	v14 =	vld.idx.msk [tilespmem:v5+s6+$0x0], $0xffff;
	[tilespmem:s15+$0x12BF0] =	vst v9  }
0x832: {  	[tilespmem:s15+$0x12B40] =	vst v10;
	v9 =	vld.idx.msk [tilespmem:v7+s7+$0x0], $0xffff  }
0x833: {  	v10 =	vld.idx.msk [tilespmem:v4+s6+$0x0], $0xffff;
	[tilespmem:s15+$0x12B50] =	vst v11  }
0x834: {  	v11 =	vld.idx.msk [tilespmem:v3+s6+$0x0], $0xffff;
	[tilespmem:s15+$0x12B60] =	vst v12  }
0x835: {  	[tilespmem:s15+$0x12B00] =	vst v13;
	v12 =	vld.idx.msk [tilespmem:v1+s6+$0x0], $0xffff  }
0x836: {  	[tilespmem:s15+$0x12B90] =	vst v8;
	v8 =	vld.idx.msk [tilespmem:v2+s6+$0x0], $0xffff  }
0x837: {  	v13 =	vld.idx.msk [tilespmem:v0+s6+$0x0], $0xffff;
	[tilespmem:s15+$0x12BA0] =	vst v14  }
0x838: {  	v14 =	vld.idx.msk [tilespmem:v6+s7+$0x0], $0xffff;
	[tilespmem:s15+$0x14870] =	vst v9  }
0x839: {  	[tilespmem:s15+$0x12BB0] =	vst v10;
	v9 =	vld.idx.msk [tilespmem:v7+s8+$0x0], $0xffff  }
0x83a: {  	v10 =	vld.idx.msk [tilespmem:v5+s7+$0x0], $0xffff;
	[tilespmem:s15+$0x12BC0] =	vst v11  }
0x83b: {  	v11 =	vld.idx.msk [tilespmem:v4+s7+$0x0], $0xffff;
	[tilespmem:s15+$0x12BD0] =	vst v12  }
0x83c: {  	v12 =	vld.idx.msk [tilespmem:v3+s7+$0x0], $0xffff;
	[tilespmem:s15+$0x12BE0] =	vst v8  }
0x83d: {  	[tilespmem:s15+$0x12B80] =	vst v13;
	v8 =	vld.idx.msk [tilespmem:v1+s7+$0x0], $0xffff  }
0x83e: {  	[tilespmem:s15+$0x14810] =	vst v14;
	v13 =	vld.idx.msk [tilespmem:v2+s7+$0x0], $0xffff  }
0x83f: {  	v14 =	vld.idx.msk [tilespmem:v0+s7+$0x0], $0xffff;
	[tilespmem:s15+$0x148F0] =	vst v9  }
0x840: {  	[tilespmem:s15+$0x14820] =	vst v10;
	v9 =	vld.idx.msk [tilespmem:v7+s9+$0x0], $0xffff  }
0x841: {  	v10 =	vld.idx.msk [tilespmem:v6+s8+$0x0], $0xffff;
	[tilespmem:s15+$0x14830] =	vst v11  }
0x842: {  	v11 =	vld.idx.msk [tilespmem:v5+s8+$0x0], $0xffff;
	[tilespmem:s15+$0x14840] =	vst v12  }
0x843: {  	v12 =	vld.idx.msk [tilespmem:v4+s8+$0x0], $0xffff;
	[tilespmem:s15+$0x14850] =	vst v8  }
0x844: {  	v8 =	vld.idx.msk [tilespmem:v3+s8+$0x0], $0xffff;
	[tilespmem:s15+$0x14860] =	vst v13  }
0x845: {  	[tilespmem:s15+$0x14800] =	vst v14;
	v13 =	vld.idx.msk [tilespmem:v1+s8+$0x0], $0xffff  }
0x846: {  	v14 =	vld.idx.msk [tilespmem:v2+s8+$0x0], $0xffff;
	[tilespmem:s15+$0x14970] =	vst v9  }
0x847: {  	[tilespmem:s15+$0x14890] =	vst v10;
	v9 =	vld.idx.msk [tilespmem:v7+s10+$0x0], $0xffff  }
0x848: {  	v10 =	vld.idx.msk [tilespmem:v0+s8+$0x0], $0xffff;
	[tilespmem:s15+$0x148A0] =	vst v11  }
0x849: {  	v11 =	vld.idx.msk [tilespmem:v6+s9+$0x0], $0xffff;
	[tilespmem:s15+$0x148B0] =	vst v12  }
0x84a: {  	v12 =	vld.idx.msk [tilespmem:v5+s9+$0x0], $0xffff;
	[tilespmem:s15+$0x148C0] =	vst v8  }
0x84b: {  	v8 =	vld.idx.msk [tilespmem:v4+s9+$0x0], $0xffff;
	[tilespmem:s15+$0x148D0] =	vst v13  }
0x84c: {  	v13 =	vld.idx.msk [tilespmem:v3+s9+$0x0], $0xffff;
	[tilespmem:s15+$0x148E0] =	vst v14  }
0x84d: {  	v14 =	vld.idx.msk [tilespmem:v1+s9+$0x0], $0xffff;
	[tilespmem:s15+$0x149F0] =	vst v9  }
0x84e: {  	[tilespmem:s15+$0x14880] =	vst v10;
	v9 =	vld.idx.msk [tilespmem:v7+s11+$0x0], $0xffff  }
0x84f: {  	[tilespmem:s15+$0x14910] =	vst v11;
	v10 =	vld.idx.msk [tilespmem:v2+s9+$0x0], $0xffff  }
0x850: {  	v11 =	vld.idx.msk [tilespmem:v0+s9+$0x0], $0xffff;
	[tilespmem:s15+$0x14920] =	vst v12  }
0x851: {  	v12 =	vld.idx.msk [tilespmem:v6+s10+$0x0], $0xffff;
	[tilespmem:s15+$0x14930] =	vst v8  }
0x852: {  	v8 =	vld.idx.msk [tilespmem:v5+s10+$0x0], $0xffff;
	[tilespmem:s15+$0x14940] =	vst v13  }
0x853: {  	v13 =	vld.idx.msk [tilespmem:v4+s10+$0x0], $0xffff;
	[tilespmem:s15+$0x14950] =	vst v14  }
0x854: {  	v14 =	vld.idx.msk [tilespmem:v3+s10+$0x0], $0xffff;
	[tilespmem:s15+$0x14A70] =	vst v9  }
0x855: {  	[tilespmem:s15+$0x14960] =	vst v10;
	v9 =	vld.idx.msk [tilespmem:v7+s12+$0x0], $0xffff  }
0x856: {  	[tilespmem:s15+$0x14900] =	vst v11;
	v10 =	vld.idx.msk [tilespmem:v1+s10+$0x0], $0xffff  }
0x857: {  	[tilespmem:s15+$0x14990] =	vst v12;
	v11 =	vld.idx.msk [tilespmem:v2+s10+$0x0], $0xffff  }
0x858: {  	v12 =	vld.idx.msk [tilespmem:v0+s10+$0x0], $0xffff;
	[tilespmem:s15+$0x149A0] =	vst v8  }
0x859: {  	v8 =	vld.idx.msk [tilespmem:v6+s11+$0x0], $0xffff;
	[tilespmem:s15+$0x149B0] =	vst v13  }
0x85a: {  	v13 =	vld.idx.msk [tilespmem:v5+s11+$0x0], $0xffff;
	[tilespmem:s15+$0x149C0] =	vst v14  }
0x85b: {  	v14 =	vld.idx.msk [tilespmem:v4+s11+$0x0], $0xffff;
	[tilespmem:s15+$0x14AF0] =	vst v9  }
0x85c: {  	[tilespmem:s15+$0x149D0] =	vst v10;
	v9 =	vld.idx.msk [tilespmem:v7+s13+$0x0], $0xffff  }
0x85d: {  	v10 =	vld.idx.msk [tilespmem:v3+s11+$0x0], $0xffff;
	[tilespmem:s15+$0x149E0] =	vst v11  }
0x85e: {  	[tilespmem:s15+$0x14980] =	vst v12;
	v11 =	vld.idx.msk [tilespmem:v1+s11+$0x0], $0xffff  }
0x85f: {  	[tilespmem:s15+$0x14A10] =	vst v8;
	v8 =	vld.idx.msk [tilespmem:v2+s11+$0x0], $0xffff  }
0x860: {  	v12 =	vld.idx.msk [tilespmem:v0+s11+$0x0], $0xffff;
	[tilespmem:s15+$0x14A20] =	vst v13  }
0x861: {  	v13 =	vld.idx.msk [tilespmem:v6+s12+$0x0], $0xffff;
	[tilespmem:s15+$0x14A30] =	vst v14  }
0x862: {  	v14 =	vld.idx.msk [tilespmem:v5+s12+$0x0], $0xffff;
	[tilespmem:s15+$0x14B70] =	vst v9  }
0x863: {  	[tilespmem:s15+$0x14A40] =	vst v10;
	v9 =	vld.idx.msk [tilespmem:v7+s2+$0x0], $0xffff  }
0x864: {  	v10 =	vld.idx.msk [tilespmem:v4+s12+$0x0], $0xffff;
	[tilespmem:s15+$0x14A50] =	vst v11  }
0x865: {  	v11 =	vld.idx.msk [tilespmem:v3+s12+$0x0], $0xffff;
	[tilespmem:s15+$0x14A60] =	vst v8  }
0x866: {  	[tilespmem:s15+$0x14A00] =	vst v12;
	v8 =	vld.idx.msk [tilespmem:v1+s12+$0x0], $0xffff  }
0x867: {  	[tilespmem:s15+$0x14A90] =	vst v13;
	v12 =	vld.idx.msk [tilespmem:v2+s12+$0x0], $0xffff  }
0x868: {  	v13 =	vld.idx.msk [tilespmem:v0+s12+$0x0], $0xffff;
	[tilespmem:s15+$0x14AA0] =	vst v14  }
0x869: {  	v14 =	vld.idx.msk [tilespmem:v6+s13+$0x0], $0xffff;
	[tilespmem:s15+$0x14BF0] =	vst v9  }
0x86a: {  	[tilespmem:s15+$0x14AB0] =	vst v10;
	v15 =	vld.idx.msk [tilespmem:v7+s14+$0x0], $0xffff  }
0x86b: {  	v16 =	vld.idx.msk [tilespmem:v5+s13+$0x0], $0xffff;
	[tilespmem:s15+$0x14AC0] =	vst v11  }
0x86c: {  	v9 =	vld.idx.msk [tilespmem:v4+s13+$0x0], $0xffff;
	[tilespmem:s15+$0x14AD0] =	vst v8  }
.Ltmp3:
0x86d: {  	v8 =	vld.idx.msk [tilespmem:v3+s13+$0x0], $0xffff;
	[tilespmem:s15+$0x14AE0] =	vst v12;
	(pc) =	sbr.rel @p0 .LBB2_9-.Ltmp3, $4  }
0x86e: {  	[tilespmem:s15+$0x14A80] =	vst v13;
	v10 =	vld.idx.msk [tilespmem:v1+s13+$0x0], $0xffff  }
0x86f: {  	[tilespmem:s15+$0x14B10] =	vst v14;
	v11 =	vld.idx.msk [tilespmem:v2+s13+$0x0], $0xffff  }
0x870: {  	v12 =	vld.idx.msk [tilespmem:v0+s13+$0x0], $0xffff;
	[tilespmem:s15+$0x16870] =	vst v15  }
0x871: {  	s16 =	sadd.s32 $0x8, s16;
	[tilespmem:s15+$0x14B20] =	vst v16;
	v13 =	vld.idx.msk [tilespmem:v7+s4+$0x0], $0xffff  }
0x872: {  	_ =	sdelay $0x2  }
0x873: {  	[tilespmem:s15+$0x14B30] =	vst v9  }
0x874: {  	v49 =	vld.idx.msk [tilespmem:v6+s2+$0x0], $0xffff;
	[tilespmem:s15+$0x14B40] =	vst v8  }
0x875: {  	v50 =	vld.idx.msk [tilespmem:v5+s2+$0x0], $0xffff;
	[tilespmem:s15+$0x14B50] =	vst v10  }
0x876: {  	v51 =	vld.idx.msk [tilespmem:v4+s2+$0x0], $0xffff;
	[tilespmem:s15+$0x14B60] =	vst v11  }
0x877: {  	v52 =	vld.idx.msk [tilespmem:v3+s2+$0x0], $0xffff;
	[tilespmem:s15+$0x14B00] =	vst v12  }
0x878: {  	v53 =	vld.idx.msk [tilespmem:v1+s2+$0x0], $0xffff;
	[tilespmem:s15+$0x168F0] =	vst v13  }
0x879: {  	v55 =	vld.idx.msk [tilespmem:v2+s2+$0x0], $0xffff;
	[tilespmem:s15+$0x14B90] =	vst v49  }
0x87a: {  	s3 =	simm.s32 $0x6800;
	v56 =	vld.idx.msk [tilespmem:v0+s2+$0x0], $0xffff;
	[tilespmem:s15+$0x14BA0] =	vst v50  }
0x87b: {  	v54 =	vld.idx.msk [tilespmem:v7+s3+$0x0], $0xffff;
	[tilespmem:s15+$0x14BB0] =	vst v51  }
0x87c: {  	v57 =	vld.idx.msk [tilespmem:v6+s14+$0x0], $0xffff;
	[tilespmem:s15+$0x14BC0] =	vst v52  }
0x87d: {  	v58 =	vld.idx.msk [tilespmem:v5+s14+$0x0], $0xffff;
	[tilespmem:s15+$0x14BD0] =	vst v53  }
0x87e: {  	v59 =	vld.idx.msk [tilespmem:v4+s14+$0x0], $0xffff;
	[tilespmem:s15+$0x14BE0] =	vst v55  }
0x87f: {  	v61 =	vld.idx.msk [tilespmem:v3+s14+$0x0], $0xffff;
	[tilespmem:s15+$0x14B80] =	vst v56  }
0x880: {  	v62 =	vld.idx.msk [tilespmem:v1+s14+$0x0], $0xffff;
	[tilespmem:s15+$0x16970] =	vst v54  }
0x881: {  	v63 =	vld.idx.msk [tilespmem:v2+s14+$0x0], $0xffff;
	[tilespmem:s15+$0x16810] =	vst v57  }
0x882: {  	s1 =	simm.s32 $0x6C00;
	v16 =	vld.idx.msk [tilespmem:v0+s14+$0x0], $0xffff;
	[tilespmem:s15+$0x16820] =	vst v58  }
0x883: {  	v60 =	vld.idx.msk [tilespmem:v7+s1+$0x0], $0xffff;
	[tilespmem:s15+$0x16830] =	vst v59  }
0x884: {  	v17 =	vld.idx.msk [tilespmem:v6+s4+$0x0], $0xffff;
	[tilespmem:s15+$0x16840] =	vst v61  }
0x885: {  	v18 =	vld.idx.msk [tilespmem:v5+s4+$0x0], $0xffff;
	[tilespmem:s15+$0x16850] =	vst v62  }
0x886: {  	v19 =	vld.idx.msk [tilespmem:v4+s4+$0x0], $0xffff;
	[tilespmem:s15+$0x16860] =	vst v63  }
0x887: {  	v20 =	vld.idx.msk [tilespmem:v3+s4+$0x0], $0xffff;
	[tilespmem:s15+$0x16800] =	vst v16  }
0x888: {  	v21 =	vld.idx.msk [tilespmem:v1+s4+$0x0], $0xffff;
	[tilespmem:s15+$0x169F0] =	vst v60  }
0x889: {  	v22 =	vld.idx.msk [tilespmem:v2+s4+$0x0], $0xffff;
	[tilespmem:s15+$0x16890] =	vst v17  }
0x88a: {  	s0 =	simm.s32 $0x7000;
	v23 =	vld.idx.msk [tilespmem:v0+s4+$0x0], $0xffff;
	[tilespmem:s15+$0x168A0] =	vst v18  }
0x88b: {  	v8 =	vld.idx.msk [tilespmem:v7+s0+$0x0], $0xffff;
	[tilespmem:s15+$0x168B0] =	vst v19  }
0x88c: {  	v24 =	vld.idx.msk [tilespmem:v6+s3+$0x0], $0xffff;
	[tilespmem:s15+$0x168C0] =	vst v20  }
0x88d: {  	v25 =	vld.idx.msk [tilespmem:v5+s3+$0x0], $0xffff;
	[tilespmem:s15+$0x168D0] =	vst v21  }
0x88e: {  	v26 =	vld.idx.msk [tilespmem:v4+s3+$0x0], $0xffff;
	[tilespmem:s15+$0x168E0] =	vst v22  }
0x88f: {  	v27 =	vld.idx.msk [tilespmem:v3+s3+$0x0], $0xffff;
	[tilespmem:s15+$0x16880] =	vst v23  }
0x890: {  	v28 =	vld.idx.msk [tilespmem:v1+s3+$0x0], $0xffff;
	[tilespmem:s15+$0x16A70] =	vst v8  }
0x891: {  	v29 =	vld.idx.msk [tilespmem:v2+s3+$0x0], $0xffff;
	[tilespmem:s15+$0x16910] =	vst v24  }
0x892: {  	v30 =	vld.idx.msk [tilespmem:v0+s3+$0x0], $0xffff;
	[tilespmem:s15+$0x16920] =	vst v25  }
0x893: {  	v8 =	vld.idx.msk [tilespmem:v7+s20+$0x0], $0xffff;
	[tilespmem:s15+$0x16930] =	vst v26  }
0x894: {  	v31 =	vld.idx.msk [tilespmem:v6+s1+$0x0], $0xffff;
	[tilespmem:s15+$0x16940] =	vst v27  }
0x895: {  	v32 =	vld.idx.msk [tilespmem:v5+s1+$0x0], $0xffff;
	[tilespmem:s15+$0x16950] =	vst v28  }
0x896: {  	v34 =	vld.idx.msk [tilespmem:v4+s1+$0x0], $0xffff;
	[tilespmem:s15+$0x16960] =	vst v29  }
0x897: {  	v35 =	vld.idx.msk [tilespmem:v3+s1+$0x0], $0xffff;
	[tilespmem:s15+$0x16900] =	vst v30  }
0x898: {  	v36 =	vld.idx.msk [tilespmem:v1+s1+$0x0], $0xffff;
	[tilespmem:s15+$0x16AF0] =	vst v8  }
0x899: {  	v37 =	vld.idx.msk [tilespmem:v2+s1+$0x0], $0xffff;
	[tilespmem:s15+$0x16990] =	vst v31  }
0x89a: {  	v38 =	vld.idx.msk [tilespmem:v0+s1+$0x0], $0xffff;
	[tilespmem:s15+$0x169A0] =	vst v32  }
0x89b: {  	v8 =	vld.idx.msk [tilespmem:v7+s21+$0x0], $0xffff;
	[tilespmem:s15+$0x169B0] =	vst v34  }
0x89c: {  	v39 =	vld.idx.msk [tilespmem:v6+s0+$0x0], $0xffff;
	[tilespmem:s15+$0x169C0] =	vst v35  }
0x89d: {  	v40 =	vld.idx.msk [tilespmem:v5+s0+$0x0], $0xffff;
	[tilespmem:s15+$0x169D0] =	vst v36  }
0x89e: {  	v41 =	vld.idx.msk [tilespmem:v4+s0+$0x0], $0xffff;
	[tilespmem:s15+$0x169E0] =	vst v37  }
0x89f: {  	v42 =	vld.idx.msk [tilespmem:v3+s0+$0x0], $0xffff;
	[tilespmem:s15+$0x16980] =	vst v38  }
0x8a0: {  	v43 =	vld.idx.msk [tilespmem:v1+s0+$0x0], $0xffff;
	[tilespmem:s15+$0x16B70] =	vst v8  }
0x8a1: {  	v44 =	vld.idx.msk [tilespmem:v2+s0+$0x0], $0xffff;
	[tilespmem:s15+$0x16A10] =	vst v39  }
0x8a2: {  	v12 =	vld.idx.msk [tilespmem:v0+s0+$0x0], $0xffff;
	[tilespmem:s15+$0x16A20] =	vst v40  }
0x8a3: {  	v33 =	vld.idx.msk [tilespmem:v7+s22+$0x0], $0xffff;
	[tilespmem:s15+$0x16A30] =	vst v41  }
0x8a4: {  	v45 =	vld.idx.msk [tilespmem:v6+s20+$0x0], $0xffff;
	[tilespmem:s15+$0x16A40] =	vst v42  }
0x8a5: {  	v46 =	vld.idx.msk [tilespmem:v5+s20+$0x0], $0xffff;
	[tilespmem:s15+$0x16A50] =	vst v43  }
0x8a6: {  	v47 =	vld.idx.msk [tilespmem:v4+s20+$0x0], $0xffff;
	[tilespmem:s15+$0x16A60] =	vst v44  }
0x8a7: {  	v48 =	vld.idx.msk [tilespmem:v3+s20+$0x0], $0xffff;
	[tilespmem:s15+$0x16A00] =	vst v12  }
0x8a8: {  	v49 =	vld.idx.msk [tilespmem:v1+s20+$0x0], $0xffff;
	[tilespmem:s15+$0x16BF0] =	vst v33  }
0x8a9: {  	v50 =	vld.idx.msk [tilespmem:v2+s20+$0x0], $0xffff;
	[tilespmem:s15+$0x16A90] =	vst v45  }
0x8aa: {  	v12 =	vld.idx.msk [tilespmem:v0+s20+$0x0], $0xffff;
	[tilespmem:s15+$0x16AA0] =	vst v46  }
0x8ab: {  	v51 =	vld.idx.msk [tilespmem:v6+s21+$0x0], $0xffff;
	[tilespmem:s15+$0x16AB0] =	vst v47  }
0x8ac: {  	v52 =	vld.idx.msk [tilespmem:v5+s21+$0x0], $0xffff;
	[tilespmem:s15+$0x16AC0] =	vst v48  }
0x8ad: {  	v53 =	vld.idx.msk [tilespmem:v4+s21+$0x0], $0xffff;
	[tilespmem:s15+$0x16AD0] =	vst v49  }
0x8ae: {  	v54 =	vld.idx.msk [tilespmem:v3+s21+$0x0], $0xffff;
	[tilespmem:s15+$0x16AE0] =	vst v50  }
0x8af: {  	v55 =	vld.idx.msk [tilespmem:v1+s21+$0x0], $0xffff;
	[tilespmem:s15+$0x16A80] =	vst v12  }
0x8b0: {  	v56 =	vld.idx.msk [tilespmem:v2+s21+$0x0], $0xffff;
	[tilespmem:s15+$0x16B10] =	vst v51  }
0x8b1: {  	v12 =	vld.idx.msk [tilespmem:v0+s21+$0x0], $0xffff;
	[tilespmem:s15+$0x16B20] =	vst v52  }
0x8b2: {  	v57 =	vld.idx.msk [tilespmem:v6+s22+$0x0], $0xffff;
	[tilespmem:s15+$0x16B30] =	vst v53  }
0x8b3: {  	v58 =	vld.idx.msk [tilespmem:v5+s22+$0x0], $0xffff;
	[tilespmem:s15+$0x16B40] =	vst v54  }
0x8b4: {  	v59 =	vld.idx.msk [tilespmem:v4+s22+$0x0], $0xffff;
	[tilespmem:s15+$0x16B50] =	vst v55  }
0x8b5: {  	v60 =	vld.idx.msk [tilespmem:v3+s22+$0x0], $0xffff;
	[tilespmem:s15+$0x16B60] =	vst v56  }
0x8b6: {  	v61 =	vld.idx.msk [tilespmem:v1+s22+$0x0], $0xffff;
	[tilespmem:s15+$0x16B00] =	vst v12  }
0x8b7: {  	v62 =	vld.idx.msk [tilespmem:v2+s22+$0x0], $0xffff;
	[tilespmem:s15+$0x16B90] =	vst v57  }
0x8b8: {  	v63 =	vld.idx.msk [tilespmem:v0+s22+$0x0], $0xffff;
	[tilespmem:s15+$0x16BA0] =	vst v58  }
0x8b9: {  	[tilespmem:s15+$0x16BB0] =	vst v59  }
0x8ba: {  	s26 =	rddreg [dreg:$0xd];
	[tilespmem:s15+$0x16BC0] =	vst v60  }
0x8bb: {  	[tilespmem:s15+$0x16BD0] =	vst v61  }
0x8bc: {  	s17 =	rddreg [dreg:$0x4];
	[tilespmem:s15+$0x16BE0] =	vst v62  }
0x8bd: {  	[tilespmem:s15+$0x16B80] =	vst v63  }
0x8be: {  	s30 =	rddreg [dreg:$0xc]  }
0x8bf: {  	s0 =	sadd.s32 $0x1, s30  }
0x8c0: {  	s16 =	smul.u32 $0xFA000, s26;
	p0 =	sne.s32 s0, $0x19  }
.Ltmp4:
0x8c1: {  	s28 =	rddreg [dreg:$0x1];
	s29 =	simm.s32 $0x10800;
	(pc) =	sbr.rel @p0 .LBB2_6-.Ltmp4, $4  }
0x8c2: {  	s5 =	simm.s32 $0x6800;
	s31 =	simm.s32 $0x7000;
	s16 =	sadd.s32 s17, s16  }
0x8c3: {  	s2 =	simm.s32 $0x5C00;
	s14 =	simm.s32 $0x6400;
	s16 =	sshrl.u32 s16, $0x3  }
0x8c4: {  	s4 =	simm.s32 $0x6000;
	s3 =	simm.s32 $0x6C00;
	s15 =	sadd.s32 s28, s16  }
0x8c5: {  	[hbm4b:s15+s18] =	stream.linear.scatter [tilespmem:s29], [sflag:$0x2], $0x8000, $0x38;
	[tilespmem:$0x18800] =	vst v63  }
0x8c6: {  	s0 =	simm.s32 $0x1  }
0x8c7: {  	_ =	swait.ge [sflag:s0], $0x8000  }
0x8c8: {  	s26 =	simm.s32 $0x2;
	[sflag:s0] =	ssyncset.done $0x0  }
0x8c9: {  	s17 =	simm.s32 $0x400;
	s19 =	simm.s32 $0x800;
	[sflag:s0] =	ssyncadd.s32 $0xFFFF8000  }
0x8ca: {  	s20 =	simm.s32 $0xC00;
	s21 =	simm.s32 $0x1000;
	_ =	swait.ge [sflag:s26], $0x8000  }
0x8cb: {  	s22 =	simm.s32 $0x1400;
	s23 =	simm.s32 $0x1800;
	s16 =	rddreg [dreg:$0xb]  }
0x8cc: {  	s24 =	simm.s32 $0x1C00;
	s15 =	rddreg [dreg:$0xa];
	s16 =	sadd.s32 $0x1, s16  }
0x8cd: {  	s25 =	simm.s32 $0x2000;
	s28 =	simm.s32 $0x2800;
	p0 =	sne.s32 s16, s15  }
.Ltmp5:
0x8ce: {  	s29 =	simm.s32 $0x2C00;
	s30 =	simm.s32 $0x3000;
	(pc) =	sbr.rel @p0 .LBB2_1-.Ltmp5, $4  }
0x8cf: {  	s1 =	simm.s32 $0x3400;
	s6 =	simm.s32 $0x3C00;
	s7 =	simm.s32 $0x4000  }
0x8d0: {  	s8 =	simm.s32 $0x4400;
	s9 =	simm.s32 $0x4800;
	s10 =	simm.s32 $0x4C00  }
0x8d1: {  	s11 =	simm.s32 $0x5000;
	s12 =	simm.s32 $0x5400;
	[sflag:s26] =	ssyncset.done $0x0  }
0x8d2: {  	s0 =	simm.s32 $0x3800;
	[sflag:s26] =	ssyncadd.s32 $0xFFFF8000;
	s26 =	simm.s32 $0x2400  }
0x8d3: {  	_ =	sfence.sel $0x180000  }
0x8d4: {  	[bflag:$0x0] =	sbarrier.arrive $0xFFFF  }
0x8d5: {  	_ =	strace $0x90000047  }
0x8d6: {  	s0 =	stileid.u32;
	[bflag:$0x2] =	sbarrier.arrive $0xFFFF  }
0x8d7: {  	p0 =	sne.s32 s0, $0x0;
	s0 =	rddreg [dreg:$0x2]  }
0x8d8: {  	s0 =	sadd.s32 @!p0 $0x100000, s0  }
0x8d9: {  	[sflag:s0] =	ssyncadd.tile.s32 @!p0 $0x1;
	_ =	shalt  }
.Lfunc_end2:
_tile_overlayer_lowered:
.L_overlay_start_2:
0x8da: {  	(tag) =	ssettag $0x2  }
0x8db: {  	s0 =	rddreg [dreg:$0x0];
	s2 =	stileid.u32  }
0x8dc: {  	s1 =	rddreg [dreg:$0x1];
	p0 =	sne.s32 s2, $0x0  }
0x8dd: {  	s3 =	rddreg [dreg:$0x2];
	[bflag:$0x3] =	sbarrier.arrive $0xFFFF;
	s2 =	simm.s32 @!p0 $0x1C05  }
0x8de: {  	[timem:s3], [sflag:s2] =	dma.local @!p0 [hbm:s0], s1  }
0x8df: {  	s0 =	simm.s32 @!p0 $0x5  }
0x8e0: {  	_ =	swait.ge @!p0 [sflag:s0], s1  }
0x8e1: {  	s1 =	ssub.s32 @!p0 $0x0, s1;
	[sflag:s0] =	ssyncset.done @!p0 $0x0  }
0x8e2: {  	[sflag:s0] =	ssyncadd.s32 @!p0 s1  }
0x8e3: {  	[bflag:$0x3] =	sbarrier.arrive $0xFFFF  }
0x8e4: {  	_ =	shalt  }

</sc_bundles>
